<compile_context>
chip_gen: v7x
topology: tpu7x:2x2x1
jax: 0.10.2.dev20260603
libtpu: 0.0.44.dev20260713+nightly
codegen_flags: <defaults>
</compile_context>

<pallas_src>
import functools
import math

import jax
import jax.numpy as jnp
from jax import lax
from jax.experimental import pallas as pl
from jax.experimental.pallas import tpu as pltpu
from jax.experimental.pallas import tpu_sc as plsc

N = 10000
E = 320000
D_IN = 128
D_HID = 128
D_OUT = 64
N_CLS = 16

NW = 32
CHUNK = 128
NCH = 79
P = NCH * CHUNK
E_PAD = NW * P
RPT = 632
N_ACC = RPT * 16

_mesh = plsc.VectorSubcoreMesh(core_axis_name="c", subcore_axis_name="s")


_PIECES = []
_off = 0
while _off < RPT:
    _sz = min(CHUNK, RPT - _off)
    _PIECES.append((_off, _sz))
    _off += _sz


def _agg_body(D, y, srcp, dstp, zD, part, acc, src_v, dst_v, rows_v, sem, sem2):
    c = lax.axis_index("c")
    s = lax.axis_index("s")
    wid = s * 2 + c
    r0 = s * RPT
    pltpu.sync_copy(zD, rows_v)
    hs = [pltpu.async_copy(rows_v.at[pl.ds(0, sz)], acc.at[pl.ds(r0 + off, sz)],
                           sem)
          for off, sz in _PIECES]
    for h in hs:
        h.wait()
    plsc.subcore_barrier()

    def step(j, carry):
        base = wid * P + j * CHUNK
        pltpu.sync_copy(srcp.at[pl.ds(base, CHUNK)], src_v)
        pltpu.sync_copy(dstp.at[pl.ds(base, CHUNK)], dst_v)
        pltpu.async_copy(y.at[src_v], rows_v, sem).wait()
        pltpu.sync_copy(rows_v, acc.at[dst_v], add=True)
        return carry

    lax.fori_loop(0, NCH, step, 0)
    plsc.subcore_barrier()
    prev = None
    for off, sz in _PIECES:
        if prev is not None:
            prev.wait()
        pltpu.async_copy(acc.at[pl.ds(r0 + off, sz)], rows_v.at[pl.ds(0, sz)],
                         sem).wait()
        prev = pltpu.async_copy(rows_v.at[pl.ds(0, sz)],
                                part.at[c, pl.ds(r0 + off, sz)], sem2)
    prev.wait()


def _make_agg(D):
    return pl.kernel(
        functools.partial(_agg_body, D),
        mesh=_mesh,
        out_type=jax.ShapeDtypeStruct((2, N_ACC, D), jnp.float32),
        scratch_types=[
            pltpu.VMEM_SHARED((N_ACC, D), jnp.float32),
            pltpu.VMEM((CHUNK,), jnp.int32),
            pltpu.VMEM((CHUNK,), jnp.int32),
            pltpu.VMEM((CHUNK, D), jnp.float32),
            pltpu.SemaphoreType.DMA,
            pltpu.SemaphoreType.DMA,
        ],
        compiler_params=pltpu.CompilerParams(use_tc_tiling_on_sc=(D == 128)),
    )


def _cnt_body(dstp, z16, ones, cntout, cacc, dst_v, ones_v, sem):
    c = lax.axis_index("c")
    s = lax.axis_index("s")
    wid = s * 2 + c
    r0 = s * RPT
    pltpu.sync_copy(z16, ones_v)
    hs = [pltpu.async_copy(ones_v.at[pl.ds(0, sz)], cacc.at[pl.ds(r0 + off, sz)], sem)
          for off, sz in _PIECES]
    for h in hs:
        h.wait()
    pltpu.sync_copy(ones, ones_v)
    plsc.subcore_barrier()

    def step(j, carry):
        base = wid * P + j * CHUNK
        pltpu.sync_copy(dstp.at[pl.ds(base, CHUNK)], dst_v)
        pltpu.sync_copy(ones_v, cacc.at[dst_v], add=True)
        return carry

    lax.fori_loop(0, NCH, step, 0)
    plsc.subcore_barrier()
    for off, sz in _PIECES:
        pltpu.sync_copy(cacc.at[pl.ds(r0 + off, sz)], ones_v.at[pl.ds(0, sz)])
        pltpu.sync_copy(ones_v.at[pl.ds(0, sz)], cntout.at[c, pl.ds(r0 + off, sz)])


_cnt = pl.kernel(
    _cnt_body,
    mesh=_mesh,
    out_type=jax.ShapeDtypeStruct((2, N_ACC, 16), jnp.float32),
    scratch_types=[
        pltpu.VMEM_SHARED((N_ACC, 16), jnp.float32),
        pltpu.VMEM((CHUNK,), jnp.int32),
        pltpu.VMEM((CHUNK, 16), jnp.float32),
        pltpu.SemaphoreType.DMA,
    ],
    compiler_params=pltpu.CompilerParams(use_tc_tiling_on_sc=False),
)

_agg128 = _make_agg(D_HID)
_agg64 = _make_agg(D_OUT)


_SQRT2 = math.sqrt(2.0)


def _gelu(h):
    return 0.5 * h * (1.0 + lax.erf(h / _SQRT2))


def _lnorm(h, g, b):
    m = jnp.mean(h, axis=1, keepdims=True)
    v = jnp.mean((h - m) * (h - m), axis=1, keepdims=True)
    return (h - m) * lax.rsqrt(v + 1e-5) * g + b


BN = 1000


def _tc12_body(p0, p1, c0, c1, x, Wl, bl, Wr, g, be, o):
    cnt = jnp.maximum(c0[:, :1] + c1[:, :1], 1.0)
    mean = (p0[...] + p1[...]) / cnt
    h = (lax.dot_general(mean, Wl[...], (((1,), (1,)), ((), ())),
                         preferred_element_type=jnp.float32)
         + lax.dot_general(x[...], Wr[...], (((1,), (1,)), ((), ())),
                           preferred_element_type=jnp.float32)
         + bl[...])
    h = _gelu(_lnorm(h, g[...], be[...]))
    o[...] = h + x[...]


def _tc2_body(p0, p1, c0, c1, x, Wl, bl, Wr, g, be, Wol, o, oy):
    cnt = jnp.maximum(c0[:, :1] + c1[:, :1], 1.0)
    mean = (p0[...] + p1[...]) / cnt
    h = (lax.dot_general(mean, Wl[...], (((1,), (1,)), ((), ())),
                         preferred_element_type=jnp.float32)
         + lax.dot_general(x[...], Wr[...], (((1,), (1,)), ((), ())),
                           preferred_element_type=jnp.float32)
         + bl[...])
    h = _gelu(_lnorm(h, g[...], be[...]))
    x2 = h + x[...]
    o[...] = x2
    oy[...] = lax.dot_general(x2, Wol[...], (((1,), (1,)), ((), ())),
                              preferred_element_type=jnp.float32)


def _tc3_body(p0, p1, c0, c1, x2, Wor, bol, gc, bec, Wc, bc, o):
    cnt = jnp.maximum(c0[:, :1] + c1[:, :1], 1.0)
    mean = (p0[...] + p1[...]) / cnt
    h = (mean + bol[...]
         + lax.dot_general(x2[...], Wor[...], (((1,), (1,)), ((), ())),
                           preferred_element_type=jnp.float32))
    h = _lnorm(_gelu(h), gc[...], bec[...])
    o[...] = (lax.dot_general(h, Wc[...], (((1,), (1,)), ((), ())),
                              preferred_element_type=jnp.float32)
              + bc[...])


def _bspec(shape):
    nd = len(shape)
    return pl.BlockSpec(shape, lambda i: (i,) + (0,) * (nd - 1))


def _wspec(shape):
    nd = len(shape)
    return pl.BlockSpec(shape, lambda i: (0,) * nd)


def _tc_call(body, n_node_in, w_shapes, out_shapes):
    grid = N // BN
    in_specs = ([_bspec((BN, s)) for s in n_node_in]
                + [_wspec(s) for s in w_shapes])
    out_specs = [_bspec((BN, s)) for s in out_shapes]
    out_shape = [jax.ShapeDtypeStruct((N, s), jnp.float32) for s in out_shapes]
    if len(out_shapes) == 1:
        out_specs, out_shape = out_specs[0], out_shape[0]
    return pl.pallas_call(
        body, grid=(grid,), in_specs=in_specs,
        out_specs=out_specs, out_shape=out_shape)


_tc1 = _tc_call(_tc12_body, [D_HID, D_HID, 16, 16, D_HID],
                [(D_HID, D_HID), (1, D_HID), (D_HID, D_HID), (1, D_HID), (1, D_HID)],
                [D_HID])
_tc2 = _tc_call(_tc2_body, [D_HID, D_HID, 16, 16, D_HID],
                [(D_HID, D_HID), (1, D_HID), (D_HID, D_HID), (1, D_HID), (1, D_HID),
                 (D_OUT, D_HID)],
                [D_HID, D_OUT])
_tc3 = _tc_call(_tc3_body, [D_OUT, D_OUT, 16, 16, D_HID],
                [(D_OUT, D_HID), (1, D_OUT), (1, D_OUT), (1, D_OUT),
                 (N_CLS, D_OUT), (1, N_CLS)],
                [N_CLS])


def kernel(x, edge_index, W1l, b1l, W1r, g1, be1, W2l, b2l, W2r, g2, be2,
           Wol, bol, Wor, gc, bec, Wc, bc):
    src = edge_index[0]
    dst = edge_index[1]
    pad = E_PAD - E
    srcp = jnp.concatenate([src, jnp.zeros((pad,), jnp.int32)])
    dstp = jnp.concatenate([dst, jnp.full((pad,), N, jnp.int32)])
    z128 = jnp.zeros((CHUNK, D_HID), jnp.float32)
    z64 = jnp.zeros((CHUNK, D_OUT), jnp.float32)
    z16 = jnp.zeros((CHUNK, 16), jnp.float32)
    ones = jnp.ones((CHUNK, 16), jnp.float32)
    r = lambda v: v.reshape(1, -1)

    cntp = _cnt(dstp, z16, ones)
    part1 = _agg128(x, srcp, dstp, z128)
    c0, c1 = cntp[0], cntp[1]
    x1 = _tc1(part1[0], part1[1], c0, c1, x,
              W1l, r(b1l), W1r, r(g1), r(be1))
    part2 = _agg128(x1, srcp, dstp, z128)
    x2, y3 = _tc2(part2[0], part2[1], c0, c1, x1,
                  W2l, r(b2l), W2r, r(g2), r(be2), Wol)
    part3 = _agg64(y3, srcp, dstp, z64)
    return _tc3(part3[0], part3[1], c0, c1, x2,
                Wor, r(bol), r(gc), r(bec), Wc, r(bc))

# --- scband reference (transcript-rebuilt; emitter-appended) ---
"""Pipeline reference for scband-cell-type-gnn-2697239461993 (READ-ONLY COPY).

The authoritative reference and input builder live on the scoring server;
editing this copy changes nothing except your own understanding.
"""

import jax, jax.numpy as jnp
import numpy as np

N_NODES = 10000
N_EDGES = 320000
D_IN = 128
D_HID = 128
N_CLS = 16


def _ln(h, g, b, eps=1e-5):
    m = jnp.mean(h, axis=-1, keepdims=True)
    v = jnp.var(h, axis=-1, keepdims=True)
    return (h - m) / jnp.sqrt(v + eps) * g + b


def _sage(x, edge_index, Wl, bl, Wr):
    # PyG SAGEConv: out_i = lin_l(mean_{j in N(i)} x_j) + lin_r(x_i)
    src = edge_index[0]
    dst = edge_index[1]
    msgs = jnp.take(x, src, axis=0)
    agg = jax.ops.segment_sum(msgs, dst, num_segments=N_NODES)
    cnt = jax.ops.segment_sum(jnp.ones((msgs.shape[0],), x.dtype), dst, num_segments=N_NODES)
    mean = agg / jnp.maximum(cnt, 1.0)[:, None]
    return mean @ Wl.T + bl + x @ Wr.T


def setup_inputs(seed: int = 0):
    key = jax.random.key(seed)
    ks = jax.random.split(key, 24)
    s = 0.05
    inp = {}
    inp["x"] = jax.random.normal(ks[0], (N_NODES, D_IN), jnp.float32)
    inp["edge_index"] = jax.random.randint(ks[1], (2, N_EDGES), 0, N_NODES, dtype=jnp.int32)
    # block 1 (in_dim == hidden_dim so residual proj is Identity)
    inp["W1l"] = jax.random.normal(ks[2], (D_HID, D_IN), jnp.float32) * s
    inp["b1l"] = jnp.zeros((D_HID,), jnp.float32)
    inp["W1r"] = jax.random.normal(ks[3], (D_HID, D_IN), jnp.float32) * s
    inp["g1"] = jnp.ones((D_HID,), jnp.float32)
    inp["be1"] = jnp.zeros((D_HID,), jnp.float32)
    # block 2
    inp["W2l"] = jax.random.normal(ks[4], (D_HID, D_HID), jnp.float32) * s
    inp["b2l"] = jnp.zeros((D_HID,), jnp.float32)
    inp["W2r"] = jax.random.normal(ks[5], (D_HID, D_HID), jnp.float32) * s
    inp["g2"] = jnp.ones((D_HID,), jnp.float32)
    inp["be2"] = jnp.zeros((D_HID,), jnp.float32)
    # conv_out: hidden -> hidden//2
    inp["Wol"] = jax.random.normal(ks[6], (D_HID // 2, D_HID), jnp.float32) * s
    inp["bol"] = jnp.zeros((D_HID // 2,), jnp.float32)
    inp["Wor"] = jax.random.normal(ks[7], (D_HID // 2, D_HID), jnp.float32) * s
    # classifier: LayerNorm(hidden//2) + Linear(hidden//2, n_classes)
    inp["gc"] = jnp.ones((D_HID // 2,), jnp.float32)
    inp["bec"] = jnp.zeros((D_HID // 2,), jnp.float32)
    inp["Wc"] = jax.random.normal(ks[8], (N_CLS, D_HID // 2), jnp.float32) * s
    inp["bc"] = jnp.zeros((N_CLS,), jnp.float32)
    return inp


def reference(x, edge_index, W1l, b1l, W1r, g1, be1, W2l, b2l, W2r, g2, be2, Wol, bol, Wor, gc, bec, Wc, bc):
    # block 1 (dropout is identity in eval mode)
    h = _sage(x, edge_index, W1l, b1l, W1r)
    h = jax.nn.gelu(_ln(h, g1, be1), approximate=False)
    x1 = h + x
    # block 2
    h = _sage(x1, edge_index, W2l, b2l, W2r)
    h = jax.nn.gelu(_ln(h, g2, be2), approximate=False)
    x2 = h + x1
    # conv_out + gelu
    h = jax.nn.gelu(_sage(x2, edge_index, Wol, bol, Wor), approximate=False)
    # classifier
    h = _ln(h, gc, bec)
    return h @ Wc.T + bc

if __name__ == "__main__":
    import jax
    _d = setup_inputs()
    print(jax.jit(kernel)(*tuple(_d.values())))

</pallas_src>

<mosaic_0001>
#map = affine_map<(d0, d1) -> (0)>
#map1 = affine_map<(d0, d1) -> (0, 0)>
#map2 = affine_map<(d0, d1) -> (0, 0, 0)>
module attributes {stable_mosaic.version = 14 : i64} {
  func.func @_cnt_body(%arg0: i32, %arg1: i32, %arg2: memref<323584xi32, #tpu.memory_space<hbm>>, %arg3: memref<128x16xf32, #tpu.memory_space<hbm>>, %arg4: memref<128x16xf32, #tpu.memory_space<hbm>>, %arg5: memref<2x10112x16xf32, #tpu.memory_space<hbm>>, %arg6: memref<10112x16xf32, #tpu.memory_space<vmem_shared>>, %arg7: memref<128xi32, #tpu.memory_space<vmem>>, %arg8: memref<128x16xf32, #tpu.memory_space<vmem>>, %arg9: memref<!tpu.dma_semaphore, #tpu.memory_space<semaphore_mem>>) attributes {dimension_semantics = [#tpu.dimension_semantics<core_parallel>, #tpu.dimension_semantics<subcore_parallel>], iteration_bounds = array<i64: 2, 16>, scalar_prefetch = 0 : i64, scratch_operands = 4 : i64, tpu.core_type = #tpu.core_type<sc_vector_subcore>, window_params = [{transform_indices = #map}, {transform_indices = #map1}, {transform_indices = #map1}, {transform_indices = #map2}]} {
    %mul3A = arith.constant 2 : i32
    %mul3A_0 = arith.muli %arg1, %mul3A : i32
    %add3A = arith.addi %mul3A_0, %arg0 : i32
    %mul3A_1 = arith.constant 632 : i32
    %mul3A_2 = arith.muli %arg1, %mul3A_1 : i32
    "tpu.region"() ({
      %run_scoped3A = tpu.sem_alloc : memref<!tpu.dma_semaphore, #tpu.memory_space<semaphore_mem>>
      tpu.enqueue_dma source(%arg3 : memref<128x16xf32, #tpu.memory_space<hbm>>) target(%arg8 : memref<128x16xf32, #tpu.memory_space<vmem>>) target_semaphore(%run_scoped3A : memref<!tpu.dma_semaphore, #tpu.memory_space<semaphore_mem>>)
      tpu.wait_dma2 semaphore(%run_scoped3A : memref<!tpu.dma_semaphore, #tpu.memory_space<semaphore_mem>>) src(%arg3 : memref<128x16xf32, #tpu.memory_space<hbm>>) dst(%arg8 : memref<128x16xf32, #tpu.memory_space<vmem>>)
      tpu.yield
    }) : () -> ()
    %add3A_3 = arith.constant 0 : i32
    %add3A_4 = arith.addi %mul3A_2, %add3A_3 : i32
    %dma_start3A = arith.constant 0 : i32
    %dma_start3A_5 = arith.constant 0 : i32
    %dma_start3A_6 = tpu.memref_slice %arg8[%dma_start3A, %dma_start3A_5] : memref<128x16xf32, #tpu.memory_space<vmem>> -> memref<128x16xf32, #tpu.memory_space<vmem>>
    %dma_start3A_7 = arith.constant 0 : i32
    %dma_start3A_8 = tpu.memref_slice %arg6[%add3A_4, %dma_start3A_7] : memref<10112x16xf32, #tpu.memory_space<vmem_shared>> -> memref<128x16xf32, #tpu.memory_space<vmem_shared>>
    %dma_start3A_9 = arith.constant 0 : i32
    %dma_start3A_10 = tpu.memref_slice %arg6[%add3A_4, %dma_start3A_9] : memref<10112x16xf32, #tpu.memory_space<vmem_shared>> -> memref<128x16xf32, #tpu.memory_space<vmem_shared>>
    %dma_start3A_11 = arith.constant 0 : i32
    %dma_start3A_12 = arith.constant 0 : i32
    %dma_start3A_13 = tpu.memref_slice %arg8[%dma_start3A_11, %dma_start3A_12] : memref<128x16xf32, #tpu.memory_space<vmem>> -> memref<128x16xf32, #tpu.memory_space<vmem>>
    tpu.enqueue_dma source(%dma_start3A_13 : memref<128x16xf32, #tpu.memory_space<vmem>>) target(%dma_start3A_10 : memref<128x16xf32, #tpu.memory_space<vmem_shared>>) target_semaphore(%arg9 : memref<!tpu.dma_semaphore, #tpu.memory_space<semaphore_mem>>)
    %add3A_14 = arith.constant 128 : i32
    %add3A_15 = arith.addi %mul3A_2, %add3A_14 : i32
    %dma_start3A_16 = arith.constant 0 : i32
    %dma_start3A_17 = arith.constant 0 : i32
    %dma_start3A_18 = tpu.memref_slice %arg8[%dma_start3A_16, %dma_start3A_17] : memref<128x16xf32, #tpu.memory_space<vmem>> -> memref<128x16xf32, #tpu.memory_space<vmem>>
    %dma_start3A_19 = arith.constant 0 : i32
    %dma_start3A_20 = tpu.memref_slice %arg6[%add3A_15, %dma_start3A_19] : memref<10112x16xf32, #tpu.memory_space<vmem_shared>> -> memref<128x16xf32, #tpu.memory_space<vmem_shared>>
    %dma_start3A_21 = arith.constant 0 : i32
    %dma_start3A_22 = tpu.memref_slice %arg6[%add3A_15, %dma_start3A_21] : memref<10112x16xf32, #tpu.memory_space<vmem_shared>> -> memref<128x16xf32, #tpu.memory_space<vmem_shared>>
    %dma_start3A_23 = arith.constant 0 : i32
    %dma_start3A_24 = arith.constant 0 : i32
    %dma_start3A_25 = tpu.memref_slice %arg8[%dma_start3A_23, %dma_start3A_24] : memref<128x16xf32, #tpu.memory_space<vmem>> -> memref<128x16xf32, #tpu.memory_space<vmem>>
    tpu.enqueue_dma source(%dma_start3A_25 : memref<128x16xf32, #tpu.memory_space<vmem>>) target(%dma_start3A_22 : memref<128x16xf32, #tpu.memory_space<vmem_shared>>) target_semaphore(%arg9 : memref<!tpu.dma_semaphore, #tpu.memory_space<semaphore_mem>>)
    %add3A_26 = arith.constant 256 : i32
    %add3A_27 = arith.addi %mul3A_2, %add3A_26 : i32
    %dma_start3A_28 = arith.constant 0 : i32
    %dma_start3A_29 = arith.constant 0 : i32
    %dma_start3A_30 = tpu.memref_slice %arg8[%dma_start3A_28, %dma_start3A_29] : memref<128x16xf32, #tpu.memory_space<vmem>> -> memref<128x16xf32, #tpu.memory_space<vmem>>
    %dma_start3A_31 = arith.constant 0 : i32
    %dma_start3A_32 = tpu.memref_slice %arg6[%add3A_27, %dma_start3A_31] : memref<10112x16xf32, #tpu.memory_space<vmem_shared>> -> memref<128x16xf32, #tpu.memory_space<vmem_shared>>
    %dma_start3A_33 = arith.constant 0 : i32
    %dma_start3A_34 = tpu.memref_slice %arg6[%add3A_27, %dma_start3A_33] : memref<10112x16xf32, #tpu.memory_space<vmem_shared>> -> memref<128x16xf32, #tpu.memory_space<vmem_shared>>
    %dma_start3A_35 = arith.constant 0 : i32
    %dma_start3A_36 = arith.constant 0 : i32
    %dma_start3A_37 = tpu.memref_slice %arg8[%dma_start3A_35, %dma_start3A_36] : memref<128x16xf32, #tpu.memory_space<vmem>> -> memref<128x16xf32, #tpu.memory_space<vmem>>
    tpu.enqueue_dma source(%dma_start3A_37 : memref<128x16xf32, #tpu.memory_space<vmem>>) target(%dma_start3A_34 : memref<128x16xf32, #tpu.memory_space<vmem_shared>>) target_semaphore(%arg9 : memref<!tpu.dma_semaphore, #tpu.memory_space<semaphore_mem>>)
    %add3A_38 = arith.constant 384 : i32
    %add3A_39 = arith.addi %mul3A_2, %add3A_38 : i32
    %dma_start3A_40 = arith.constant 0 : i32
    %dma_start3A_41 = arith.constant 0 : i32
    %dma_start3A_42 = tpu.memref_slice %arg8[%dma_start3A_40, %dma_start3A_41] : memref<128x16xf32, #tpu.memory_space<vmem>> -> memref<128x16xf32, #tpu.memory_space<vmem>>
    %dma_start3A_43 = arith.constant 0 : i32
    %dma_start3A_44 = tpu.memref_slice %arg6[%add3A_39, %dma_start3A_43] : memref<10112x16xf32, #tpu.memory_space<vmem_shared>> -> memref<128x16xf32, #tpu.memory_space<vmem_shared>>
    %dma_start3A_45 = arith.constant 0 : i32
    %dma_start3A_46 = tpu.memref_slice %arg6[%add3A_39, %dma_start3A_45] : memref<10112x16xf32, #tpu.memory_space<vmem_shared>> -> memref<128x16xf32, #tpu.memory_space<vmem_shared>>
    %dma_start3A_47 = arith.constant 0 : i32
    %dma_start3A_48 = arith.constant 0 : i32
    %dma_start3A_49 = tpu.memref_slice %arg8[%dma_start3A_47, %dma_start3A_48] : memref<128x16xf32, #tpu.memory_space<vmem>> -> memref<128x16xf32, #tpu.memory_space<vmem>>
    tpu.enqueue_dma source(%dma_start3A_49 : memref<128x16xf32, #tpu.memory_space<vmem>>) target(%dma_start3A_46 : memref<128x16xf32, #tpu.memory_space<vmem_shared>>) target_semaphore(%arg9 : memref<!tpu.dma_semaphore, #tpu.memory_space<semaphore_mem>>)
    %add3A_50 = arith.constant 512 : i32
    %add3A_51 = arith.addi %mul3A_2, %add3A_50 : i32
    %dma_start3A_52 = arith.constant 0 : i32
    %dma_start3A_53 = arith.constant 0 : i32
    %dma_start3A_54 = tpu.memref_slice %arg8[%dma_start3A_52, %dma_start3A_53] : memref<128x16xf32, #tpu.memory_space<vmem>> -> memref<120x16xf32, #tpu.memory_space<vmem>>
    %dma_start3A_55 = arith.constant 0 : i32
    %dma_start3A_56 = tpu.memref_slice %arg6[%add3A_51, %dma_start3A_55] : memref<10112x16xf32, #tpu.memory_space<vmem_shared>> -> memref<120x16xf32, #tpu.memory_space<vmem_shared>>
    %dma_start3A_57 = arith.constant 0 : i32
    %dma_start3A_58 = tpu.memref_slice %arg6[%add3A_51, %dma_start3A_57] : memref<10112x16xf32, #tpu.memory_space<vmem_shared>> -> memref<120x16xf32, #tpu.memory_space<vmem_shared>>
    %dma_start3A_59 = arith.constant 0 : i32
    %dma_start3A_60 = arith.constant 0 : i32
    %dma_start3A_61 = tpu.memref_slice %arg8[%dma_start3A_59, %dma_start3A_60] : memref<128x16xf32, #tpu.memory_space<vmem>> -> memref<120x16xf32, #tpu.memory_space<vmem>>
    tpu.enqueue_dma source(%dma_start3A_61 : memref<120x16xf32, #tpu.memory_space<vmem>>) target(%dma_start3A_58 : memref<120x16xf32, #tpu.memory_space<vmem_shared>>) target_semaphore(%arg9 : memref<!tpu.dma_semaphore, #tpu.memory_space<semaphore_mem>>)
    %dma_wait3A = arith.constant 0 : i32
    %dma_wait3A_62 = arith.constant 0 : i32
    %dma_wait3A_63 = tpu.memref_slice %arg8[%dma_wait3A, %dma_wait3A_62] : memref<128x16xf32, #tpu.memory_space<vmem>> -> memref<128x16xf32, #tpu.memory_space<vmem>>
    %dma_wait3A_64 = arith.constant 0 : i32
    %dma_wait3A_65 = tpu.memref_slice %arg6[%add3A_4, %dma_wait3A_64] : memref<10112x16xf32, #tpu.memory_space<vmem_shared>> -> memref<128x16xf32, #tpu.memory_space<vmem_shared>>
    %dma_wait3A_66 = arith.constant 0 : i32
    %dma_wait3A_67 = tpu.memref_slice %arg6[%add3A_4, %dma_wait3A_66] : memref<10112x16xf32, #tpu.memory_space<vmem_shared>> -> memref<128x16xf32, #tpu.memory_space<vmem_shared>>
    %dma_wait3A_68 = arith.constant 0 : i32
    %dma_wait3A_69 = arith.constant 0 : i32
    %dma_wait3A_70 = tpu.memref_slice %arg8[%dma_wait3A_68, %dma_wait3A_69] : memref<128x16xf32, #tpu.memory_space<vmem>> -> memref<128x16xf32, #tpu.memory_space<vmem>>
    tpu.wait_dma2 semaphore(%arg9 : memref<!tpu.dma_semaphore, #tpu.memory_space<semaphore_mem>>) src(%dma_wait3A_70 : memref<128x16xf32, #tpu.memory_space<vmem>>) dst(%dma_wait3A_67 : memref<128x16xf32, #tpu.memory_space<vmem_shared>>)
    %dma_wait3A_71 = arith.constant 0 : i32
    %dma_wait3A_72 = arith.constant 0 : i32
    %dma_wait3A_73 = tpu.memref_slice %arg8[%dma_wait3A_71, %dma_wait3A_72] : memref<128x16xf32, #tpu.memory_space<vmem>> -> memref<128x16xf32, #tpu.memory_space<vmem>>
    %dma_wait3A_74 = arith.constant 0 : i32
    %dma_wait3A_75 = tpu.memref_slice %arg6[%add3A_15, %dma_wait3A_74] : memref<10112x16xf32, #tpu.memory_space<vmem_shared>> -> memref<128x16xf32, #tpu.memory_space<vmem_shared>>
    %dma_wait3A_76 = arith.constant 0 : i32
    %dma_wait3A_77 = tpu.memref_slice %arg6[%add3A_15, %dma_wait3A_76] : memref<10112x16xf32, #tpu.memory_space<vmem_shared>> -> memref<128x16xf32, #tpu.memory_space<vmem_shared>>
    %dma_wait3A_78 = arith.constant 0 : i32
    %dma_wait3A_79 = arith.constant 0 : i32
    %dma_wait3A_80 = tpu.memref_slice %arg8[%dma_wait3A_78, %dma_wait3A_79] : memref<128x16xf32, #tpu.memory_space<vmem>> -> memref<128x16xf32, #tpu.memory_space<vmem>>
    tpu.wait_dma2 semaphore(%arg9 : memref<!tpu.dma_semaphore, #tpu.memory_space<semaphore_mem>>) src(%dma_wait3A_80 : memref<128x16xf32, #tpu.memory_space<vmem>>) dst(%dma_wait3A_77 : memref<128x16xf32, #tpu.memory_space<vmem_shared>>)
    %dma_wait3A_81 = arith.constant 0 : i32
    %dma_wait3A_82 = arith.constant 0 : i32
    %dma_wait3A_83 = tpu.memref_slice %arg8[%dma_wait3A_81, %dma_wait3A_82] : memref<128x16xf32, #tpu.memory_space<vmem>> -> memref<128x16xf32, #tpu.memory_space<vmem>>
    %dma_wait3A_84 = arith.constant 0 : i32
    %dma_wait3A_85 = tpu.memref_slice %arg6[%add3A_27, %dma_wait3A_84] : memref<10112x16xf32, #tpu.memory_space<vmem_shared>> -> memref<128x16xf32, #tpu.memory_space<vmem_shared>>
    %dma_wait3A_86 = arith.constant 0 : i32
    %dma_wait3A_87 = tpu.memref_slice %arg6[%add3A_27, %dma_wait3A_86] : memref<10112x16xf32, #tpu.memory_space<vmem_shared>> -> memref<128x16xf32, #tpu.memory_space<vmem_shared>>
    %dma_wait3A_88 = arith.constant 0 : i32
    %dma_wait3A_89 = arith.constant 0 : i32
    %dma_wait3A_90 = tpu.memref_slice %arg8[%dma_wait3A_88, %dma_wait3A_89] : memref<128x16xf32, #tpu.memory_space<vmem>> -> memref<128x16xf32, #tpu.memory_space<vmem>>
    tpu.wait_dma2 semaphore(%arg9 : memref<!tpu.dma_semaphore, #tpu.memory_space<semaphore_mem>>) src(%dma_wait3A_90 : memref<128x16xf32, #tpu.memory_space<vmem>>) dst(%dma_wait3A_87 : memref<128x16xf32, #tpu.memory_space<vmem_shared>>)
    %dma_wait3A_91 = arith.constant 0 : i32
    %dma_wait3A_92 = arith.constant 0 : i32
    %dma_wait3A_93 = tpu.memref_slice %arg8[%dma_wait3A_91, %dma_wait3A_92] : memref<128x16xf32, #tpu.memory_space<vmem>> -> memref<128x16xf32, #tpu.memory_space<vmem>>
    %dma_wait3A_94 = arith.constant 0 : i32
    %dma_wait3A_95 = tpu.memref_slice %arg6[%add3A_39, %dma_wait3A_94] : memref<10112x16xf32, #tpu.memory_space<vmem_shared>> -> memref<128x16xf32, #tpu.memory_space<vmem_shared>>
    %dma_wait3A_96 = arith.constant 0 : i32
    %dma_wait3A_97 = tpu.memref_slice %arg6[%add3A_39, %dma_wait3A_96] : memref<10112x16xf32, #tpu.memory_space<vmem_shared>> -> memref<128x16xf32, #tpu.memory_space<vmem_shared>>
    %dma_wait3A_98 = arith.constant 0 : i32
    %dma_wait3A_99 = arith.constant 0 : i32
    %dma_wait3A_100 = tpu.memref_slice %arg8[%dma_wait3A_98, %dma_wait3A_99] : memref<128x16xf32, #tpu.memory_space<vmem>> -> memref<128x16xf32, #tpu.memory_space<vmem>>
    tpu.wait_dma2 semaphore(%arg9 : memref<!tpu.dma_semaphore, #tpu.memory_space<semaphore_mem>>) src(%dma_wait3A_100 : memref<128x16xf32, #tpu.memory_space<vmem>>) dst(%dma_wait3A_97 : memref<128x16xf32, #tpu.memory_space<vmem_shared>>)
    %dma_wait3A_101 = arith.constant 0 : i32
    %dma_wait3A_102 = arith.constant 0 : i32
    %dma_wait3A_103 = tpu.memref_slice %arg8[%dma_wait3A_101, %dma_wait3A_102] : memref<128x16xf32, #tpu.memory_space<vmem>> -> memref<120x16xf32, #tpu.memory_space<vmem>>
    %dma_wait3A_104 = arith.constant 0 : i32
    %dma_wait3A_105 = tpu.memref_slice %arg6[%add3A_51, %dma_wait3A_104] : memref<10112x16xf32, #tpu.memory_space<vmem_shared>> -> memref<120x16xf32, #tpu.memory_space<vmem_shared>>
    %dma_wait3A_106 = arith.constant 0 : i32
    %dma_wait3A_107 = tpu.memref_slice %arg6[%add3A_51, %dma_wait3A_106] : memref<10112x16xf32, #tpu.memory_space<vmem_shared>> -> memref<120x16xf32, #tpu.memory_space<vmem_shared>>
    %dma_wait3A_108 = arith.constant 0 : i32
    %dma_wait3A_109 = arith.constant 0 : i32
    %dma_wait3A_110 = tpu.memref_slice %arg8[%dma_wait3A_108, %dma_wait3A_109] : memref<128x16xf32, #tpu.memory_space<vmem>> -> memref<120x16xf32, #tpu.memory_space<vmem>>
    tpu.wait_dma2 semaphore(%arg9 : memref<!tpu.dma_semaphore, #tpu.memory_space<semaphore_mem>>) src(%dma_wait3A_110 : memref<120x16xf32, #tpu.memory_space<vmem>>) dst(%dma_wait3A_107 : memref<120x16xf32, #tpu.memory_space<vmem_shared>>)
    "tpu.region"() ({
      %run_scoped3A = tpu.sem_alloc : memref<!tpu.dma_semaphore, #tpu.memory_space<semaphore_mem>>
      tpu.enqueue_dma source(%arg4 : memref<128x16xf32, #tpu.memory_space<hbm>>) target(%arg8 : memref<128x16xf32, #tpu.memory_space<vmem>>) target_semaphore(%run_scoped3A : memref<!tpu.dma_semaphore, #tpu.memory_space<semaphore_mem>>)
      tpu.wait_dma2 semaphore(%run_scoped3A : memref<!tpu.dma_semaphore, #tpu.memory_space<semaphore_mem>>) src(%arg4 : memref<128x16xf32, #tpu.memory_space<hbm>>) dst(%arg8 : memref<128x16xf32, #tpu.memory_space<vmem>>)
      tpu.yield
    }) : () -> ()
    %barrier3A = arith.constant 0 : index
    tpu.barrier barrier_id(%barrier3A)
    %scan3A = arith.constant 0 : i32
    %scan3A_111 = arith.constant 0 : i32
    %scan3A_112 = arith.constant 79 : i32
    %scan3A_113 = arith.addi %scan3A_111, %scan3A_112 : i32
    %scan3A_114 = arith.constant 1 : i32
    scf.for %scan3A_137 = %scan3A_111 to %scan3A_113 step %scan3A_114  : i32 {
      %mul3A_138 = arith.constant 10112 : i32
      %mul3A_139 = arith.muli %add3A, %mul3A_138 : i32
      %mul3A_140 = arith.constant 128 : i32
      %mul3A_141 = arith.muli %scan3A_137, %mul3A_140 : i32
      %add3A_142 = arith.addi %mul3A_139, %mul3A_141 : i32
      "tpu.region"() ({
        %run_scoped3A = tpu.sem_alloc : memref<!tpu.dma_semaphore, #tpu.memory_space<semaphore_mem>>
        %dma_start3A_143 = tpu.memref_slice %arg2[%add3A_142] : memref<323584xi32, #tpu.memory_space<hbm>> -> memref<128xi32, #tpu.memory_space<hbm>>
        %dma_start3A_144 = tpu.memref_slice %arg2[%add3A_142] : memref<323584xi32, #tpu.memory_space<hbm>> -> memref<128xi32, #tpu.memory_space<hbm>>
        tpu.enqueue_dma source(%dma_start3A_144 : memref<128xi32, #tpu.memory_space<hbm>>) target(%arg7 : memref<128xi32, #tpu.memory_space<vmem>>) target_semaphore(%run_scoped3A : memref<!tpu.dma_semaphore, #tpu.memory_space<semaphore_mem>>)
        %dma_wait3A_145 = tpu.memref_slice %arg2[%add3A_142] : memref<323584xi32, #tpu.memory_space<hbm>> -> memref<128xi32, #tpu.memory_space<hbm>>
        %dma_wait3A_146 = tpu.memref_slice %arg2[%add3A_142] : memref<323584xi32, #tpu.memory_space<hbm>> -> memref<128xi32, #tpu.memory_space<hbm>>
        tpu.wait_dma2 semaphore(%run_scoped3A : memref<!tpu.dma_semaphore, #tpu.memory_space<semaphore_mem>>) src(%dma_wait3A_146 : memref<128xi32, #tpu.memory_space<hbm>>) dst(%arg7 : memref<128xi32, #tpu.memory_space<vmem>>)
        tpu.yield
      }) : () -> ()
      "tpu.region"() ({
        %run_scoped3A = tpu.sem_alloc : memref<!tpu.dma_semaphore, #tpu.memory_space<semaphore_mem>>
        %dma_start3A_143 = arith.constant 0 : i32
        %dma_start3A_144 = arith.constant 0 : i32
        %dma_start3A_145 = tpu.memref_slice %arg6[%dma_start3A_143, %dma_start3A_144] : memref<10112x16xf32, #tpu.memory_space<vmem_shared>> -> memref<10112x16xf32, #tpu.memory_space<vmem_shared>>
        tpu.enqueue_indirect_dma source(%arg8 : memref<128x16xf32, #tpu.memory_space<vmem>>) target(%dma_start3A_145 : memref<10112x16xf32, #tpu.memory_space<vmem_shared>>) offsets(%arg7 : memref<128xi32, #tpu.memory_space<vmem>>) semaphore(%run_scoped3A : memref<!tpu.dma_semaphore, #tpu.memory_space<semaphore_mem>>) {add = true}
        %dma_wait3A_146 = arith.constant 0 : i32
        %dma_wait3A_147 = arith.constant 0 : i32
        %dma_wait3A_148 = tpu.memref_slice %arg6[%dma_wait3A_146, %dma_wait3A_147] : memref<10112x16xf32, #tpu.memory_space<vmem_shared>> -> memref<10112x16xf32, #tpu.memory_space<vmem_shared>>
        tpu.wait_indirect_dma semaphore(%run_scoped3A : memref<!tpu.dma_semaphore, #tpu.memory_space<semaphore_mem>>) src(%arg8 : memref<128x16xf32, #tpu.memory_space<vmem>>) dst(%dma_wait3A_148 : memref<10112x16xf32, #tpu.memory_space<vmem_shared>>)
        tpu.yield
      }) : () -> ()
    }
    %scan3A_115 = arith.constant 79 : i32
    %barrier3A_116 = arith.constant 0 : index
    tpu.barrier barrier_id(%barrier3A_116)
    %add3A_117 = arith.constant 0 : i32
    %add3A_118 = arith.addi %mul3A_2, %add3A_117 : i32
    "tpu.region"() ({
      %run_scoped3A = tpu.sem_alloc : memref<!tpu.dma_semaphore, #tpu.memory_space<semaphore_mem>>
      %dma_start3A_137 = arith.constant 0 : i32
      %dma_start3A_138 = arith.constant 0 : i32
      %dma_start3A_139 = tpu.memref_slice %arg8[%dma_start3A_137, %dma_start3A_138] : memref<128x16xf32, #tpu.memory_space<vmem>> -> memref<128x16xf32, #tpu.memory_space<vmem>>
      %dma_start3A_140 = arith.constant 0 : i32
      %dma_start3A_141 = tpu.memref_slice %arg6[%add3A_118, %dma_start3A_140] : memref<10112x16xf32, #tpu.memory_space<vmem_shared>> -> memref<128x16xf32, #tpu.memory_space<vmem_shared>>
      %dma_start3A_142 = arith.constant 0 : i32
      %dma_start3A_143 = arith.constant 0 : i32
      %dma_start3A_144 = tpu.memref_slice %arg8[%dma_start3A_142, %dma_start3A_143] : memref<128x16xf32, #tpu.memory_space<vmem>> -> memref<128x16xf32, #tpu.memory_space<vmem>>
      %dma_start3A_145 = arith.constant 0 : i32
      %dma_start3A_146 = tpu.memref_slice %arg6[%add3A_118, %dma_start3A_145] : memref<10112x16xf32, #tpu.memory_space<vmem_shared>> -> memref<128x16xf32, #tpu.memory_space<vmem_shared>>
      tpu.enqueue_dma source(%dma_start3A_146 : memref<128x16xf32, #tpu.memory_space<vmem_shared>>) target(%dma_start3A_144 : memref<128x16xf32, #tpu.memory_space<vmem>>) target_semaphore(%run_scoped3A : memref<!tpu.dma_semaphore, #tpu.memory_space<semaphore_mem>>)
      %dma_wait3A_147 = arith.constant 0 : i32
      %dma_wait3A_148 = arith.constant 0 : i32
      %dma_wait3A_149 = tpu.memref_slice %arg8[%dma_wait3A_147, %dma_wait3A_148] : memref<128x16xf32, #tpu.memory_space<vmem>> -> memref<128x16xf32, #tpu.memory_space<vmem>>
      %dma_wait3A_150 = arith.constant 0 : i32
      %dma_wait3A_151 = tpu.memref_slice %arg6[%add3A_118, %dma_wait3A_150] : memref<10112x16xf32, #tpu.memory_space<vmem_shared>> -> memref<128x16xf32, #tpu.memory_space<vmem_shared>>
      %dma_wait3A_152 = arith.constant 0 : i32
      %dma_wait3A_153 = arith.constant 0 : i32
      %dma_wait3A_154 = tpu.memref_slice %arg8[%dma_wait3A_152, %dma_wait3A_153] : memref<128x16xf32, #tpu.memory_space<vmem>> -> memref<128x16xf32, #tpu.memory_space<vmem>>
      %dma_wait3A_155 = arith.constant 0 : i32
      %dma_wait3A_156 = tpu.memref_slice %arg6[%add3A_118, %dma_wait3A_155] : memref<10112x16xf32, #tpu.memory_space<vmem_shared>> -> memref<128x16xf32, #tpu.memory_space<vmem_shared>>
      tpu.wait_dma2 semaphore(%run_scoped3A : memref<!tpu.dma_semaphore, #tpu.memory_space<semaphore_mem>>) src(%dma_wait3A_156 : memref<128x16xf32, #tpu.memory_space<vmem_shared>>) dst(%dma_wait3A_154 : memref<128x16xf32, #tpu.memory_space<vmem>>)
      tpu.yield
    }) : () -> ()
    %add3A_119 = arith.constant 0 : i32
    %add3A_120 = arith.addi %mul3A_2, %add3A_119 : i32
    "tpu.region"() ({
      %run_scoped3A = tpu.sem_alloc : memref<!tpu.dma_semaphore, #tpu.memory_space<semaphore_mem>>
      %dma_start3A_137 = arith.constant 0 : i32
      %dma_start3A_138 = arith.constant 0 : i32
      %dma_start3A_139 = tpu.memref_slice %arg8[%dma_start3A_137, %dma_start3A_138] : memref<128x16xf32, #tpu.memory_space<vmem>> -> memref<128x16xf32, #tpu.memory_space<vmem>>
      %dma_start3A_140 = arith.constant 0 : i32
      %dma_start3A_141 = tpu.memref_slice %arg5[%arg0, %add3A_120, %dma_start3A_140] : memref<2x10112x16xf32, #tpu.memory_space<hbm>> -> memref<1x128x16xf32, #tpu.memory_space<hbm>>
      %dma_start3A_142 = tpu.memref_squeeze %dma_start3A_141 : memref<1x128x16xf32, #tpu.memory_space<hbm>> -> memref<128x16xf32, #tpu.memory_space<hbm>>
      %dma_start3A_143 = arith.constant 0 : i32
      %dma_start3A_144 = tpu.memref_slice %arg5[%arg0, %add3A_120, %dma_start3A_143] : memref<2x10112x16xf32, #tpu.memory_space<hbm>> -> memref<1x128x16xf32, #tpu.memory_space<hbm>>
      %dma_start3A_145 = tpu.memref_squeeze %dma_start3A_144 : memref<1x128x16xf32, #tpu.memory_space<hbm>> -> memref<128x16xf32, #tpu.memory_space<hbm>>
      %dma_start3A_146 = arith.constant 0 : i32
      %dma_start3A_147 = arith.constant 0 : i32
      %dma_start3A_148 = tpu.memref_slice %arg8[%dma_start3A_146, %dma_start3A_147] : memref<128x16xf32, #tpu.memory_space<vmem>> -> memref<128x16xf32, #tpu.memory_space<vmem>>
      tpu.enqueue_dma source(%dma_start3A_148 : memref<128x16xf32, #tpu.memory_space<vmem>>) target(%dma_start3A_145 : memref<128x16xf32, #tpu.memory_space<hbm>>) target_semaphore(%run_scoped3A : memref<!tpu.dma_semaphore, #tpu.memory_space<semaphore_mem>>)
      %dma_wait3A_149 = arith.constant 0 : i32
      %dma_wait3A_150 = arith.constant 0 : i32
      %dma_wait3A_151 = tpu.memref_slice %arg8[%dma_wait3A_149, %dma_wait3A_150] : memref<128x16xf32, #tpu.memory_space<vmem>> -> memref<128x16xf32, #tpu.memory_space<vmem>>
      %dma_wait3A_152 = arith.constant 0 : i32
      %dma_wait3A_153 = tpu.memref_slice %arg5[%arg0, %add3A_120, %dma_wait3A_152] : memref<2x10112x16xf32, #tpu.memory_space<hbm>> -> memref<1x128x16xf32, #tpu.memory_space<hbm>>
      %dma_wait3A_154 = tpu.memref_squeeze %dma_wait3A_153 : memref<1x128x16xf32, #tpu.memory_space<hbm>> -> memref<128x16xf32, #tpu.memory_space<hbm>>
      %dma_wait3A_155 = arith.constant 0 : i32
      %dma_wait3A_156 = tpu.memref_slice %arg5[%arg0, %add3A_120, %dma_wait3A_155] : memref<2x10112x16xf32, #tpu.memory_space<hbm>> -> memref<1x128x16xf32, #tpu.memory_space<hbm>>
      %dma_wait3A_157 = tpu.memref_squeeze %dma_wait3A_156 : memref<1x128x16xf32, #tpu.memory_space<hbm>> -> memref<128x16xf32, #tpu.memory_space<hbm>>
      %dma_wait3A_158 = arith.constant 0 : i32
      %dma_wait3A_159 = arith.constant 0 : i32
      %dma_wait3A_160 = tpu.memref_slice %arg8[%dma_wait3A_158, %dma_wait3A_159] : memref<128x16xf32, #tpu.memory_space<vmem>> -> memref<128x16xf32, #tpu.memory_space<vmem>>
      tpu.wait_dma2 semaphore(%run_scoped3A : memref<!tpu.dma_semaphore, #tpu.memory_space<semaphore_mem>>) src(%dma_wait3A_160 : memref<128x16xf32, #tpu.memory_space<vmem>>) dst(%dma_wait3A_157 : memref<128x16xf32, #tpu.memory_space<hbm>>)
      tpu.yield
    }) : () -> ()
    %add3A_121 = arith.constant 128 : i32
    %add3A_122 = arith.addi %mul3A_2, %add3A_121 : i32
    "tpu.region"() ({
      %run_scoped3A = tpu.sem_alloc : memref<!tpu.dma_semaphore, #tpu.memory_space<semaphore_mem>>
      %dma_start3A_137 = arith.constant 0 : i32
      %dma_start3A_138 = arith.constant 0 : i32
      %dma_start3A_139 = tpu.memref_slice %arg8[%dma_start3A_137, %dma_start3A_138] : memref<128x16xf32, #tpu.memory_space<vmem>> -> memref<128x16xf32, #tpu.memory_space<vmem>>
      %dma_start3A_140 = arith.constant 0 : i32
      %dma_start3A_141 = tpu.memref_slice %arg6[%add3A_122, %dma_start3A_140] : memref<10112x16xf32, #tpu.memory_space<vmem_shared>> -> memref<128x16xf32, #tpu.memory_space<vmem_shared>>
      %dma_start3A_142 = arith.constant 0 : i32
      %dma_start3A_143 = arith.constant 0 : i32
      %dma_start3A_144 = tpu.memref_slice %arg8[%dma_start3A_142, %dma_start3A_143] : memref<128x16xf32, #tpu.memory_space<vmem>> -> memref<128x16xf32, #tpu.memory_space<vmem>>
      %dma_start3A_145 = arith.constant 0 : i32
      %dma_start3A_146 = tpu.memref_slice %arg6[%add3A_122, %dma_start3A_145] : memref<10112x16xf32, #tpu.memory_space<vmem_shared>> -> memref<128x16xf32, #tpu.memory_space<vmem_shared>>
      tpu.enqueue_dma source(%dma_start3A_146 : memref<128x16xf32, #tpu.memory_space<vmem_shared>>) target(%dma_start3A_144 : memref<128x16xf32, #tpu.memory_space<vmem>>) target_semaphore(%run_scoped3A : memref<!tpu.dma_semaphore, #tpu.memory_space<semaphore_mem>>)
      %dma_wait3A_147 = arith.constant 0 : i32
      %dma_wait3A_148 = arith.constant 0 : i32
      %dma_wait3A_149 = tpu.memref_slice %arg8[%dma_wait3A_147, %dma_wait3A_148] : memref<128x16xf32, #tpu.memory_space<vmem>> -> memref<128x16xf32, #tpu.memory_space<vmem>>
      %dma_wait3A_150 = arith.constant 0 : i32
      %dma_wait3A_151 = tpu.memref_slice %arg6[%add3A_122, %dma_wait3A_150] : memref<10112x16xf32, #tpu.memory_space<vmem_shared>> -> memref<128x16xf32, #tpu.memory_space<vmem_shared>>
      %dma_wait3A_152 = arith.constant 0 : i32
      %dma_wait3A_153 = arith.constant 0 : i32
      %dma_wait3A_154 = tpu.memref_slice %arg8[%dma_wait3A_152, %dma_wait3A_153] : memref<128x16xf32, #tpu.memory_space<vmem>> -> memref<128x16xf32, #tpu.memory_space<vmem>>
      %dma_wait3A_155 = arith.constant 0 : i32
      %dma_wait3A_156 = tpu.memref_slice %arg6[%add3A_122, %dma_wait3A_155] : memref<10112x16xf32, #tpu.memory_space<vmem_shared>> -> memref<128x16xf32, #tpu.memory_space<vmem_shared>>
      tpu.wait_dma2 semaphore(%run_scoped3A : memref<!tpu.dma_semaphore, #tpu.memory_space<semaphore_mem>>) src(%dma_wait3A_156 : memref<128x16xf32, #tpu.memory_space<vmem_shared>>) dst(%dma_wait3A_154 : memref<128x16xf32, #tpu.memory_space<vmem>>)
      tpu.yield
    }) : () -> ()
    %add3A_123 = arith.constant 128 : i32
    %add3A_124 = arith.addi %mul3A_2, %add3A_123 : i32
    "tpu.region"() ({
      %run_scoped3A = tpu.sem_alloc : memref<!tpu.dma_semaphore, #tpu.memory_space<semaphore_mem>>
      %dma_start3A_137 = arith.constant 0 : i32
      %dma_start3A_138 = arith.constant 0 : i32
      %dma_start3A_139 = tpu.memref_slice %arg8[%dma_start3A_137, %dma_start3A_138] : memref<128x16xf32, #tpu.memory_space<vmem>> -> memref<128x16xf32, #tpu.memory_space<vmem>>
      %dma_start3A_140 = arith.constant 0 : i32
      %dma_start3A_141 = tpu.memref_slice %arg5[%arg0, %add3A_124, %dma_start3A_140] : memref<2x10112x16xf32, #tpu.memory_space<hbm>> -> memref<1x128x16xf32, #tpu.memory_space<hbm>>
      %dma_start3A_142 = tpu.memref_squeeze %dma_start3A_141 : memref<1x128x16xf32, #tpu.memory_space<hbm>> -> memref<128x16xf32, #tpu.memory_space<hbm>>
      %dma_start3A_143 = arith.constant 0 : i32
      %dma_start3A_144 = tpu.memref_slice %arg5[%arg0, %add3A_124, %dma_start3A_143] : memref<2x10112x16xf32, #tpu.memory_space<hbm>> -> memref<1x128x16xf32, #tpu.memory_space<hbm>>
      %dma_start3A_145 = tpu.memref_squeeze %dma_start3A_144 : memref<1x128x16xf32, #tpu.memory_space<hbm>> -> memref<128x16xf32, #tpu.memory_space<hbm>>
      %dma_start3A_146 = arith.constant 0 : i32
      %dma_start3A_147 = arith.constant 0 : i32
      %dma_start3A_148 = tpu.memref_slice %arg8[%dma_start3A_146, %dma_start3A_147] : memref<128x16xf32, #tpu.memory_space<vmem>> -> memref<128x16xf32, #tpu.memory_space<vmem>>
      tpu.enqueue_dma source(%dma_start3A_148 : memref<128x16xf32, #tpu.memory_space<vmem>>) target(%dma_start3A_145 : memref<128x16xf32, #tpu.memory_space<hbm>>) target_semaphore(%run_scoped3A : memref<!tpu.dma_semaphore, #tpu.memory_space<semaphore_mem>>)
      %dma_wait3A_149 = arith.constant 0 : i32
      %dma_wait3A_150 = arith.constant 0 : i32
      %dma_wait3A_151 = tpu.memref_slice %arg8[%dma_wait3A_149, %dma_wait3A_150] : memref<128x16xf32, #tpu.memory_space<vmem>> -> memref<128x16xf32, #tpu.memory_space<vmem>>
      %dma_wait3A_152 = arith.constant 0 : i32
      %dma_wait3A_153 = tpu.memref_slice %arg5[%arg0, %add3A_124, %dma_wait3A_152] : memref<2x10112x16xf32, #tpu.memory_space<hbm>> -> memref<1x128x16xf32, #tpu.memory_space<hbm>>
      %dma_wait3A_154 = tpu.memref_squeeze %dma_wait3A_153 : memref<1x128x16xf32, #tpu.memory_space<hbm>> -> memref<128x16xf32, #tpu.memory_space<hbm>>
      %dma_wait3A_155 = arith.constant 0 : i32
      %dma_wait3A_156 = tpu.memref_slice %arg5[%arg0, %add3A_124, %dma_wait3A_155] : memref<2x10112x16xf32, #tpu.memory_space<hbm>> -> memref<1x128x16xf32, #tpu.memory_space<hbm>>
      %dma_wait3A_157 = tpu.memref_squeeze %dma_wait3A_156 : memref<1x128x16xf32, #tpu.memory_space<hbm>> -> memref<128x16xf32, #tpu.memory_space<hbm>>
      %dma_wait3A_158 = arith.constant 0 : i32
      %dma_wait3A_159 = arith.constant 0 : i32
      %dma_wait3A_160 = tpu.memref_slice %arg8[%dma_wait3A_158, %dma_wait3A_159] : memref<128x16xf32, #tpu.memory_space<vmem>> -> memref<128x16xf32, #tpu.memory_space<vmem>>
      tpu.wait_dma2 semaphore(%run_scoped3A : memref<!tpu.dma_semaphore, #tpu.memory_space<semaphore_mem>>) src(%dma_wait3A_160 : memref<128x16xf32, #tpu.memory_space<vmem>>) dst(%dma_wait3A_157 : memref<128x16xf32, #tpu.memory_space<hbm>>)
      tpu.yield
    }) : () -> ()
    %add3A_125 = arith.constant 256 : i32
    %add3A_126 = arith.addi %mul3A_2, %add3A_125 : i32
    "tpu.region"() ({
      %run_scoped3A = tpu.sem_alloc : memref<!tpu.dma_semaphore, #tpu.memory_space<semaphore_mem>>
      %dma_start3A_137 = arith.constant 0 : i32
      %dma_start3A_138 = arith.constant 0 : i32
      %dma_start3A_139 = tpu.memref_slice %arg8[%dma_start3A_137, %dma_start3A_138] : memref<128x16xf32, #tpu.memory_space<vmem>> -> memref<128x16xf32, #tpu.memory_space<vmem>>
      %dma_start3A_140 = arith.constant 0 : i32
      %dma_start3A_141 = tpu.memref_slice %arg6[%add3A_126, %dma_start3A_140] : memref<10112x16xf32, #tpu.memory_space<vmem_shared>> -> memref<128x16xf32, #tpu.memory_space<vmem_shared>>
      %dma_start3A_142 = arith.constant 0 : i32
      %dma_start3A_143 = arith.constant 0 : i32
      %dma_start3A_144 = tpu.memref_slice %arg8[%dma_start3A_142, %dma_start3A_143] : memref<128x16xf32, #tpu.memory_space<vmem>> -> memref<128x16xf32, #tpu.memory_space<vmem>>
      %dma_start3A_145 = arith.constant 0 : i32
      %dma_start3A_146 = tpu.memref_slice %arg6[%add3A_126, %dma_start3A_145] : memref<10112x16xf32, #tpu.memory_space<vmem_shared>> -> memref<128x16xf32, #tpu.memory_space<vmem_shared>>
      tpu.enqueue_dma source(%dma_start3A_146 : memref<128x16xf32, #tpu.memory_space<vmem_shared>>) target(%dma_start3A_144 : memref<128x16xf32, #tpu.memory_space<vmem>>) target_semaphore(%run_scoped3A : memref<!tpu.dma_semaphore, #tpu.memory_space<semaphore_mem>>)
      %dma_wait3A_147 = arith.constant 0 : i32
      %dma_wait3A_148 = arith.constant 0 : i32
      %dma_wait3A_149 = tpu.memref_slice %arg8[%dma_wait3A_147, %dma_wait3A_148] : memref<128x16xf32, #tpu.memory_space<vmem>> -> memref<128x16xf32, #tpu.memory_space<vmem>>
      %dma_wait3A_150 = arith.constant 0 : i32
      %dma_wait3A_151 = tpu.memref_slice %arg6[%add3A_126, %dma_wait3A_150] : memref<10112x16xf32, #tpu.memory_space<vmem_shared>> -> memref<128x16xf32, #tpu.memory_space<vmem_shared>>
      %dma_wait3A_152 = arith.constant 0 : i32
      %dma_wait3A_153 = arith.constant 0 : i32
      %dma_wait3A_154 = tpu.memref_slice %arg8[%dma_wait3A_152, %dma_wait3A_153] : memref<128x16xf32, #tpu.memory_space<vmem>> -> memref<128x16xf32, #tpu.memory_space<vmem>>
      %dma_wait3A_155 = arith.constant 0 : i32
      %dma_wait3A_156 = tpu.memref_slice %arg6[%add3A_126, %dma_wait3A_155] : memref<10112x16xf32, #tpu.memory_space<vmem_shared>> -> memref<128x16xf32, #tpu.memory_space<vmem_shared>>
      tpu.wait_dma2 semaphore(%run_scoped3A : memref<!tpu.dma_semaphore, #tpu.memory_space<semaphore_mem>>) src(%dma_wait3A_156 : memref<128x16xf32, #tpu.memory_space<vmem_shared>>) dst(%dma_wait3A_154 : memref<128x16xf32, #tpu.memory_space<vmem>>)
      tpu.yield
    }) : () -> ()
    %add3A_127 = arith.constant 256 : i32
    %add3A_128 = arith.addi %mul3A_2, %add3A_127 : i32
    "tpu.region"() ({
      %run_scoped3A = tpu.sem_alloc : memref<!tpu.dma_semaphore, #tpu.memory_space<semaphore_mem>>
      %dma_start3A_137 = arith.constant 0 : i32
      %dma_start3A_138 = arith.constant 0 : i32
      %dma_start3A_139 = tpu.memref_slice %arg8[%dma_start3A_137, %dma_start3A_138] : memref<128x16xf32, #tpu.memory_space<vmem>> -> memref<128x16xf32, #tpu.memory_space<vmem>>
      %dma_start3A_140 = arith.constant 0 : i32
      %dma_start3A_141 = tpu.memref_slice %arg5[%arg0, %add3A_128, %dma_start3A_140] : memref<2x10112x16xf32, #tpu.memory_space<hbm>> -> memref<1x128x16xf32, #tpu.memory_space<hbm>>
      %dma_start3A_142 = tpu.memref_squeeze %dma_start3A_141 : memref<1x128x16xf32, #tpu.memory_space<hbm>> -> memref<128x16xf32, #tpu.memory_space<hbm>>
      %dma_start3A_143 = arith.constant 0 : i32
      %dma_start3A_144 = tpu.memref_slice %arg5[%arg0, %add3A_128, %dma_start3A_143] : memref<2x10112x16xf32, #tpu.memory_space<hbm>> -> memref<1x128x16xf32, #tpu.memory_space<hbm>>
      %dma_start3A_145 = tpu.memref_squeeze %dma_start3A_144 : memref<1x128x16xf32, #tpu.memory_space<hbm>> -> memref<128x16xf32, #tpu.memory_space<hbm>>
      %dma_start3A_146 = arith.constant 0 : i32
      %dma_start3A_147 = arith.constant 0 : i32
      %dma_start3A_148 = tpu.memref_slice %arg8[%dma_start3A_146, %dma_start3A_147] : memref<128x16xf32, #tpu.memory_space<vmem>> -> memref<128x16xf32, #tpu.memory_space<vmem>>
      tpu.enqueue_dma source(%dma_start3A_148 : memref<128x16xf32, #tpu.memory_space<vmem>>) target(%dma_start3A_145 : memref<128x16xf32, #tpu.memory_space<hbm>>) target_semaphore(%run_scoped3A : memref<!tpu.dma_semaphore, #tpu.memory_space<semaphore_mem>>)
      %dma_wait3A_149 = arith.constant 0 : i32
      %dma_wait3A_150 = arith.constant 0 : i32
      %dma_wait3A_151 = tpu.memref_slice %arg8[%dma_wait3A_149, %dma_wait3A_150] : memref<128x16xf32, #tpu.memory_space<vmem>> -> memref<128x16xf32, #tpu.memory_space<vmem>>
      %dma_wait3A_152 = arith.constant 0 : i32
      %dma_wait3A_153 = tpu.memref_slice %arg5[%arg0, %add3A_128, %dma_wait3A_152] : memref<2x10112x16xf32, #tpu.memory_space<hbm>> -> memref<1x128x16xf32, #tpu.memory_space<hbm>>
      %dma_wait3A_154 = tpu.memref_squeeze %dma_wait3A_153 : memref<1x128x16xf32, #tpu.memory_space<hbm>> -> memref<128x16xf32, #tpu.memory_space<hbm>>
      %dma_wait3A_155 = arith.constant 0 : i32
      %dma_wait3A_156 = tpu.memref_slice %arg5[%arg0, %add3A_128, %dma_wait3A_155] : memref<2x10112x16xf32, #tpu.memory_space<hbm>> -> memref<1x128x16xf32, #tpu.memory_space<hbm>>
      %dma_wait3A_157 = tpu.memref_squeeze %dma_wait3A_156 : memref<1x128x16xf32, #tpu.memory_space<hbm>> -> memref<128x16xf32, #tpu.memory_space<hbm>>
      %dma_wait3A_158 = arith.constant 0 : i32
      %dma_wait3A_159 = arith.constant 0 : i32
      %dma_wait3A_160 = tpu.memref_slice %arg8[%dma_wait3A_158, %dma_wait3A_159] : memref<128x16xf32, #tpu.memory_space<vmem>> -> memref<128x16xf32, #tpu.memory_space<vmem>>
      tpu.wait_dma2 semaphore(%run_scoped3A : memref<!tpu.dma_semaphore, #tpu.memory_space<semaphore_mem>>) src(%dma_wait3A_160 : memref<128x16xf32, #tpu.memory_space<vmem>>) dst(%dma_wait3A_157 : memref<128x16xf32, #tpu.memory_space<hbm>>)
      tpu.yield
    }) : () -> ()
    %add3A_129 = arith.constant 384 : i32
    %add3A_130 = arith.addi %mul3A_2, %add3A_129 : i32
    "tpu.region"() ({
      %run_scoped3A = tpu.sem_alloc : memref<!tpu.dma_semaphore, #tpu.memory_space<semaphore_mem>>
      %dma_start3A_137 = arith.constant 0 : i32
      %dma_start3A_138 = arith.constant 0 : i32
      %dma_start3A_139 = tpu.memref_slice %arg8[%dma_start3A_137, %dma_start3A_138] : memref<128x16xf32, #tpu.memory_space<vmem>> -> memref<128x16xf32, #tpu.memory_space<vmem>>
      %dma_start3A_140 = arith.constant 0 : i32
      %dma_start3A_141 = tpu.memref_slice %arg6[%add3A_130, %dma_start3A_140] : memref<10112x16xf32, #tpu.memory_space<vmem_shared>> -> memref<128x16xf32, #tpu.memory_space<vmem_shared>>
      %dma_start3A_142 = arith.constant 0 : i32
      %dma_start3A_143 = arith.constant 0 : i32
      %dma_start3A_144 = tpu.memref_slice %arg8[%dma_start3A_142, %dma_start3A_143] : memref<128x16xf32, #tpu.memory_space<vmem>> -> memref<128x16xf32, #tpu.memory_space<vmem>>
      %dma_start3A_145 = arith.constant 0 : i32
      %dma_start3A_146 = tpu.memref_slice %arg6[%add3A_130, %dma_start3A_145] : memref<10112x16xf32, #tpu.memory_space<vmem_shared>> -> memref<128x16xf32, #tpu.memory_space<vmem_shared>>
      tpu.enqueue_dma source(%dma_start3A_146 : memref<128x16xf32, #tpu.memory_space<vmem_shared>>) target(%dma_start3A_144 : memref<128x16xf32, #tpu.memory_space<vmem>>) target_semaphore(%run_scoped3A : memref<!tpu.dma_semaphore, #tpu.memory_space<semaphore_mem>>)
      %dma_wait3A_147 = arith.constant 0 : i32
      %dma_wait3A_148 = arith.constant 0 : i32
      %dma_wait3A_149 = tpu.memref_slice %arg8[%dma_wait3A_147, %dma_wait3A_148] : memref<128x16xf32, #tpu.memory_space<vmem>> -> memref<128x16xf32, #tpu.memory_space<vmem>>
      %dma_wait3A_150 = arith.constant 0 : i32
      %dma_wait3A_151 = tpu.memref_slice %arg6[%add3A_130, %dma_wait3A_150] : memref<10112x16xf32, #tpu.memory_space<vmem_shared>> -> memref<128x16xf32, #tpu.memory_space<vmem_shared>>
      %dma_wait3A_152 = arith.constant 0 : i32
      %dma_wait3A_153 = arith.constant 0 : i32
      %dma_wait3A_154 = tpu.memref_slice %arg8[%dma_wait3A_152, %dma_wait3A_153] : memref<128x16xf32, #tpu.memory_space<vmem>> -> memref<128x16xf32, #tpu.memory_space<vmem>>
      %dma_wait3A_155 = arith.constant 0 : i32
      %dma_wait3A_156 = tpu.memref_slice %arg6[%add3A_130, %dma_wait3A_155] : memref<10112x16xf32, #tpu.memory_space<vmem_shared>> -> memref<128x16xf32, #tpu.memory_space<vmem_shared>>
      tpu.wait_dma2 semaphore(%run_scoped3A : memref<!tpu.dma_semaphore, #tpu.memory_space<semaphore_mem>>) src(%dma_wait3A_156 : memref<128x16xf32, #tpu.memory_space<vmem_shared>>) dst(%dma_wait3A_154 : memref<128x16xf32, #tpu.memory_space<vmem>>)
      tpu.yield
    }) : () -> ()
    %add3A_131 = arith.constant 384 : i32
    %add3A_132 = arith.addi %mul3A_2, %add3A_131 : i32
    "tpu.region"() ({
      %run_scoped3A = tpu.sem_alloc : memref<!tpu.dma_semaphore, #tpu.memory_space<semaphore_mem>>
      %dma_start3A_137 = arith.constant 0 : i32
      %dma_start3A_138 = arith.constant 0 : i32
      %dma_start3A_139 = tpu.memref_slice %arg8[%dma_start3A_137, %dma_start3A_138] : memref<128x16xf32, #tpu.memory_space<vmem>> -> memref<128x16xf32, #tpu.memory_space<vmem>>
      %dma_start3A_140 = arith.constant 0 : i32
      %dma_start3A_141 = tpu.memref_slice %arg5[%arg0, %add3A_132, %dma_start3A_140] : memref<2x10112x16xf32, #tpu.memory_space<hbm>> -> memref<1x128x16xf32, #tpu.memory_space<hbm>>
      %dma_start3A_142 = tpu.memref_squeeze %dma_start3A_141 : memref<1x128x16xf32, #tpu.memory_space<hbm>> -> memref<128x16xf32, #tpu.memory_space<hbm>>
      %dma_start3A_143 = arith.constant 0 : i32
      %dma_start3A_144 = tpu.memref_slice %arg5[%arg0, %add3A_132, %dma_start3A_143] : memref<2x10112x16xf32, #tpu.memory_space<hbm>> -> memref<1x128x16xf32, #tpu.memory_space<hbm>>
      %dma_start3A_145 = tpu.memref_squeeze %dma_start3A_144 : memref<1x128x16xf32, #tpu.memory_space<hbm>> -> memref<128x16xf32, #tpu.memory_space<hbm>>
      %dma_start3A_146 = arith.constant 0 : i32
      %dma_start3A_147 = arith.constant 0 : i32
      %dma_start3A_148 = tpu.memref_slice %arg8[%dma_start3A_146, %dma_start3A_147] : memref<128x16xf32, #tpu.memory_space<vmem>> -> memref<128x16xf32, #tpu.memory_space<vmem>>
      tpu.enqueue_dma source(%dma_start3A_148 : memref<128x16xf32, #tpu.memory_space<vmem>>) target(%dma_start3A_145 : memref<128x16xf32, #tpu.memory_space<hbm>>) target_semaphore(%run_scoped3A : memref<!tpu.dma_semaphore, #tpu.memory_space<semaphore_mem>>)
      %dma_wait3A_149 = arith.constant 0 : i32
      %dma_wait3A_150 = arith.constant 0 : i32
      %dma_wait3A_151 = tpu.memref_slice %arg8[%dma_wait3A_149, %dma_wait3A_150] : memref<128x16xf32, #tpu.memory_space<vmem>> -> memref<128x16xf32, #tpu.memory_space<vmem>>
      %dma_wait3A_152 = arith.constant 0 : i32
      %dma_wait3A_153 = tpu.memref_slice %arg5[%arg0, %add3A_132, %dma_wait3A_152] : memref<2x10112x16xf32, #tpu.memory_space<hbm>> -> memref<1x128x16xf32, #tpu.memory_space<hbm>>
      %dma_wait3A_154 = tpu.memref_squeeze %dma_wait3A_153 : memref<1x128x16xf32, #tpu.memory_space<hbm>> -> memref<128x16xf32, #tpu.memory_space<hbm>>
      %dma_wait3A_155 = arith.constant 0 : i32
      %dma_wait3A_156 = tpu.memref_slice %arg5[%arg0, %add3A_132, %dma_wait3A_155] : memref<2x10112x16xf32, #tpu.memory_space<hbm>> -> memref<1x128x16xf32, #tpu.memory_space<hbm>>
      %dma_wait3A_157 = tpu.memref_squeeze %dma_wait3A_156 : memref<1x128x16xf32, #tpu.memory_space<hbm>> -> memref<128x16xf32, #tpu.memory_space<hbm>>
      %dma_wait3A_158 = arith.constant 0 : i32
      %dma_wait3A_159 = arith.constant 0 : i32
      %dma_wait3A_160 = tpu.memref_slice %arg8[%dma_wait3A_158, %dma_wait3A_159] : memref<128x16xf32, #tpu.memory_space<vmem>> -> memref<128x16xf32, #tpu.memory_space<vmem>>
      tpu.wait_dma2 semaphore(%run_scoped3A : memref<!tpu.dma_semaphore, #tpu.memory_space<semaphore_mem>>) src(%dma_wait3A_160 : memref<128x16xf32, #tpu.memory_space<vmem>>) dst(%dma_wait3A_157 : memref<128x16xf32, #tpu.memory_space<hbm>>)
      tpu.yield
    }) : () -> ()
    %add3A_133 = arith.constant 512 : i32
    %add3A_134 = arith.addi %mul3A_2, %add3A_133 : i32
    "tpu.region"() ({
      %run_scoped3A = tpu.sem_alloc : memref<!tpu.dma_semaphore, #tpu.memory_space<semaphore_mem>>
      %dma_start3A_137 = arith.constant 0 : i32
      %dma_start3A_138 = arith.constant 0 : i32
      %dma_start3A_139 = tpu.memref_slice %arg8[%dma_start3A_137, %dma_start3A_138] : memref<128x16xf32, #tpu.memory_space<vmem>> -> memref<120x16xf32, #tpu.memory_space<vmem>>
      %dma_start3A_140 = arith.constant 0 : i32
      %dma_start3A_141 = tpu.memref_slice %arg6[%add3A_134, %dma_start3A_140] : memref<10112x16xf32, #tpu.memory_space<vmem_shared>> -> memref<120x16xf32, #tpu.memory_space<vmem_shared>>
      %dma_start3A_142 = arith.constant 0 : i32
      %dma_start3A_143 = arith.constant 0 : i32
      %dma_start3A_144 = tpu.memref_slice %arg8[%dma_start3A_142, %dma_start3A_143] : memref<128x16xf32, #tpu.memory_space<vmem>> -> memref<120x16xf32, #tpu.memory_space<vmem>>
      %dma_start3A_145 = arith.constant 0 : i32
      %dma_start3A_146 = tpu.memref_slice %arg6[%add3A_134, %dma_start3A_145] : memref<10112x16xf32, #tpu.memory_space<vmem_shared>> -> memref<120x16xf32, #tpu.memory_space<vmem_shared>>
      tpu.enqueue_dma source(%dma_start3A_146 : memref<120x16xf32, #tpu.memory_space<vmem_shared>>) target(%dma_start3A_144 : memref<120x16xf32, #tpu.memory_space<vmem>>) target_semaphore(%run_scoped3A : memref<!tpu.dma_semaphore, #tpu.memory_space<semaphore_mem>>)
      %dma_wait3A_147 = arith.constant 0 : i32
      %dma_wait3A_148 = arith.constant 0 : i32
      %dma_wait3A_149 = tpu.memref_slice %arg8[%dma_wait3A_147, %dma_wait3A_148] : memref<128x16xf32, #tpu.memory_space<vmem>> -> memref<120x16xf32, #tpu.memory_space<vmem>>
      %dma_wait3A_150 = arith.constant 0 : i32
      %dma_wait3A_151 = tpu.memref_slice %arg6[%add3A_134, %dma_wait3A_150] : memref<10112x16xf32, #tpu.memory_space<vmem_shared>> -> memref<120x16xf32, #tpu.memory_space<vmem_shared>>
      %dma_wait3A_152 = arith.constant 0 : i32
      %dma_wait3A_153 = arith.constant 0 : i32
      %dma_wait3A_154 = tpu.memref_slice %arg8[%dma_wait3A_152, %dma_wait3A_153] : memref<128x16xf32, #tpu.memory_space<vmem>> -> memref<120x16xf32, #tpu.memory_space<vmem>>
      %dma_wait3A_155 = arith.constant 0 : i32
      %dma_wait3A_156 = tpu.memref_slice %arg6[%add3A_134, %dma_wait3A_155] : memref<10112x16xf32, #tpu.memory_space<vmem_shared>> -> memref<120x16xf32, #tpu.memory_space<vmem_shared>>
      tpu.wait_dma2 semaphore(%run_scoped3A : memref<!tpu.dma_semaphore, #tpu.memory_space<semaphore_mem>>) src(%dma_wait3A_156 : memref<120x16xf32, #tpu.memory_space<vmem_shared>>) dst(%dma_wait3A_154 : memref<120x16xf32, #tpu.memory_space<vmem>>)
      tpu.yield
    }) : () -> ()
    %add3A_135 = arith.constant 512 : i32
    %add3A_136 = arith.addi %mul3A_2, %add3A_135 : i32
    "tpu.region"() ({
      %run_scoped3A = tpu.sem_alloc : memref<!tpu.dma_semaphore, #tpu.memory_space<semaphore_mem>>
      %dma_start3A_137 = arith.constant 0 : i32
      %dma_start3A_138 = arith.constant 0 : i32
      %dma_start3A_139 = tpu.memref_slice %arg8[%dma_start3A_137, %dma_start3A_138] : memref<128x16xf32, #tpu.memory_space<vmem>> -> memref<120x16xf32, #tpu.memory_space<vmem>>
      %dma_start3A_140 = arith.constant 0 : i32
      %dma_start3A_141 = tpu.memref_slice %arg5[%arg0, %add3A_136, %dma_start3A_140] : memref<2x10112x16xf32, #tpu.memory_space<hbm>> -> memref<1x120x16xf32, #tpu.memory_space<hbm>>
      %dma_start3A_142 = tpu.memref_squeeze %dma_start3A_141 : memref<1x120x16xf32, #tpu.memory_space<hbm>> -> memref<120x16xf32, #tpu.memory_space<hbm>>
      %dma_start3A_143 = arith.constant 0 : i32
      %dma_start3A_144 = tpu.memref_slice %arg5[%arg0, %add3A_136, %dma_start3A_143] : memref<2x10112x16xf32, #tpu.memory_space<hbm>> -> memref<1x120x16xf32, #tpu.memory_space<hbm>>
      %dma_start3A_145 = tpu.memref_squeeze %dma_start3A_144 : memref<1x120x16xf32, #tpu.memory_space<hbm>> -> memref<120x16xf32, #tpu.memory_space<hbm>>
      %dma_start3A_146 = arith.constant 0 : i32
      %dma_start3A_147 = arith.constant 0 : i32
      %dma_start3A_148 = tpu.memref_slice %arg8[%dma_start3A_146, %dma_start3A_147] : memref<128x16xf32, #tpu.memory_space<vmem>> -> memref<120x16xf32, #tpu.memory_space<vmem>>
      tpu.enqueue_dma source(%dma_start3A_148 : memref<120x16xf32, #tpu.memory_space<vmem>>) target(%dma_start3A_145 : memref<120x16xf32, #tpu.memory_space<hbm>>) target_semaphore(%run_scoped3A : memref<!tpu.dma_semaphore, #tpu.memory_space<semaphore_mem>>)
      %dma_wait3A_149 = arith.constant 0 : i32
      %dma_wait3A_150 = arith.constant 0 : i32
      %dma_wait3A_151 = tpu.memref_slice %arg8[%dma_wait3A_149, %dma_wait3A_150] : memref<128x16xf32, #tpu.memory_space<vmem>> -> memref<120x16xf32, #tpu.memory_space<vmem>>
      %dma_wait3A_152 = arith.constant 0 : i32
      %dma_wait3A_153 = tpu.memref_slice %arg5[%arg0, %add3A_136, %dma_wait3A_152] : memref<2x10112x16xf32, #tpu.memory_space<hbm>> -> memref<1x120x16xf32, #tpu.memory_space<hbm>>
      %dma_wait3A_154 = tpu.memref_squeeze %dma_wait3A_153 : memref<1x120x16xf32, #tpu.memory_space<hbm>> -> memref<120x16xf32, #tpu.memory_space<hbm>>
      %dma_wait3A_155 = arith.constant 0 : i32
      %dma_wait3A_156 = tpu.memref_slice %arg5[%arg0, %add3A_136, %dma_wait3A_155] : memref<2x10112x16xf32, #tpu.memory_space<hbm>> -> memref<1x120x16xf32, #tpu.memory_space<hbm>>
      %dma_wait3A_157 = tpu.memref_squeeze %dma_wait3A_156 : memref<1x120x16xf32, #tpu.memory_space<hbm>> -> memref<120x16xf32, #tpu.memory_space<hbm>>
      %dma_wait3A_158 = arith.constant 0 : i32
      %dma_wait3A_159 = arith.constant 0 : i32
      %dma_wait3A_160 = tpu.memref_slice %arg8[%dma_wait3A_158, %dma_wait3A_159] : memref<128x16xf32, #tpu.memory_space<vmem>> -> memref<120x16xf32, #tpu.memory_space<vmem>>
      tpu.wait_dma2 semaphore(%run_scoped3A : memref<!tpu.dma_semaphore, #tpu.memory_space<semaphore_mem>>) src(%dma_wait3A_160 : memref<120x16xf32, #tpu.memory_space<vmem>>) dst(%dma_wait3A_157 : memref<120x16xf32, #tpu.memory_space<hbm>>)
      tpu.yield
    }) : () -> ()
    return
  }
}

#map = affine_map<(d0, d1) -> (0, 0)>
#map1 = affine_map<(d0, d1) -> (0)>
#map2 = affine_map<(d0, d1) -> (0, 0, 0)>
module attributes {stable_mosaic.version = 14 : i64} {
  func.func @_agg_body(%arg0: i32, %arg1: i32, %arg2: memref<10000x128xf32, #tpu.memory_space<hbm>>, %arg3: memref<323584xi32, #tpu.memory_space<hbm>>, %arg4: memref<323584xi32, #tpu.memory_space<hbm>>, %arg5: memref<128x128xf32, #tpu.memory_space<hbm>>, %arg6: memref<2x10112x128xf32, #tpu.memory_space<hbm>>, %arg7: memref<10112x128xf32, #tpu.memory_space<vmem_shared>>, %arg8: memref<128xi32, #tpu.memory_space<vmem>>, %arg9: memref<128xi32, #tpu.memory_space<vmem>>, %arg10: memref<128x128xf32, #tpu.memory_space<vmem>>, %arg11: memref<!tpu.dma_semaphore, #tpu.memory_space<semaphore_mem>>, %arg12: memref<!tpu.dma_semaphore, #tpu.memory_space<semaphore_mem>>) attributes {dimension_semantics = [#tpu.dimension_semantics<core_parallel>, #tpu.dimension_semantics<subcore_parallel>], iteration_bounds = array<i64: 2, 16>, scalar_prefetch = 0 : i64, scratch_operands = 6 : i64, tpu.core_type = #tpu.core_type<sc_vector_subcore>, window_params = [{transform_indices = #map}, {transform_indices = #map1}, {transform_indices = #map1}, {transform_indices = #map}, {transform_indices = #map2}]} {
    %mul3A = arith.constant 2 : i32
    %mul3A_0 = arith.muli %arg1, %mul3A : i32
    %add3A = arith.addi %mul3A_0, %arg0 : i32
    %mul3A_1 = arith.constant 632 : i32
    %mul3A_2 = arith.muli %arg1, %mul3A_1 : i32
    "tpu.region"() ({
      %run_scoped3A = tpu.sem_alloc : memref<!tpu.dma_semaphore, #tpu.memory_space<semaphore_mem>>
      tpu.enqueue_dma source(%arg5 : memref<128x128xf32, #tpu.memory_space<hbm>>) target(%arg10 : memref<128x128xf32, #tpu.memory_space<vmem>>) target_semaphore(%run_scoped3A : memref<!tpu.dma_semaphore, #tpu.memory_space<semaphore_mem>>)
      tpu.wait_dma2 semaphore(%run_scoped3A : memref<!tpu.dma_semaphore, #tpu.memory_space<semaphore_mem>>) src(%arg5 : memref<128x128xf32, #tpu.memory_space<hbm>>) dst(%arg10 : memref<128x128xf32, #tpu.memory_space<vmem>>)
      tpu.yield
    }) : () -> ()
    %add3A_3 = arith.constant 0 : i32
    %add3A_4 = arith.addi %mul3A_2, %add3A_3 : i32
    %dma_start3A = arith.constant 0 : i32
    %dma_start3A_5 = arith.constant 0 : i32
    %dma_start3A_6 = tpu.memref_slice %arg10[%dma_start3A, %dma_start3A_5] : memref<128x128xf32, #tpu.memory_space<vmem>> -> memref<128x128xf32, #tpu.memory_space<vmem>>
    %dma_start3A_7 = arith.constant 0 : i32
    %dma_start3A_8 = tpu.memref_slice %arg7[%add3A_4, %dma_start3A_7] : memref<10112x128xf32, #tpu.memory_space<vmem_shared>> -> memref<128x128xf32, #tpu.memory_space<vmem_shared>>
    %dma_start3A_9 = arith.constant 0 : i32
    %dma_start3A_10 = tpu.memref_slice %arg7[%add3A_4, %dma_start3A_9] : memref<10112x128xf32, #tpu.memory_space<vmem_shared>> -> memref<128x128xf32, #tpu.memory_space<vmem_shared>>
    %dma_start3A_11 = arith.constant 0 : i32
    %dma_start3A_12 = arith.constant 0 : i32
    %dma_start3A_13 = tpu.memref_slice %arg10[%dma_start3A_11, %dma_start3A_12] : memref<128x128xf32, #tpu.memory_space<vmem>> -> memref<128x128xf32, #tpu.memory_space<vmem>>
    tpu.enqueue_dma source(%dma_start3A_13 : memref<128x128xf32, #tpu.memory_space<vmem>>) target(%dma_start3A_10 : memref<128x128xf32, #tpu.memory_space<vmem_shared>>) target_semaphore(%arg11 : memref<!tpu.dma_semaphore, #tpu.memory_space<semaphore_mem>>)
    %add3A_14 = arith.constant 128 : i32
    %add3A_15 = arith.addi %mul3A_2, %add3A_14 : i32
    %dma_start3A_16 = arith.constant 0 : i32
    %dma_start3A_17 = arith.constant 0 : i32
    %dma_start3A_18 = tpu.memref_slice %arg10[%dma_start3A_16, %dma_start3A_17] : memref<128x128xf32, #tpu.memory_space<vmem>> -> memref<128x128xf32, #tpu.memory_space<vmem>>
    %dma_start3A_19 = arith.constant 0 : i32
    %dma_start3A_20 = tpu.memref_slice %arg7[%add3A_15, %dma_start3A_19] : memref<10112x128xf32, #tpu.memory_space<vmem_shared>> -> memref<128x128xf32, #tpu.memory_space<vmem_shared>>
    %dma_start3A_21 = arith.constant 0 : i32
    %dma_start3A_22 = tpu.memref_slice %arg7[%add3A_15, %dma_start3A_21] : memref<10112x128xf32, #tpu.memory_space<vmem_shared>> -> memref<128x128xf32, #tpu.memory_space<vmem_shared>>
    %dma_start3A_23 = arith.constant 0 : i32
    %dma_start3A_24 = arith.constant 0 : i32
    %dma_start3A_25 = tpu.memref_slice %arg10[%dma_start3A_23, %dma_start3A_24] : memref<128x128xf32, #tpu.memory_space<vmem>> -> memref<128x128xf32, #tpu.memory_space<vmem>>
    tpu.enqueue_dma source(%dma_start3A_25 : memref<128x128xf32, #tpu.memory_space<vmem>>) target(%dma_start3A_22 : memref<128x128xf32, #tpu.memory_space<vmem_shared>>) target_semaphore(%arg11 : memref<!tpu.dma_semaphore, #tpu.memory_space<semaphore_mem>>)
    %add3A_26 = arith.constant 256 : i32
    %add3A_27 = arith.addi %mul3A_2, %add3A_26 : i32
    %dma_start3A_28 = arith.constant 0 : i32
    %dma_start3A_29 = arith.constant 0 : i32
    %dma_start3A_30 = tpu.memref_slice %arg10[%dma_start3A_28, %dma_start3A_29] : memref<128x128xf32, #tpu.memory_space<vmem>> -> memref<128x128xf32, #tpu.memory_space<vmem>>
    %dma_start3A_31 = arith.constant 0 : i32
    %dma_start3A_32 = tpu.memref_slice %arg7[%add3A_27, %dma_start3A_31] : memref<10112x128xf32, #tpu.memory_space<vmem_shared>> -> memref<128x128xf32, #tpu.memory_space<vmem_shared>>
    %dma_start3A_33 = arith.constant 0 : i32
    %dma_start3A_34 = tpu.memref_slice %arg7[%add3A_27, %dma_start3A_33] : memref<10112x128xf32, #tpu.memory_space<vmem_shared>> -> memref<128x128xf32, #tpu.memory_space<vmem_shared>>
    %dma_start3A_35 = arith.constant 0 : i32
    %dma_start3A_36 = arith.constant 0 : i32
    %dma_start3A_37 = tpu.memref_slice %arg10[%dma_start3A_35, %dma_start3A_36] : memref<128x128xf32, #tpu.memory_space<vmem>> -> memref<128x128xf32, #tpu.memory_space<vmem>>
    tpu.enqueue_dma source(%dma_start3A_37 : memref<128x128xf32, #tpu.memory_space<vmem>>) target(%dma_start3A_34 : memref<128x128xf32, #tpu.memory_space<vmem_shared>>) target_semaphore(%arg11 : memref<!tpu.dma_semaphore, #tpu.memory_space<semaphore_mem>>)
    %add3A_38 = arith.constant 384 : i32
    %add3A_39 = arith.addi %mul3A_2, %add3A_38 : i32
    %dma_start3A_40 = arith.constant 0 : i32
    %dma_start3A_41 = arith.constant 0 : i32
    %dma_start3A_42 = tpu.memref_slice %arg10[%dma_start3A_40, %dma_start3A_41] : memref<128x128xf32, #tpu.memory_space<vmem>> -> memref<128x128xf32, #tpu.memory_space<vmem>>
    %dma_start3A_43 = arith.constant 0 : i32
    %dma_start3A_44 = tpu.memref_slice %arg7[%add3A_39, %dma_start3A_43] : memref<10112x128xf32, #tpu.memory_space<vmem_shared>> -> memref<128x128xf32, #tpu.memory_space<vmem_shared>>
    %dma_start3A_45 = arith.constant 0 : i32
    %dma_start3A_46 = tpu.memref_slice %arg7[%add3A_39, %dma_start3A_45] : memref<10112x128xf32, #tpu.memory_space<vmem_shared>> -> memref<128x128xf32, #tpu.memory_space<vmem_shared>>
    %dma_start3A_47 = arith.constant 0 : i32
    %dma_start3A_48 = arith.constant 0 : i32
    %dma_start3A_49 = tpu.memref_slice %arg10[%dma_start3A_47, %dma_start3A_48] : memref<128x128xf32, #tpu.memory_space<vmem>> -> memref<128x128xf32, #tpu.memory_space<vmem>>
    tpu.enqueue_dma source(%dma_start3A_49 : memref<128x128xf32, #tpu.memory_space<vmem>>) target(%dma_start3A_46 : memref<128x128xf32, #tpu.memory_space<vmem_shared>>) target_semaphore(%arg11 : memref<!tpu.dma_semaphore, #tpu.memory_space<semaphore_mem>>)
    %add3A_50 = arith.constant 512 : i32
    %add3A_51 = arith.addi %mul3A_2, %add3A_50 : i32
    %dma_start3A_52 = arith.constant 0 : i32
    %dma_start3A_53 = arith.constant 0 : i32
    %dma_start3A_54 = tpu.memref_slice %arg10[%dma_start3A_52, %dma_start3A_53] : memref<128x128xf32, #tpu.memory_space<vmem>> -> memref<120x128xf32, #tpu.memory_space<vmem>>
    %dma_start3A_55 = arith.constant 0 : i32
    %dma_start3A_56 = tpu.memref_slice %arg7[%add3A_51, %dma_start3A_55] : memref<10112x128xf32, #tpu.memory_space<vmem_shared>> -> memref<120x128xf32, #tpu.memory_space<vmem_shared>>
    %dma_start3A_57 = arith.constant 0 : i32
    %dma_start3A_58 = tpu.memref_slice %arg7[%add3A_51, %dma_start3A_57] : memref<10112x128xf32, #tpu.memory_space<vmem_shared>> -> memref<120x128xf32, #tpu.memory_space<vmem_shared>>
    %dma_start3A_59 = arith.constant 0 : i32
    %dma_start3A_60 = arith.constant 0 : i32
    %dma_start3A_61 = tpu.memref_slice %arg10[%dma_start3A_59, %dma_start3A_60] : memref<128x128xf32, #tpu.memory_space<vmem>> -> memref<120x128xf32, #tpu.memory_space<vmem>>
    tpu.enqueue_dma source(%dma_start3A_61 : memref<120x128xf32, #tpu.memory_space<vmem>>) target(%dma_start3A_58 : memref<120x128xf32, #tpu.memory_space<vmem_shared>>) target_semaphore(%arg11 : memref<!tpu.dma_semaphore, #tpu.memory_space<semaphore_mem>>)
    %dma_wait3A = arith.constant 0 : i32
    %dma_wait3A_62 = arith.constant 0 : i32
    %dma_wait3A_63 = tpu.memref_slice %arg10[%dma_wait3A, %dma_wait3A_62] : memref<128x128xf32, #tpu.memory_space<vmem>> -> memref<128x128xf32, #tpu.memory_space<vmem>>
    %dma_wait3A_64 = arith.constant 0 : i32
    %dma_wait3A_65 = tpu.memref_slice %arg7[%add3A_4, %dma_wait3A_64] : memref<10112x128xf32, #tpu.memory_space<vmem_shared>> -> memref<128x128xf32, #tpu.memory_space<vmem_shared>>
    %dma_wait3A_66 = arith.constant 0 : i32
    %dma_wait3A_67 = tpu.memref_slice %arg7[%add3A_4, %dma_wait3A_66] : memref<10112x128xf32, #tpu.memory_space<vmem_shared>> -> memref<128x128xf32, #tpu.memory_space<vmem_shared>>
    %dma_wait3A_68 = arith.constant 0 : i32
    %dma_wait3A_69 = arith.constant 0 : i32
    %dma_wait3A_70 = tpu.memref_slice %arg10[%dma_wait3A_68, %dma_wait3A_69] : memref<128x128xf32, #tpu.memory_space<vmem>> -> memref<128x128xf32, #tpu.memory_space<vmem>>
    tpu.wait_dma2 semaphore(%arg11 : memref<!tpu.dma_semaphore, #tpu.memory_space<semaphore_mem>>) src(%dma_wait3A_70 : memref<128x128xf32, #tpu.memory_space<vmem>>) dst(%dma_wait3A_67 : memref<128x128xf32, #tpu.memory_space<vmem_shared>>)
    %dma_wait3A_71 = arith.constant 0 : i32
    %dma_wait3A_72 = arith.constant 0 : i32
    %dma_wait3A_73 = tpu.memref_slice %arg10[%dma_wait3A_71, %dma_wait3A_72] : memref<128x128xf32, #tpu.memory_space<vmem>> -> memref<128x128xf32, #tpu.memory_space<vmem>>
    %dma_wait3A_74 = arith.constant 0 : i32
    %dma_wait3A_75 = tpu.memref_slice %arg7[%add3A_15, %dma_wait3A_74] : memref<10112x128xf32, #tpu.memory_space<vmem_shared>> -> memref<128x128xf32, #tpu.memory_space<vmem_shared>>
    %dma_wait3A_76 = arith.constant 0 : i32
    %dma_wait3A_77 = tpu.memref_slice %arg7[%add3A_15, %dma_wait3A_76] : memref<10112x128xf32, #tpu.memory_space<vmem_shared>> -> memref<128x128xf32, #tpu.memory_space<vmem_shared>>
    %dma_wait3A_78 = arith.constant 0 : i32
    %dma_wait3A_79 = arith.constant 0 : i32
    %dma_wait3A_80 = tpu.memref_slice %arg10[%dma_wait3A_78, %dma_wait3A_79] : memref<128x128xf32, #tpu.memory_space<vmem>> -> memref<128x128xf32, #tpu.memory_space<vmem>>
    tpu.wait_dma2 semaphore(%arg11 : memref<!tpu.dma_semaphore, #tpu.memory_space<semaphore_mem>>) src(%dma_wait3A_80 : memref<128x128xf32, #tpu.memory_space<vmem>>) dst(%dma_wait3A_77 : memref<128x128xf32, #tpu.memory_space<vmem_shared>>)
    %dma_wait3A_81 = arith.constant 0 : i32
    %dma_wait3A_82 = arith.constant 0 : i32
    %dma_wait3A_83 = tpu.memref_slice %arg10[%dma_wait3A_81, %dma_wait3A_82] : memref<128x128xf32, #tpu.memory_space<vmem>> -> memref<128x128xf32, #tpu.memory_space<vmem>>
    %dma_wait3A_84 = arith.constant 0 : i32
    %dma_wait3A_85 = tpu.memref_slice %arg7[%add3A_27, %dma_wait3A_84] : memref<10112x128xf32, #tpu.memory_space<vmem_shared>> -> memref<128x128xf32, #tpu.memory_space<vmem_shared>>
    %dma_wait3A_86 = arith.constant 0 : i32
    %dma_wait3A_87 = tpu.memref_slice %arg7[%add3A_27, %dma_wait3A_86] : memref<10112x128xf32, #tpu.memory_space<vmem_shared>> -> memref<128x128xf32, #tpu.memory_space<vmem_shared>>
    %dma_wait3A_88 = arith.constant 0 : i32
    %dma_wait3A_89 = arith.constant 0 : i32
    %dma_wait3A_90 = tpu.memref_slice %arg10[%dma_wait3A_88, %dma_wait3A_89] : memref<128x128xf32, #tpu.memory_space<vmem>> -> memref<128x128xf32, #tpu.memory_space<vmem>>
    tpu.wait_dma2 semaphore(%arg11 : memref<!tpu.dma_semaphore, #tpu.memory_space<semaphore_mem>>) src(%dma_wait3A_90 : memref<128x128xf32, #tpu.memory_space<vmem>>) dst(%dma_wait3A_87 : memref<128x128xf32, #tpu.memory_space<vmem_shared>>)
    %dma_wait3A_91 = arith.constant 0 : i32
    %dma_wait3A_92 = arith.constant 0 : i32
    %dma_wait3A_93 = tpu.memref_slice %arg10[%dma_wait3A_91, %dma_wait3A_92] : memref<128x128xf32, #tpu.memory_space<vmem>> -> memref<128x128xf32, #tpu.memory_space<vmem>>
    %dma_wait3A_94 = arith.constant 0 : i32
    %dma_wait3A_95 = tpu.memref_slice %arg7[%add3A_39, %dma_wait3A_94] : memref<10112x128xf32, #tpu.memory_space<vmem_shared>> -> memref<128x128xf32, #tpu.memory_space<vmem_shared>>
    %dma_wait3A_96 = arith.constant 0 : i32
    %dma_wait3A_97 = tpu.memref_slice %arg7[%add3A_39, %dma_wait3A_96] : memref<10112x128xf32, #tpu.memory_space<vmem_shared>> -> memref<128x128xf32, #tpu.memory_space<vmem_shared>>
    %dma_wait3A_98 = arith.constant 0 : i32
    %dma_wait3A_99 = arith.constant 0 : i32
    %dma_wait3A_100 = tpu.memref_slice %arg10[%dma_wait3A_98, %dma_wait3A_99] : memref<128x128xf32, #tpu.memory_space<vmem>> -> memref<128x128xf32, #tpu.memory_space<vmem>>
    tpu.wait_dma2 semaphore(%arg11 : memref<!tpu.dma_semaphore, #tpu.memory_space<semaphore_mem>>) src(%dma_wait3A_100 : memref<128x128xf32, #tpu.memory_space<vmem>>) dst(%dma_wait3A_97 : memref<128x128xf32, #tpu.memory_space<vmem_shared>>)
    %dma_wait3A_101 = arith.constant 0 : i32
    %dma_wait3A_102 = arith.constant 0 : i32
    %dma_wait3A_103 = tpu.memref_slice %arg10[%dma_wait3A_101, %dma_wait3A_102] : memref<128x128xf32, #tpu.memory_space<vmem>> -> memref<120x128xf32, #tpu.memory_space<vmem>>
    %dma_wait3A_104 = arith.constant 0 : i32
    %dma_wait3A_105 = tpu.memref_slice %arg7[%add3A_51, %dma_wait3A_104] : memref<10112x128xf32, #tpu.memory_space<vmem_shared>> -> memref<120x128xf32, #tpu.memory_space<vmem_shared>>
    %dma_wait3A_106 = arith.constant 0 : i32
    %dma_wait3A_107 = tpu.memref_slice %arg7[%add3A_51, %dma_wait3A_106] : memref<10112x128xf32, #tpu.memory_space<vmem_shared>> -> memref<120x128xf32, #tpu.memory_space<vmem_shared>>
    %dma_wait3A_108 = arith.constant 0 : i32
    %dma_wait3A_109 = arith.constant 0 : i32
    %dma_wait3A_110 = tpu.memref_slice %arg10[%dma_wait3A_108, %dma_wait3A_109] : memref<128x128xf32, #tpu.memory_space<vmem>> -> memref<120x128xf32, #tpu.memory_space<vmem>>
    tpu.wait_dma2 semaphore(%arg11 : memref<!tpu.dma_semaphore, #tpu.memory_space<semaphore_mem>>) src(%dma_wait3A_110 : memref<120x128xf32, #tpu.memory_space<vmem>>) dst(%dma_wait3A_107 : memref<120x128xf32, #tpu.memory_space<vmem_shared>>)
    %barrier3A = arith.constant 0 : index
    tpu.barrier barrier_id(%barrier3A)
    %scan3A = arith.constant 0 : i32
    %scan3A_111 = arith.constant 0 : i32
    %scan3A_112 = arith.constant 79 : i32
    %scan3A_113 = arith.addi %scan3A_111, %scan3A_112 : i32
    %scan3A_114 = arith.constant 1 : i32
    scf.for %scan3A_357 = %scan3A_111 to %scan3A_113 step %scan3A_114  : i32 {
      %mul3A_358 = arith.constant 10112 : i32
      %mul3A_359 = arith.muli %add3A, %mul3A_358 : i32
      %mul3A_360 = arith.constant 128 : i32
      %mul3A_361 = arith.muli %scan3A_357, %mul3A_360 : i32
      %add3A_362 = arith.addi %mul3A_359, %mul3A_361 : i32
      "tpu.region"() ({
        %run_scoped3A = tpu.sem_alloc : memref<!tpu.dma_semaphore, #tpu.memory_space<semaphore_mem>>
        %dma_start3A_369 = tpu.memref_slice %arg3[%add3A_362] : memref<323584xi32, #tpu.memory_space<hbm>> -> memref<128xi32, #tpu.memory_space<hbm>>
        %dma_start3A_370 = tpu.memref_slice %arg3[%add3A_362] : memref<323584xi32, #tpu.memory_space<hbm>> -> memref<128xi32, #tpu.memory_space<hbm>>
        tpu.enqueue_dma source(%dma_start3A_370 : memref<128xi32, #tpu.memory_space<hbm>>) target(%arg8 : memref<128xi32, #tpu.memory_space<vmem>>) target_semaphore(%run_scoped3A : memref<!tpu.dma_semaphore, #tpu.memory_space<semaphore_mem>>)
        %dma_wait3A_371 = tpu.memref_slice %arg3[%add3A_362] : memref<323584xi32, #tpu.memory_space<hbm>> -> memref<128xi32, #tpu.memory_space<hbm>>
        %dma_wait3A_372 = tpu.memref_slice %arg3[%add3A_362] : memref<323584xi32, #tpu.memory_space<hbm>> -> memref<128xi32, #tpu.memory_space<hbm>>
        tpu.wait_dma2 semaphore(%run_scoped3A : memref<!tpu.dma_semaphore, #tpu.memory_space<semaphore_mem>>) src(%dma_wait3A_372 : memref<128xi32, #tpu.memory_space<hbm>>) dst(%arg8 : memref<128xi32, #tpu.memory_space<vmem>>)
        tpu.yield
      }) : () -> ()
      "tpu.region"() ({
        %run_scoped3A = tpu.sem_alloc : memref<!tpu.dma_semaphore, #tpu.memory_space<semaphore_mem>>
        %dma_start3A_369 = tpu.memref_slice %arg4[%add3A_362] : memref<323584xi32, #tpu.memory_space<hbm>> -> memref<128xi32, #tpu.memory_space<hbm>>
        %dma_start3A_370 = tpu.memref_slice %arg4[%add3A_362] : memref<323584xi32, #tpu.memory_space<hbm>> -> memref<128xi32, #tpu.memory_space<hbm>>
        tpu.enqueue_dma source(%dma_start3A_370 : memref<128xi32, #tpu.memory_space<hbm>>) target(%arg9 : memref<128xi32, #tpu.memory_space<vmem>>) target_semaphore(%run_scoped3A : memref<!tpu.dma_semaphore, #tpu.memory_space<semaphore_mem>>)
        %dma_wait3A_371 = tpu.memref_slice %arg4[%add3A_362] : memref<323584xi32, #tpu.memory_space<hbm>> -> memref<128xi32, #tpu.memory_space<hbm>>
        %dma_wait3A_372 = tpu.memref_slice %arg4[%add3A_362] : memref<323584xi32, #tpu.memory_space<hbm>> -> memref<128xi32, #tpu.memory_space<hbm>>
        tpu.wait_dma2 semaphore(%run_scoped3A : memref<!tpu.dma_semaphore, #tpu.memory_space<semaphore_mem>>) src(%dma_wait3A_372 : memref<128xi32, #tpu.memory_space<hbm>>) dst(%arg9 : memref<128xi32, #tpu.memory_space<vmem>>)
        tpu.yield
      }) : () -> ()
      %dma_start3A_363 = arith.constant 0 : i32
      %dma_start3A_364 = arith.constant 0 : i32
      %dma_start3A_365 = tpu.memref_slice %arg2[%dma_start3A_363, %dma_start3A_364] : memref<10000x128xf32, #tpu.memory_space<hbm>> -> memref<10000x128xf32, #tpu.memory_space<hbm>>
      tpu.enqueue_indirect_dma source(%dma_start3A_365 : memref<10000x128xf32, #tpu.memory_space<hbm>>) target(%arg10 : memref<128x128xf32, #tpu.memory_space<vmem>>) offsets(%arg8 : memref<128xi32, #tpu.memory_space<vmem>>) semaphore(%arg11 : memref<!tpu.dma_semaphore, #tpu.memory_space<semaphore_mem>>)
      %dma_wait3A_366 = arith.constant 0 : i32
      %dma_wait3A_367 = arith.constant 0 : i32
      %dma_wait3A_368 = tpu.memref_slice %arg2[%dma_wait3A_366, %dma_wait3A_367] : memref<10000x128xf32, #tpu.memory_space<hbm>> -> memref<10000x128xf32, #tpu.memory_space<hbm>>
      tpu.wait_indirect_dma semaphore(%arg11 : memref<!tpu.dma_semaphore, #tpu.memory_space<semaphore_mem>>) src(%dma_wait3A_368 : memref<10000x128xf32, #tpu.memory_space<hbm>>) dst(%arg10 : memref<128x128xf32, #tpu.memory_space<vmem>>)
      "tpu.region"() ({
        %run_scoped3A = tpu.sem_alloc : memref<!tpu.dma_semaphore, #tpu.memory_space<semaphore_mem>>
        %dma_start3A_369 = arith.constant 0 : i32
        %dma_start3A_370 = arith.constant 0 : i32
        %dma_start3A_371 = tpu.memref_slice %arg7[%dma_start3A_369, %dma_start3A_370] : memref<10112x128xf32, #tpu.memory_space<vmem_shared>> -> memref<10112x128xf32, #tpu.memory_space<vmem_shared>>
        tpu.enqueue_indirect_dma source(%arg10 : memref<128x128xf32, #tpu.memory_space<vmem>>) target(%dma_start3A_371 : memref<10112x128xf32, #tpu.memory_space<vmem_shared>>) offsets(%arg9 : memref<128xi32, #tpu.memory_space<vmem>>) semaphore(%run_scoped3A : memref<!tpu.dma_semaphore, #tpu.memory_space<semaphore_mem>>) {add = true}
        %dma_wait3A_372 = arith.constant 0 : i32
        %dma_wait3A_373 = arith.constant 0 : i32
        %dma_wait3A_374 = tpu.memref_slice %arg7[%dma_wait3A_372, %dma_wait3A_373] : memref<10112x128xf32, #tpu.memory_space<vmem_shared>> -> memref<10112x128xf32, #tpu.memory_space<vmem_shared>>
        tpu.wait_indirect_dma semaphore(%run_scoped3A : memref<!tpu.dma_semaphore, #tpu.memory_space<semaphore_mem>>) src(%arg10 : memref<128x128xf32, #tpu.memory_space<vmem>>) dst(%dma_wait3A_374 : memref<10112x128xf32, #tpu.memory_space<vmem_shared>>)
        tpu.yield
      }) : () -> ()
    }
    %scan3A_115 = arith.constant 79 : i32
    %barrier3A_116 = arith.constant 0 : index
    tpu.barrier barrier_id(%barrier3A_116)
    %add3A_117 = arith.constant 0 : i32
    %add3A_118 = arith.addi %mul3A_2, %add3A_117 : i32
    %dma_start3A_119 = arith.constant 0 : i32
    %dma_start3A_120 = arith.constant 0 : i32
    %dma_start3A_121 = tpu.memref_slice %arg10[%dma_start3A_119, %dma_start3A_120] : memref<128x128xf32, #tpu.memory_space<vmem>> -> memref<128x128xf32, #tpu.memory_space<vmem>>
    %dma_start3A_122 = arith.constant 0 : i32
    %dma_start3A_123 = tpu.memref_slice %arg7[%add3A_118, %dma_start3A_122] : memref<10112x128xf32, #tpu.memory_space<vmem_shared>> -> memref<128x128xf32, #tpu.memory_space<vmem_shared>>
    %dma_start3A_124 = arith.constant 0 : i32
    %dma_start3A_125 = arith.constant 0 : i32
    %dma_start3A_126 = tpu.memref_slice %arg10[%dma_start3A_124, %dma_start3A_125] : memref<128x128xf32, #tpu.memory_space<vmem>> -> memref<128x128xf32, #tpu.memory_space<vmem>>
    %dma_start3A_127 = arith.constant 0 : i32
    %dma_start3A_128 = tpu.memref_slice %arg7[%add3A_118, %dma_start3A_127] : memref<10112x128xf32, #tpu.memory_space<vmem_shared>> -> memref<128x128xf32, #tpu.memory_space<vmem_shared>>
    tpu.enqueue_dma source(%dma_start3A_128 : memref<128x128xf32, #tpu.memory_space<vmem_shared>>) target(%dma_start3A_126 : memref<128x128xf32, #tpu.memory_space<vmem>>) target_semaphore(%arg11 : memref<!tpu.dma_semaphore, #tpu.memory_space<semaphore_mem>>)
    %dma_wait3A_129 = arith.constant 0 : i32
    %dma_wait3A_130 = arith.constant 0 : i32
    %dma_wait3A_131 = tpu.memref_slice %arg10[%dma_wait3A_129, %dma_wait3A_130] : memref<128x128xf32, #tpu.memory_space<vmem>> -> memref<128x128xf32, #tpu.memory_space<vmem>>
    %dma_wait3A_132 = arith.constant 0 : i32
    %dma_wait3A_133 = tpu.memref_slice %arg7[%add3A_118, %dma_wait3A_132] : memref<10112x128xf32, #tpu.memory_space<vmem_shared>> -> memref<128x128xf32, #tpu.memory_space<vmem_shared>>
    %dma_wait3A_134 = arith.constant 0 : i32
    %dma_wait3A_135 = arith.constant 0 : i32
    %dma_wait3A_136 = tpu.memref_slice %arg10[%dma_wait3A_134, %dma_wait3A_135] : memref<128x128xf32, #tpu.memory_space<vmem>> -> memref<128x128xf32, #tpu.memory_space<vmem>>
    %dma_wait3A_137 = arith.constant 0 : i32
    %dma_wait3A_138 = tpu.memref_slice %arg7[%add3A_118, %dma_wait3A_137] : memref<10112x128xf32, #tpu.memory_space<vmem_shared>> -> memref<128x128xf32, #tpu.memory_space<vmem_shared>>
    tpu.wait_dma2 semaphore(%arg11 : memref<!tpu.dma_semaphore, #tpu.memory_space<semaphore_mem>>) src(%dma_wait3A_138 : memref<128x128xf32, #tpu.memory_space<vmem_shared>>) dst(%dma_wait3A_136 : memref<128x128xf32, #tpu.memory_space<vmem>>)
    %add3A_139 = arith.constant 0 : i32
    %add3A_140 = arith.addi %mul3A_2, %add3A_139 : i32
    %dma_start3A_141 = arith.constant 0 : i32
    %dma_start3A_142 = arith.constant 0 : i32
    %dma_start3A_143 = tpu.memref_slice %arg10[%dma_start3A_141, %dma_start3A_142] : memref<128x128xf32, #tpu.memory_space<vmem>> -> memref<128x128xf32, #tpu.memory_space<vmem>>
    %dma_start3A_144 = arith.constant 0 : i32
    %dma_start3A_145 = tpu.memref_slice %arg6[%arg0, %add3A_140, %dma_start3A_144] : memref<2x10112x128xf32, #tpu.memory_space<hbm>> -> memref<1x128x128xf32, #tpu.memory_space<hbm>>
    %dma_start3A_146 = tpu.memref_squeeze %dma_start3A_145 : memref<1x128x128xf32, #tpu.memory_space<hbm>> -> memref<128x128xf32, #tpu.memory_space<hbm>>
    %dma_start3A_147 = arith.constant 0 : i32
    %dma_start3A_148 = tpu.memref_slice %arg6[%arg0, %add3A_140, %dma_start3A_147] : memref<2x10112x128xf32, #tpu.memory_space<hbm>> -> memref<1x128x128xf32, #tpu.memory_space<hbm>>
    %dma_start3A_149 = tpu.memref_squeeze %dma_start3A_148 : memref<1x128x128xf32, #tpu.memory_space<hbm>> -> memref<128x128xf32, #tpu.memory_space<hbm>>
    %dma_start3A_150 = arith.constant 0 : i32
    %dma_start3A_151 = arith.constant 0 : i32
    %dma_start3A_152 = tpu.memref_slice %arg10[%dma_start3A_150, %dma_start3A_151] : memref<128x128xf32, #tpu.memory_space<vmem>> -> memref<128x128xf32, #tpu.memory_space<vmem>>
    tpu.enqueue_dma source(%dma_start3A_152 : memref<128x128xf32, #tpu.memory_space<vmem>>) target(%dma_start3A_149 : memref<128x128xf32, #tpu.memory_space<hbm>>) target_semaphore(%arg12 : memref<!tpu.dma_semaphore, #tpu.memory_space<semaphore_mem>>)
    %dma_wait3A_153 = arith.constant 0 : i32
    %dma_wait3A_154 = arith.constant 0 : i32
    %dma_wait3A_155 = tpu.memref_slice %arg10[%dma_wait3A_153, %dma_wait3A_154] : memref<128x128xf32, #tpu.memory_space<vmem>> -> memref<128x128xf32, #tpu.memory_space<vmem>>
    %dma_wait3A_156 = arith.constant 0 : i32
    %dma_wait3A_157 = tpu.memref_slice %arg6[%arg0, %add3A_140, %dma_wait3A_156] : memref<2x10112x128xf32, #tpu.memory_space<hbm>> -> memref<1x128x128xf32, #tpu.memory_space<hbm>>
    %dma_wait3A_158 = tpu.memref_squeeze %dma_wait3A_157 : memref<1x128x128xf32, #tpu.memory_space<hbm>> -> memref<128x128xf32, #tpu.memory_space<hbm>>
    %dma_wait3A_159 = arith.constant 0 : i32
    %dma_wait3A_160 = tpu.memref_slice %arg6[%arg0, %add3A_140, %dma_wait3A_159] : memref<2x10112x128xf32, #tpu.memory_space<hbm>> -> memref<1x128x128xf32, #tpu.memory_space<hbm>>
    %dma_wait3A_161 = tpu.memref_squeeze %dma_wait3A_160 : memref<1x128x128xf32, #tpu.memory_space<hbm>> -> memref<128x128xf32, #tpu.memory_space<hbm>>
    %dma_wait3A_162 = arith.constant 0 : i32
    %dma_wait3A_163 = arith.constant 0 : i32
    %dma_wait3A_164 = tpu.memref_slice %arg10[%dma_wait3A_162, %dma_wait3A_163] : memref<128x128xf32, #tpu.memory_space<vmem>> -> memref<128x128xf32, #tpu.memory_space<vmem>>
    tpu.wait_dma2 semaphore(%arg12 : memref<!tpu.dma_semaphore, #tpu.memory_space<semaphore_mem>>) src(%dma_wait3A_164 : memref<128x128xf32, #tpu.memory_space<vmem>>) dst(%dma_wait3A_161 : memref<128x128xf32, #tpu.memory_space<hbm>>)
    %add3A_165 = arith.constant 128 : i32
    %add3A_166 = arith.addi %mul3A_2, %add3A_165 : i32
    %dma_start3A_167 = arith.constant 0 : i32
    %dma_start3A_168 = arith.constant 0 : i32
    %dma_start3A_169 = tpu.memref_slice %arg10[%dma_start3A_167, %dma_start3A_168] : memref<128x128xf32, #tpu.memory_space<vmem>> -> memref<128x128xf32, #tpu.memory_space<vmem>>
    %dma_start3A_170 = arith.constant 0 : i32
    %dma_start3A_171 = tpu.memref_slice %arg7[%add3A_166, %dma_start3A_170] : memref<10112x128xf32, #tpu.memory_space<vmem_shared>> -> memref<128x128xf32, #tpu.memory_space<vmem_shared>>
    %dma_start3A_172 = arith.constant 0 : i32
    %dma_start3A_173 = arith.constant 0 : i32
    %dma_start3A_174 = tpu.memref_slice %arg10[%dma_start3A_172, %dma_start3A_173] : memref<128x128xf32, #tpu.memory_space<vmem>> -> memref<128x128xf32, #tpu.memory_space<vmem>>
    %dma_start3A_175 = arith.constant 0 : i32
    %dma_start3A_176 = tpu.memref_slice %arg7[%add3A_166, %dma_start3A_175] : memref<10112x128xf32, #tpu.memory_space<vmem_shared>> -> memref<128x128xf32, #tpu.memory_space<vmem_shared>>
    tpu.enqueue_dma source(%dma_start3A_176 : memref<128x128xf32, #tpu.memory_space<vmem_shared>>) target(%dma_start3A_174 : memref<128x128xf32, #tpu.memory_space<vmem>>) target_semaphore(%arg11 : memref<!tpu.dma_semaphore, #tpu.memory_space<semaphore_mem>>)
    %dma_wait3A_177 = arith.constant 0 : i32
    %dma_wait3A_178 = arith.constant 0 : i32
    %dma_wait3A_179 = tpu.memref_slice %arg10[%dma_wait3A_177, %dma_wait3A_178] : memref<128x128xf32, #tpu.memory_space<vmem>> -> memref<128x128xf32, #tpu.memory_space<vmem>>
    %dma_wait3A_180 = arith.constant 0 : i32
    %dma_wait3A_181 = tpu.memref_slice %arg7[%add3A_166, %dma_wait3A_180] : memref<10112x128xf32, #tpu.memory_space<vmem_shared>> -> memref<128x128xf32, #tpu.memory_space<vmem_shared>>
    %dma_wait3A_182 = arith.constant 0 : i32
    %dma_wait3A_183 = arith.constant 0 : i32
    %dma_wait3A_184 = tpu.memref_slice %arg10[%dma_wait3A_182, %dma_wait3A_183] : memref<128x128xf32, #tpu.memory_space<vmem>> -> memref<128x128xf32, #tpu.memory_space<vmem>>
    %dma_wait3A_185 = arith.constant 0 : i32
    %dma_wait3A_186 = tpu.memref_slice %arg7[%add3A_166, %dma_wait3A_185] : memref<10112x128xf32, #tpu.memory_space<vmem_shared>> -> memref<128x128xf32, #tpu.memory_space<vmem_shared>>
    tpu.wait_dma2 semaphore(%arg11 : memref<!tpu.dma_semaphore, #tpu.memory_space<semaphore_mem>>) src(%dma_wait3A_186 : memref<128x128xf32, #tpu.memory_space<vmem_shared>>) dst(%dma_wait3A_184 : memref<128x128xf32, #tpu.memory_space<vmem>>)
    %add3A_187 = arith.constant 128 : i32
    %add3A_188 = arith.addi %mul3A_2, %add3A_187 : i32
    %dma_start3A_189 = arith.constant 0 : i32
    %dma_start3A_190 = arith.constant 0 : i32
    %dma_start3A_191 = tpu.memref_slice %arg10[%dma_start3A_189, %dma_start3A_190] : memref<128x128xf32, #tpu.memory_space<vmem>> -> memref<128x128xf32, #tpu.memory_space<vmem>>
    %dma_start3A_192 = arith.constant 0 : i32
    %dma_start3A_193 = tpu.memref_slice %arg6[%arg0, %add3A_188, %dma_start3A_192] : memref<2x10112x128xf32, #tpu.memory_space<hbm>> -> memref<1x128x128xf32, #tpu.memory_space<hbm>>
    %dma_start3A_194 = tpu.memref_squeeze %dma_start3A_193 : memref<1x128x128xf32, #tpu.memory_space<hbm>> -> memref<128x128xf32, #tpu.memory_space<hbm>>
    %dma_start3A_195 = arith.constant 0 : i32
    %dma_start3A_196 = tpu.memref_slice %arg6[%arg0, %add3A_188, %dma_start3A_195] : memref<2x10112x128xf32, #tpu.memory_space<hbm>> -> memref<1x128x128xf32, #tpu.memory_space<hbm>>
    %dma_start3A_197 = tpu.memref_squeeze %dma_start3A_196 : memref<1x128x128xf32, #tpu.memory_space<hbm>> -> memref<128x128xf32, #tpu.memory_space<hbm>>
    %dma_start3A_198 = arith.constant 0 : i32
    %dma_start3A_199 = arith.constant 0 : i32
    %dma_start3A_200 = tpu.memref_slice %arg10[%dma_start3A_198, %dma_start3A_199] : memref<128x128xf32, #tpu.memory_space<vmem>> -> memref<128x128xf32, #tpu.memory_space<vmem>>
    tpu.enqueue_dma source(%dma_start3A_200 : memref<128x128xf32, #tpu.memory_space<vmem>>) target(%dma_start3A_197 : memref<128x128xf32, #tpu.memory_space<hbm>>) target_semaphore(%arg12 : memref<!tpu.dma_semaphore, #tpu.memory_space<semaphore_mem>>)
    %dma_wait3A_201 = arith.constant 0 : i32
    %dma_wait3A_202 = arith.constant 0 : i32
    %dma_wait3A_203 = tpu.memref_slice %arg10[%dma_wait3A_201, %dma_wait3A_202] : memref<128x128xf32, #tpu.memory_space<vmem>> -> memref<128x128xf32, #tpu.memory_space<vmem>>
    %dma_wait3A_204 = arith.constant 0 : i32
    %dma_wait3A_205 = tpu.memref_slice %arg6[%arg0, %add3A_188, %dma_wait3A_204] : memref<2x10112x128xf32, #tpu.memory_space<hbm>> -> memref<1x128x128xf32, #tpu.memory_space<hbm>>
    %dma_wait3A_206 = tpu.memref_squeeze %dma_wait3A_205 : memref<1x128x128xf32, #tpu.memory_space<hbm>> -> memref<128x128xf32, #tpu.memory_space<hbm>>
    %dma_wait3A_207 = arith.constant 0 : i32
    %dma_wait3A_208 = tpu.memref_slice %arg6[%arg0, %add3A_188, %dma_wait3A_207] : memref<2x10112x128xf32, #tpu.memory_space<hbm>> -> memref<1x128x128xf32, #tpu.memory_space<hbm>>
    %dma_wait3A_209 = tpu.memref_squeeze %dma_wait3A_208 : memref<1x128x128xf32, #tpu.memory_space<hbm>> -> memref<128x128xf32, #tpu.memory_space<hbm>>
    %dma_wait3A_210 = arith.constant 0 : i32
    %dma_wait3A_211 = arith.constant 0 : i32
    %dma_wait3A_212 = tpu.memref_slice %arg10[%dma_wait3A_210, %dma_wait3A_211] : memref<128x128xf32, #tpu.memory_space<vmem>> -> memref<128x128xf32, #tpu.memory_space<vmem>>
    tpu.wait_dma2 semaphore(%arg12 : memref<!tpu.dma_semaphore, #tpu.memory_space<semaphore_mem>>) src(%dma_wait3A_212 : memref<128x128xf32, #tpu.memory_space<vmem>>) dst(%dma_wait3A_209 : memref<128x128xf32, #tpu.memory_space<hbm>>)
    %add3A_213 = arith.constant 256 : i32
    %add3A_214 = arith.addi %mul3A_2, %add3A_213 : i32
    %dma_start3A_215 = arith.constant 0 : i32
    %dma_start3A_216 = arith.constant 0 : i32
    %dma_start3A_217 = tpu.memref_slice %arg10[%dma_start3A_215, %dma_start3A_216] : memref<128x128xf32, #tpu.memory_space<vmem>> -> memref<128x128xf32, #tpu.memory_space<vmem>>
    %dma_start3A_218 = arith.constant 0 : i32
    %dma_start3A_219 = tpu.memref_slice %arg7[%add3A_214, %dma_start3A_218] : memref<10112x128xf32, #tpu.memory_space<vmem_shared>> -> memref<128x128xf32, #tpu.memory_space<vmem_shared>>
    %dma_start3A_220 = arith.constant 0 : i32
    %dma_start3A_221 = arith.constant 0 : i32
    %dma_start3A_222 = tpu.memref_slice %arg10[%dma_start3A_220, %dma_start3A_221] : memref<128x128xf32, #tpu.memory_space<vmem>> -> memref<128x128xf32, #tpu.memory_space<vmem>>
    %dma_start3A_223 = arith.constant 0 : i32
    %dma_start3A_224 = tpu.memref_slice %arg7[%add3A_214, %dma_start3A_223] : memref<10112x128xf32, #tpu.memory_space<vmem_shared>> -> memref<128x128xf32, #tpu.memory_space<vmem_shared>>
    tpu.enqueue_dma source(%dma_start3A_224 : memref<128x128xf32, #tpu.memory_space<vmem_shared>>) target(%dma_start3A_222 : memref<128x128xf32, #tpu.memory_space<vmem>>) target_semaphore(%arg11 : memref<!tpu.dma_semaphore, #tpu.memory_space<semaphore_mem>>)
    %dma_wait3A_225 = arith.constant 0 : i32
    %dma_wait3A_226 = arith.constant 0 : i32
    %dma_wait3A_227 = tpu.memref_slice %arg10[%dma_wait3A_225, %dma_wait3A_226] : memref<128x128xf32, #tpu.memory_space<vmem>> -> memref<128x128xf32, #tpu.memory_space<vmem>>
    %dma_wait3A_228 = arith.constant 0 : i32
    %dma_wait3A_229 = tpu.memref_slice %arg7[%add3A_214, %dma_wait3A_228] : memref<10112x128xf32, #tpu.memory_space<vmem_shared>> -> memref<128x128xf32, #tpu.memory_space<vmem_shared>>
    %dma_wait3A_230 = arith.constant 0 : i32
    %dma_wait3A_231 = arith.constant 0 : i32
    %dma_wait3A_232 = tpu.memref_slice %arg10[%dma_wait3A_230, %dma_wait3A_231] : memref<128x128xf32, #tpu.memory_space<vmem>> -> memref<128x128xf32, #tpu.memory_space<vmem>>
    %dma_wait3A_233 = arith.constant 0 : i32
    %dma_wait3A_234 = tpu.memref_slice %arg7[%add3A_214, %dma_wait3A_233] : memref<10112x128xf32, #tpu.memory_space<vmem_shared>> -> memref<128x128xf32, #tpu.memory_space<vmem_shared>>
    tpu.wait_dma2 semaphore(%arg11 : memref<!tpu.dma_semaphore, #tpu.memory_space<semaphore_mem>>) src(%dma_wait3A_234 : memref<128x128xf32, #tpu.memory_space<vmem_shared>>) dst(%dma_wait3A_232 : memref<128x128xf32, #tpu.memory_space<vmem>>)
    %add3A_235 = arith.constant 256 : i32
    %add3A_236 = arith.addi %mul3A_2, %add3A_235 : i32
    %dma_start3A_237 = arith.constant 0 : i32
    %dma_start3A_238 = arith.constant 0 : i32
    %dma_start3A_239 = tpu.memref_slice %arg10[%dma_start3A_237, %dma_start3A_238] : memref<128x128xf32, #tpu.memory_space<vmem>> -> memref<128x128xf32, #tpu.memory_space<vmem>>
    %dma_start3A_240 = arith.constant 0 : i32
    %dma_start3A_241 = tpu.memref_slice %arg6[%arg0, %add3A_236, %dma_start3A_240] : memref<2x10112x128xf32, #tpu.memory_space<hbm>> -> memref<1x128x128xf32, #tpu.memory_space<hbm>>
    %dma_start3A_242 = tpu.memref_squeeze %dma_start3A_241 : memref<1x128x128xf32, #tpu.memory_space<hbm>> -> memref<128x128xf32, #tpu.memory_space<hbm>>
    %dma_start3A_243 = arith.constant 0 : i32
    %dma_start3A_244 = tpu.memref_slice %arg6[%arg0, %add3A_236, %dma_start3A_243] : memref<2x10112x128xf32, #tpu.memory_space<hbm>> -> memref<1x128x128xf32, #tpu.memory_space<hbm>>
    %dma_start3A_245 = tpu.memref_squeeze %dma_start3A_244 : memref<1x128x128xf32, #tpu.memory_space<hbm>> -> memref<128x128xf32, #tpu.memory_space<hbm>>
    %dma_start3A_246 = arith.constant 0 : i32
    %dma_start3A_247 = arith.constant 0 : i32
    %dma_start3A_248 = tpu.memref_slice %arg10[%dma_start3A_246, %dma_start3A_247] : memref<128x128xf32, #tpu.memory_space<vmem>> -> memref<128x128xf32, #tpu.memory_space<vmem>>
    tpu.enqueue_dma source(%dma_start3A_248 : memref<128x128xf32, #tpu.memory_space<vmem>>) target(%dma_start3A_245 : memref<128x128xf32, #tpu.memory_space<hbm>>) target_semaphore(%arg12 : memref<!tpu.dma_semaphore, #tpu.memory_space<semaphore_mem>>)
    %dma_wait3A_249 = arith.constant 0 : i32
    %dma_wait3A_250 = arith.constant 0 : i32
    %dma_wait3A_251 = tpu.memref_slice %arg10[%dma_wait3A_249, %dma_wait3A_250] : memref<128x128xf32, #tpu.memory_space<vmem>> -> memref<128x128xf32, #tpu.memory_space<vmem>>
    %dma_wait3A_252 = arith.constant 0 : i32
    %dma_wait3A_253 = tpu.memref_slice %arg6[%arg0, %add3A_236, %dma_wait3A_252] : memref<2x10112x128xf32, #tpu.memory_space<hbm>> -> memref<1x128x128xf32, #tpu.memory_space<hbm>>
    %dma_wait3A_254 = tpu.memref_squeeze %dma_wait3A_253 : memref<1x128x128xf32, #tpu.memory_space<hbm>> -> memref<128x128xf32, #tpu.memory_space<hbm>>
    %dma_wait3A_255 = arith.constant 0 : i32
    %dma_wait3A_256 = tpu.memref_slice %arg6[%arg0, %add3A_236, %dma_wait3A_255] : memref<2x10112x128xf32, #tpu.memory_space<hbm>> -> memref<1x128x128xf32, #tpu.memory_space<hbm>>
    %dma_wait3A_257 = tpu.memref_squeeze %dma_wait3A_256 : memref<1x128x128xf32, #tpu.memory_space<hbm>> -> memref<128x128xf32, #tpu.memory_space<hbm>>
    %dma_wait3A_258 = arith.constant 0 : i32
    %dma_wait3A_259 = arith.constant 0 : i32
    %dma_wait3A_260 = tpu.memref_slice %arg10[%dma_wait3A_258, %dma_wait3A_259] : memref<128x128xf32, #tpu.memory_space<vmem>> -> memref<128x128xf32, #tpu.memory_space<vmem>>
    tpu.wait_dma2 semaphore(%arg12 : memref<!tpu.dma_semaphore, #tpu.memory_space<semaphore_mem>>) src(%dma_wait3A_260 : memref<128x128xf32, #tpu.memory_space<vmem>>) dst(%dma_wait3A_257 : memref<128x128xf32, #tpu.memory_space<hbm>>)
    %add3A_261 = arith.constant 384 : i32
    %add3A_262 = arith.addi %mul3A_2, %add3A_261 : i32
    %dma_start3A_263 = arith.constant 0 : i32
    %dma_start3A_264 = arith.constant 0 : i32
    %dma_start3A_265 = tpu.memref_slice %arg10[%dma_start3A_263, %dma_start3A_264] : memref<128x128xf32, #tpu.memory_space<vmem>> -> memref<128x128xf32, #tpu.memory_space<vmem>>
    %dma_start3A_266 = arith.constant 0 : i32
    %dma_start3A_267 = tpu.memref_slice %arg7[%add3A_262, %dma_start3A_266] : memref<10112x128xf32, #tpu.memory_space<vmem_shared>> -> memref<128x128xf32, #tpu.memory_space<vmem_shared>>
    %dma_start3A_268 = arith.constant 0 : i32
    %dma_start3A_269 = arith.constant 0 : i32
    %dma_start3A_270 = tpu.memref_slice %arg10[%dma_start3A_268, %dma_start3A_269] : memref<128x128xf32, #tpu.memory_space<vmem>> -> memref<128x128xf32, #tpu.memory_space<vmem>>
    %dma_start3A_271 = arith.constant 0 : i32
    %dma_start3A_272 = tpu.memref_slice %arg7[%add3A_262, %dma_start3A_271] : memref<10112x128xf32, #tpu.memory_space<vmem_shared>> -> memref<128x128xf32, #tpu.memory_space<vmem_shared>>
    tpu.enqueue_dma source(%dma_start3A_272 : memref<128x128xf32, #tpu.memory_space<vmem_shared>>) target(%dma_start3A_270 : memref<128x128xf32, #tpu.memory_space<vmem>>) target_semaphore(%arg11 : memref<!tpu.dma_semaphore, #tpu.memory_space<semaphore_mem>>)
    %dma_wait3A_273 = arith.constant 0 : i32
    %dma_wait3A_274 = arith.constant 0 : i32
    %dma_wait3A_275 = tpu.memref_slice %arg10[%dma_wait3A_273, %dma_wait3A_274] : memref<128x128xf32, #tpu.memory_space<vmem>> -> memref<128x128xf32, #tpu.memory_space<vmem>>
    %dma_wait3A_276 = arith.constant 0 : i32
    %dma_wait3A_277 = tpu.memref_slice %arg7[%add3A_262, %dma_wait3A_276] : memref<10112x128xf32, #tpu.memory_space<vmem_shared>> -> memref<128x128xf32, #tpu.memory_space<vmem_shared>>
    %dma_wait3A_278 = arith.constant 0 : i32
    %dma_wait3A_279 = arith.constant 0 : i32
    %dma_wait3A_280 = tpu.memref_slice %arg10[%dma_wait3A_278, %dma_wait3A_279] : memref<128x128xf32, #tpu.memory_space<vmem>> -> memref<128x128xf32, #tpu.memory_space<vmem>>
    %dma_wait3A_281 = arith.constant 0 : i32
    %dma_wait3A_282 = tpu.memref_slice %arg7[%add3A_262, %dma_wait3A_281] : memref<10112x128xf32, #tpu.memory_space<vmem_shared>> -> memref<128x128xf32, #tpu.memory_space<vmem_shared>>
    tpu.wait_dma2 semaphore(%arg11 : memref<!tpu.dma_semaphore, #tpu.memory_space<semaphore_mem>>) src(%dma_wait3A_282 : memref<128x128xf32, #tpu.memory_space<vmem_shared>>) dst(%dma_wait3A_280 : memref<128x128xf32, #tpu.memory_space<vmem>>)
    %add3A_283 = arith.constant 384 : i32
    %add3A_284 = arith.addi %mul3A_2, %add3A_283 : i32
    %dma_start3A_285 = arith.constant 0 : i32
    %dma_start3A_286 = arith.constant 0 : i32
    %dma_start3A_287 = tpu.memref_slice %arg10[%dma_start3A_285, %dma_start3A_286] : memref<128x128xf32, #tpu.memory_space<vmem>> -> memref<128x128xf32, #tpu.memory_space<vmem>>
    %dma_start3A_288 = arith.constant 0 : i32
    %dma_start3A_289 = tpu.memref_slice %arg6[%arg0, %add3A_284, %dma_start3A_288] : memref<2x10112x128xf32, #tpu.memory_space<hbm>> -> memref<1x128x128xf32, #tpu.memory_space<hbm>>
    %dma_start3A_290 = tpu.memref_squeeze %dma_start3A_289 : memref<1x128x128xf32, #tpu.memory_space<hbm>> -> memref<128x128xf32, #tpu.memory_space<hbm>>
    %dma_start3A_291 = arith.constant 0 : i32
    %dma_start3A_292 = tpu.memref_slice %arg6[%arg0, %add3A_284, %dma_start3A_291] : memref<2x10112x128xf32, #tpu.memory_space<hbm>> -> memref<1x128x128xf32, #tpu.memory_space<hbm>>
    %dma_start3A_293 = tpu.memref_squeeze %dma_start3A_292 : memref<1x128x128xf32, #tpu.memory_space<hbm>> -> memref<128x128xf32, #tpu.memory_space<hbm>>
    %dma_start3A_294 = arith.constant 0 : i32
    %dma_start3A_295 = arith.constant 0 : i32
    %dma_start3A_296 = tpu.memref_slice %arg10[%dma_start3A_294, %dma_start3A_295] : memref<128x128xf32, #tpu.memory_space<vmem>> -> memref<128x128xf32, #tpu.memory_space<vmem>>
    tpu.enqueue_dma source(%dma_start3A_296 : memref<128x128xf32, #tpu.memory_space<vmem>>) target(%dma_start3A_293 : memref<128x128xf32, #tpu.memory_space<hbm>>) target_semaphore(%arg12 : memref<!tpu.dma_semaphore, #tpu.memory_space<semaphore_mem>>)
    %dma_wait3A_297 = arith.constant 0 : i32
    %dma_wait3A_298 = arith.constant 0 : i32
    %dma_wait3A_299 = tpu.memref_slice %arg10[%dma_wait3A_297, %dma_wait3A_298] : memref<128x128xf32, #tpu.memory_space<vmem>> -> memref<128x128xf32, #tpu.memory_space<vmem>>
    %dma_wait3A_300 = arith.constant 0 : i32
    %dma_wait3A_301 = tpu.memref_slice %arg6[%arg0, %add3A_284, %dma_wait3A_300] : memref<2x10112x128xf32, #tpu.memory_space<hbm>> -> memref<1x128x128xf32, #tpu.memory_space<hbm>>
    %dma_wait3A_302 = tpu.memref_squeeze %dma_wait3A_301 : memref<1x128x128xf32, #tpu.memory_space<hbm>> -> memref<128x128xf32, #tpu.memory_space<hbm>>
    %dma_wait3A_303 = arith.constant 0 : i32
    %dma_wait3A_304 = tpu.memref_slice %arg6[%arg0, %add3A_284, %dma_wait3A_303] : memref<2x10112x128xf32, #tpu.memory_space<hbm>> -> memref<1x128x128xf32, #tpu.memory_space<hbm>>
    %dma_wait3A_305 = tpu.memref_squeeze %dma_wait3A_304 : memref<1x128x128xf32, #tpu.memory_space<hbm>> -> memref<128x128xf32, #tpu.memory_space<hbm>>
    %dma_wait3A_306 = arith.constant 0 : i32
    %dma_wait3A_307 = arith.constant 0 : i32
    %dma_wait3A_308 = tpu.memref_slice %arg10[%dma_wait3A_306, %dma_wait3A_307] : memref<128x128xf32, #tpu.memory_space<vmem>> -> memref<128x128xf32, #tpu.memory_space<vmem>>
    tpu.wait_dma2 semaphore(%arg12 : memref<!tpu.dma_semaphore, #tpu.memory_space<semaphore_mem>>) src(%dma_wait3A_308 : memref<128x128xf32, #tpu.memory_space<vmem>>) dst(%dma_wait3A_305 : memref<128x128xf32, #tpu.memory_space<hbm>>)
    %add3A_309 = arith.constant 512 : i32
    %add3A_310 = arith.addi %mul3A_2, %add3A_309 : i32
    %dma_start3A_311 = arith.constant 0 : i32
    %dma_start3A_312 = arith.constant 0 : i32
    %dma_start3A_313 = tpu.memref_slice %arg10[%dma_start3A_311, %dma_start3A_312] : memref<128x128xf32, #tpu.memory_space<vmem>> -> memref<120x128xf32, #tpu.memory_space<vmem>>
    %dma_start3A_314 = arith.constant 0 : i32
    %dma_start3A_315 = tpu.memref_slice %arg7[%add3A_310, %dma_start3A_314] : memref<10112x128xf32, #tpu.memory_space<vmem_shared>> -> memref<120x128xf32, #tpu.memory_space<vmem_shared>>
    %dma_start3A_316 = arith.constant 0 : i32
    %dma_start3A_317 = arith.constant 0 : i32
    %dma_start3A_318 = tpu.memref_slice %arg10[%dma_start3A_316, %dma_start3A_317] : memref<128x128xf32, #tpu.memory_space<vmem>> -> memref<120x128xf32, #tpu.memory_space<vmem>>
    %dma_start3A_319 = arith.constant 0 : i32
    %dma_start3A_320 = tpu.memref_slice %arg7[%add3A_310, %dma_start3A_319] : memref<10112x128xf32, #tpu.memory_space<vmem_shared>> -> memref<120x128xf32, #tpu.memory_space<vmem_shared>>
    tpu.enqueue_dma source(%dma_start3A_320 : memref<120x128xf32, #tpu.memory_space<vmem_shared>>) target(%dma_start3A_318 : memref<120x128xf32, #tpu.memory_space<vmem>>) target_semaphore(%arg11 : memref<!tpu.dma_semaphore, #tpu.memory_space<semaphore_mem>>)
    %dma_wait3A_321 = arith.constant 0 : i32
    %dma_wait3A_322 = arith.constant 0 : i32
    %dma_wait3A_323 = tpu.memref_slice %arg10[%dma_wait3A_321, %dma_wait3A_322] : memref<128x128xf32, #tpu.memory_space<vmem>> -> memref<120x128xf32, #tpu.memory_space<vmem>>
    %dma_wait3A_324 = arith.constant 0 : i32
    %dma_wait3A_325 = tpu.memref_slice %arg7[%add3A_310, %dma_wait3A_324] : memref<10112x128xf32, #tpu.memory_space<vmem_shared>> -> memref<120x128xf32, #tpu.memory_space<vmem_shared>>
    %dma_wait3A_326 = arith.constant 0 : i32
    %dma_wait3A_327 = arith.constant 0 : i32
    %dma_wait3A_328 = tpu.memref_slice %arg10[%dma_wait3A_326, %dma_wait3A_327] : memref<128x128xf32, #tpu.memory_space<vmem>> -> memref<120x128xf32, #tpu.memory_space<vmem>>
    %dma_wait3A_329 = arith.constant 0 : i32
    %dma_wait3A_330 = tpu.memref_slice %arg7[%add3A_310, %dma_wait3A_329] : memref<10112x128xf32, #tpu.memory_space<vmem_shared>> -> memref<120x128xf32, #tpu.memory_space<vmem_shared>>
    tpu.wait_dma2 semaphore(%arg11 : memref<!tpu.dma_semaphore, #tpu.memory_space<semaphore_mem>>) src(%dma_wait3A_330 : memref<120x128xf32, #tpu.memory_space<vmem_shared>>) dst(%dma_wait3A_328 : memref<120x128xf32, #tpu.memory_space<vmem>>)
    %add3A_331 = arith.constant 512 : i32
    %add3A_332 = arith.addi %mul3A_2, %add3A_331 : i32
    %dma_start3A_333 = arith.constant 0 : i32
    %dma_start3A_334 = arith.constant 0 : i32
    %dma_start3A_335 = tpu.memref_slice %arg10[%dma_start3A_333, %dma_start3A_334] : memref<128x128xf32, #tpu.memory_space<vmem>> -> memref<120x128xf32, #tpu.memory_space<vmem>>
    %dma_start3A_336 = arith.constant 0 : i32
    %dma_start3A_337 = tpu.memref_slice %arg6[%arg0, %add3A_332, %dma_start3A_336] : memref<2x10112x128xf32, #tpu.memory_space<hbm>> -> memref<1x120x128xf32, #tpu.memory_space<hbm>>
    %dma_start3A_338 = tpu.memref_squeeze %dma_start3A_337 : memref<1x120x128xf32, #tpu.memory_space<hbm>> -> memref<120x128xf32, #tpu.memory_space<hbm>>
    %dma_start3A_339 = arith.constant 0 : i32
    %dma_start3A_340 = tpu.memref_slice %arg6[%arg0, %add3A_332, %dma_start3A_339] : memref<2x10112x128xf32, #tpu.memory_space<hbm>> -> memref<1x120x128xf32, #tpu.memory_space<hbm>>
    %dma_start3A_341 = tpu.memref_squeeze %dma_start3A_340 : memref<1x120x128xf32, #tpu.memory_space<hbm>> -> memref<120x128xf32, #tpu.memory_space<hbm>>
    %dma_start3A_342 = arith.constant 0 : i32
    %dma_start3A_343 = arith.constant 0 : i32
    %dma_start3A_344 = tpu.memref_slice %arg10[%dma_start3A_342, %dma_start3A_343] : memref<128x128xf32, #tpu.memory_space<vmem>> -> memref<120x128xf32, #tpu.memory_space<vmem>>
    tpu.enqueue_dma source(%dma_start3A_344 : memref<120x128xf32, #tpu.memory_space<vmem>>) target(%dma_start3A_341 : memref<120x128xf32, #tpu.memory_space<hbm>>) target_semaphore(%arg12 : memref<!tpu.dma_semaphore, #tpu.memory_space<semaphore_mem>>)
    %dma_wait3A_345 = arith.constant 0 : i32
    %dma_wait3A_346 = arith.constant 0 : i32
    %dma_wait3A_347 = tpu.memref_slice %arg10[%dma_wait3A_345, %dma_wait3A_346] : memref<128x128xf32, #tpu.memory_space<vmem>> -> memref<120x128xf32, #tpu.memory_space<vmem>>
    %dma_wait3A_348 = arith.constant 0 : i32
    %dma_wait3A_349 = tpu.memref_slice %arg6[%arg0, %add3A_332, %dma_wait3A_348] : memref<2x10112x128xf32, #tpu.memory_space<hbm>> -> memref<1x120x128xf32, #tpu.memory_space<hbm>>
    %dma_wait3A_350 = tpu.memref_squeeze %dma_wait3A_349 : memref<1x120x128xf32, #tpu.memory_space<hbm>> -> memref<120x128xf32, #tpu.memory_space<hbm>>
    %dma_wait3A_351 = arith.constant 0 : i32
    %dma_wait3A_352 = tpu.memref_slice %arg6[%arg0, %add3A_332, %dma_wait3A_351] : memref<2x10112x128xf32, #tpu.memory_space<hbm>> -> memref<1x120x128xf32, #tpu.memory_space<hbm>>
    %dma_wait3A_353 = tpu.memref_squeeze %dma_wait3A_352 : memref<1x120x128xf32, #tpu.memory_space<hbm>> -> memref<120x128xf32, #tpu.memory_space<hbm>>
    %dma_wait3A_354 = arith.constant 0 : i32
    %dma_wait3A_355 = arith.constant 0 : i32
    %dma_wait3A_356 = tpu.memref_slice %arg10[%dma_wait3A_354, %dma_wait3A_355] : memref<128x128xf32, #tpu.memory_space<vmem>> -> memref<120x128xf32, #tpu.memory_space<vmem>>
    tpu.wait_dma2 semaphore(%arg12 : memref<!tpu.dma_semaphore, #tpu.memory_space<semaphore_mem>>) src(%dma_wait3A_356 : memref<120x128xf32, #tpu.memory_space<vmem>>) dst(%dma_wait3A_353 : memref<120x128xf32, #tpu.memory_space<hbm>>)
    return
  }
}

#map = affine_map<(d0, d1) -> (0, 0)>
#map1 = affine_map<(d0, d1) -> (0)>
#map2 = affine_map<(d0, d1) -> (0, 0, 0)>
module attributes {stable_mosaic.version = 14 : i64} {
  func.func @_agg_body(%arg0: i32, %arg1: i32, %arg2: memref<10000x128xf32, #tpu.memory_space<hbm>>, %arg3: memref<323584xi32, #tpu.memory_space<hbm>>, %arg4: memref<323584xi32, #tpu.memory_space<hbm>>, %arg5: memref<128x128xf32, #tpu.memory_space<hbm>>, %arg6: memref<2x10112x128xf32, #tpu.memory_space<hbm>>, %arg7: memref<10112x128xf32, #tpu.memory_space<vmem_shared>>, %arg8: memref<128xi32, #tpu.memory_space<vmem>>, %arg9: memref<128xi32, #tpu.memory_space<vmem>>, %arg10: memref<128x128xf32, #tpu.memory_space<vmem>>, %arg11: memref<!tpu.dma_semaphore, #tpu.memory_space<semaphore_mem>>, %arg12: memref<!tpu.dma_semaphore, #tpu.memory_space<semaphore_mem>>) attributes {dimension_semantics = [#tpu.dimension_semantics<core_parallel>, #tpu.dimension_semantics<subcore_parallel>], iteration_bounds = array<i64: 2, 16>, scalar_prefetch = 0 : i64, scratch_operands = 6 : i64, tpu.core_type = #tpu.core_type<sc_vector_subcore>, window_params = [{transform_indices = #map}, {transform_indices = #map1}, {transform_indices = #map1}, {transform_indices = #map}, {transform_indices = #map2}]} {
    %mul3A = arith.constant 2 : i32
    %mul3A_0 = arith.muli %arg1, %mul3A : i32
    %add3A = arith.addi %mul3A_0, %arg0 : i32
    %mul3A_1 = arith.constant 632 : i32
    %mul3A_2 = arith.muli %arg1, %mul3A_1 : i32
    "tpu.region"() ({
      %run_scoped3A = tpu.sem_alloc : memref<!tpu.dma_semaphore, #tpu.memory_space<semaphore_mem>>
      tpu.enqueue_dma source(%arg5 : memref<128x128xf32, #tpu.memory_space<hbm>>) target(%arg10 : memref<128x128xf32, #tpu.memory_space<vmem>>) target_semaphore(%run_scoped3A : memref<!tpu.dma_semaphore, #tpu.memory_space<semaphore_mem>>)
      tpu.wait_dma2 semaphore(%run_scoped3A : memref<!tpu.dma_semaphore, #tpu.memory_space<semaphore_mem>>) src(%arg5 : memref<128x128xf32, #tpu.memory_space<hbm>>) dst(%arg10 : memref<128x128xf32, #tpu.memory_space<vmem>>)
      tpu.yield
    }) : () -> ()
    %add3A_3 = arith.constant 0 : i32
    %add3A_4 = arith.addi %mul3A_2, %add3A_3 : i32
    %dma_start3A = arith.constant 0 : i32
    %dma_start3A_5 = arith.constant 0 : i32
    %dma_start3A_6 = tpu.memref_slice %arg10[%dma_start3A, %dma_start3A_5] : memref<128x128xf32, #tpu.memory_space<vmem>> -> memref<128x128xf32, #tpu.memory_space<vmem>>
    %dma_start3A_7 = arith.constant 0 : i32
    %dma_start3A_8 = tpu.memref_slice %arg7[%add3A_4, %dma_start3A_7] : memref<10112x128xf32, #tpu.memory_space<vmem_shared>> -> memref<128x128xf32, #tpu.memory_space<vmem_shared>>
    %dma_start3A_9 = arith.constant 0 : i32
    %dma_start3A_10 = tpu.memref_slice %arg7[%add3A_4, %dma_start3A_9] : memref<10112x128xf32, #tpu.memory_space<vmem_shared>> -> memref<128x128xf32, #tpu.memory_space<vmem_shared>>
    %dma_start3A_11 = arith.constant 0 : i32
    %dma_start3A_12 = arith.constant 0 : i32
    %dma_start3A_13 = tpu.memref_slice %arg10[%dma_start3A_11, %dma_start3A_12] : memref<128x128xf32, #tpu.memory_space<vmem>> -> memref<128x128xf32, #tpu.memory_space<vmem>>
    tpu.enqueue_dma source(%dma_start3A_13 : memref<128x128xf32, #tpu.memory_space<vmem>>) target(%dma_start3A_10 : memref<128x128xf32, #tpu.memory_space<vmem_shared>>) target_semaphore(%arg11 : memref<!tpu.dma_semaphore, #tpu.memory_space<semaphore_mem>>)
    %add3A_14 = arith.constant 128 : i32
    %add3A_15 = arith.addi %mul3A_2, %add3A_14 : i32
    %dma_start3A_16 = arith.constant 0 : i32
    %dma_start3A_17 = arith.constant 0 : i32
    %dma_start3A_18 = tpu.memref_slice %arg10[%dma_start3A_16, %dma_start3A_17] : memref<128x128xf32, #tpu.memory_space<vmem>> -> memref<128x128xf32, #tpu.memory_space<vmem>>
    %dma_start3A_19 = arith.constant 0 : i32
    %dma_start3A_20 = tpu.memref_slice %arg7[%add3A_15, %dma_start3A_19] : memref<10112x128xf32, #tpu.memory_space<vmem_shared>> -> memref<128x128xf32, #tpu.memory_space<vmem_shared>>
    %dma_start3A_21 = arith.constant 0 : i32
    %dma_start3A_22 = tpu.memref_slice %arg7[%add3A_15, %dma_start3A_21] : memref<10112x128xf32, #tpu.memory_space<vmem_shared>> -> memref<128x128xf32, #tpu.memory_space<vmem_shared>>
    %dma_start3A_23 = arith.constant 0 : i32
    %dma_start3A_24 = arith.constant 0 : i32
    %dma_start3A_25 = tpu.memref_slice %arg10[%dma_start3A_23, %dma_start3A_24] : memref<128x128xf32, #tpu.memory_space<vmem>> -> memref<128x128xf32, #tpu.memory_space<vmem>>
    tpu.enqueue_dma source(%dma_start3A_25 : memref<128x128xf32, #tpu.memory_space<vmem>>) target(%dma_start3A_22 : memref<128x128xf32, #tpu.memory_space<vmem_shared>>) target_semaphore(%arg11 : memref<!tpu.dma_semaphore, #tpu.memory_space<semaphore_mem>>)
    %add3A_26 = arith.constant 256 : i32
    %add3A_27 = arith.addi %mul3A_2, %add3A_26 : i32
    %dma_start3A_28 = arith.constant 0 : i32
    %dma_start3A_29 = arith.constant 0 : i32
    %dma_start3A_30 = tpu.memref_slice %arg10[%dma_start3A_28, %dma_start3A_29] : memref<128x128xf32, #tpu.memory_space<vmem>> -> memref<128x128xf32, #tpu.memory_space<vmem>>
    %dma_start3A_31 = arith.constant 0 : i32
    %dma_start3A_32 = tpu.memref_slice %arg7[%add3A_27, %dma_start3A_31] : memref<10112x128xf32, #tpu.memory_space<vmem_shared>> -> memref<128x128xf32, #tpu.memory_space<vmem_shared>>
    %dma_start3A_33 = arith.constant 0 : i32
    %dma_start3A_34 = tpu.memref_slice %arg7[%add3A_27, %dma_start3A_33] : memref<10112x128xf32, #tpu.memory_space<vmem_shared>> -> memref<128x128xf32, #tpu.memory_space<vmem_shared>>
    %dma_start3A_35 = arith.constant 0 : i32
    %dma_start3A_36 = arith.constant 0 : i32
    %dma_start3A_37 = tpu.memref_slice %arg10[%dma_start3A_35, %dma_start3A_36] : memref<128x128xf32, #tpu.memory_space<vmem>> -> memref<128x128xf32, #tpu.memory_space<vmem>>
    tpu.enqueue_dma source(%dma_start3A_37 : memref<128x128xf32, #tpu.memory_space<vmem>>) target(%dma_start3A_34 : memref<128x128xf32, #tpu.memory_space<vmem_shared>>) target_semaphore(%arg11 : memref<!tpu.dma_semaphore, #tpu.memory_space<semaphore_mem>>)
    %add3A_38 = arith.constant 384 : i32
    %add3A_39 = arith.addi %mul3A_2, %add3A_38 : i32
    %dma_start3A_40 = arith.constant 0 : i32
    %dma_start3A_41 = arith.constant 0 : i32
    %dma_start3A_42 = tpu.memref_slice %arg10[%dma_start3A_40, %dma_start3A_41] : memref<128x128xf32, #tpu.memory_space<vmem>> -> memref<128x128xf32, #tpu.memory_space<vmem>>
    %dma_start3A_43 = arith.constant 0 : i32
    %dma_start3A_44 = tpu.memref_slice %arg7[%add3A_39, %dma_start3A_43] : memref<10112x128xf32, #tpu.memory_space<vmem_shared>> -> memref<128x128xf32, #tpu.memory_space<vmem_shared>>
    %dma_start3A_45 = arith.constant 0 : i32
    %dma_start3A_46 = tpu.memref_slice %arg7[%add3A_39, %dma_start3A_45] : memref<10112x128xf32, #tpu.memory_space<vmem_shared>> -> memref<128x128xf32, #tpu.memory_space<vmem_shared>>
    %dma_start3A_47 = arith.constant 0 : i32
    %dma_start3A_48 = arith.constant 0 : i32
    %dma_start3A_49 = tpu.memref_slice %arg10[%dma_start3A_47, %dma_start3A_48] : memref<128x128xf32, #tpu.memory_space<vmem>> -> memref<128x128xf32, #tpu.memory_space<vmem>>
    tpu.enqueue_dma source(%dma_start3A_49 : memref<128x128xf32, #tpu.memory_space<vmem>>) target(%dma_start3A_46 : memref<128x128xf32, #tpu.memory_space<vmem_shared>>) target_semaphore(%arg11 : memref<!tpu.dma_semaphore, #tpu.memory_space<semaphore_mem>>)
    %add3A_50 = arith.constant 512 : i32
    %add3A_51 = arith.addi %mul3A_2, %add3A_50 : i32
    %dma_start3A_52 = arith.constant 0 : i32
    %dma_start3A_53 = arith.constant 0 : i32
    %dma_start3A_54 = tpu.memref_slice %arg10[%dma_start3A_52, %dma_start3A_53] : memref<128x128xf32, #tpu.memory_space<vmem>> -> memref<120x128xf32, #tpu.memory_space<vmem>>
    %dma_start3A_55 = arith.constant 0 : i32
    %dma_start3A_56 = tpu.memref_slice %arg7[%add3A_51, %dma_start3A_55] : memref<10112x128xf32, #tpu.memory_space<vmem_shared>> -> memref<120x128xf32, #tpu.memory_space<vmem_shared>>
    %dma_start3A_57 = arith.constant 0 : i32
    %dma_start3A_58 = tpu.memref_slice %arg7[%add3A_51, %dma_start3A_57] : memref<10112x128xf32, #tpu.memory_space<vmem_shared>> -> memref<120x128xf32, #tpu.memory_space<vmem_shared>>
    %dma_start3A_59 = arith.constant 0 : i32
    %dma_start3A_60 = arith.constant 0 : i32
    %dma_start3A_61 = tpu.memref_slice %arg10[%dma_start3A_59, %dma_start3A_60] : memref<128x128xf32, #tpu.memory_space<vmem>> -> memref<120x128xf32, #tpu.memory_space<vmem>>
    tpu.enqueue_dma source(%dma_start3A_61 : memref<120x128xf32, #tpu.memory_space<vmem>>) target(%dma_start3A_58 : memref<120x128xf32, #tpu.memory_space<vmem_shared>>) target_semaphore(%arg11 : memref<!tpu.dma_semaphore, #tpu.memory_space<semaphore_mem>>)
    %dma_wait3A = arith.constant 0 : i32
    %dma_wait3A_62 = arith.constant 0 : i32
    %dma_wait3A_63 = tpu.memref_slice %arg10[%dma_wait3A, %dma_wait3A_62] : memref<128x128xf32, #tpu.memory_space<vmem>> -> memref<128x128xf32, #tpu.memory_space<vmem>>
    %dma_wait3A_64 = arith.constant 0 : i32
    %dma_wait3A_65 = tpu.memref_slice %arg7[%add3A_4, %dma_wait3A_64] : memref<10112x128xf32, #tpu.memory_space<vmem_shared>> -> memref<128x128xf32, #tpu.memory_space<vmem_shared>>
    %dma_wait3A_66 = arith.constant 0 : i32
    %dma_wait3A_67 = tpu.memref_slice %arg7[%add3A_4, %dma_wait3A_66] : memref<10112x128xf32, #tpu.memory_space<vmem_shared>> -> memref<128x128xf32, #tpu.memory_space<vmem_shared>>
    %dma_wait3A_68 = arith.constant 0 : i32
    %dma_wait3A_69 = arith.constant 0 : i32
    %dma_wait3A_70 = tpu.memref_slice %arg10[%dma_wait3A_68, %dma_wait3A_69] : memref<128x128xf32, #tpu.memory_space<vmem>> -> memref<128x128xf32, #tpu.memory_space<vmem>>
    tpu.wait_dma2 semaphore(%arg11 : memref<!tpu.dma_semaphore, #tpu.memory_space<semaphore_mem>>) src(%dma_wait3A_70 : memref<128x128xf32, #tpu.memory_space<vmem>>) dst(%dma_wait3A_67 : memref<128x128xf32, #tpu.memory_space<vmem_shared>>)
    %dma_wait3A_71 = arith.constant 0 : i32
    %dma_wait3A_72 = arith.constant 0 : i32
    %dma_wait3A_73 = tpu.memref_slice %arg10[%dma_wait3A_71, %dma_wait3A_72] : memref<128x128xf32, #tpu.memory_space<vmem>> -> memref<128x128xf32, #tpu.memory_space<vmem>>
    %dma_wait3A_74 = arith.constant 0 : i32
    %dma_wait3A_75 = tpu.memref_slice %arg7[%add3A_15, %dma_wait3A_74] : memref<10112x128xf32, #tpu.memory_space<vmem_shared>> -> memref<128x128xf32, #tpu.memory_space<vmem_shared>>
    %dma_wait3A_76 = arith.constant 0 : i32
    %dma_wait3A_77 = tpu.memref_slice %arg7[%add3A_15, %dma_wait3A_76] : memref<10112x128xf32, #tpu.memory_space<vmem_shared>> -> memref<128x128xf32, #tpu.memory_space<vmem_shared>>
    %dma_wait3A_78 = arith.constant 0 : i32
    %dma_wait3A_79 = arith.constant 0 : i32
    %dma_wait3A_80 = tpu.memref_slice %arg10[%dma_wait3A_78, %dma_wait3A_79] : memref<128x128xf32, #tpu.memory_space<vmem>> -> memref<128x128xf32, #tpu.memory_space<vmem>>
    tpu.wait_dma2 semaphore(%arg11 : memref<!tpu.dma_semaphore, #tpu.memory_space<semaphore_mem>>) src(%dma_wait3A_80 : memref<128x128xf32, #tpu.memory_space<vmem>>) dst(%dma_wait3A_77 : memref<128x128xf32, #tpu.memory_space<vmem_shared>>)
    %dma_wait3A_81 = arith.constant 0 : i32
    %dma_wait3A_82 = arith.constant 0 : i32
    %dma_wait3A_83 = tpu.memref_slice %arg10[%dma_wait3A_81, %dma_wait3A_82] : memref<128x128xf32, #tpu.memory_space<vmem>> -> memref<128x128xf32, #tpu.memory_space<vmem>>
    %dma_wait3A_84 = arith.constant 0 : i32
    %dma_wait3A_85 = tpu.memref_slice %arg7[%add3A_27, %dma_wait3A_84] : memref<10112x128xf32, #tpu.memory_space<vmem_shared>> -> memref<128x128xf32, #tpu.memory_space<vmem_shared>>
    %dma_wait3A_86 = arith.constant 0 : i32
    %dma_wait3A_87 = tpu.memref_slice %arg7[%add3A_27, %dma_wait3A_86] : memref<10112x128xf32, #tpu.memory_space<vmem_shared>> -> memref<128x128xf32, #tpu.memory_space<vmem_shared>>
    %dma_wait3A_88 = arith.constant 0 : i32
    %dma_wait3A_89 = arith.constant 0 : i32
    %dma_wait3A_90 = tpu.memref_slice %arg10[%dma_wait3A_88, %dma_wait3A_89] : memref<128x128xf32, #tpu.memory_space<vmem>> -> memref<128x128xf32, #tpu.memory_space<vmem>>
    tpu.wait_dma2 semaphore(%arg11 : memref<!tpu.dma_semaphore, #tpu.memory_space<semaphore_mem>>) src(%dma_wait3A_90 : memref<128x128xf32, #tpu.memory_space<vmem>>) dst(%dma_wait3A_87 : memref<128x128xf32, #tpu.memory_space<vmem_shared>>)
    %dma_wait3A_91 = arith.constant 0 : i32
    %dma_wait3A_92 = arith.constant 0 : i32
    %dma_wait3A_93 = tpu.memref_slice %arg10[%dma_wait3A_91, %dma_wait3A_92] : memref<128x128xf32, #tpu.memory_space<vmem>> -> memref<128x128xf32, #tpu.memory_space<vmem>>
    %dma_wait3A_94 = arith.constant 0 : i32
    %dma_wait3A_95 = tpu.memref_slice %arg7[%add3A_39, %dma_wait3A_94] : memref<10112x128xf32, #tpu.memory_space<vmem_shared>> -> memref<128x128xf32, #tpu.memory_space<vmem_shared>>
    %dma_wait3A_96 = arith.constant 0 : i32
    %dma_wait3A_97 = tpu.memref_slice %arg7[%add3A_39, %dma_wait3A_96] : memref<10112x128xf32, #tpu.memory_space<vmem_shared>> -> memref<128x128xf32, #tpu.memory_space<vmem_shared>>
    %dma_wait3A_98 = arith.constant 0 : i32
    %dma_wait3A_99 = arith.constant 0 : i32
    %dma_wait3A_100 = tpu.memref_slice %arg10[%dma_wait3A_98, %dma_wait3A_99] : memref<128x128xf32, #tpu.memory_space<vmem>> -> memref<128x128xf32, #tpu.memory_space<vmem>>
    tpu.wait_dma2 semaphore(%arg11 : memref<!tpu.dma_semaphore, #tpu.memory_space<semaphore_mem>>) src(%dma_wait3A_100 : memref<128x128xf32, #tpu.memory_space<vmem>>) dst(%dma_wait3A_97 : memref<128x128xf32, #tpu.memory_space<vmem_shared>>)
    %dma_wait3A_101 = arith.constant 0 : i32
    %dma_wait3A_102 = arith.constant 0 : i32
    %dma_wait3A_103 = tpu.memref_slice %arg10[%dma_wait3A_101, %dma_wait3A_102] : memref<128x128xf32, #tpu.memory_space<vmem>> -> memref<120x128xf32, #tpu.memory_space<vmem>>
    %dma_wait3A_104 = arith.constant 0 : i32
    %dma_wait3A_105 = tpu.memref_slice %arg7[%add3A_51, %dma_wait3A_104] : memref<10112x128xf32, #tpu.memory_space<vmem_shared>> -> memref<120x128xf32, #tpu.memory_space<vmem_shared>>
    %dma_wait3A_106 = arith.constant 0 : i32
    %dma_wait3A_107 = tpu.memref_slice %arg7[%add3A_51, %dma_wait3A_106] : memref<10112x128xf32, #tpu.memory_space<vmem_shared>> -> memref<120x128xf32, #tpu.memory_space<vmem_shared>>
    %dma_wait3A_108 = arith.constant 0 : i32
    %dma_wait3A_109 = arith.constant 0 : i32
    %dma_wait3A_110 = tpu.memref_slice %arg10[%dma_wait3A_108, %dma_wait3A_109] : memref<128x128xf32, #tpu.memory_space<vmem>> -> memref<120x128xf32, #tpu.memory_space<vmem>>
    tpu.wait_dma2 semaphore(%arg11 : memref<!tpu.dma_semaphore, #tpu.memory_space<semaphore_mem>>) src(%dma_wait3A_110 : memref<120x128xf32, #tpu.memory_space<vmem>>) dst(%dma_wait3A_107 : memref<120x128xf32, #tpu.memory_space<vmem_shared>>)
    %barrier3A = arith.constant 0 : index
    tpu.barrier barrier_id(%barrier3A)
    %scan3A = arith.constant 0 : i32
    %scan3A_111 = arith.constant 0 : i32
    %scan3A_112 = arith.constant 79 : i32
    %scan3A_113 = arith.addi %scan3A_111, %scan3A_112 : i32
    %scan3A_114 = arith.constant 1 : i32
    scf.for %scan3A_357 = %scan3A_111 to %scan3A_113 step %scan3A_114  : i32 {
      %mul3A_358 = arith.constant 10112 : i32
      %mul3A_359 = arith.muli %add3A, %mul3A_358 : i32
      %mul3A_360 = arith.constant 128 : i32
      %mul3A_361 = arith.muli %scan3A_357, %mul3A_360 : i32
      %add3A_362 = arith.addi %mul3A_359, %mul3A_361 : i32
      "tpu.region"() ({
        %run_scoped3A = tpu.sem_alloc : memref<!tpu.dma_semaphore, #tpu.memory_space<semaphore_mem>>
        %dma_start3A_369 = tpu.memref_slice %arg3[%add3A_362] : memref<323584xi32, #tpu.memory_space<hbm>> -> memref<128xi32, #tpu.memory_space<hbm>>
        %dma_start3A_370 = tpu.memref_slice %arg3[%add3A_362] : memref<323584xi32, #tpu.memory_space<hbm>> -> memref<128xi32, #tpu.memory_space<hbm>>
        tpu.enqueue_dma source(%dma_start3A_370 : memref<128xi32, #tpu.memory_space<hbm>>) target(%arg8 : memref<128xi32, #tpu.memory_space<vmem>>) target_semaphore(%run_scoped3A : memref<!tpu.dma_semaphore, #tpu.memory_space<semaphore_mem>>)
        %dma_wait3A_371 = tpu.memref_slice %arg3[%add3A_362] : memref<323584xi32, #tpu.memory_space<hbm>> -> memref<128xi32, #tpu.memory_space<hbm>>
        %dma_wait3A_372 = tpu.memref_slice %arg3[%add3A_362] : memref<323584xi32, #tpu.memory_space<hbm>> -> memref<128xi32, #tpu.memory_space<hbm>>
        tpu.wait_dma2 semaphore(%run_scoped3A : memref<!tpu.dma_semaphore, #tpu.memory_space<semaphore_mem>>) src(%dma_wait3A_372 : memref<128xi32, #tpu.memory_space<hbm>>) dst(%arg8 : memref<128xi32, #tpu.memory_space<vmem>>)
        tpu.yield
      }) : () -> ()
      "tpu.region"() ({
        %run_scoped3A = tpu.sem_alloc : memref<!tpu.dma_semaphore, #tpu.memory_space<semaphore_mem>>
        %dma_start3A_369 = tpu.memref_slice %arg4[%add3A_362] : memref<323584xi32, #tpu.memory_space<hbm>> -> memref<128xi32, #tpu.memory_space<hbm>>
        %dma_start3A_370 = tpu.memref_slice %arg4[%add3A_362] : memref<323584xi32, #tpu.memory_space<hbm>> -> memref<128xi32, #tpu.memory_space<hbm>>
        tpu.enqueue_dma source(%dma_start3A_370 : memref<128xi32, #tpu.memory_space<hbm>>) target(%arg9 : memref<128xi32, #tpu.memory_space<vmem>>) target_semaphore(%run_scoped3A : memref<!tpu.dma_semaphore, #tpu.memory_space<semaphore_mem>>)
        %dma_wait3A_371 = tpu.memref_slice %arg4[%add3A_362] : memref<323584xi32, #tpu.memory_space<hbm>> -> memref<128xi32, #tpu.memory_space<hbm>>
        %dma_wait3A_372 = tpu.memref_slice %arg4[%add3A_362] : memref<323584xi32, #tpu.memory_space<hbm>> -> memref<128xi32, #tpu.memory_space<hbm>>
        tpu.wait_dma2 semaphore(%run_scoped3A : memref<!tpu.dma_semaphore, #tpu.memory_space<semaphore_mem>>) src(%dma_wait3A_372 : memref<128xi32, #tpu.memory_space<hbm>>) dst(%arg9 : memref<128xi32, #tpu.memory_space<vmem>>)
        tpu.yield
      }) : () -> ()
      %dma_start3A_363 = arith.constant 0 : i32
      %dma_start3A_364 = arith.constant 0 : i32
      %dma_start3A_365 = tpu.memref_slice %arg2[%dma_start3A_363, %dma_start3A_364] : memref<10000x128xf32, #tpu.memory_space<hbm>> -> memref<10000x128xf32, #tpu.memory_space<hbm>>
      tpu.enqueue_indirect_dma source(%dma_start3A_365 : memref<10000x128xf32, #tpu.memory_space<hbm>>) target(%arg10 : memref<128x128xf32, #tpu.memory_space<vmem>>) offsets(%arg8 : memref<128xi32, #tpu.memory_space<vmem>>) semaphore(%arg11 : memref<!tpu.dma_semaphore, #tpu.memory_space<semaphore_mem>>)
      %dma_wait3A_366 = arith.constant 0 : i32
      %dma_wait3A_367 = arith.constant 0 : i32
      %dma_wait3A_368 = tpu.memref_slice %arg2[%dma_wait3A_366, %dma_wait3A_367] : memref<10000x128xf32, #tpu.memory_space<hbm>> -> memref<10000x128xf32, #tpu.memory_space<hbm>>
      tpu.wait_indirect_dma semaphore(%arg11 : memref<!tpu.dma_semaphore, #tpu.memory_space<semaphore_mem>>) src(%dma_wait3A_368 : memref<10000x128xf32, #tpu.memory_space<hbm>>) dst(%arg10 : memref<128x128xf32, #tpu.memory_space<vmem>>)
      "tpu.region"() ({
        %run_scoped3A = tpu.sem_alloc : memref<!tpu.dma_semaphore, #tpu.memory_space<semaphore_mem>>
        %dma_start3A_369 = arith.constant 0 : i32
        %dma_start3A_370 = arith.constant 0 : i32
        %dma_start3A_371 = tpu.memref_slice %arg7[%dma_start3A_369, %dma_start3A_370] : memref<10112x128xf32, #tpu.memory_space<vmem_shared>> -> memref<10112x128xf32, #tpu.memory_space<vmem_shared>>
        tpu.enqueue_indirect_dma source(%arg10 : memref<128x128xf32, #tpu.memory_space<vmem>>) target(%dma_start3A_371 : memref<10112x128xf32, #tpu.memory_space<vmem_shared>>) offsets(%arg9 : memref<128xi32, #tpu.memory_space<vmem>>) semaphore(%run_scoped3A : memref<!tpu.dma_semaphore, #tpu.memory_space<semaphore_mem>>) {add = true}
        %dma_wait3A_372 = arith.constant 0 : i32
        %dma_wait3A_373 = arith.constant 0 : i32
        %dma_wait3A_374 = tpu.memref_slice %arg7[%dma_wait3A_372, %dma_wait3A_373] : memref<10112x128xf32, #tpu.memory_space<vmem_shared>> -> memref<10112x128xf32, #tpu.memory_space<vmem_shared>>
        tpu.wait_indirect_dma semaphore(%run_scoped3A : memref<!tpu.dma_semaphore, #tpu.memory_space<semaphore_mem>>) src(%arg10 : memref<128x128xf32, #tpu.memory_space<vmem>>) dst(%dma_wait3A_374 : memref<10112x128xf32, #tpu.memory_space<vmem_shared>>)
        tpu.yield
      }) : () -> ()
    }
    %scan3A_115 = arith.constant 79 : i32
    %barrier3A_116 = arith.constant 0 : index
    tpu.barrier barrier_id(%barrier3A_116)
    %add3A_117 = arith.constant 0 : i32
    %add3A_118 = arith.addi %mul3A_2, %add3A_117 : i32
    %dma_start3A_119 = arith.constant 0 : i32
    %dma_start3A_120 = arith.constant 0 : i32
    %dma_start3A_121 = tpu.memref_slice %arg10[%dma_start3A_119, %dma_start3A_120] : memref<128x128xf32, #tpu.memory_space<vmem>> -> memref<128x128xf32, #tpu.memory_space<vmem>>
    %dma_start3A_122 = arith.constant 0 : i32
    %dma_start3A_123 = tpu.memref_slice %arg7[%add3A_118, %dma_start3A_122] : memref<10112x128xf32, #tpu.memory_space<vmem_shared>> -> memref<128x128xf32, #tpu.memory_space<vmem_shared>>
    %dma_start3A_124 = arith.constant 0 : i32
    %dma_start3A_125 = arith.constant 0 : i32
    %dma_start3A_126 = tpu.memref_slice %arg10[%dma_start3A_124, %dma_start3A_125] : memref<128x128xf32, #tpu.memory_space<vmem>> -> memref<128x128xf32, #tpu.memory_space<vmem>>
    %dma_start3A_127 = arith.constant 0 : i32
    %dma_start3A_128 = tpu.memref_slice %arg7[%add3A_118, %dma_start3A_127] : memref<10112x128xf32, #tpu.memory_space<vmem_shared>> -> memref<128x128xf32, #tpu.memory_space<vmem_shared>>
    tpu.enqueue_dma source(%dma_start3A_128 : memref<128x128xf32, #tpu.memory_space<vmem_shared>>) target(%dma_start3A_126 : memref<128x128xf32, #tpu.memory_space<vmem>>) target_semaphore(%arg11 : memref<!tpu.dma_semaphore, #tpu.memory_space<semaphore_mem>>)
    %dma_wait3A_129 = arith.constant 0 : i32
    %dma_wait3A_130 = arith.constant 0 : i32
    %dma_wait3A_131 = tpu.memref_slice %arg10[%dma_wait3A_129, %dma_wait3A_130] : memref<128x128xf32, #tpu.memory_space<vmem>> -> memref<128x128xf32, #tpu.memory_space<vmem>>
    %dma_wait3A_132 = arith.constant 0 : i32
    %dma_wait3A_133 = tpu.memref_slice %arg7[%add3A_118, %dma_wait3A_132] : memref<10112x128xf32, #tpu.memory_space<vmem_shared>> -> memref<128x128xf32, #tpu.memory_space<vmem_shared>>
    %dma_wait3A_134 = arith.constant 0 : i32
    %dma_wait3A_135 = arith.constant 0 : i32
    %dma_wait3A_136 = tpu.memref_slice %arg10[%dma_wait3A_134, %dma_wait3A_135] : memref<128x128xf32, #tpu.memory_space<vmem>> -> memref<128x128xf32, #tpu.memory_space<vmem>>
    %dma_wait3A_137 = arith.constant 0 : i32
    %dma_wait3A_138 = tpu.memref_slice %arg7[%add3A_118, %dma_wait3A_137] : memref<10112x128xf32, #tpu.memory_space<vmem_shared>> -> memref<128x128xf32, #tpu.memory_space<vmem_shared>>
    tpu.wait_dma2 semaphore(%arg11 : memref<!tpu.dma_semaphore, #tpu.memory_space<semaphore_mem>>) src(%dma_wait3A_138 : memref<128x128xf32, #tpu.memory_space<vmem_shared>>) dst(%dma_wait3A_136 : memref<128x128xf32, #tpu.memory_space<vmem>>)
    %add3A_139 = arith.constant 0 : i32
    %add3A_140 = arith.addi %mul3A_2, %add3A_139 : i32
    %dma_start3A_141 = arith.constant 0 : i32
    %dma_start3A_142 = arith.constant 0 : i32
    %dma_start3A_143 = tpu.memref_slice %arg10[%dma_start3A_141, %dma_start3A_142] : memref<128x128xf32, #tpu.memory_space<vmem>> -> memref<128x128xf32, #tpu.memory_space<vmem>>
    %dma_start3A_144 = arith.constant 0 : i32
    %dma_start3A_145 = tpu.memref_slice %arg6[%arg0, %add3A_140, %dma_start3A_144] : memref<2x10112x128xf32, #tpu.memory_space<hbm>> -> memref<1x128x128xf32, #tpu.memory_space<hbm>>
    %dma_start3A_146 = tpu.memref_squeeze %dma_start3A_145 : memref<1x128x128xf32, #tpu.memory_space<hbm>> -> memref<128x128xf32, #tpu.memory_space<hbm>>
    %dma_start3A_147 = arith.constant 0 : i32
    %dma_start3A_148 = tpu.memref_slice %arg6[%arg0, %add3A_140, %dma_start3A_147] : memref<2x10112x128xf32, #tpu.memory_space<hbm>> -> memref<1x128x128xf32, #tpu.memory_space<hbm>>
    %dma_start3A_149 = tpu.memref_squeeze %dma_start3A_148 : memref<1x128x128xf32, #tpu.memory_space<hbm>> -> memref<128x128xf32, #tpu.memory_space<hbm>>
    %dma_start3A_150 = arith.constant 0 : i32
    %dma_start3A_151 = arith.constant 0 : i32
    %dma_start3A_152 = tpu.memref_slice %arg10[%dma_start3A_150, %dma_start3A_151] : memref<128x128xf32, #tpu.memory_space<vmem>> -> memref<128x128xf32, #tpu.memory_space<vmem>>
    tpu.enqueue_dma source(%dma_start3A_152 : memref<128x128xf32, #tpu.memory_space<vmem>>) target(%dma_start3A_149 : memref<128x128xf32, #tpu.memory_space<hbm>>) target_semaphore(%arg12 : memref<!tpu.dma_semaphore, #tpu.memory_space<semaphore_mem>>)
    %dma_wait3A_153 = arith.constant 0 : i32
    %dma_wait3A_154 = arith.constant 0 : i32
    %dma_wait3A_155 = tpu.memref_slice %arg10[%dma_wait3A_153, %dma_wait3A_154] : memref<128x128xf32, #tpu.memory_space<vmem>> -> memref<128x128xf32, #tpu.memory_space<vmem>>
    %dma_wait3A_156 = arith.constant 0 : i32
    %dma_wait3A_157 = tpu.memref_slice %arg6[%arg0, %add3A_140, %dma_wait3A_156] : memref<2x10112x128xf32, #tpu.memory_space<hbm>> -> memref<1x128x128xf32, #tpu.memory_space<hbm>>
    %dma_wait3A_158 = tpu.memref_squeeze %dma_wait3A_157 : memref<1x128x128xf32, #tpu.memory_space<hbm>> -> memref<128x128xf32, #tpu.memory_space<hbm>>
    %dma_wait3A_159 = arith.constant 0 : i32
    %dma_wait3A_160 = tpu.memref_slice %arg6[%arg0, %add3A_140, %dma_wait3A_159] : memref<2x10112x128xf32, #tpu.memory_space<hbm>> -> memref<1x128x128xf32, #tpu.memory_space<hbm>>
    %dma_wait3A_161 = tpu.memref_squeeze %dma_wait3A_160 : memref<1x128x128xf32, #tpu.memory_space<hbm>> -> memref<128x128xf32, #tpu.memory_space<hbm>>
    %dma_wait3A_162 = arith.constant 0 : i32
    %dma_wait3A_163 = arith.constant 0 : i32
    %dma_wait3A_164 = tpu.memref_slice %arg10[%dma_wait3A_162, %dma_wait3A_163] : memref<128x128xf32, #tpu.memory_space<vmem>> -> memref<128x128xf32, #tpu.memory_space<vmem>>
    tpu.wait_dma2 semaphore(%arg12 : memref<!tpu.dma_semaphore, #tpu.memory_space<semaphore_mem>>) src(%dma_wait3A_164 : memref<128x128xf32, #tpu.memory_space<vmem>>) dst(%dma_wait3A_161 : memref<128x128xf32, #tpu.memory_space<hbm>>)
    %add3A_165 = arith.constant 128 : i32
    %add3A_166 = arith.addi %mul3A_2, %add3A_165 : i32
    %dma_start3A_167 = arith.constant 0 : i32
    %dma_start3A_168 = arith.constant 0 : i32
    %dma_start3A_169 = tpu.memref_slice %arg10[%dma_start3A_167, %dma_start3A_168] : memref<128x128xf32, #tpu.memory_space<vmem>> -> memref<128x128xf32, #tpu.memory_space<vmem>>
    %dma_start3A_170 = arith.constant 0 : i32
    %dma_start3A_171 = tpu.memref_slice %arg7[%add3A_166, %dma_start3A_170] : memref<10112x128xf32, #tpu.memory_space<vmem_shared>> -> memref<128x128xf32, #tpu.memory_space<vmem_shared>>
    %dma_start3A_172 = arith.constant 0 : i32
    %dma_start3A_173 = arith.constant 0 : i32
    %dma_start3A_174 = tpu.memref_slice %arg10[%dma_start3A_172, %dma_start3A_173] : memref<128x128xf32, #tpu.memory_space<vmem>> -> memref<128x128xf32, #tpu.memory_space<vmem>>
    %dma_start3A_175 = arith.constant 0 : i32
    %dma_start3A_176 = tpu.memref_slice %arg7[%add3A_166, %dma_start3A_175] : memref<10112x128xf32, #tpu.memory_space<vmem_shared>> -> memref<128x128xf32, #tpu.memory_space<vmem_shared>>
    tpu.enqueue_dma source(%dma_start3A_176 : memref<128x128xf32, #tpu.memory_space<vmem_shared>>) target(%dma_start3A_174 : memref<128x128xf32, #tpu.memory_space<vmem>>) target_semaphore(%arg11 : memref<!tpu.dma_semaphore, #tpu.memory_space<semaphore_mem>>)
    %dma_wait3A_177 = arith.constant 0 : i32
    %dma_wait3A_178 = arith.constant 0 : i32
    %dma_wait3A_179 = tpu.memref_slice %arg10[%dma_wait3A_177, %dma_wait3A_178] : memref<128x128xf32, #tpu.memory_space<vmem>> -> memref<128x128xf32, #tpu.memory_space<vmem>>
    %dma_wait3A_180 = arith.constant 0 : i32
    %dma_wait3A_181 = tpu.memref_slice %arg7[%add3A_166, %dma_wait3A_180] : memref<10112x128xf32, #tpu.memory_space<vmem_shared>> -> memref<128x128xf32, #tpu.memory_space<vmem_shared>>
    %dma_wait3A_182 = arith.constant 0 : i32
    %dma_wait3A_183 = arith.constant 0 : i32
    %dma_wait3A_184 = tpu.memref_slice %arg10[%dma_wait3A_182, %dma_wait3A_183] : memref<128x128xf32, #tpu.memory_space<vmem>> -> memref<128x128xf32, #tpu.memory_space<vmem>>
    %dma_wait3A_185 = arith.constant 0 : i32
    %dma_wait3A_186 = tpu.memref_slice %arg7[%add3A_166, %dma_wait3A_185] : memref<10112x128xf32, #tpu.memory_space<vmem_shared>> -> memref<128x128xf32, #tpu.memory_space<vmem_shared>>
    tpu.wait_dma2 semaphore(%arg11 : memref<!tpu.dma_semaphore, #tpu.memory_space<semaphore_mem>>) src(%dma_wait3A_186 : memref<128x128xf32, #tpu.memory_space<vmem_shared>>) dst(%dma_wait3A_184 : memref<128x128xf32, #tpu.memory_space<vmem>>)
    %add3A_187 = arith.constant 128 : i32
    %add3A_188 = arith.addi %mul3A_2, %add3A_187 : i32
    %dma_start3A_189 = arith.constant 0 : i32
    %dma_start3A_190 = arith.constant 0 : i32
    %dma_start3A_191 = tpu.memref_slice %arg10[%dma_start3A_189, %dma_start3A_190] : memref<128x128xf32, #tpu.memory_space<vmem>> -> memref<128x128xf32, #tpu.memory_space<vmem>>
    %dma_start3A_192 = arith.constant 0 : i32
    %dma_start3A_193 = tpu.memref_slice %arg6[%arg0, %add3A_188, %dma_start3A_192] : memref<2x10112x128xf32, #tpu.memory_space<hbm>> -> memref<1x128x128xf32, #tpu.memory_space<hbm>>
    %dma_start3A_194 = tpu.memref_squeeze %dma_start3A_193 : memref<1x128x128xf32, #tpu.memory_space<hbm>> -> memref<128x128xf32, #tpu.memory_space<hbm>>
    %dma_start3A_195 = arith.constant 0 : i32
    %dma_start3A_196 = tpu.memref_slice %arg6[%arg0, %add3A_188, %dma_start3A_195] : memref<2x10112x128xf32, #tpu.memory_space<hbm>> -> memref<1x128x128xf32, #tpu.memory_space<hbm>>
    %dma_start3A_197 = tpu.memref_squeeze %dma_start3A_196 : memref<1x128x128xf32, #tpu.memory_space<hbm>> -> memref<128x128xf32, #tpu.memory_space<hbm>>
    %dma_start3A_198 = arith.constant 0 : i32
    %dma_start3A_199 = arith.constant 0 : i32
    %dma_start3A_200 = tpu.memref_slice %arg10[%dma_start3A_198, %dma_start3A_199] : memref<128x128xf32, #tpu.memory_space<vmem>> -> memref<128x128xf32, #tpu.memory_space<vmem>>
    tpu.enqueue_dma source(%dma_start3A_200 : memref<128x128xf32, #tpu.memory_space<vmem>>) target(%dma_start3A_197 : memref<128x128xf32, #tpu.memory_space<hbm>>) target_semaphore(%arg12 : memref<!tpu.dma_semaphore, #tpu.memory_space<semaphore_mem>>)
    %dma_wait3A_201 = arith.constant 0 : i32
    %dma_wait3A_202 = arith.constant 0 : i32
    %dma_wait3A_203 = tpu.memref_slice %arg10[%dma_wait3A_201, %dma_wait3A_202] : memref<128x128xf32, #tpu.memory_space<vmem>> -> memref<128x128xf32, #tpu.memory_space<vmem>>
    %dma_wait3A_204 = arith.constant 0 : i32
    %dma_wait3A_205 = tpu.memref_slice %arg6[%arg0, %add3A_188, %dma_wait3A_204] : memref<2x10112x128xf32, #tpu.memory_space<hbm>> -> memref<1x128x128xf32, #tpu.memory_space<hbm>>
    %dma_wait3A_206 = tpu.memref_squeeze %dma_wait3A_205 : memref<1x128x128xf32, #tpu.memory_space<hbm>> -> memref<128x128xf32, #tpu.memory_space<hbm>>
    %dma_wait3A_207 = arith.constant 0 : i32
    %dma_wait3A_208 = tpu.memref_slice %arg6[%arg0, %add3A_188, %dma_wait3A_207] : memref<2x10112x128xf32, #tpu.memory_space<hbm>> -> memref<1x128x128xf32, #tpu.memory_space<hbm>>
    %dma_wait3A_209 = tpu.memref_squeeze %dma_wait3A_208 : memref<1x128x128xf32, #tpu.memory_space<hbm>> -> memref<128x128xf32, #tpu.memory_space<hbm>>
    %dma_wait3A_210 = arith.constant 0 : i32
    %dma_wait3A_211 = arith.constant 0 : i32
    %dma_wait3A_212 = tpu.memref_slice %arg10[%dma_wait3A_210, %dma_wait3A_211] : memref<128x128xf32, #tpu.memory_space<vmem>> -> memref<128x128xf32, #tpu.memory_space<vmem>>
    tpu.wait_dma2 semaphore(%arg12 : memref<!tpu.dma_semaphore, #tpu.memory_space<semaphore_mem>>) src(%dma_wait3A_212 : memref<128x128xf32, #tpu.memory_space<vmem>>) dst(%dma_wait3A_209 : memref<128x128xf32, #tpu.memory_space<hbm>>)
    %add3A_213 = arith.constant 256 : i32
    %add3A_214 = arith.addi %mul3A_2, %add3A_213 : i32
    %dma_start3A_215 = arith.constant 0 : i32
    %dma_start3A_216 = arith.constant 0 : i32
    %dma_start3A_217 = tpu.memref_slice %arg10[%dma_start3A_215, %dma_start3A_216] : memref<128x128xf32, #tpu.memory_space<vmem>> -> memref<128x128xf32, #tpu.memory_space<vmem>>
    %dma_start3A_218 = arith.constant 0 : i32
    %dma_start3A_219 = tpu.memref_slice %arg7[%add3A_214, %dma_start3A_218] : memref<10112x128xf32, #tpu.memory_space<vmem_shared>> -> memref<128x128xf32, #tpu.memory_space<vmem_shared>>
    %dma_start3A_220 = arith.constant 0 : i32
    %dma_start3A_221 = arith.constant 0 : i32
    %dma_start3A_222 = tpu.memref_slice %arg10[%dma_start3A_220, %dma_start3A_221] : memref<128x128xf32, #tpu.memory_space<vmem>> -> memref<128x128xf32, #tpu.memory_space<vmem>>
    %dma_start3A_223 = arith.constant 0 : i32
    %dma_start3A_224 = tpu.memref_slice %arg7[%add3A_214, %dma_start3A_223] : memref<10112x128xf32, #tpu.memory_space<vmem_shared>> -> memref<128x128xf32, #tpu.memory_space<vmem_shared>>
    tpu.enqueue_dma source(%dma_start3A_224 : memref<128x128xf32, #tpu.memory_space<vmem_shared>>) target(%dma_start3A_222 : memref<128x128xf32, #tpu.memory_space<vmem>>) target_semaphore(%arg11 : memref<!tpu.dma_semaphore, #tpu.memory_space<semaphore_mem>>)
    %dma_wait3A_225 = arith.constant 0 : i32
    %dma_wait3A_226 = arith.constant 0 : i32
    %dma_wait3A_227 = tpu.memref_slice %arg10[%dma_wait3A_225, %dma_wait3A_226] : memref<128x128xf32, #tpu.memory_space<vmem>> -> memref<128x128xf32, #tpu.memory_space<vmem>>
    %dma_wait3A_228 = arith.constant 0 : i32
    %dma_wait3A_229 = tpu.memref_slice %arg7[%add3A_214, %dma_wait3A_228] : memref<10112x128xf32, #tpu.memory_space<vmem_shared>> -> memref<128x128xf32, #tpu.memory_space<vmem_shared>>
    %dma_wait3A_230 = arith.constant 0 : i32
    %dma_wait3A_231 = arith.constant 0 : i32
    %dma_wait3A_232 = tpu.memref_slice %arg10[%dma_wait3A_230, %dma_wait3A_231] : memref<128x128xf32, #tpu.memory_space<vmem>> -> memref<128x128xf32, #tpu.memory_space<vmem>>
    %dma_wait3A_233 = arith.constant 0 : i32
    %dma_wait3A_234 = tpu.memref_slice %arg7[%add3A_214, %dma_wait3A_233] : memref<10112x128xf32, #tpu.memory_space<vmem_shared>> -> memref<128x128xf32, #tpu.memory_space<vmem_shared>>
    tpu.wait_dma2 semaphore(%arg11 : memref<!tpu.dma_semaphore, #tpu.memory_space<semaphore_mem>>) src(%dma_wait3A_234 : memref<128x128xf32, #tpu.memory_space<vmem_shared>>) dst(%dma_wait3A_232 : memref<128x128xf32, #tpu.memory_space<vmem>>)
    %add3A_235 = arith.constant 256 : i32
    %add3A_236 = arith.addi %mul3A_2, %add3A_235 : i32
    %dma_start3A_237 = arith.constant 0 : i32
    %dma_start3A_238 = arith.constant 0 : i32
    %dma_start3A_239 = tpu.memref_slice %arg10[%dma_start3A_237, %dma_start3A_238] : memref<128x128xf32, #tpu.memory_space<vmem>> -> memref<128x128xf32, #tpu.memory_space<vmem>>
    %dma_start3A_240 = arith.constant 0 : i32
    %dma_start3A_241 = tpu.memref_slice %arg6[%arg0, %add3A_236, %dma_start3A_240] : memref<2x10112x128xf32, #tpu.memory_space<hbm>> -> memref<1x128x128xf32, #tpu.memory_space<hbm>>
    %dma_start3A_242 = tpu.memref_squeeze %dma_start3A_241 : memref<1x128x128xf32, #tpu.memory_space<hbm>> -> memref<128x128xf32, #tpu.memory_space<hbm>>
    %dma_start3A_243 = arith.constant 0 : i32
    %dma_start3A_244 = tpu.memref_slice %arg6[%arg0, %add3A_236, %dma_start3A_243] : memref<2x10112x128xf32, #tpu.memory_space<hbm>> -> memref<1x128x128xf32, #tpu.memory_space<hbm>>
    %dma_start3A_245 = tpu.memref_squeeze %dma_start3A_244 : memref<1x128x128xf32, #tpu.memory_space<hbm>> -> memref<128x128xf32, #tpu.memory_space<hbm>>
    %dma_start3A_246 = arith.constant 0 : i32
    %dma_start3A_247 = arith.constant 0 : i32
    %dma_start3A_248 = tpu.memref_slice %arg10[%dma_start3A_246, %dma_start3A_247] : memref<128x128xf32, #tpu.memory_space<vmem>> -> memref<128x128xf32, #tpu.memory_space<vmem>>
    tpu.enqueue_dma source(%dma_start3A_248 : memref<128x128xf32, #tpu.memory_space<vmem>>) target(%dma_start3A_245 : memref<128x128xf32, #tpu.memory_space<hbm>>) target_semaphore(%arg12 : memref<!tpu.dma_semaphore, #tpu.memory_space<semaphore_mem>>)
    %dma_wait3A_249 = arith.constant 0 : i32
    %dma_wait3A_250 = arith.constant 0 : i32
    %dma_wait3A_251 = tpu.memref_slice %arg10[%dma_wait3A_249, %dma_wait3A_250] : memref<128x128xf32, #tpu.memory_space<vmem>> -> memref<128x128xf32, #tpu.memory_space<vmem>>
    %dma_wait3A_252 = arith.constant 0 : i32
    %dma_wait3A_253 = tpu.memref_slice %arg6[%arg0, %add3A_236, %dma_wait3A_252] : memref<2x10112x128xf32, #tpu.memory_space<hbm>> -> memref<1x128x128xf32, #tpu.memory_space<hbm>>
    %dma_wait3A_254 = tpu.memref_squeeze %dma_wait3A_253 : memref<1x128x128xf32, #tpu.memory_space<hbm>> -> memref<128x128xf32, #tpu.memory_space<hbm>>
    %dma_wait3A_255 = arith.constant 0 : i32
    %dma_wait3A_256 = tpu.memref_slice %arg6[%arg0, %add3A_236, %dma_wait3A_255] : memref<2x10112x128xf32, #tpu.memory_space<hbm>> -> memref<1x128x128xf32, #tpu.memory_space<hbm>>
    %dma_wait3A_257 = tpu.memref_squeeze %dma_wait3A_256 : memref<1x128x128xf32, #tpu.memory_space<hbm>> -> memref<128x128xf32, #tpu.memory_space<hbm>>
    %dma_wait3A_258 = arith.constant 0 : i32
    %dma_wait3A_259 = arith.constant 0 : i32
    %dma_wait3A_260 = tpu.memref_slice %arg10[%dma_wait3A_258, %dma_wait3A_259] : memref<128x128xf32, #tpu.memory_space<vmem>> -> memref<128x128xf32, #tpu.memory_space<vmem>>
    tpu.wait_dma2 semaphore(%arg12 : memref<!tpu.dma_semaphore, #tpu.memory_space<semaphore_mem>>) src(%dma_wait3A_260 : memref<128x128xf32, #tpu.memory_space<vmem>>) dst(%dma_wait3A_257 : memref<128x128xf32, #tpu.memory_space<hbm>>)
    %add3A_261 = arith.constant 384 : i32
    %add3A_262 = arith.addi %mul3A_2, %add3A_261 : i32
    %dma_start3A_263 = arith.constant 0 : i32
    %dma_start3A_264 = arith.constant 0 : i32
    %dma_start3A_265 = tpu.memref_slice %arg10[%dma_start3A_263, %dma_start3A_264] : memref<128x128xf32, #tpu.memory_space<vmem>> -> memref<128x128xf32, #tpu.memory_space<vmem>>
    %dma_start3A_266 = arith.constant 0 : i32
    %dma_start3A_267 = tpu.memref_slice %arg7[%add3A_262, %dma_start3A_266] : memref<10112x128xf32, #tpu.memory_space<vmem_shared>> -> memref<128x128xf32, #tpu.memory_space<vmem_shared>>
    %dma_start3A_268 = arith.constant 0 : i32
    %dma_start3A_269 = arith.constant 0 : i32
    %dma_start3A_270 = tpu.memref_slice %arg10[%dma_start3A_268, %dma_start3A_269] : memref<128x128xf32, #tpu.memory_space<vmem>> -> memref<128x128xf32, #tpu.memory_space<vmem>>
    %dma_start3A_271 = arith.constant 0 : i32
    %dma_start3A_272 = tpu.memref_slice %arg7[%add3A_262, %dma_start3A_271] : memref<10112x128xf32, #tpu.memory_space<vmem_shared>> -> memref<128x128xf32, #tpu.memory_space<vmem_shared>>
    tpu.enqueue_dma source(%dma_start3A_272 : memref<128x128xf32, #tpu.memory_space<vmem_shared>>) target(%dma_start3A_270 : memref<128x128xf32, #tpu.memory_space<vmem>>) target_semaphore(%arg11 : memref<!tpu.dma_semaphore, #tpu.memory_space<semaphore_mem>>)
    %dma_wait3A_273 = arith.constant 0 : i32
    %dma_wait3A_274 = arith.constant 0 : i32
    %dma_wait3A_275 = tpu.memref_slice %arg10[%dma_wait3A_273, %dma_wait3A_274] : memref<128x128xf32, #tpu.memory_space<vmem>> -> memref<128x128xf32, #tpu.memory_space<vmem>>
    %dma_wait3A_276 = arith.constant 0 : i32
    %dma_wait3A_277 = tpu.memref_slice %arg7[%add3A_262, %dma_wait3A_276] : memref<10112x128xf32, #tpu.memory_space<vmem_shared>> -> memref<128x128xf32, #tpu.memory_space<vmem_shared>>
    %dma_wait3A_278 = arith.constant 0 : i32
    %dma_wait3A_279 = arith.constant 0 : i32
    %dma_wait3A_280 = tpu.memref_slice %arg10[%dma_wait3A_278, %dma_wait3A_279] : memref<128x128xf32, #tpu.memory_space<vmem>> -> memref<128x128xf32, #tpu.memory_space<vmem>>
    %dma_wait3A_281 = arith.constant 0 : i32
    %dma_wait3A_282 = tpu.memref_slice %arg7[%add3A_262, %dma_wait3A_281] : memref<10112x128xf32, #tpu.memory_space<vmem_shared>> -> memref<128x128xf32, #tpu.memory_space<vmem_shared>>
    tpu.wait_dma2 semaphore(%arg11 : memref<!tpu.dma_semaphore, #tpu.memory_space<semaphore_mem>>) src(%dma_wait3A_282 : memref<128x128xf32, #tpu.memory_space<vmem_shared>>) dst(%dma_wait3A_280 : memref<128x128xf32, #tpu.memory_space<vmem>>)
    %add3A_283 = arith.constant 384 : i32
    %add3A_284 = arith.addi %mul3A_2, %add3A_283 : i32
    %dma_start3A_285 = arith.constant 0 : i32
    %dma_start3A_286 = arith.constant 0 : i32
    %dma_start3A_287 = tpu.memref_slice %arg10[%dma_start3A_285, %dma_start3A_286] : memref<128x128xf32, #tpu.memory_space<vmem>> -> memref<128x128xf32, #tpu.memory_space<vmem>>
    %dma_start3A_288 = arith.constant 0 : i32
    %dma_start3A_289 = tpu.memref_slice %arg6[%arg0, %add3A_284, %dma_start3A_288] : memref<2x10112x128xf32, #tpu.memory_space<hbm>> -> memref<1x128x128xf32, #tpu.memory_space<hbm>>
    %dma_start3A_290 = tpu.memref_squeeze %dma_start3A_289 : memref<1x128x128xf32, #tpu.memory_space<hbm>> -> memref<128x128xf32, #tpu.memory_space<hbm>>
    %dma_start3A_291 = arith.constant 0 : i32
    %dma_start3A_292 = tpu.memref_slice %arg6[%arg0, %add3A_284, %dma_start3A_291] : memref<2x10112x128xf32, #tpu.memory_space<hbm>> -> memref<1x128x128xf32, #tpu.memory_space<hbm>>
    %dma_start3A_293 = tpu.memref_squeeze %dma_start3A_292 : memref<1x128x128xf32, #tpu.memory_space<hbm>> -> memref<128x128xf32, #tpu.memory_space<hbm>>
    %dma_start3A_294 = arith.constant 0 : i32
    %dma_start3A_295 = arith.constant 0 : i32
    %dma_start3A_296 = tpu.memref_slice %arg10[%dma_start3A_294, %dma_start3A_295] : memref<128x128xf32, #tpu.memory_space<vmem>> -> memref<128x128xf32, #tpu.memory_space<vmem>>
    tpu.enqueue_dma source(%dma_start3A_296 : memref<128x128xf32, #tpu.memory_space<vmem>>) target(%dma_start3A_293 : memref<128x128xf32, #tpu.memory_space<hbm>>) target_semaphore(%arg12 : memref<!tpu.dma_semaphore, #tpu.memory_space<semaphore_mem>>)
    %dma_wait3A_297 = arith.constant 0 : i32
    %dma_wait3A_298 = arith.constant 0 : i32
    %dma_wait3A_299 = tpu.memref_slice %arg10[%dma_wait3A_297, %dma_wait3A_298] : memref<128x128xf32, #tpu.memory_space<vmem>> -> memref<128x128xf32, #tpu.memory_space<vmem>>
    %dma_wait3A_300 = arith.constant 0 : i32
    %dma_wait3A_301 = tpu.memref_slice %arg6[%arg0, %add3A_284, %dma_wait3A_300] : memref<2x10112x128xf32, #tpu.memory_space<hbm>> -> memref<1x128x128xf32, #tpu.memory_space<hbm>>
    %dma_wait3A_302 = tpu.memref_squeeze %dma_wait3A_301 : memref<1x128x128xf32, #tpu.memory_space<hbm>> -> memref<128x128xf32, #tpu.memory_space<hbm>>
    %dma_wait3A_303 = arith.constant 0 : i32
    %dma_wait3A_304 = tpu.memref_slice %arg6[%arg0, %add3A_284, %dma_wait3A_303] : memref<2x10112x128xf32, #tpu.memory_space<hbm>> -> memref<1x128x128xf32, #tpu.memory_space<hbm>>
    %dma_wait3A_305 = tpu.memref_squeeze %dma_wait3A_304 : memref<1x128x128xf32, #tpu.memory_space<hbm>> -> memref<128x128xf32, #tpu.memory_space<hbm>>
    %dma_wait3A_306 = arith.constant 0 : i32
    %dma_wait3A_307 = arith.constant 0 : i32
    %dma_wait3A_308 = tpu.memref_slice %arg10[%dma_wait3A_306, %dma_wait3A_307] : memref<128x128xf32, #tpu.memory_space<vmem>> -> memref<128x128xf32, #tpu.memory_space<vmem>>
    tpu.wait_dma2 semaphore(%arg12 : memref<!tpu.dma_semaphore, #tpu.memory_space<semaphore_mem>>) src(%dma_wait3A_308 : memref<128x128xf32, #tpu.memory_space<vmem>>) dst(%dma_wait3A_305 : memref<128x128xf32, #tpu.memory_space<hbm>>)
    %add3A_309 = arith.constant 512 : i32
    %add3A_310 = arith.addi %mul3A_2, %add3A_309 : i32
    %dma_start3A_311 = arith.constant 0 : i32
    %dma_start3A_312 = arith.constant 0 : i32
    %dma_start3A_313 = tpu.memref_slice %arg10[%dma_start3A_311, %dma_start3A_312] : memref<128x128xf32, #tpu.memory_space<vmem>> -> memref<120x128xf32, #tpu.memory_space<vmem>>
    %dma_start3A_314 = arith.constant 0 : i32
    %dma_start3A_315 = tpu.memref_slice %arg7[%add3A_310, %dma_start3A_314] : memref<10112x128xf32, #tpu.memory_space<vmem_shared>> -> memref<120x128xf32, #tpu.memory_space<vmem_shared>>
    %dma_start3A_316 = arith.constant 0 : i32
    %dma_start3A_317 = arith.constant 0 : i32
    %dma_start3A_318 = tpu.memref_slice %arg10[%dma_start3A_316, %dma_start3A_317] : memref<128x128xf32, #tpu.memory_space<vmem>> -> memref<120x128xf32, #tpu.memory_space<vmem>>
    %dma_start3A_319 = arith.constant 0 : i32
    %dma_start3A_320 = tpu.memref_slice %arg7[%add3A_310, %dma_start3A_319] : memref<10112x128xf32, #tpu.memory_space<vmem_shared>> -> memref<120x128xf32, #tpu.memory_space<vmem_shared>>
    tpu.enqueue_dma source(%dma_start3A_320 : memref<120x128xf32, #tpu.memory_space<vmem_shared>>) target(%dma_start3A_318 : memref<120x128xf32, #tpu.memory_space<vmem>>) target_semaphore(%arg11 : memref<!tpu.dma_semaphore, #tpu.memory_space<semaphore_mem>>)
    %dma_wait3A_321 = arith.constant 0 : i32
    %dma_wait3A_322 = arith.constant 0 : i32
    %dma_wait3A_323 = tpu.memref_slice %arg10[%dma_wait3A_321, %dma_wait3A_322] : memref<128x128xf32, #tpu.memory_space<vmem>> -> memref<120x128xf32, #tpu.memory_space<vmem>>
    %dma_wait3A_324 = arith.constant 0 : i32
    %dma_wait3A_325 = tpu.memref_slice %arg7[%add3A_310, %dma_wait3A_324] : memref<10112x128xf32, #tpu.memory_space<vmem_shared>> -> memref<120x128xf32, #tpu.memory_space<vmem_shared>>
    %dma_wait3A_326 = arith.constant 0 : i32
    %dma_wait3A_327 = arith.constant 0 : i32
    %dma_wait3A_328 = tpu.memref_slice %arg10[%dma_wait3A_326, %dma_wait3A_327] : memref<128x128xf32, #tpu.memory_space<vmem>> -> memref<120x128xf32, #tpu.memory_space<vmem>>
    %dma_wait3A_329 = arith.constant 0 : i32
    %dma_wait3A_330 = tpu.memref_slice %arg7[%add3A_310, %dma_wait3A_329] : memref<10112x128xf32, #tpu.memory_space<vmem_shared>> -> memref<120x128xf32, #tpu.memory_space<vmem_shared>>
    tpu.wait_dma2 semaphore(%arg11 : memref<!tpu.dma_semaphore, #tpu.memory_space<semaphore_mem>>) src(%dma_wait3A_330 : memref<120x128xf32, #tpu.memory_space<vmem_shared>>) dst(%dma_wait3A_328 : memref<120x128xf32, #tpu.memory_space<vmem>>)
    %add3A_331 = arith.constant 512 : i32
    %add3A_332 = arith.addi %mul3A_2, %add3A_331 : i32
    %dma_start3A_333 = arith.constant 0 : i32
    %dma_start3A_334 = arith.constant 0 : i32
    %dma_start3A_335 = tpu.memref_slice %arg10[%dma_start3A_333, %dma_start3A_334] : memref<128x128xf32, #tpu.memory_space<vmem>> -> memref<120x128xf32, #tpu.memory_space<vmem>>
    %dma_start3A_336 = arith.constant 0 : i32
    %dma_start3A_337 = tpu.memref_slice %arg6[%arg0, %add3A_332, %dma_start3A_336] : memref<2x10112x128xf32, #tpu.memory_space<hbm>> -> memref<1x120x128xf32, #tpu.memory_space<hbm>>
    %dma_start3A_338 = tpu.memref_squeeze %dma_start3A_337 : memref<1x120x128xf32, #tpu.memory_space<hbm>> -> memref<120x128xf32, #tpu.memory_space<hbm>>
    %dma_start3A_339 = arith.constant 0 : i32
    %dma_start3A_340 = tpu.memref_slice %arg6[%arg0, %add3A_332, %dma_start3A_339] : memref<2x10112x128xf32, #tpu.memory_space<hbm>> -> memref<1x120x128xf32, #tpu.memory_space<hbm>>
    %dma_start3A_341 = tpu.memref_squeeze %dma_start3A_340 : memref<1x120x128xf32, #tpu.memory_space<hbm>> -> memref<120x128xf32, #tpu.memory_space<hbm>>
    %dma_start3A_342 = arith.constant 0 : i32
    %dma_start3A_343 = arith.constant 0 : i32
    %dma_start3A_344 = tpu.memref_slice %arg10[%dma_start3A_342, %dma_start3A_343] : memref<128x128xf32, #tpu.memory_space<vmem>> -> memref<120x128xf32, #tpu.memory_space<vmem>>
    tpu.enqueue_dma source(%dma_start3A_344 : memref<120x128xf32, #tpu.memory_space<vmem>>) target(%dma_start3A_341 : memref<120x128xf32, #tpu.memory_space<hbm>>) target_semaphore(%arg12 : memref<!tpu.dma_semaphore, #tpu.memory_space<semaphore_mem>>)
    %dma_wait3A_345 = arith.constant 0 : i32
    %dma_wait3A_346 = arith.constant 0 : i32
    %dma_wait3A_347 = tpu.memref_slice %arg10[%dma_wait3A_345, %dma_wait3A_346] : memref<128x128xf32, #tpu.memory_space<vmem>> -> memref<120x128xf32, #tpu.memory_space<vmem>>
    %dma_wait3A_348 = arith.constant 0 : i32
    %dma_wait3A_349 = tpu.memref_slice %arg6[%arg0, %add3A_332, %dma_wait3A_348] : memref<2x10112x128xf32, #tpu.memory_space<hbm>> -> memref<1x120x128xf32, #tpu.memory_space<hbm>>
    %dma_wait3A_350 = tpu.memref_squeeze %dma_wait3A_349 : memref<1x120x128xf32, #tpu.memory_space<hbm>> -> memref<120x128xf32, #tpu.memory_space<hbm>>
    %dma_wait3A_351 = arith.constant 0 : i32
    %dma_wait3A_352 = tpu.memref_slice %arg6[%arg0, %add3A_332, %dma_wait3A_351] : memref<2x10112x128xf32, #tpu.memory_space<hbm>> -> memref<1x120x128xf32, #tpu.memory_space<hbm>>
    %dma_wait3A_353 = tpu.memref_squeeze %dma_wait3A_352 : memref<1x120x128xf32, #tpu.memory_space<hbm>> -> memref<120x128xf32, #tpu.memory_space<hbm>>
    %dma_wait3A_354 = arith.constant 0 : i32
    %dma_wait3A_355 = arith.constant 0 : i32
    %dma_wait3A_356 = tpu.memref_slice %arg10[%dma_wait3A_354, %dma_wait3A_355] : memref<128x128xf32, #tpu.memory_space<vmem>> -> memref<120x128xf32, #tpu.memory_space<vmem>>
    tpu.wait_dma2 semaphore(%arg12 : memref<!tpu.dma_semaphore, #tpu.memory_space<semaphore_mem>>) src(%dma_wait3A_356 : memref<120x128xf32, #tpu.memory_space<vmem>>) dst(%dma_wait3A_353 : memref<120x128xf32, #tpu.memory_space<hbm>>)
    return
  }
}

#map = affine_map<(d0, d1) -> (0, 0)>
#map1 = affine_map<(d0, d1) -> (0)>
#map2 = affine_map<(d0, d1) -> (0, 0, 0)>
module attributes {stable_mosaic.version = 14 : i64} {
  func.func @_agg_body(%arg0: i32, %arg1: i32, %arg2: memref<10000x64xf32, #tpu.memory_space<hbm>>, %arg3: memref<323584xi32, #tpu.memory_space<hbm>>, %arg4: memref<323584xi32, #tpu.memory_space<hbm>>, %arg5: memref<128x64xf32, #tpu.memory_space<hbm>>, %arg6: memref<2x10112x64xf32, #tpu.memory_space<hbm>>, %arg7: memref<10112x64xf32, #tpu.memory_space<vmem_shared>>, %arg8: memref<128xi32, #tpu.memory_space<vmem>>, %arg9: memref<128xi32, #tpu.memory_space<vmem>>, %arg10: memref<128x64xf32, #tpu.memory_space<vmem>>, %arg11: memref<!tpu.dma_semaphore, #tpu.memory_space<semaphore_mem>>, %arg12: memref<!tpu.dma_semaphore, #tpu.memory_space<semaphore_mem>>) attributes {dimension_semantics = [#tpu.dimension_semantics<core_parallel>, #tpu.dimension_semantics<subcore_parallel>], iteration_bounds = array<i64: 2, 16>, scalar_prefetch = 0 : i64, scratch_operands = 6 : i64, tpu.core_type = #tpu.core_type<sc_vector_subcore>, window_params = [{transform_indices = #map}, {transform_indices = #map1}, {transform_indices = #map1}, {transform_indices = #map}, {transform_indices = #map2}]} {
    %mul3A = arith.constant 2 : i32
    %mul3A_0 = arith.muli %arg1, %mul3A : i32
    %add3A = arith.addi %mul3A_0, %arg0 : i32
    %mul3A_1 = arith.constant 632 : i32
    %mul3A_2 = arith.muli %arg1, %mul3A_1 : i32
    "tpu.region"() ({
      %run_scoped3A = tpu.sem_alloc : memref<!tpu.dma_semaphore, #tpu.memory_space<semaphore_mem>>
      tpu.enqueue_dma source(%arg5 : memref<128x64xf32, #tpu.memory_space<hbm>>) target(%arg10 : memref<128x64xf32, #tpu.memory_space<vmem>>) target_semaphore(%run_scoped3A : memref<!tpu.dma_semaphore, #tpu.memory_space<semaphore_mem>>)
      tpu.wait_dma2 semaphore(%run_scoped3A : memref<!tpu.dma_semaphore, #tpu.memory_space<semaphore_mem>>) src(%arg5 : memref<128x64xf32, #tpu.memory_space<hbm>>) dst(%arg10 : memref<128x64xf32, #tpu.memory_space<vmem>>)
      tpu.yield
    }) : () -> ()
    %add3A_3 = arith.constant 0 : i32
    %add3A_4 = arith.addi %mul3A_2, %add3A_3 : i32
    %dma_start3A = arith.constant 0 : i32
    %dma_start3A_5 = arith.constant 0 : i32
    %dma_start3A_6 = tpu.memref_slice %arg10[%dma_start3A, %dma_start3A_5] : memref<128x64xf32, #tpu.memory_space<vmem>> -> memref<128x64xf32, #tpu.memory_space<vmem>>
    %dma_start3A_7 = arith.constant 0 : i32
    %dma_start3A_8 = tpu.memref_slice %arg7[%add3A_4, %dma_start3A_7] : memref<10112x64xf32, #tpu.memory_space<vmem_shared>> -> memref<128x64xf32, #tpu.memory_space<vmem_shared>>
    %dma_start3A_9 = arith.constant 0 : i32
    %dma_start3A_10 = tpu.memref_slice %arg7[%add3A_4, %dma_start3A_9] : memref<10112x64xf32, #tpu.memory_space<vmem_shared>> -> memref<128x64xf32, #tpu.memory_space<vmem_shared>>
    %dma_start3A_11 = arith.constant 0 : i32
    %dma_start3A_12 = arith.constant 0 : i32
    %dma_start3A_13 = tpu.memref_slice %arg10[%dma_start3A_11, %dma_start3A_12] : memref<128x64xf32, #tpu.memory_space<vmem>> -> memref<128x64xf32, #tpu.memory_space<vmem>>
    tpu.enqueue_dma source(%dma_start3A_13 : memref<128x64xf32, #tpu.memory_space<vmem>>) target(%dma_start3A_10 : memref<128x64xf32, #tpu.memory_space<vmem_shared>>) target_semaphore(%arg11 : memref<!tpu.dma_semaphore, #tpu.memory_space<semaphore_mem>>)
    %add3A_14 = arith.constant 128 : i32
    %add3A_15 = arith.addi %mul3A_2, %add3A_14 : i32
    %dma_start3A_16 = arith.constant 0 : i32
    %dma_start3A_17 = arith.constant 0 : i32
    %dma_start3A_18 = tpu.memref_slice %arg10[%dma_start3A_16, %dma_start3A_17] : memref<128x64xf32, #tpu.memory_space<vmem>> -> memref<128x64xf32, #tpu.memory_space<vmem>>
    %dma_start3A_19 = arith.constant 0 : i32
    %dma_start3A_20 = tpu.memref_slice %arg7[%add3A_15, %dma_start3A_19] : memref<10112x64xf32, #tpu.memory_space<vmem_shared>> -> memref<128x64xf32, #tpu.memory_space<vmem_shared>>
    %dma_start3A_21 = arith.constant 0 : i32
    %dma_start3A_22 = tpu.memref_slice %arg7[%add3A_15, %dma_start3A_21] : memref<10112x64xf32, #tpu.memory_space<vmem_shared>> -> memref<128x64xf32, #tpu.memory_space<vmem_shared>>
    %dma_start3A_23 = arith.constant 0 : i32
    %dma_start3A_24 = arith.constant 0 : i32
    %dma_start3A_25 = tpu.memref_slice %arg10[%dma_start3A_23, %dma_start3A_24] : memref<128x64xf32, #tpu.memory_space<vmem>> -> memref<128x64xf32, #tpu.memory_space<vmem>>
    tpu.enqueue_dma source(%dma_start3A_25 : memref<128x64xf32, #tpu.memory_space<vmem>>) target(%dma_start3A_22 : memref<128x64xf32, #tpu.memory_space<vmem_shared>>) target_semaphore(%arg11 : memref<!tpu.dma_semaphore, #tpu.memory_space<semaphore_mem>>)
    %add3A_26 = arith.constant 256 : i32
    %add3A_27 = arith.addi %mul3A_2, %add3A_26 : i32
    %dma_start3A_28 = arith.constant 0 : i32
    %dma_start3A_29 = arith.constant 0 : i32
    %dma_start3A_30 = tpu.memref_slice %arg10[%dma_start3A_28, %dma_start3A_29] : memref<128x64xf32, #tpu.memory_space<vmem>> -> memref<128x64xf32, #tpu.memory_space<vmem>>
    %dma_start3A_31 = arith.constant 0 : i32
    %dma_start3A_32 = tpu.memref_slice %arg7[%add3A_27, %dma_start3A_31] : memref<10112x64xf32, #tpu.memory_space<vmem_shared>> -> memref<128x64xf32, #tpu.memory_space<vmem_shared>>
    %dma_start3A_33 = arith.constant 0 : i32
    %dma_start3A_34 = tpu.memref_slice %arg7[%add3A_27, %dma_start3A_33] : memref<10112x64xf32, #tpu.memory_space<vmem_shared>> -> memref<128x64xf32, #tpu.memory_space<vmem_shared>>
    %dma_start3A_35 = arith.constant 0 : i32
    %dma_start3A_36 = arith.constant 0 : i32
    %dma_start3A_37 = tpu.memref_slice %arg10[%dma_start3A_35, %dma_start3A_36] : memref<128x64xf32, #tpu.memory_space<vmem>> -> memref<128x64xf32, #tpu.memory_space<vmem>>
    tpu.enqueue_dma source(%dma_start3A_37 : memref<128x64xf32, #tpu.memory_space<vmem>>) target(%dma_start3A_34 : memref<128x64xf32, #tpu.memory_space<vmem_shared>>) target_semaphore(%arg11 : memref<!tpu.dma_semaphore, #tpu.memory_space<semaphore_mem>>)
    %add3A_38 = arith.constant 384 : i32
    %add3A_39 = arith.addi %mul3A_2, %add3A_38 : i32
    %dma_start3A_40 = arith.constant 0 : i32
    %dma_start3A_41 = arith.constant 0 : i32
    %dma_start3A_42 = tpu.memref_slice %arg10[%dma_start3A_40, %dma_start3A_41] : memref<128x64xf32, #tpu.memory_space<vmem>> -> memref<128x64xf32, #tpu.memory_space<vmem>>
    %dma_start3A_43 = arith.constant 0 : i32
    %dma_start3A_44 = tpu.memref_slice %arg7[%add3A_39, %dma_start3A_43] : memref<10112x64xf32, #tpu.memory_space<vmem_shared>> -> memref<128x64xf32, #tpu.memory_space<vmem_shared>>
    %dma_start3A_45 = arith.constant 0 : i32
    %dma_start3A_46 = tpu.memref_slice %arg7[%add3A_39, %dma_start3A_45] : memref<10112x64xf32, #tpu.memory_space<vmem_shared>> -> memref<128x64xf32, #tpu.memory_space<vmem_shared>>
    %dma_start3A_47 = arith.constant 0 : i32
    %dma_start3A_48 = arith.constant 0 : i32
    %dma_start3A_49 = tpu.memref_slice %arg10[%dma_start3A_47, %dma_start3A_48] : memref<128x64xf32, #tpu.memory_space<vmem>> -> memref<128x64xf32, #tpu.memory_space<vmem>>
    tpu.enqueue_dma source(%dma_start3A_49 : memref<128x64xf32, #tpu.memory_space<vmem>>) target(%dma_start3A_46 : memref<128x64xf32, #tpu.memory_space<vmem_shared>>) target_semaphore(%arg11 : memref<!tpu.dma_semaphore, #tpu.memory_space<semaphore_mem>>)
    %add3A_50 = arith.constant 512 : i32
    %add3A_51 = arith.addi %mul3A_2, %add3A_50 : i32
    %dma_start3A_52 = arith.constant 0 : i32
    %dma_start3A_53 = arith.constant 0 : i32
    %dma_start3A_54 = tpu.memref_slice %arg10[%dma_start3A_52, %dma_start3A_53] : memref<128x64xf32, #tpu.memory_space<vmem>> -> memref<120x64xf32, #tpu.memory_space<vmem>>
    %dma_start3A_55 = arith.constant 0 : i32
    %dma_start3A_56 = tpu.memref_slice %arg7[%add3A_51, %dma_start3A_55] : memref<10112x64xf32, #tpu.memory_space<vmem_shared>> -> memref<120x64xf32, #tpu.memory_space<vmem_shared>>
    %dma_start3A_57 = arith.constant 0 : i32
    %dma_start3A_58 = tpu.memref_slice %arg7[%add3A_51, %dma_start3A_57] : memref<10112x64xf32, #tpu.memory_space<vmem_shared>> -> memref<120x64xf32, #tpu.memory_space<vmem_shared>>
    %dma_start3A_59 = arith.constant 0 : i32
    %dma_start3A_60 = arith.constant 0 : i32
    %dma_start3A_61 = tpu.memref_slice %arg10[%dma_start3A_59, %dma_start3A_60] : memref<128x64xf32, #tpu.memory_space<vmem>> -> memref<120x64xf32, #tpu.memory_space<vmem>>
    tpu.enqueue_dma source(%dma_start3A_61 : memref<120x64xf32, #tpu.memory_space<vmem>>) target(%dma_start3A_58 : memref<120x64xf32, #tpu.memory_space<vmem_shared>>) target_semaphore(%arg11 : memref<!tpu.dma_semaphore, #tpu.memory_space<semaphore_mem>>)
    %dma_wait3A = arith.constant 0 : i32
    %dma_wait3A_62 = arith.constant 0 : i32
    %dma_wait3A_63 = tpu.memref_slice %arg10[%dma_wait3A, %dma_wait3A_62] : memref<128x64xf32, #tpu.memory_space<vmem>> -> memref<128x64xf32, #tpu.memory_space<vmem>>
    %dma_wait3A_64 = arith.constant 0 : i32
    %dma_wait3A_65 = tpu.memref_slice %arg7[%add3A_4, %dma_wait3A_64] : memref<10112x64xf32, #tpu.memory_space<vmem_shared>> -> memref<128x64xf32, #tpu.memory_space<vmem_shared>>
    %dma_wait3A_66 = arith.constant 0 : i32
    %dma_wait3A_67 = tpu.memref_slice %arg7[%add3A_4, %dma_wait3A_66] : memref<10112x64xf32, #tpu.memory_space<vmem_shared>> -> memref<128x64xf32, #tpu.memory_space<vmem_shared>>
    %dma_wait3A_68 = arith.constant 0 : i32
    %dma_wait3A_69 = arith.constant 0 : i32
    %dma_wait3A_70 = tpu.memref_slice %arg10[%dma_wait3A_68, %dma_wait3A_69] : memref<128x64xf32, #tpu.memory_space<vmem>> -> memref<128x64xf32, #tpu.memory_space<vmem>>
    tpu.wait_dma2 semaphore(%arg11 : memref<!tpu.dma_semaphore, #tpu.memory_space<semaphore_mem>>) src(%dma_wait3A_70 : memref<128x64xf32, #tpu.memory_space<vmem>>) dst(%dma_wait3A_67 : memref<128x64xf32, #tpu.memory_space<vmem_shared>>)
    %dma_wait3A_71 = arith.constant 0 : i32
    %dma_wait3A_72 = arith.constant 0 : i32
    %dma_wait3A_73 = tpu.memref_slice %arg10[%dma_wait3A_71, %dma_wait3A_72] : memref<128x64xf32, #tpu.memory_space<vmem>> -> memref<128x64xf32, #tpu.memory_space<vmem>>
    %dma_wait3A_74 = arith.constant 0 : i32
    %dma_wait3A_75 = tpu.memref_slice %arg7[%add3A_15, %dma_wait3A_74] : memref<10112x64xf32, #tpu.memory_space<vmem_shared>> -> memref<128x64xf32, #tpu.memory_space<vmem_shared>>
    %dma_wait3A_76 = arith.constant 0 : i32
    %dma_wait3A_77 = tpu.memref_slice %arg7[%add3A_15, %dma_wait3A_76] : memref<10112x64xf32, #tpu.memory_space<vmem_shared>> -> memref<128x64xf32, #tpu.memory_space<vmem_shared>>
    %dma_wait3A_78 = arith.constant 0 : i32
    %dma_wait3A_79 = arith.constant 0 : i32
    %dma_wait3A_80 = tpu.memref_slice %arg10[%dma_wait3A_78, %dma_wait3A_79] : memref<128x64xf32, #tpu.memory_space<vmem>> -> memref<128x64xf32, #tpu.memory_space<vmem>>
    tpu.wait_dma2 semaphore(%arg11 : memref<!tpu.dma_semaphore, #tpu.memory_space<semaphore_mem>>) src(%dma_wait3A_80 : memref<128x64xf32, #tpu.memory_space<vmem>>) dst(%dma_wait3A_77 : memref<128x64xf32, #tpu.memory_space<vmem_shared>>)
    %dma_wait3A_81 = arith.constant 0 : i32
    %dma_wait3A_82 = arith.constant 0 : i32
    %dma_wait3A_83 = tpu.memref_slice %arg10[%dma_wait3A_81, %dma_wait3A_82] : memref<128x64xf32, #tpu.memory_space<vmem>> -> memref<128x64xf32, #tpu.memory_space<vmem>>
    %dma_wait3A_84 = arith.constant 0 : i32
    %dma_wait3A_85 = tpu.memref_slice %arg7[%add3A_27, %dma_wait3A_84] : memref<10112x64xf32, #tpu.memory_space<vmem_shared>> -> memref<128x64xf32, #tpu.memory_space<vmem_shared>>
    %dma_wait3A_86 = arith.constant 0 : i32
    %dma_wait3A_87 = tpu.memref_slice %arg7[%add3A_27, %dma_wait3A_86] : memref<10112x64xf32, #tpu.memory_space<vmem_shared>> -> memref<128x64xf32, #tpu.memory_space<vmem_shared>>
    %dma_wait3A_88 = arith.constant 0 : i32
    %dma_wait3A_89 = arith.constant 0 : i32
    %dma_wait3A_90 = tpu.memref_slice %arg10[%dma_wait3A_88, %dma_wait3A_89] : memref<128x64xf32, #tpu.memory_space<vmem>> -> memref<128x64xf32, #tpu.memory_space<vmem>>
    tpu.wait_dma2 semaphore(%arg11 : memref<!tpu.dma_semaphore, #tpu.memory_space<semaphore_mem>>) src(%dma_wait3A_90 : memref<128x64xf32, #tpu.memory_space<vmem>>) dst(%dma_wait3A_87 : memref<128x64xf32, #tpu.memory_space<vmem_shared>>)
    %dma_wait3A_91 = arith.constant 0 : i32
    %dma_wait3A_92 = arith.constant 0 : i32
    %dma_wait3A_93 = tpu.memref_slice %arg10[%dma_wait3A_91, %dma_wait3A_92] : memref<128x64xf32, #tpu.memory_space<vmem>> -> memref<128x64xf32, #tpu.memory_space<vmem>>
    %dma_wait3A_94 = arith.constant 0 : i32
    %dma_wait3A_95 = tpu.memref_slice %arg7[%add3A_39, %dma_wait3A_94] : memref<10112x64xf32, #tpu.memory_space<vmem_shared>> -> memref<128x64xf32, #tpu.memory_space<vmem_shared>>
    %dma_wait3A_96 = arith.constant 0 : i32
    %dma_wait3A_97 = tpu.memref_slice %arg7[%add3A_39, %dma_wait3A_96] : memref<10112x64xf32, #tpu.memory_space<vmem_shared>> -> memref<128x64xf32, #tpu.memory_space<vmem_shared>>
    %dma_wait3A_98 = arith.constant 0 : i32
    %dma_wait3A_99 = arith.constant 0 : i32
    %dma_wait3A_100 = tpu.memref_slice %arg10[%dma_wait3A_98, %dma_wait3A_99] : memref<128x64xf32, #tpu.memory_space<vmem>> -> memref<128x64xf32, #tpu.memory_space<vmem>>
    tpu.wait_dma2 semaphore(%arg11 : memref<!tpu.dma_semaphore, #tpu.memory_space<semaphore_mem>>) src(%dma_wait3A_100 : memref<128x64xf32, #tpu.memory_space<vmem>>) dst(%dma_wait3A_97 : memref<128x64xf32, #tpu.memory_space<vmem_shared>>)
    %dma_wait3A_101 = arith.constant 0 : i32
    %dma_wait3A_102 = arith.constant 0 : i32
    %dma_wait3A_103 = tpu.memref_slice %arg10[%dma_wait3A_101, %dma_wait3A_102] : memref<128x64xf32, #tpu.memory_space<vmem>> -> memref<120x64xf32, #tpu.memory_space<vmem>>
    %dma_wait3A_104 = arith.constant 0 : i32
    %dma_wait3A_105 = tpu.memref_slice %arg7[%add3A_51, %dma_wait3A_104] : memref<10112x64xf32, #tpu.memory_space<vmem_shared>> -> memref<120x64xf32, #tpu.memory_space<vmem_shared>>
    %dma_wait3A_106 = arith.constant 0 : i32
    %dma_wait3A_107 = tpu.memref_slice %arg7[%add3A_51, %dma_wait3A_106] : memref<10112x64xf32, #tpu.memory_space<vmem_shared>> -> memref<120x64xf32, #tpu.memory_space<vmem_shared>>
    %dma_wait3A_108 = arith.constant 0 : i32
    %dma_wait3A_109 = arith.constant 0 : i32
    %dma_wait3A_110 = tpu.memref_slice %arg10[%dma_wait3A_108, %dma_wait3A_109] : memref<128x64xf32, #tpu.memory_space<vmem>> -> memref<120x64xf32, #tpu.memory_space<vmem>>
    tpu.wait_dma2 semaphore(%arg11 : memref<!tpu.dma_semaphore, #tpu.memory_space<semaphore_mem>>) src(%dma_wait3A_110 : memref<120x64xf32, #tpu.memory_space<vmem>>) dst(%dma_wait3A_107 : memref<120x64xf32, #tpu.memory_space<vmem_shared>>)
    %barrier3A = arith.constant 0 : index
    tpu.barrier barrier_id(%barrier3A)
    %scan3A = arith.constant 0 : i32
    %scan3A_111 = arith.constant 0 : i32
    %scan3A_112 = arith.constant 79 : i32
    %scan3A_113 = arith.addi %scan3A_111, %scan3A_112 : i32
    %scan3A_114 = arith.constant 1 : i32
    scf.for %scan3A_357 = %scan3A_111 to %scan3A_113 step %scan3A_114  : i32 {
      %mul3A_358 = arith.constant 10112 : i32
      %mul3A_359 = arith.muli %add3A, %mul3A_358 : i32
      %mul3A_360 = arith.constant 128 : i32
      %mul3A_361 = arith.muli %scan3A_357, %mul3A_360 : i32
      %add3A_362 = arith.addi %mul3A_359, %mul3A_361 : i32
      "tpu.region"() ({
        %run_scoped3A = tpu.sem_alloc : memref<!tpu.dma_semaphore, #tpu.memory_space<semaphore_mem>>
        %dma_start3A_369 = tpu.memref_slice %arg3[%add3A_362] : memref<323584xi32, #tpu.memory_space<hbm>> -> memref<128xi32, #tpu.memory_space<hbm>>
        %dma_start3A_370 = tpu.memref_slice %arg3[%add3A_362] : memref<323584xi32, #tpu.memory_space<hbm>> -> memref<128xi32, #tpu.memory_space<hbm>>
        tpu.enqueue_dma source(%dma_start3A_370 : memref<128xi32, #tpu.memory_space<hbm>>) target(%arg8 : memref<128xi32, #tpu.memory_space<vmem>>) target_semaphore(%run_scoped3A : memref<!tpu.dma_semaphore, #tpu.memory_space<semaphore_mem>>)
        %dma_wait3A_371 = tpu.memref_slice %arg3[%add3A_362] : memref<323584xi32, #tpu.memory_space<hbm>> -> memref<128xi32, #tpu.memory_space<hbm>>
        %dma_wait3A_372 = tpu.memref_slice %arg3[%add3A_362] : memref<323584xi32, #tpu.memory_space<hbm>> -> memref<128xi32, #tpu.memory_space<hbm>>
        tpu.wait_dma2 semaphore(%run_scoped3A : memref<!tpu.dma_semaphore, #tpu.memory_space<semaphore_mem>>) src(%dma_wait3A_372 : memref<128xi32, #tpu.memory_space<hbm>>) dst(%arg8 : memref<128xi32, #tpu.memory_space<vmem>>)
        tpu.yield
      }) : () -> ()
      "tpu.region"() ({
        %run_scoped3A = tpu.sem_alloc : memref<!tpu.dma_semaphore, #tpu.memory_space<semaphore_mem>>
        %dma_start3A_369 = tpu.memref_slice %arg4[%add3A_362] : memref<323584xi32, #tpu.memory_space<hbm>> -> memref<128xi32, #tpu.memory_space<hbm>>
        %dma_start3A_370 = tpu.memref_slice %arg4[%add3A_362] : memref<323584xi32, #tpu.memory_space<hbm>> -> memref<128xi32, #tpu.memory_space<hbm>>
        tpu.enqueue_dma source(%dma_start3A_370 : memref<128xi32, #tpu.memory_space<hbm>>) target(%arg9 : memref<128xi32, #tpu.memory_space<vmem>>) target_semaphore(%run_scoped3A : memref<!tpu.dma_semaphore, #tpu.memory_space<semaphore_mem>>)
        %dma_wait3A_371 = tpu.memref_slice %arg4[%add3A_362] : memref<323584xi32, #tpu.memory_space<hbm>> -> memref<128xi32, #tpu.memory_space<hbm>>
        %dma_wait3A_372 = tpu.memref_slice %arg4[%add3A_362] : memref<323584xi32, #tpu.memory_space<hbm>> -> memref<128xi32, #tpu.memory_space<hbm>>
        tpu.wait_dma2 semaphore(%run_scoped3A : memref<!tpu.dma_semaphore, #tpu.memory_space<semaphore_mem>>) src(%dma_wait3A_372 : memref<128xi32, #tpu.memory_space<hbm>>) dst(%arg9 : memref<128xi32, #tpu.memory_space<vmem>>)
        tpu.yield
      }) : () -> ()
      %dma_start3A_363 = arith.constant 0 : i32
      %dma_start3A_364 = arith.constant 0 : i32
      %dma_start3A_365 = tpu.memref_slice %arg2[%dma_start3A_363, %dma_start3A_364] : memref<10000x64xf32, #tpu.memory_space<hbm>> -> memref<10000x64xf32, #tpu.memory_space<hbm>>
      tpu.enqueue_indirect_dma source(%dma_start3A_365 : memref<10000x64xf32, #tpu.memory_space<hbm>>) target(%arg10 : memref<128x64xf32, #tpu.memory_space<vmem>>) offsets(%arg8 : memref<128xi32, #tpu.memory_space<vmem>>) semaphore(%arg11 : memref<!tpu.dma_semaphore, #tpu.memory_space<semaphore_mem>>)
      %dma_wait3A_366 = arith.constant 0 : i32
      %dma_wait3A_367 = arith.constant 0 : i32
      %dma_wait3A_368 = tpu.memref_slice %arg2[%dma_wait3A_366, %dma_wait3A_367] : memref<10000x64xf32, #tpu.memory_space<hbm>> -> memref<10000x64xf32, #tpu.memory_space<hbm>>
      tpu.wait_indirect_dma semaphore(%arg11 : memref<!tpu.dma_semaphore, #tpu.memory_space<semaphore_mem>>) src(%dma_wait3A_368 : memref<10000x64xf32, #tpu.memory_space<hbm>>) dst(%arg10 : memref<128x64xf32, #tpu.memory_space<vmem>>)
      "tpu.region"() ({
        %run_scoped3A = tpu.sem_alloc : memref<!tpu.dma_semaphore, #tpu.memory_space<semaphore_mem>>
        %dma_start3A_369 = arith.constant 0 : i32
        %dma_start3A_370 = arith.constant 0 : i32
        %dma_start3A_371 = tpu.memref_slice %arg7[%dma_start3A_369, %dma_start3A_370] : memref<10112x64xf32, #tpu.memory_space<vmem_shared>> -> memref<10112x64xf32, #tpu.memory_space<vmem_shared>>
        tpu.enqueue_indirect_dma source(%arg10 : memref<128x64xf32, #tpu.memory_space<vmem>>) target(%dma_start3A_371 : memref<10112x64xf32, #tpu.memory_space<vmem_shared>>) offsets(%arg9 : memref<128xi32, #tpu.memory_space<vmem>>) semaphore(%run_scoped3A : memref<!tpu.dma_semaphore, #tpu.memory_space<semaphore_mem>>) {add = true}
        %dma_wait3A_372 = arith.constant 0 : i32
        %dma_wait3A_373 = arith.constant 0 : i32
        %dma_wait3A_374 = tpu.memref_slice %arg7[%dma_wait3A_372, %dma_wait3A_373] : memref<10112x64xf32, #tpu.memory_space<vmem_shared>> -> memref<10112x64xf32, #tpu.memory_space<vmem_shared>>
        tpu.wait_indirect_dma semaphore(%run_scoped3A : memref<!tpu.dma_semaphore, #tpu.memory_space<semaphore_mem>>) src(%arg10 : memref<128x64xf32, #tpu.memory_space<vmem>>) dst(%dma_wait3A_374 : memref<10112x64xf32, #tpu.memory_space<vmem_shared>>)
        tpu.yield
      }) : () -> ()
    }
    %scan3A_115 = arith.constant 79 : i32
    %barrier3A_116 = arith.constant 0 : index
    tpu.barrier barrier_id(%barrier3A_116)
    %add3A_117 = arith.constant 0 : i32
    %add3A_118 = arith.addi %mul3A_2, %add3A_117 : i32
    %dma_start3A_119 = arith.constant 0 : i32
    %dma_start3A_120 = arith.constant 0 : i32
    %dma_start3A_121 = tpu.memref_slice %arg10[%dma_start3A_119, %dma_start3A_120] : memref<128x64xf32, #tpu.memory_space<vmem>> -> memref<128x64xf32, #tpu.memory_space<vmem>>
    %dma_start3A_122 = arith.constant 0 : i32
    %dma_start3A_123 = tpu.memref_slice %arg7[%add3A_118, %dma_start3A_122] : memref<10112x64xf32, #tpu.memory_space<vmem_shared>> -> memref<128x64xf32, #tpu.memory_space<vmem_shared>>
    %dma_start3A_124 = arith.constant 0 : i32
    %dma_start3A_125 = arith.constant 0 : i32
    %dma_start3A_126 = tpu.memref_slice %arg10[%dma_start3A_124, %dma_start3A_125] : memref<128x64xf32, #tpu.memory_space<vmem>> -> memref<128x64xf32, #tpu.memory_space<vmem>>
    %dma_start3A_127 = arith.constant 0 : i32
    %dma_start3A_128 = tpu.memref_slice %arg7[%add3A_118, %dma_start3A_127] : memref<10112x64xf32, #tpu.memory_space<vmem_shared>> -> memref<128x64xf32, #tpu.memory_space<vmem_shared>>
    tpu.enqueue_dma source(%dma_start3A_128 : memref<128x64xf32, #tpu.memory_space<vmem_shared>>) target(%dma_start3A_126 : memref<128x64xf32, #tpu.memory_space<vmem>>) target_semaphore(%arg11 : memref<!tpu.dma_semaphore, #tpu.memory_space<semaphore_mem>>)
    %dma_wait3A_129 = arith.constant 0 : i32
    %dma_wait3A_130 = arith.constant 0 : i32
    %dma_wait3A_131 = tpu.memref_slice %arg10[%dma_wait3A_129, %dma_wait3A_130] : memref<128x64xf32, #tpu.memory_space<vmem>> -> memref<128x64xf32, #tpu.memory_space<vmem>>
    %dma_wait3A_132 = arith.constant 0 : i32
    %dma_wait3A_133 = tpu.memref_slice %arg7[%add3A_118, %dma_wait3A_132] : memref<10112x64xf32, #tpu.memory_space<vmem_shared>> -> memref<128x64xf32, #tpu.memory_space<vmem_shared>>
    %dma_wait3A_134 = arith.constant 0 : i32
    %dma_wait3A_135 = arith.constant 0 : i32
    %dma_wait3A_136 = tpu.memref_slice %arg10[%dma_wait3A_134, %dma_wait3A_135] : memref<128x64xf32, #tpu.memory_space<vmem>> -> memref<128x64xf32, #tpu.memory_space<vmem>>
    %dma_wait3A_137 = arith.constant 0 : i32
    %dma_wait3A_138 = tpu.memref_slice %arg7[%add3A_118, %dma_wait3A_137] : memref<10112x64xf32, #tpu.memory_space<vmem_shared>> -> memref<128x64xf32, #tpu.memory_space<vmem_shared>>
    tpu.wait_dma2 semaphore(%arg11 : memref<!tpu.dma_semaphore, #tpu.memory_space<semaphore_mem>>) src(%dma_wait3A_138 : memref<128x64xf32, #tpu.memory_space<vmem_shared>>) dst(%dma_wait3A_136 : memref<128x64xf32, #tpu.memory_space<vmem>>)
    %add3A_139 = arith.constant 0 : i32
    %add3A_140 = arith.addi %mul3A_2, %add3A_139 : i32
    %dma_start3A_141 = arith.constant 0 : i32
    %dma_start3A_142 = arith.constant 0 : i32
    %dma_start3A_143 = tpu.memref_slice %arg10[%dma_start3A_141, %dma_start3A_142] : memref<128x64xf32, #tpu.memory_space<vmem>> -> memref<128x64xf32, #tpu.memory_space<vmem>>
    %dma_start3A_144 = arith.constant 0 : i32
    %dma_start3A_145 = tpu.memref_slice %arg6[%arg0, %add3A_140, %dma_start3A_144] : memref<2x10112x64xf32, #tpu.memory_space<hbm>> -> memref<1x128x64xf32, #tpu.memory_space<hbm>>
    %dma_start3A_146 = tpu.memref_squeeze %dma_start3A_145 : memref<1x128x64xf32, #tpu.memory_space<hbm>> -> memref<128x64xf32, #tpu.memory_space<hbm>>
    %dma_start3A_147 = arith.constant 0 : i32
    %dma_start3A_148 = tpu.memref_slice %arg6[%arg0, %add3A_140, %dma_start3A_147] : memref<2x10112x64xf32, #tpu.memory_space<hbm>> -> memref<1x128x64xf32, #tpu.memory_space<hbm>>
    %dma_start3A_149 = tpu.memref_squeeze %dma_start3A_148 : memref<1x128x64xf32, #tpu.memory_space<hbm>> -> memref<128x64xf32, #tpu.memory_space<hbm>>
    %dma_start3A_150 = arith.constant 0 : i32
    %dma_start3A_151 = arith.constant 0 : i32
    %dma_start3A_152 = tpu.memref_slice %arg10[%dma_start3A_150, %dma_start3A_151] : memref<128x64xf32, #tpu.memory_space<vmem>> -> memref<128x64xf32, #tpu.memory_space<vmem>>
    tpu.enqueue_dma source(%dma_start3A_152 : memref<128x64xf32, #tpu.memory_space<vmem>>) target(%dma_start3A_149 : memref<128x64xf32, #tpu.memory_space<hbm>>) target_semaphore(%arg12 : memref<!tpu.dma_semaphore, #tpu.memory_space<semaphore_mem>>)
    %dma_wait3A_153 = arith.constant 0 : i32
    %dma_wait3A_154 = arith.constant 0 : i32
    %dma_wait3A_155 = tpu.memref_slice %arg10[%dma_wait3A_153, %dma_wait3A_154] : memref<128x64xf32, #tpu.memory_space<vmem>> -> memref<128x64xf32, #tpu.memory_space<vmem>>
    %dma_wait3A_156 = arith.constant 0 : i32
    %dma_wait3A_157 = tpu.memref_slice %arg6[%arg0, %add3A_140, %dma_wait3A_156] : memref<2x10112x64xf32, #tpu.memory_space<hbm>> -> memref<1x128x64xf32, #tpu.memory_space<hbm>>
    %dma_wait3A_158 = tpu.memref_squeeze %dma_wait3A_157 : memref<1x128x64xf32, #tpu.memory_space<hbm>> -> memref<128x64xf32, #tpu.memory_space<hbm>>
    %dma_wait3A_159 = arith.constant 0 : i32
    %dma_wait3A_160 = tpu.memref_slice %arg6[%arg0, %add3A_140, %dma_wait3A_159] : memref<2x10112x64xf32, #tpu.memory_space<hbm>> -> memref<1x128x64xf32, #tpu.memory_space<hbm>>
    %dma_wait3A_161 = tpu.memref_squeeze %dma_wait3A_160 : memref<1x128x64xf32, #tpu.memory_space<hbm>> -> memref<128x64xf32, #tpu.memory_space<hbm>>
    %dma_wait3A_162 = arith.constant 0 : i32
    %dma_wait3A_163 = arith.constant 0 : i32
    %dma_wait3A_164 = tpu.memref_slice %arg10[%dma_wait3A_162, %dma_wait3A_163] : memref<128x64xf32, #tpu.memory_space<vmem>> -> memref<128x64xf32, #tpu.memory_space<vmem>>
    tpu.wait_dma2 semaphore(%arg12 : memref<!tpu.dma_semaphore, #tpu.memory_space<semaphore_mem>>) src(%dma_wait3A_164 : memref<128x64xf32, #tpu.memory_space<vmem>>) dst(%dma_wait3A_161 : memref<128x64xf32, #tpu.memory_space<hbm>>)
    %add3A_165 = arith.constant 128 : i32
    %add3A_166 = arith.addi %mul3A_2, %add3A_165 : i32
    %dma_start3A_167 = arith.constant 0 : i32
    %dma_start3A_168 = arith.constant 0 : i32
    %dma_start3A_169 = tpu.memref_slice %arg10[%dma_start3A_167, %dma_start3A_168] : memref<128x64xf32, #tpu.memory_space<vmem>> -> memref<128x64xf32, #tpu.memory_space<vmem>>
    %dma_start3A_170 = arith.constant 0 : i32
    %dma_start3A_171 = tpu.memref_slice %arg7[%add3A_166, %dma_start3A_170] : memref<10112x64xf32, #tpu.memory_space<vmem_shared>> -> memref<128x64xf32, #tpu.memory_space<vmem_shared>>
    %dma_start3A_172 = arith.constant 0 : i32
    %dma_start3A_173 = arith.constant 0 : i32
    %dma_start3A_174 = tpu.memref_slice %arg10[%dma_start3A_172, %dma_start3A_173] : memref<128x64xf32, #tpu.memory_space<vmem>> -> memref<128x64xf32, #tpu.memory_space<vmem>>
    %dma_start3A_175 = arith.constant 0 : i32
    %dma_start3A_176 = tpu.memref_slice %arg7[%add3A_166, %dma_start3A_175] : memref<10112x64xf32, #tpu.memory_space<vmem_shared>> -> memref<128x64xf32, #tpu.memory_space<vmem_shared>>
    tpu.enqueue_dma source(%dma_start3A_176 : memref<128x64xf32, #tpu.memory_space<vmem_shared>>) target(%dma_start3A_174 : memref<128x64xf32, #tpu.memory_space<vmem>>) target_semaphore(%arg11 : memref<!tpu.dma_semaphore, #tpu.memory_space<semaphore_mem>>)
    %dma_wait3A_177 = arith.constant 0 : i32
    %dma_wait3A_178 = arith.constant 0 : i32
    %dma_wait3A_179 = tpu.memref_slice %arg10[%dma_wait3A_177, %dma_wait3A_178] : memref<128x64xf32, #tpu.memory_space<vmem>> -> memref<128x64xf32, #tpu.memory_space<vmem>>
    %dma_wait3A_180 = arith.constant 0 : i32
    %dma_wait3A_181 = tpu.memref_slice %arg7[%add3A_166, %dma_wait3A_180] : memref<10112x64xf32, #tpu.memory_space<vmem_shared>> -> memref<128x64xf32, #tpu.memory_space<vmem_shared>>
    %dma_wait3A_182 = arith.constant 0 : i32
    %dma_wait3A_183 = arith.constant 0 : i32
    %dma_wait3A_184 = tpu.memref_slice %arg10[%dma_wait3A_182, %dma_wait3A_183] : memref<128x64xf32, #tpu.memory_space<vmem>> -> memref<128x64xf32, #tpu.memory_space<vmem>>
    %dma_wait3A_185 = arith.constant 0 : i32
    %dma_wait3A_186 = tpu.memref_slice %arg7[%add3A_166, %dma_wait3A_185] : memref<10112x64xf32, #tpu.memory_space<vmem_shared>> -> memref<128x64xf32, #tpu.memory_space<vmem_shared>>
    tpu.wait_dma2 semaphore(%arg11 : memref<!tpu.dma_semaphore, #tpu.memory_space<semaphore_mem>>) src(%dma_wait3A_186 : memref<128x64xf32, #tpu.memory_space<vmem_shared>>) dst(%dma_wait3A_184 : memref<128x64xf32, #tpu.memory_space<vmem>>)
    %add3A_187 = arith.constant 128 : i32
    %add3A_188 = arith.addi %mul3A_2, %add3A_187 : i32
    %dma_start3A_189 = arith.constant 0 : i32
    %dma_start3A_190 = arith.constant 0 : i32
    %dma_start3A_191 = tpu.memref_slice %arg10[%dma_start3A_189, %dma_start3A_190] : memref<128x64xf32, #tpu.memory_space<vmem>> -> memref<128x64xf32, #tpu.memory_space<vmem>>
    %dma_start3A_192 = arith.constant 0 : i32
    %dma_start3A_193 = tpu.memref_slice %arg6[%arg0, %add3A_188, %dma_start3A_192] : memref<2x10112x64xf32, #tpu.memory_space<hbm>> -> memref<1x128x64xf32, #tpu.memory_space<hbm>>
    %dma_start3A_194 = tpu.memref_squeeze %dma_start3A_193 : memref<1x128x64xf32, #tpu.memory_space<hbm>> -> memref<128x64xf32, #tpu.memory_space<hbm>>
    %dma_start3A_195 = arith.constant 0 : i32
    %dma_start3A_196 = tpu.memref_slice %arg6[%arg0, %add3A_188, %dma_start3A_195] : memref<2x10112x64xf32, #tpu.memory_space<hbm>> -> memref<1x128x64xf32, #tpu.memory_space<hbm>>
    %dma_start3A_197 = tpu.memref_squeeze %dma_start3A_196 : memref<1x128x64xf32, #tpu.memory_space<hbm>> -> memref<128x64xf32, #tpu.memory_space<hbm>>
    %dma_start3A_198 = arith.constant 0 : i32
    %dma_start3A_199 = arith.constant 0 : i32
    %dma_start3A_200 = tpu.memref_slice %arg10[%dma_start3A_198, %dma_start3A_199] : memref<128x64xf32, #tpu.memory_space<vmem>> -> memref<128x64xf32, #tpu.memory_space<vmem>>
    tpu.enqueue_dma source(%dma_start3A_200 : memref<128x64xf32, #tpu.memory_space<vmem>>) target(%dma_start3A_197 : memref<128x64xf32, #tpu.memory_space<hbm>>) target_semaphore(%arg12 : memref<!tpu.dma_semaphore, #tpu.memory_space<semaphore_mem>>)
    %dma_wait3A_201 = arith.constant 0 : i32
    %dma_wait3A_202 = arith.constant 0 : i32
    %dma_wait3A_203 = tpu.memref_slice %arg10[%dma_wait3A_201, %dma_wait3A_202] : memref<128x64xf32, #tpu.memory_space<vmem>> -> memref<128x64xf32, #tpu.memory_space<vmem>>
    %dma_wait3A_204 = arith.constant 0 : i32
    %dma_wait3A_205 = tpu.memref_slice %arg6[%arg0, %add3A_188, %dma_wait3A_204] : memref<2x10112x64xf32, #tpu.memory_space<hbm>> -> memref<1x128x64xf32, #tpu.memory_space<hbm>>
    %dma_wait3A_206 = tpu.memref_squeeze %dma_wait3A_205 : memref<1x128x64xf32, #tpu.memory_space<hbm>> -> memref<128x64xf32, #tpu.memory_space<hbm>>
    %dma_wait3A_207 = arith.constant 0 : i32
    %dma_wait3A_208 = tpu.memref_slice %arg6[%arg0, %add3A_188, %dma_wait3A_207] : memref<2x10112x64xf32, #tpu.memory_space<hbm>> -> memref<1x128x64xf32, #tpu.memory_space<hbm>>
    %dma_wait3A_209 = tpu.memref_squeeze %dma_wait3A_208 : memref<1x128x64xf32, #tpu.memory_space<hbm>> -> memref<128x64xf32, #tpu.memory_space<hbm>>
    %dma_wait3A_210 = arith.constant 0 : i32
    %dma_wait3A_211 = arith.constant 0 : i32
    %dma_wait3A_212 = tpu.memref_slice %arg10[%dma_wait3A_210, %dma_wait3A_211] : memref<128x64xf32, #tpu.memory_space<vmem>> -> memref<128x64xf32, #tpu.memory_space<vmem>>
    tpu.wait_dma2 semaphore(%arg12 : memref<!tpu.dma_semaphore, #tpu.memory_space<semaphore_mem>>) src(%dma_wait3A_212 : memref<128x64xf32, #tpu.memory_space<vmem>>) dst(%dma_wait3A_209 : memref<128x64xf32, #tpu.memory_space<hbm>>)
    %add3A_213 = arith.constant 256 : i32
    %add3A_214 = arith.addi %mul3A_2, %add3A_213 : i32
    %dma_start3A_215 = arith.constant 0 : i32
    %dma_start3A_216 = arith.constant 0 : i32
    %dma_start3A_217 = tpu.memref_slice %arg10[%dma_start3A_215, %dma_start3A_216] : memref<128x64xf32, #tpu.memory_space<vmem>> -> memref<128x64xf32, #tpu.memory_space<vmem>>
    %dma_start3A_218 = arith.constant 0 : i32
    %dma_start3A_219 = tpu.memref_slice %arg7[%add3A_214, %dma_start3A_218] : memref<10112x64xf32, #tpu.memory_space<vmem_shared>> -> memref<128x64xf32, #tpu.memory_space<vmem_shared>>
    %dma_start3A_220 = arith.constant 0 : i32
    %dma_start3A_221 = arith.constant 0 : i32
    %dma_start3A_222 = tpu.memref_slice %arg10[%dma_start3A_220, %dma_start3A_221] : memref<128x64xf32, #tpu.memory_space<vmem>> -> memref<128x64xf32, #tpu.memory_space<vmem>>
    %dma_start3A_223 = arith.constant 0 : i32
    %dma_start3A_224 = tpu.memref_slice %arg7[%add3A_214, %dma_start3A_223] : memref<10112x64xf32, #tpu.memory_space<vmem_shared>> -> memref<128x64xf32, #tpu.memory_space<vmem_shared>>
    tpu.enqueue_dma source(%dma_start3A_224 : memref<128x64xf32, #tpu.memory_space<vmem_shared>>) target(%dma_start3A_222 : memref<128x64xf32, #tpu.memory_space<vmem>>) target_semaphore(%arg11 : memref<!tpu.dma_semaphore, #tpu.memory_space<semaphore_mem>>)
    %dma_wait3A_225 = arith.constant 0 : i32
    %dma_wait3A_226 = arith.constant 0 : i32
    %dma_wait3A_227 = tpu.memref_slice %arg10[%dma_wait3A_225, %dma_wait3A_226] : memref<128x64xf32, #tpu.memory_space<vmem>> -> memref<128x64xf32, #tpu.memory_space<vmem>>
    %dma_wait3A_228 = arith.constant 0 : i32
    %dma_wait3A_229 = tpu.memref_slice %arg7[%add3A_214, %dma_wait3A_228] : memref<10112x64xf32, #tpu.memory_space<vmem_shared>> -> memref<128x64xf32, #tpu.memory_space<vmem_shared>>
    %dma_wait3A_230 = arith.constant 0 : i32
    %dma_wait3A_231 = arith.constant 0 : i32
    %dma_wait3A_232 = tpu.memref_slice %arg10[%dma_wait3A_230, %dma_wait3A_231] : memref<128x64xf32, #tpu.memory_space<vmem>> -> memref<128x64xf32, #tpu.memory_space<vmem>>
    %dma_wait3A_233 = arith.constant 0 : i32
    %dma_wait3A_234 = tpu.memref_slice %arg7[%add3A_214, %dma_wait3A_233] : memref<10112x64xf32, #tpu.memory_space<vmem_shared>> -> memref<128x64xf32, #tpu.memory_space<vmem_shared>>
    tpu.wait_dma2 semaphore(%arg11 : memref<!tpu.dma_semaphore, #tpu.memory_space<semaphore_mem>>) src(%dma_wait3A_234 : memref<128x64xf32, #tpu.memory_space<vmem_shared>>) dst(%dma_wait3A_232 : memref<128x64xf32, #tpu.memory_space<vmem>>)
    %add3A_235 = arith.constant 256 : i32
    %add3A_236 = arith.addi %mul3A_2, %add3A_235 : i32
    %dma_start3A_237 = arith.constant 0 : i32
    %dma_start3A_238 = arith.constant 0 : i32
    %dma_start3A_239 = tpu.memref_slice %arg10[%dma_start3A_237, %dma_start3A_238] : memref<128x64xf32, #tpu.memory_space<vmem>> -> memref<128x64xf32, #tpu.memory_space<vmem>>
    %dma_start3A_240 = arith.constant 0 : i32
    %dma_start3A_241 = tpu.memref_slice %arg6[%arg0, %add3A_236, %dma_start3A_240] : memref<2x10112x64xf32, #tpu.memory_space<hbm>> -> memref<1x128x64xf32, #tpu.memory_space<hbm>>
    %dma_start3A_242 = tpu.memref_squeeze %dma_start3A_241 : memref<1x128x64xf32, #tpu.memory_space<hbm>> -> memref<128x64xf32, #tpu.memory_space<hbm>>
    %dma_start3A_243 = arith.constant 0 : i32
    %dma_start3A_244 = tpu.memref_slice %arg6[%arg0, %add3A_236, %dma_start3A_243] : memref<2x10112x64xf32, #tpu.memory_space<hbm>> -> memref<1x128x64xf32, #tpu.memory_space<hbm>>
    %dma_start3A_245 = tpu.memref_squeeze %dma_start3A_244 : memref<1x128x64xf32, #tpu.memory_space<hbm>> -> memref<128x64xf32, #tpu.memory_space<hbm>>
    %dma_start3A_246 = arith.constant 0 : i32
    %dma_start3A_247 = arith.constant 0 : i32
    %dma_start3A_248 = tpu.memref_slice %arg10[%dma_start3A_246, %dma_start3A_247] : memref<128x64xf32, #tpu.memory_space<vmem>> -> memref<128x64xf32, #tpu.memory_space<vmem>>
    tpu.enqueue_dma source(%dma_start3A_248 : memref<128x64xf32, #tpu.memory_space<vmem>>) target(%dma_start3A_245 : memref<128x64xf32, #tpu.memory_space<hbm>>) target_semaphore(%arg12 : memref<!tpu.dma_semaphore, #tpu.memory_space<semaphore_mem>>)
    %dma_wait3A_249 = arith.constant 0 : i32
    %dma_wait3A_250 = arith.constant 0 : i32
    %dma_wait3A_251 = tpu.memref_slice %arg10[%dma_wait3A_249, %dma_wait3A_250] : memref<128x64xf32, #tpu.memory_space<vmem>> -> memref<128x64xf32, #tpu.memory_space<vmem>>
    %dma_wait3A_252 = arith.constant 0 : i32
    %dma_wait3A_253 = tpu.memref_slice %arg6[%arg0, %add3A_236, %dma_wait3A_252] : memref<2x10112x64xf32, #tpu.memory_space<hbm>> -> memref<1x128x64xf32, #tpu.memory_space<hbm>>
    %dma_wait3A_254 = tpu.memref_squeeze %dma_wait3A_253 : memref<1x128x64xf32, #tpu.memory_space<hbm>> -> memref<128x64xf32, #tpu.memory_space<hbm>>
    %dma_wait3A_255 = arith.constant 0 : i32
    %dma_wait3A_256 = tpu.memref_slice %arg6[%arg0, %add3A_236, %dma_wait3A_255] : memref<2x10112x64xf32, #tpu.memory_space<hbm>> -> memref<1x128x64xf32, #tpu.memory_space<hbm>>
    %dma_wait3A_257 = tpu.memref_squeeze %dma_wait3A_256 : memref<1x128x64xf32, #tpu.memory_space<hbm>> -> memref<128x64xf32, #tpu.memory_space<hbm>>
    %dma_wait3A_258 = arith.constant 0 : i32
    %dma_wait3A_259 = arith.constant 0 : i32
    %dma_wait3A_260 = tpu.memref_slice %arg10[%dma_wait3A_258, %dma_wait3A_259] : memref<128x64xf32, #tpu.memory_space<vmem>> -> memref<128x64xf32, #tpu.memory_space<vmem>>
    tpu.wait_dma2 semaphore(%arg12 : memref<!tpu.dma_semaphore, #tpu.memory_space<semaphore_mem>>) src(%dma_wait3A_260 : memref<128x64xf32, #tpu.memory_space<vmem>>) dst(%dma_wait3A_257 : memref<128x64xf32, #tpu.memory_space<hbm>>)
    %add3A_261 = arith.constant 384 : i32
    %add3A_262 = arith.addi %mul3A_2, %add3A_261 : i32
    %dma_start3A_263 = arith.constant 0 : i32
    %dma_start3A_264 = arith.constant 0 : i32
    %dma_start3A_265 = tpu.memref_slice %arg10[%dma_start3A_263, %dma_start3A_264] : memref<128x64xf32, #tpu.memory_space<vmem>> -> memref<128x64xf32, #tpu.memory_space<vmem>>
    %dma_start3A_266 = arith.constant 0 : i32
    %dma_start3A_267 = tpu.memref_slice %arg7[%add3A_262, %dma_start3A_266] : memref<10112x64xf32, #tpu.memory_space<vmem_shared>> -> memref<128x64xf32, #tpu.memory_space<vmem_shared>>
    %dma_start3A_268 = arith.constant 0 : i32
    %dma_start3A_269 = arith.constant 0 : i32
    %dma_start3A_270 = tpu.memref_slice %arg10[%dma_start3A_268, %dma_start3A_269] : memref<128x64xf32, #tpu.memory_space<vmem>> -> memref<128x64xf32, #tpu.memory_space<vmem>>
    %dma_start3A_271 = arith.constant 0 : i32
    %dma_start3A_272 = tpu.memref_slice %arg7[%add3A_262, %dma_start3A_271] : memref<10112x64xf32, #tpu.memory_space<vmem_shared>> -> memref<128x64xf32, #tpu.memory_space<vmem_shared>>
    tpu.enqueue_dma source(%dma_start3A_272 : memref<128x64xf32, #tpu.memory_space<vmem_shared>>) target(%dma_start3A_270 : memref<128x64xf32, #tpu.memory_space<vmem>>) target_semaphore(%arg11 : memref<!tpu.dma_semaphore, #tpu.memory_space<semaphore_mem>>)
    %dma_wait3A_273 = arith.constant 0 : i32
    %dma_wait3A_274 = arith.constant 0 : i32
    %dma_wait3A_275 = tpu.memref_slice %arg10[%dma_wait3A_273, %dma_wait3A_274] : memref<128x64xf32, #tpu.memory_space<vmem>> -> memref<128x64xf32, #tpu.memory_space<vmem>>
    %dma_wait3A_276 = arith.constant 0 : i32
    %dma_wait3A_277 = tpu.memref_slice %arg7[%add3A_262, %dma_wait3A_276] : memref<10112x64xf32, #tpu.memory_space<vmem_shared>> -> memref<128x64xf32, #tpu.memory_space<vmem_shared>>
    %dma_wait3A_278 = arith.constant 0 : i32
    %dma_wait3A_279 = arith.constant 0 : i32
    %dma_wait3A_280 = tpu.memref_slice %arg10[%dma_wait3A_278, %dma_wait3A_279] : memref<128x64xf32, #tpu.memory_space<vmem>> -> memref<128x64xf32, #tpu.memory_space<vmem>>
    %dma_wait3A_281 = arith.constant 0 : i32
    %dma_wait3A_282 = tpu.memref_slice %arg7[%add3A_262, %dma_wait3A_281] : memref<10112x64xf32, #tpu.memory_space<vmem_shared>> -> memref<128x64xf32, #tpu.memory_space<vmem_shared>>
    tpu.wait_dma2 semaphore(%arg11 : memref<!tpu.dma_semaphore, #tpu.memory_space<semaphore_mem>>) src(%dma_wait3A_282 : memref<128x64xf32, #tpu.memory_space<vmem_shared>>) dst(%dma_wait3A_280 : memref<128x64xf32, #tpu.memory_space<vmem>>)
    %add3A_283 = arith.constant 384 : i32
    %add3A_284 = arith.addi %mul3A_2, %add3A_283 : i32
    %dma_start3A_285 = arith.constant 0 : i32
    %dma_start3A_286 = arith.constant 0 : i32
    %dma_start3A_287 = tpu.memref_slice %arg10[%dma_start3A_285, %dma_start3A_286] : memref<128x64xf32, #tpu.memory_space<vmem>> -> memref<128x64xf32, #tpu.memory_space<vmem>>
    %dma_start3A_288 = arith.constant 0 : i32
    %dma_start3A_289 = tpu.memref_slice %arg6[%arg0, %add3A_284, %dma_start3A_288] : memref<2x10112x64xf32, #tpu.memory_space<hbm>> -> memref<1x128x64xf32, #tpu.memory_space<hbm>>
    %dma_start3A_290 = tpu.memref_squeeze %dma_start3A_289 : memref<1x128x64xf32, #tpu.memory_space<hbm>> -> memref<128x64xf32, #tpu.memory_space<hbm>>
    %dma_start3A_291 = arith.constant 0 : i32
    %dma_start3A_292 = tpu.memref_slice %arg6[%arg0, %add3A_284, %dma_start3A_291] : memref<2x10112x64xf32, #tpu.memory_space<hbm>> -> memref<1x128x64xf32, #tpu.memory_space<hbm>>
    %dma_start3A_293 = tpu.memref_squeeze %dma_start3A_292 : memref<1x128x64xf32, #tpu.memory_space<hbm>> -> memref<128x64xf32, #tpu.memory_space<hbm>>
    %dma_start3A_294 = arith.constant 0 : i32
    %dma_start3A_295 = arith.constant 0 : i32
    %dma_start3A_296 = tpu.memref_slice %arg10[%dma_start3A_294, %dma_start3A_295] : memref<128x64xf32, #tpu.memory_space<vmem>> -> memref<128x64xf32, #tpu.memory_space<vmem>>
    tpu.enqueue_dma source(%dma_start3A_296 : memref<128x64xf32, #tpu.memory_space<vmem>>) target(%dma_start3A_293 : memref<128x64xf32, #tpu.memory_space<hbm>>) target_semaphore(%arg12 : memref<!tpu.dma_semaphore, #tpu.memory_space<semaphore_mem>>)
    %dma_wait3A_297 = arith.constant 0 : i32
    %dma_wait3A_298 = arith.constant 0 : i32
    %dma_wait3A_299 = tpu.memref_slice %arg10[%dma_wait3A_297, %dma_wait3A_298] : memref<128x64xf32, #tpu.memory_space<vmem>> -> memref<128x64xf32, #tpu.memory_space<vmem>>
    %dma_wait3A_300 = arith.constant 0 : i32
    %dma_wait3A_301 = tpu.memref_slice %arg6[%arg0, %add3A_284, %dma_wait3A_300] : memref<2x10112x64xf32, #tpu.memory_space<hbm>> -> memref<1x128x64xf32, #tpu.memory_space<hbm>>
    %dma_wait3A_302 = tpu.memref_squeeze %dma_wait3A_301 : memref<1x128x64xf32, #tpu.memory_space<hbm>> -> memref<128x64xf32, #tpu.memory_space<hbm>>
    %dma_wait3A_303 = arith.constant 0 : i32
    %dma_wait3A_304 = tpu.memref_slice %arg6[%arg0, %add3A_284, %dma_wait3A_303] : memref<2x10112x64xf32, #tpu.memory_space<hbm>> -> memref<1x128x64xf32, #tpu.memory_space<hbm>>
    %dma_wait3A_305 = tpu.memref_squeeze %dma_wait3A_304 : memref<1x128x64xf32, #tpu.memory_space<hbm>> -> memref<128x64xf32, #tpu.memory_space<hbm>>
    %dma_wait3A_306 = arith.constant 0 : i32
    %dma_wait3A_307 = arith.constant 0 : i32
    %dma_wait3A_308 = tpu.memref_slice %arg10[%dma_wait3A_306, %dma_wait3A_307] : memref<128x64xf32, #tpu.memory_space<vmem>> -> memref<128x64xf32, #tpu.memory_space<vmem>>
    tpu.wait_dma2 semaphore(%arg12 : memref<!tpu.dma_semaphore, #tpu.memory_space<semaphore_mem>>) src(%dma_wait3A_308 : memref<128x64xf32, #tpu.memory_space<vmem>>) dst(%dma_wait3A_305 : memref<128x64xf32, #tpu.memory_space<hbm>>)
    %add3A_309 = arith.constant 512 : i32
    %add3A_310 = arith.addi %mul3A_2, %add3A_309 : i32
    %dma_start3A_311 = arith.constant 0 : i32
    %dma_start3A_312 = arith.constant 0 : i32
    %dma_start3A_313 = tpu.memref_slice %arg10[%dma_start3A_311, %dma_start3A_312] : memref<128x64xf32, #tpu.memory_space<vmem>> -> memref<120x64xf32, #tpu.memory_space<vmem>>
    %dma_start3A_314 = arith.constant 0 : i32
    %dma_start3A_315 = tpu.memref_slice %arg7[%add3A_310, %dma_start3A_314] : memref<10112x64xf32, #tpu.memory_space<vmem_shared>> -> memref<120x64xf32, #tpu.memory_space<vmem_shared>>
    %dma_start3A_316 = arith.constant 0 : i32
    %dma_start3A_317 = arith.constant 0 : i32
    %dma_start3A_318 = tpu.memref_slice %arg10[%dma_start3A_316, %dma_start3A_317] : memref<128x64xf32, #tpu.memory_space<vmem>> -> memref<120x64xf32, #tpu.memory_space<vmem>>
    %dma_start3A_319 = arith.constant 0 : i32
    %dma_start3A_320 = tpu.memref_slice %arg7[%add3A_310, %dma_start3A_319] : memref<10112x64xf32, #tpu.memory_space<vmem_shared>> -> memref<120x64xf32, #tpu.memory_space<vmem_shared>>
    tpu.enqueue_dma source(%dma_start3A_320 : memref<120x64xf32, #tpu.memory_space<vmem_shared>>) target(%dma_start3A_318 : memref<120x64xf32, #tpu.memory_space<vmem>>) target_semaphore(%arg11 : memref<!tpu.dma_semaphore, #tpu.memory_space<semaphore_mem>>)
    %dma_wait3A_321 = arith.constant 0 : i32
    %dma_wait3A_322 = arith.constant 0 : i32
    %dma_wait3A_323 = tpu.memref_slice %arg10[%dma_wait3A_321, %dma_wait3A_322] : memref<128x64xf32, #tpu.memory_space<vmem>> -> memref<120x64xf32, #tpu.memory_space<vmem>>
    %dma_wait3A_324 = arith.constant 0 : i32
    %dma_wait3A_325 = tpu.memref_slice %arg7[%add3A_310, %dma_wait3A_324] : memref<10112x64xf32, #tpu.memory_space<vmem_shared>> -> memref<120x64xf32, #tpu.memory_space<vmem_shared>>
    %dma_wait3A_326 = arith.constant 0 : i32
    %dma_wait3A_327 = arith.constant 0 : i32
    %dma_wait3A_328 = tpu.memref_slice %arg10[%dma_wait3A_326, %dma_wait3A_327] : memref<128x64xf32, #tpu.memory_space<vmem>> -> memref<120x64xf32, #tpu.memory_space<vmem>>
    %dma_wait3A_329 = arith.constant 0 : i32
    %dma_wait3A_330 = tpu.memref_slice %arg7[%add3A_310, %dma_wait3A_329] : memref<10112x64xf32, #tpu.memory_space<vmem_shared>> -> memref<120x64xf32, #tpu.memory_space<vmem_shared>>
    tpu.wait_dma2 semaphore(%arg11 : memref<!tpu.dma_semaphore, #tpu.memory_space<semaphore_mem>>) src(%dma_wait3A_330 : memref<120x64xf32, #tpu.memory_space<vmem_shared>>) dst(%dma_wait3A_328 : memref<120x64xf32, #tpu.memory_space<vmem>>)
    %add3A_331 = arith.constant 512 : i32
    %add3A_332 = arith.addi %mul3A_2, %add3A_331 : i32
    %dma_start3A_333 = arith.constant 0 : i32
    %dma_start3A_334 = arith.constant 0 : i32
    %dma_start3A_335 = tpu.memref_slice %arg10[%dma_start3A_333, %dma_start3A_334] : memref<128x64xf32, #tpu.memory_space<vmem>> -> memref<120x64xf32, #tpu.memory_space<vmem>>
    %dma_start3A_336 = arith.constant 0 : i32
    %dma_start3A_337 = tpu.memref_slice %arg6[%arg0, %add3A_332, %dma_start3A_336] : memref<2x10112x64xf32, #tpu.memory_space<hbm>> -> memref<1x120x64xf32, #tpu.memory_space<hbm>>
    %dma_start3A_338 = tpu.memref_squeeze %dma_start3A_337 : memref<1x120x64xf32, #tpu.memory_space<hbm>> -> memref<120x64xf32, #tpu.memory_space<hbm>>
    %dma_start3A_339 = arith.constant 0 : i32
    %dma_start3A_340 = tpu.memref_slice %arg6[%arg0, %add3A_332, %dma_start3A_339] : memref<2x10112x64xf32, #tpu.memory_space<hbm>> -> memref<1x120x64xf32, #tpu.memory_space<hbm>>
    %dma_start3A_341 = tpu.memref_squeeze %dma_start3A_340 : memref<1x120x64xf32, #tpu.memory_space<hbm>> -> memref<120x64xf32, #tpu.memory_space<hbm>>
    %dma_start3A_342 = arith.constant 0 : i32
    %dma_start3A_343 = arith.constant 0 : i32
    %dma_start3A_344 = tpu.memref_slice %arg10[%dma_start3A_342, %dma_start3A_343] : memref<128x64xf32, #tpu.memory_space<vmem>> -> memref<120x64xf32, #tpu.memory_space<vmem>>
    tpu.enqueue_dma source(%dma_start3A_344 : memref<120x64xf32, #tpu.memory_space<vmem>>) target(%dma_start3A_341 : memref<120x64xf32, #tpu.memory_space<hbm>>) target_semaphore(%arg12 : memref<!tpu.dma_semaphore, #tpu.memory_space<semaphore_mem>>)
    %dma_wait3A_345 = arith.constant 0 : i32
    %dma_wait3A_346 = arith.constant 0 : i32
    %dma_wait3A_347 = tpu.memref_slice %arg10[%dma_wait3A_345, %dma_wait3A_346] : memref<128x64xf32, #tpu.memory_space<vmem>> -> memref<120x64xf32, #tpu.memory_space<vmem>>
    %dma_wait3A_348 = arith.constant 0 : i32
    %dma_wait3A_349 = tpu.memref_slice %arg6[%arg0, %add3A_332, %dma_wait3A_348] : memref<2x10112x64xf32, #tpu.memory_space<hbm>> -> memref<1x120x64xf32, #tpu.memory_space<hbm>>
    %dma_wait3A_350 = tpu.memref_squeeze %dma_wait3A_349 : memref<1x120x64xf32, #tpu.memory_space<hbm>> -> memref<120x64xf32, #tpu.memory_space<hbm>>
    %dma_wait3A_351 = arith.constant 0 : i32
    %dma_wait3A_352 = tpu.memref_slice %arg6[%arg0, %add3A_332, %dma_wait3A_351] : memref<2x10112x64xf32, #tpu.memory_space<hbm>> -> memref<1x120x64xf32, #tpu.memory_space<hbm>>
    %dma_wait3A_353 = tpu.memref_squeeze %dma_wait3A_352 : memref<1x120x64xf32, #tpu.memory_space<hbm>> -> memref<120x64xf32, #tpu.memory_space<hbm>>
    %dma_wait3A_354 = arith.constant 0 : i32
    %dma_wait3A_355 = arith.constant 0 : i32
    %dma_wait3A_356 = tpu.memref_slice %arg10[%dma_wait3A_354, %dma_wait3A_355] : memref<128x64xf32, #tpu.memory_space<vmem>> -> memref<120x64xf32, #tpu.memory_space<vmem>>
    tpu.wait_dma2 semaphore(%arg12 : memref<!tpu.dma_semaphore, #tpu.memory_space<semaphore_mem>>) src(%dma_wait3A_356 : memref<120x64xf32, #tpu.memory_space<vmem>>) dst(%dma_wait3A_353 : memref<120x64xf32, #tpu.memory_space<hbm>>)
    return
  }
}

module attributes {stable_mosaic.version = 14 : i64} {
  func.func @_tc12_body(%arg0: i32, %arg1: memref<1000x128xf32, #tpu.memory_space<vmem>>, %arg2: memref<1000x128xf32, #tpu.memory_space<vmem>>, %arg3: memref<1000x16xf32, #tpu.memory_space<vmem>>, %arg4: memref<1000x16xf32, #tpu.memory_space<vmem>>, %arg5: memref<1000x128xf32, #tpu.memory_space<vmem>>, %arg6: memref<128x128xf32, #tpu.memory_space<vmem>>, %arg7: memref<1x128xf32, #tpu.memory_space<vmem>>, %arg8: memref<128x128xf32, #tpu.memory_space<vmem>>, %arg9: memref<1x128xf32, #tpu.memory_space<vmem>>, %arg10: memref<1x128xf32, #tpu.memory_space<vmem>>, %arg11: memref<1000x128xf32, #tpu.memory_space<vmem>>) attributes {dimension_semantics = [#tpu.dimension_semantics<arbitrary>], iteration_bounds = array<i64: 10>, scalar_prefetch = 0 : i64, scratch_operands = 0 : i64, tpu.core_type = #tpu.core_type<tc>, window_params = [{transform_indices = @transform_0, window_bounds = array<i64: 1000, 128>}, {transform_indices = @transform_1, window_bounds = array<i64: 1000, 128>}, {transform_indices = @transform_2, window_bounds = array<i64: 1000, 16>}, {transform_indices = @transform_3, window_bounds = array<i64: 1000, 16>}, {transform_indices = @transform_4, window_bounds = array<i64: 1000, 128>}, {pipeline_mode = #tpu.pipeline_mode<synchronous>, transform_indices = @transform_5, window_bounds = array<i64: 128, 128>}, {pipeline_mode = #tpu.pipeline_mode<synchronous>, transform_indices = @transform_6, window_bounds = array<i64: 1, 128>}, {pipeline_mode = #tpu.pipeline_mode<synchronous>, transform_indices = @transform_7, window_bounds = array<i64: 128, 128>}, {pipeline_mode = #tpu.pipeline_mode<synchronous>, transform_indices = @transform_8, window_bounds = array<i64: 1, 128>}, {pipeline_mode = #tpu.pipeline_mode<synchronous>, transform_indices = @transform_9, window_bounds = array<i64: 1, 128>}, {transform_indices = @transform_10, window_bounds = array<i64: 1000, 128>}]} {
    %get3A = arith.constant 0 : index
    %get3A_0 = arith.constant 0 : index
    %get3A_1 = vector.load %arg3[%get3A, %get3A_0] : memref<1000x16xf32, #tpu.memory_space<vmem>>, vector<1000x1xf32>
    %get3A_2 = arith.constant 0 : index
    %get3A_3 = arith.constant 0 : index
    %get3A_4 = vector.load %arg4[%get3A_2, %get3A_3] : memref<1000x16xf32, #tpu.memory_space<vmem>>, vector<1000x1xf32>
    %add3A = arith.addf %get3A_1, %get3A_4 : vector<1000x1xf32>
    %max3A = arith.constant 1.000000e+00 : f32
    %max3A_5 = vector.broadcast %max3A : f32 to vector<1000x1xf32>
    %max3A_6 = arith.maximumf %add3A, %max3A_5 : vector<1000x1xf32>
    %get3A_7 = arith.constant 0 : index
    %get3A_8 = arith.constant 0 : index
    %get3A_9 = vector.load %arg1[%get3A_7, %get3A_8] : memref<1000x128xf32, #tpu.memory_space<vmem>>, vector<1000x128xf32>
    %get3A_10 = arith.constant 0 : index
    %get3A_11 = arith.constant 0 : index
    %get3A_12 = vector.load %arg2[%get3A_10, %get3A_11] : memref<1000x128xf32, #tpu.memory_space<vmem>>, vector<1000x128xf32>
    %add3A_13 = arith.addf %get3A_9, %get3A_12 : vector<1000x128xf32>
    %div3A = vector.broadcast %max3A_6 : vector<1000x1xf32> to vector<1000x128xf32>
    %div3A_14 = arith.divf %add3A_13, %div3A : vector<1000x128xf32>
    %get3A_15 = arith.constant 0 : index
    %get3A_16 = arith.constant 0 : index
    %get3A_17 = vector.load %arg6[%get3A_15, %get3A_16] : memref<128x128xf32, #tpu.memory_space<vmem>>, vector<128x128xf32>
    %dot_general3A = arith.constant dense<0.000000e+00> : vector<1000x128xf32>
    %dot_general3A_18 = tpu.matmul %div3A_14, %get3A_17, %dot_general3A {dimension_numbers = #tpu.dot_dimension_numbers<[1], [1], [0], [0], [0, 0, 1, 0], [], []>, transpose_lhs_hint = false} : vector<1000x128xf32>, vector<128x128xf32>, vector<1000x128xf32> -> vector<1000x128xf32>
    %get3A_19 = arith.constant 0 : index
    %get3A_20 = arith.constant 0 : index
    %get3A_21 = vector.load %arg5[%get3A_19, %get3A_20] : memref<1000x128xf32, #tpu.memory_space<vmem>>, vector<1000x128xf32>
    %get3A_22 = arith.constant 0 : index
    %get3A_23 = arith.constant 0 : index
    %get3A_24 = vector.load %arg8[%get3A_22, %get3A_23] : memref<128x128xf32, #tpu.memory_space<vmem>>, vector<128x128xf32>
    %dot_general3A_25 = arith.constant dense<0.000000e+00> : vector<1000x128xf32>
    %dot_general3A_26 = tpu.matmul %get3A_21, %get3A_24, %dot_general3A_25 {dimension_numbers = #tpu.dot_dimension_numbers<[1], [1], [0], [0], [0, 0, 1, 0], [], []>, transpose_lhs_hint = false} : vector<1000x128xf32>, vector<128x128xf32>, vector<1000x128xf32> -> vector<1000x128xf32>
    %add3A_27 = arith.addf %dot_general3A_18, %dot_general3A_26 : vector<1000x128xf32>
    %get3A_28 = arith.constant 0 : index
    %get3A_29 = arith.constant 0 : index
    %get3A_30 = vector.load %arg7[%get3A_28, %get3A_29] : memref<1x128xf32, #tpu.memory_space<vmem>>, vector<1x128xf32>
    %add3A_31 = vector.broadcast %get3A_30 : vector<1x128xf32> to vector<1000x128xf32>
    %add3A_32 = arith.addf %add3A_27, %add3A_31 : vector<1000x128xf32>
    %get3A_33 = arith.constant 0 : index
    %get3A_34 = arith.constant 0 : index
    %get3A_35 = vector.load %arg9[%get3A_33, %get3A_34] : memref<1x128xf32, #tpu.memory_space<vmem>>, vector<1x128xf32>
    %get3A_36 = arith.constant 0 : index
    %get3A_37 = arith.constant 0 : index
    %get3A_38 = vector.load %arg10[%get3A_36, %get3A_37] : memref<1x128xf32, #tpu.memory_space<vmem>>, vector<1x128xf32>
    %reduce_sum3A = arith.constant dense<0.000000e+00> : vector<1000xf32>
    %reduce_sum3A_39 = vector.multi_reduction <add>, %add3A_32, %reduce_sum3A [1] : vector<1000x128xf32> to vector<1000xf32>
    %broadcast_in_dim3A = vector.shape_cast %reduce_sum3A_39 : vector<1000xf32> to vector<1000x1xf32>
    %div3A_40 = arith.constant 1.280000e+02 : f32
    %div3A_41 = vector.broadcast %div3A_40 : f32 to vector<1000x1xf32>
    %div3A_42 = arith.divf %broadcast_in_dim3A, %div3A_41 : vector<1000x1xf32>
    %sub3A = vector.broadcast %div3A_42 : vector<1000x1xf32> to vector<1000x128xf32>
    %sub3A_43 = arith.subf %add3A_32, %sub3A : vector<1000x128xf32>
    %sub3A_44 = vector.broadcast %div3A_42 : vector<1000x1xf32> to vector<1000x128xf32>
    %sub3A_45 = arith.subf %add3A_32, %sub3A_44 : vector<1000x128xf32>
    %mul3A = arith.mulf %sub3A_43, %sub3A_45 : vector<1000x128xf32>
    %reduce_sum3A_46 = arith.constant dense<0.000000e+00> : vector<1000xf32>
    %reduce_sum3A_47 = vector.multi_reduction <add>, %mul3A, %reduce_sum3A_46 [1] : vector<1000x128xf32> to vector<1000xf32>
    %broadcast_in_dim3A_48 = vector.shape_cast %reduce_sum3A_47 : vector<1000xf32> to vector<1000x1xf32>
    %div3A_49 = arith.constant 1.280000e+02 : f32
    %div3A_50 = vector.broadcast %div3A_49 : f32 to vector<1000x1xf32>
    %div3A_51 = arith.divf %broadcast_in_dim3A_48, %div3A_50 : vector<1000x1xf32>
    %sub3A_52 = vector.broadcast %div3A_42 : vector<1000x1xf32> to vector<1000x128xf32>
    %sub3A_53 = arith.subf %add3A_32, %sub3A_52 : vector<1000x128xf32>
    %add3A_54 = arith.constant 9.99999974E-6 : f32
    %add3A_55 = vector.broadcast %add3A_54 : f32 to vector<1000x1xf32>
    %add3A_56 = arith.addf %div3A_51, %add3A_55 : vector<1000x1xf32>
    %rsqrt3A = math.rsqrt %add3A_56 : vector<1000x1xf32>
    %mul3A_57 = vector.broadcast %rsqrt3A : vector<1000x1xf32> to vector<1000x128xf32>
    %mul3A_58 = arith.mulf %sub3A_53, %mul3A_57 : vector<1000x128xf32>
    %mul3A_59 = vector.broadcast %get3A_35 : vector<1x128xf32> to vector<1000x128xf32>
    %mul3A_60 = arith.mulf %mul3A_58, %mul3A_59 : vector<1000x128xf32>
    %add3A_61 = vector.broadcast %get3A_38 : vector<1x128xf32> to vector<1000x128xf32>
    %add3A_62 = arith.addf %mul3A_60, %add3A_61 : vector<1000x128xf32>
    %mul3A_63 = arith.constant 5.000000e-01 : f32
    %mul3A_64 = vector.broadcast %mul3A_63 : f32 to vector<1000x128xf32>
    %mul3A_65 = arith.mulf %mul3A_64, %add3A_62 : vector<1000x128xf32>
    %div3A_66 = arith.constant 1.41421354 : f32
    %div3A_67 = vector.broadcast %div3A_66 : f32 to vector<1000x128xf32>
    %div3A_68 = arith.divf %add3A_62, %div3A_67 : vector<1000x128xf32>
    %erf3A = math.erf %div3A_68 : vector<1000x128xf32>
    %add3A_69 = arith.constant 1.000000e+00 : f32
    %add3A_70 = vector.broadcast %add3A_69 : f32 to vector<1000x128xf32>
    %add3A_71 = arith.addf %add3A_70, %erf3A : vector<1000x128xf32>
    %mul3A_72 = arith.mulf %mul3A_65, %add3A_71 : vector<1000x128xf32>
    %get3A_73 = arith.constant 0 : index
    %get3A_74 = arith.constant 0 : index
    %get3A_75 = vector.load %arg5[%get3A_73, %get3A_74] : memref<1000x128xf32, #tpu.memory_space<vmem>>, vector<1000x128xf32>
    %add3A_76 = arith.addf %mul3A_72, %get3A_75 : vector<1000x128xf32>
    %swap3A = arith.constant 0 : index
    %swap3A_77 = arith.constant 0 : index
    %swap3A_78 = vector.load %arg11[%swap3A, %swap3A_77] : memref<1000x128xf32, #tpu.memory_space<vmem>>, vector<1000x128xf32>
    tpu.vector_store %arg11[%swap3A, %swap3A_77], %add3A_76 {strides = array<i32>} : memref<1000x128xf32, #tpu.memory_space<vmem>>, vector<1000x128xf32>,
    return
  }
  func.func @transform_0(%arg0: i32) -> (i32, i32) {
    %c0_i32 = arith.constant 0 : i32
    %c0_i32_0 = arith.constant 0 : i32
    return %arg0, %c0_i32 : i32, i32
  }
  func.func @transform_1(%arg0: i32) -> (i32, i32) {
    %c0_i32 = arith.constant 0 : i32
    %c0_i32_0 = arith.constant 0 : i32
    return %arg0, %c0_i32 : i32, i32
  }
  func.func @transform_2(%arg0: i32) -> (i32, i32) {
    %c0_i32 = arith.constant 0 : i32
    %c0_i32_0 = arith.constant 0 : i32
    return %arg0, %c0_i32 : i32, i32
  }
  func.func @transform_3(%arg0: i32) -> (i32, i32) {
    %c0_i32 = arith.constant 0 : i32
    %c0_i32_0 = arith.constant 0 : i32
    return %arg0, %c0_i32 : i32, i32
  }
  func.func @transform_4(%arg0: i32) -> (i32, i32) {
    %c0_i32 = arith.constant 0 : i32
    %c0_i32_0 = arith.constant 0 : i32
    return %arg0, %c0_i32 : i32, i32
  }
  func.func @transform_5(%arg0: i32) -> (i32, i32) {
    %c0_i32 = arith.constant 0 : i32
    %c0_i32_0 = arith.constant 0 : i32
    %c0_i32_1 = arith.constant 0 : i32
    return %c0_i32, %c0_i32_0 : i32, i32
  }
  func.func @transform_6(%arg0: i32) -> (i32, i32) {
    %c0_i32 = arith.constant 0 : i32
    %c0_i32_0 = arith.constant 0 : i32
    %c0_i32_1 = arith.constant 0 : i32
    return %c0_i32, %c0_i32_0 : i32, i32
  }
  func.func @transform_7(%arg0: i32) -> (i32, i32) {
    %c0_i32 = arith.constant 0 : i32
    %c0_i32_0 = arith.constant 0 : i32
    %c0_i32_1 = arith.constant 0 : i32
    return %c0_i32, %c0_i32_0 : i32, i32
  }
  func.func @transform_8(%arg0: i32) -> (i32, i32) {
    %c0_i32 = arith.constant 0 : i32
    %c0_i32_0 = arith.constant 0 : i32
    %c0_i32_1 = arith.constant 0 : i32
    return %c0_i32, %c0_i32_0 : i32, i32
  }
  func.func @transform_9(%arg0: i32) -> (i32, i32) {
    %c0_i32 = arith.constant 0 : i32
    %c0_i32_0 = arith.constant 0 : i32
    %c0_i32_1 = arith.constant 0 : i32
    return %c0_i32, %c0_i32_0 : i32, i32
  }
  func.func @transform_10(%arg0: i32) -> (i32, i32) {
    %c0_i32 = arith.constant 0 : i32
    %c0_i32_0 = arith.constant 0 : i32
    return %arg0, %c0_i32 : i32, i32
  }
}

module attributes {stable_mosaic.version = 14 : i64} {
  func.func @_tc2_body(%arg0: i32, %arg1: memref<1000x128xf32, #tpu.memory_space<vmem>>, %arg2: memref<1000x128xf32, #tpu.memory_space<vmem>>, %arg3: memref<1000x16xf32, #tpu.memory_space<vmem>>, %arg4: memref<1000x16xf32, #tpu.memory_space<vmem>>, %arg5: memref<1000x128xf32, #tpu.memory_space<vmem>>, %arg6: memref<128x128xf32, #tpu.memory_space<vmem>>, %arg7: memref<1x128xf32, #tpu.memory_space<vmem>>, %arg8: memref<128x128xf32, #tpu.memory_space<vmem>>, %arg9: memref<1x128xf32, #tpu.memory_space<vmem>>, %arg10: memref<1x128xf32, #tpu.memory_space<vmem>>, %arg11: memref<64x128xf32, #tpu.memory_space<vmem>>, %arg12: memref<1000x128xf32, #tpu.memory_space<vmem>>, %arg13: memref<1000x64xf32, #tpu.memory_space<vmem>>) attributes {dimension_semantics = [#tpu.dimension_semantics<arbitrary>], iteration_bounds = array<i64: 10>, scalar_prefetch = 0 : i64, scratch_operands = 0 : i64, tpu.core_type = #tpu.core_type<tc>, window_params = [{transform_indices = @transform_0, window_bounds = array<i64: 1000, 128>}, {transform_indices = @transform_1, window_bounds = array<i64: 1000, 128>}, {transform_indices = @transform_2, window_bounds = array<i64: 1000, 16>}, {transform_indices = @transform_3, window_bounds = array<i64: 1000, 16>}, {transform_indices = @transform_4, window_bounds = array<i64: 1000, 128>}, {pipeline_mode = #tpu.pipeline_mode<synchronous>, transform_indices = @transform_5, window_bounds = array<i64: 128, 128>}, {pipeline_mode = #tpu.pipeline_mode<synchronous>, transform_indices = @transform_6, window_bounds = array<i64: 1, 128>}, {pipeline_mode = #tpu.pipeline_mode<synchronous>, transform_indices = @transform_7, window_bounds = array<i64: 128, 128>}, {pipeline_mode = #tpu.pipeline_mode<synchronous>, transform_indices = @transform_8, window_bounds = array<i64: 1, 128>}, {pipeline_mode = #tpu.pipeline_mode<synchronous>, transform_indices = @transform_9, window_bounds = array<i64: 1, 128>}, {pipeline_mode = #tpu.pipeline_mode<synchronous>, transform_indices = @transform_10, window_bounds = array<i64: 64, 128>}, {transform_indices = @transform_11, window_bounds = array<i64: 1000, 128>}, {transform_indices = @transform_12, window_bounds = array<i64: 1000, 64>}]} {
    %get3A = arith.constant 0 : index
    %get3A_0 = arith.constant 0 : index
    %get3A_1 = vector.load %arg3[%get3A, %get3A_0] : memref<1000x16xf32, #tpu.memory_space<vmem>>, vector<1000x1xf32>
    %get3A_2 = arith.constant 0 : index
    %get3A_3 = arith.constant 0 : index
    %get3A_4 = vector.load %arg4[%get3A_2, %get3A_3] : memref<1000x16xf32, #tpu.memory_space<vmem>>, vector<1000x1xf32>
    %add3A = arith.addf %get3A_1, %get3A_4 : vector<1000x1xf32>
    %max3A = arith.constant 1.000000e+00 : f32
    %max3A_5 = vector.broadcast %max3A : f32 to vector<1000x1xf32>
    %max3A_6 = arith.maximumf %add3A, %max3A_5 : vector<1000x1xf32>
    %get3A_7 = arith.constant 0 : index
    %get3A_8 = arith.constant 0 : index
    %get3A_9 = vector.load %arg1[%get3A_7, %get3A_8] : memref<1000x128xf32, #tpu.memory_space<vmem>>, vector<1000x128xf32>
    %get3A_10 = arith.constant 0 : index
    %get3A_11 = arith.constant 0 : index
    %get3A_12 = vector.load %arg2[%get3A_10, %get3A_11] : memref<1000x128xf32, #tpu.memory_space<vmem>>, vector<1000x128xf32>
    %add3A_13 = arith.addf %get3A_9, %get3A_12 : vector<1000x128xf32>
    %div3A = vector.broadcast %max3A_6 : vector<1000x1xf32> to vector<1000x128xf32>
    %div3A_14 = arith.divf %add3A_13, %div3A : vector<1000x128xf32>
    %get3A_15 = arith.constant 0 : index
    %get3A_16 = arith.constant 0 : index
    %get3A_17 = vector.load %arg6[%get3A_15, %get3A_16] : memref<128x128xf32, #tpu.memory_space<vmem>>, vector<128x128xf32>
    %dot_general3A = arith.constant dense<0.000000e+00> : vector<1000x128xf32>
    %dot_general3A_18 = tpu.matmul %div3A_14, %get3A_17, %dot_general3A {dimension_numbers = #tpu.dot_dimension_numbers<[1], [1], [0], [0], [0, 0, 1, 0], [], []>, transpose_lhs_hint = false} : vector<1000x128xf32>, vector<128x128xf32>, vector<1000x128xf32> -> vector<1000x128xf32>
    %get3A_19 = arith.constant 0 : index
    %get3A_20 = arith.constant 0 : index
    %get3A_21 = vector.load %arg5[%get3A_19, %get3A_20] : memref<1000x128xf32, #tpu.memory_space<vmem>>, vector<1000x128xf32>
    %get3A_22 = arith.constant 0 : index
    %get3A_23 = arith.constant 0 : index
    %get3A_24 = vector.load %arg8[%get3A_22, %get3A_23] : memref<128x128xf32, #tpu.memory_space<vmem>>, vector<128x128xf32>
    %dot_general3A_25 = arith.constant dense<0.000000e+00> : vector<1000x128xf32>
    %dot_general3A_26 = tpu.matmul %get3A_21, %get3A_24, %dot_general3A_25 {dimension_numbers = #tpu.dot_dimension_numbers<[1], [1], [0], [0], [0, 0, 1, 0], [], []>, transpose_lhs_hint = false} : vector<1000x128xf32>, vector<128x128xf32>, vector<1000x128xf32> -> vector<1000x128xf32>
    %add3A_27 = arith.addf %dot_general3A_18, %dot_general3A_26 : vector<1000x128xf32>
    %get3A_28 = arith.constant 0 : index
    %get3A_29 = arith.constant 0 : index
    %get3A_30 = vector.load %arg7[%get3A_28, %get3A_29] : memref<1x128xf32, #tpu.memory_space<vmem>>, vector<1x128xf32>
    %add3A_31 = vector.broadcast %get3A_30 : vector<1x128xf32> to vector<1000x128xf32>
    %add3A_32 = arith.addf %add3A_27, %add3A_31 : vector<1000x128xf32>
    %get3A_33 = arith.constant 0 : index
    %get3A_34 = arith.constant 0 : index
    %get3A_35 = vector.load %arg9[%get3A_33, %get3A_34] : memref<1x128xf32, #tpu.memory_space<vmem>>, vector<1x128xf32>
    %get3A_36 = arith.constant 0 : index
    %get3A_37 = arith.constant 0 : index
    %get3A_38 = vector.load %arg10[%get3A_36, %get3A_37] : memref<1x128xf32, #tpu.memory_space<vmem>>, vector<1x128xf32>
    %reduce_sum3A = arith.constant dense<0.000000e+00> : vector<1000xf32>
    %reduce_sum3A_39 = vector.multi_reduction <add>, %add3A_32, %reduce_sum3A [1] : vector<1000x128xf32> to vector<1000xf32>
    %broadcast_in_dim3A = vector.shape_cast %reduce_sum3A_39 : vector<1000xf32> to vector<1000x1xf32>
    %div3A_40 = arith.constant 1.280000e+02 : f32
    %div3A_41 = vector.broadcast %div3A_40 : f32 to vector<1000x1xf32>
    %div3A_42 = arith.divf %broadcast_in_dim3A, %div3A_41 : vector<1000x1xf32>
    %sub3A = vector.broadcast %div3A_42 : vector<1000x1xf32> to vector<1000x128xf32>
    %sub3A_43 = arith.subf %add3A_32, %sub3A : vector<1000x128xf32>
    %sub3A_44 = vector.broadcast %div3A_42 : vector<1000x1xf32> to vector<1000x128xf32>
    %sub3A_45 = arith.subf %add3A_32, %sub3A_44 : vector<1000x128xf32>
    %mul3A = arith.mulf %sub3A_43, %sub3A_45 : vector<1000x128xf32>
    %reduce_sum3A_46 = arith.constant dense<0.000000e+00> : vector<1000xf32>
    %reduce_sum3A_47 = vector.multi_reduction <add>, %mul3A, %reduce_sum3A_46 [1] : vector<1000x128xf32> to vector<1000xf32>
    %broadcast_in_dim3A_48 = vector.shape_cast %reduce_sum3A_47 : vector<1000xf32> to vector<1000x1xf32>
    %div3A_49 = arith.constant 1.280000e+02 : f32
    %div3A_50 = vector.broadcast %div3A_49 : f32 to vector<1000x1xf32>
    %div3A_51 = arith.divf %broadcast_in_dim3A_48, %div3A_50 : vector<1000x1xf32>
    %sub3A_52 = vector.broadcast %div3A_42 : vector<1000x1xf32> to vector<1000x128xf32>
    %sub3A_53 = arith.subf %add3A_32, %sub3A_52 : vector<1000x128xf32>
    %add3A_54 = arith.constant 9.99999974E-6 : f32
    %add3A_55 = vector.broadcast %add3A_54 : f32 to vector<1000x1xf32>
    %add3A_56 = arith.addf %div3A_51, %add3A_55 : vector<1000x1xf32>
    %rsqrt3A = math.rsqrt %add3A_56 : vector<1000x1xf32>
    %mul3A_57 = vector.broadcast %rsqrt3A : vector<1000x1xf32> to vector<1000x128xf32>
    %mul3A_58 = arith.mulf %sub3A_53, %mul3A_57 : vector<1000x128xf32>
    %mul3A_59 = vector.broadcast %get3A_35 : vector<1x128xf32> to vector<1000x128xf32>
    %mul3A_60 = arith.mulf %mul3A_58, %mul3A_59 : vector<1000x128xf32>
    %add3A_61 = vector.broadcast %get3A_38 : vector<1x128xf32> to vector<1000x128xf32>
    %add3A_62 = arith.addf %mul3A_60, %add3A_61 : vector<1000x128xf32>
    %mul3A_63 = arith.constant 5.000000e-01 : f32
    %mul3A_64 = vector.broadcast %mul3A_63 : f32 to vector<1000x128xf32>
    %mul3A_65 = arith.mulf %mul3A_64, %add3A_62 : vector<1000x128xf32>
    %div3A_66 = arith.constant 1.41421354 : f32
    %div3A_67 = vector.broadcast %div3A_66 : f32 to vector<1000x128xf32>
    %div3A_68 = arith.divf %add3A_62, %div3A_67 : vector<1000x128xf32>
    %erf3A = math.erf %div3A_68 : vector<1000x128xf32>
    %add3A_69 = arith.constant 1.000000e+00 : f32
    %add3A_70 = vector.broadcast %add3A_69 : f32 to vector<1000x128xf32>
    %add3A_71 = arith.addf %add3A_70, %erf3A : vector<1000x128xf32>
    %mul3A_72 = arith.mulf %mul3A_65, %add3A_71 : vector<1000x128xf32>
    %get3A_73 = arith.constant 0 : index
    %get3A_74 = arith.constant 0 : index
    %get3A_75 = vector.load %arg5[%get3A_73, %get3A_74] : memref<1000x128xf32, #tpu.memory_space<vmem>>, vector<1000x128xf32>
    %add3A_76 = arith.addf %mul3A_72, %get3A_75 : vector<1000x128xf32>
    %swap3A = arith.constant 0 : index
    %swap3A_77 = arith.constant 0 : index
    %swap3A_78 = vector.load %arg12[%swap3A, %swap3A_77] : memref<1000x128xf32, #tpu.memory_space<vmem>>, vector<1000x128xf32>
    tpu.vector_store %arg12[%swap3A, %swap3A_77], %add3A_76 {strides = array<i32>} : memref<1000x128xf32, #tpu.memory_space<vmem>>, vector<1000x128xf32>,
    %get3A_79 = arith.constant 0 : index
    %get3A_80 = arith.constant 0 : index
    %get3A_81 = vector.load %arg11[%get3A_79, %get3A_80] : memref<64x128xf32, #tpu.memory_space<vmem>>, vector<64x128xf32>
    %dot_general3A_82 = arith.constant dense<0.000000e+00> : vector<1000x64xf32>
    %dot_general3A_83 = tpu.matmul %add3A_76, %get3A_81, %dot_general3A_82 {dimension_numbers = #tpu.dot_dimension_numbers<[1], [1], [0], [0], [0, 0, 1, 0], [], []>, transpose_lhs_hint = false} : vector<1000x128xf32>, vector<64x128xf32>, vector<1000x64xf32> -> vector<1000x64xf32>
    %swap3A_84 = arith.constant 0 : index
    %swap3A_85 = arith.constant 0 : index
    %swap3A_86 = vector.load %arg13[%swap3A_84, %swap3A_85] : memref<1000x64xf32, #tpu.memory_space<vmem>>, vector<1000x64xf32>
    tpu.vector_store %arg13[%swap3A_84, %swap3A_85], %dot_general3A_83 {strides = array<i32>} : memref<1000x64xf32, #tpu.memory_space<vmem>>, vector<1000x64xf32>,
    return
  }
  func.func @transform_0(%arg0: i32) -> (i32, i32) {
    %c0_i32 = arith.constant 0 : i32
    %c0_i32_0 = arith.constant 0 : i32
    return %arg0, %c0_i32 : i32, i32
  }
  func.func @transform_1(%arg0: i32) -> (i32, i32) {
    %c0_i32 = arith.constant 0 : i32
    %c0_i32_0 = arith.constant 0 : i32
    return %arg0, %c0_i32 : i32, i32
  }
  func.func @transform_2(%arg0: i32) -> (i32, i32) {
    %c0_i32 = arith.constant 0 : i32
    %c0_i32_0 = arith.constant 0 : i32
    return %arg0, %c0_i32 : i32, i32
  }
  func.func @transform_3(%arg0: i32) -> (i32, i32) {
    %c0_i32 = arith.constant 0 : i32
    %c0_i32_0 = arith.constant 0 : i32
    return %arg0, %c0_i32 : i32, i32
  }
  func.func @transform_4(%arg0: i32) -> (i32, i32) {
    %c0_i32 = arith.constant 0 : i32
    %c0_i32_0 = arith.constant 0 : i32
    return %arg0, %c0_i32 : i32, i32
  }
  func.func @transform_5(%arg0: i32) -> (i32, i32) {
    %c0_i32 = arith.constant 0 : i32
    %c0_i32_0 = arith.constant 0 : i32
    %c0_i32_1 = arith.constant 0 : i32
    return %c0_i32, %c0_i32_0 : i32, i32
  }
  func.func @transform_6(%arg0: i32) -> (i32, i32) {
    %c0_i32 = arith.constant 0 : i32
    %c0_i32_0 = arith.constant 0 : i32
    %c0_i32_1 = arith.constant 0 : i32
    return %c0_i32, %c0_i32_0 : i32, i32
  }
  func.func @transform_7(%arg0: i32) -> (i32, i32) {
    %c0_i32 = arith.constant 0 : i32
    %c0_i32_0 = arith.constant 0 : i32
    %c0_i32_1 = arith.constant 0 : i32
    return %c0_i32, %c0_i32_0 : i32, i32
  }
  func.func @transform_8(%arg0: i32) -> (i32, i32) {
    %c0_i32 = arith.constant 0 : i32
    %c0_i32_0 = arith.constant 0 : i32
    %c0_i32_1 = arith.constant 0 : i32
    return %c0_i32, %c0_i32_0 : i32, i32
  }
  func.func @transform_9(%arg0: i32) -> (i32, i32) {
    %c0_i32 = arith.constant 0 : i32
    %c0_i32_0 = arith.constant 0 : i32
    %c0_i32_1 = arith.constant 0 : i32
    return %c0_i32, %c0_i32_0 : i32, i32
  }
  func.func @transform_10(%arg0: i32) -> (i32, i32) {
    %c0_i32 = arith.constant 0 : i32
    %c0_i32_0 = arith.constant 0 : i32
    %c0_i32_1 = arith.constant 0 : i32
    return %c0_i32, %c0_i32_0 : i32, i32
  }
  func.func @transform_11(%arg0: i32) -> (i32, i32) {
    %c0_i32 = arith.constant 0 : i32
    %c0_i32_0 = arith.constant 0 : i32
    return %arg0, %c0_i32 : i32, i32
  }
  func.func @transform_12(%arg0: i32) -> (i32, i32) {
    %c0_i32 = arith.constant 0 : i32
    %c0_i32_0 = arith.constant 0 : i32
    return %arg0, %c0_i32 : i32, i32
  }
}

module attributes {stable_mosaic.version = 14 : i64} {
  func.func @_tc3_body(%arg0: i32, %arg1: memref<1000x64xf32, #tpu.memory_space<vmem>>, %arg2: memref<1000x64xf32, #tpu.memory_space<vmem>>, %arg3: memref<1000x16xf32, #tpu.memory_space<vmem>>, %arg4: memref<1000x16xf32, #tpu.memory_space<vmem>>, %arg5: memref<1000x128xf32, #tpu.memory_space<vmem>>, %arg6: memref<64x128xf32, #tpu.memory_space<vmem>>, %arg7: memref<1x64xf32, #tpu.memory_space<vmem>>, %arg8: memref<1x64xf32, #tpu.memory_space<vmem>>, %arg9: memref<1x64xf32, #tpu.memory_space<vmem>>, %arg10: memref<16x64xf32, #tpu.memory_space<vmem>>, %arg11: memref<1x16xf32, #tpu.memory_space<vmem>>, %arg12: memref<1000x16xf32, #tpu.memory_space<vmem>>) attributes {dimension_semantics = [#tpu.dimension_semantics<arbitrary>], iteration_bounds = array<i64: 10>, scalar_prefetch = 0 : i64, scratch_operands = 0 : i64, tpu.core_type = #tpu.core_type<tc>, window_params = [{transform_indices = @transform_0, window_bounds = array<i64: 1000, 64>}, {transform_indices = @transform_1, window_bounds = array<i64: 1000, 64>}, {transform_indices = @transform_2, window_bounds = array<i64: 1000, 16>}, {transform_indices = @transform_3, window_bounds = array<i64: 1000, 16>}, {transform_indices = @transform_4, window_bounds = array<i64: 1000, 128>}, {pipeline_mode = #tpu.pipeline_mode<synchronous>, transform_indices = @transform_5, window_bounds = array<i64: 64, 128>}, {pipeline_mode = #tpu.pipeline_mode<synchronous>, transform_indices = @transform_6, window_bounds = array<i64: 1, 64>}, {pipeline_mode = #tpu.pipeline_mode<synchronous>, transform_indices = @transform_7, window_bounds = array<i64: 1, 64>}, {pipeline_mode = #tpu.pipeline_mode<synchronous>, transform_indices = @transform_8, window_bounds = array<i64: 1, 64>}, {pipeline_mode = #tpu.pipeline_mode<synchronous>, transform_indices = @transform_9, window_bounds = array<i64: 16, 64>}, {pipeline_mode = #tpu.pipeline_mode<synchronous>, transform_indices = @transform_10, window_bounds = array<i64: 1, 16>}, {transform_indices = @transform_11, window_bounds = array<i64: 1000, 16>}]} {
    %get3A = arith.constant 0 : index
    %get3A_0 = arith.constant 0 : index
    %get3A_1 = vector.load %arg3[%get3A, %get3A_0] : memref<1000x16xf32, #tpu.memory_space<vmem>>, vector<1000x1xf32>
    %get3A_2 = arith.constant 0 : index
    %get3A_3 = arith.constant 0 : index
    %get3A_4 = vector.load %arg4[%get3A_2, %get3A_3] : memref<1000x16xf32, #tpu.memory_space<vmem>>, vector<1000x1xf32>
    %add3A = arith.addf %get3A_1, %get3A_4 : vector<1000x1xf32>
    %max3A = arith.constant 1.000000e+00 : f32
    %max3A_5 = vector.broadcast %max3A : f32 to vector<1000x1xf32>
    %max3A_6 = arith.maximumf %add3A, %max3A_5 : vector<1000x1xf32>
    %get3A_7 = arith.constant 0 : index
    %get3A_8 = arith.constant 0 : index
    %get3A_9 = vector.load %arg1[%get3A_7, %get3A_8] : memref<1000x64xf32, #tpu.memory_space<vmem>>, vector<1000x64xf32>
    %get3A_10 = arith.constant 0 : index
    %get3A_11 = arith.constant 0 : index
    %get3A_12 = vector.load %arg2[%get3A_10, %get3A_11] : memref<1000x64xf32, #tpu.memory_space<vmem>>, vector<1000x64xf32>
    %add3A_13 = arith.addf %get3A_9, %get3A_12 : vector<1000x64xf32>
    %div3A = vector.broadcast %max3A_6 : vector<1000x1xf32> to vector<1000x64xf32>
    %div3A_14 = arith.divf %add3A_13, %div3A : vector<1000x64xf32>
    %get3A_15 = arith.constant 0 : index
    %get3A_16 = arith.constant 0 : index
    %get3A_17 = vector.load %arg7[%get3A_15, %get3A_16] : memref<1x64xf32, #tpu.memory_space<vmem>>, vector<1x64xf32>
    %add3A_18 = vector.broadcast %get3A_17 : vector<1x64xf32> to vector<1000x64xf32>
    %add3A_19 = arith.addf %div3A_14, %add3A_18 : vector<1000x64xf32>
    %get3A_20 = arith.constant 0 : index
    %get3A_21 = arith.constant 0 : index
    %get3A_22 = vector.load %arg5[%get3A_20, %get3A_21] : memref<1000x128xf32, #tpu.memory_space<vmem>>, vector<1000x128xf32>
    %get3A_23 = arith.constant 0 : index
    %get3A_24 = arith.constant 0 : index
    %get3A_25 = vector.load %arg6[%get3A_23, %get3A_24] : memref<64x128xf32, #tpu.memory_space<vmem>>, vector<64x128xf32>
    %dot_general3A = arith.constant dense<0.000000e+00> : vector<1000x64xf32>
    %dot_general3A_26 = tpu.matmul %get3A_22, %get3A_25, %dot_general3A {dimension_numbers = #tpu.dot_dimension_numbers<[1], [1], [0], [0], [0, 0, 1, 0], [], []>, transpose_lhs_hint = false} : vector<1000x128xf32>, vector<64x128xf32>, vector<1000x64xf32> -> vector<1000x64xf32>
    %add3A_27 = arith.addf %add3A_19, %dot_general3A_26 : vector<1000x64xf32>
    %mul3A = arith.constant 5.000000e-01 : f32
    %mul3A_28 = vector.broadcast %mul3A : f32 to vector<1000x64xf32>
    %mul3A_29 = arith.mulf %mul3A_28, %add3A_27 : vector<1000x64xf32>
    %div3A_30 = arith.constant 1.41421354 : f32
    %div3A_31 = vector.broadcast %div3A_30 : f32 to vector<1000x64xf32>
    %div3A_32 = arith.divf %add3A_27, %div3A_31 : vector<1000x64xf32>
    %erf3A = math.erf %div3A_32 : vector<1000x64xf32>
    %add3A_33 = arith.constant 1.000000e+00 : f32
    %add3A_34 = vector.broadcast %add3A_33 : f32 to vector<1000x64xf32>
    %add3A_35 = arith.addf %add3A_34, %erf3A : vector<1000x64xf32>
    %mul3A_36 = arith.mulf %mul3A_29, %add3A_35 : vector<1000x64xf32>
    %get3A_37 = arith.constant 0 : index
    %get3A_38 = arith.constant 0 : index
    %get3A_39 = vector.load %arg8[%get3A_37, %get3A_38] : memref<1x64xf32, #tpu.memory_space<vmem>>, vector<1x64xf32>
    %get3A_40 = arith.constant 0 : index
    %get3A_41 = arith.constant 0 : index
    %get3A_42 = vector.load %arg9[%get3A_40, %get3A_41] : memref<1x64xf32, #tpu.memory_space<vmem>>, vector<1x64xf32>
    %reduce_sum3A = arith.constant dense<0.000000e+00> : vector<1000xf32>
    %reduce_sum3A_43 = vector.multi_reduction <add>, %mul3A_36, %reduce_sum3A [1] : vector<1000x64xf32> to vector<1000xf32>
    %broadcast_in_dim3A = vector.shape_cast %reduce_sum3A_43 : vector<1000xf32> to vector<1000x1xf32>
    %div3A_44 = arith.constant 6.400000e+01 : f32
    %div3A_45 = vector.broadcast %div3A_44 : f32 to vector<1000x1xf32>
    %div3A_46 = arith.divf %broadcast_in_dim3A, %div3A_45 : vector<1000x1xf32>
    %sub3A = vector.broadcast %div3A_46 : vector<1000x1xf32> to vector<1000x64xf32>
    %sub3A_47 = arith.subf %mul3A_36, %sub3A : vector<1000x64xf32>
    %sub3A_48 = vector.broadcast %div3A_46 : vector<1000x1xf32> to vector<1000x64xf32>
    %sub3A_49 = arith.subf %mul3A_36, %sub3A_48 : vector<1000x64xf32>
    %mul3A_50 = arith.mulf %sub3A_47, %sub3A_49 : vector<1000x64xf32>
    %reduce_sum3A_51 = arith.constant dense<0.000000e+00> : vector<1000xf32>
    %reduce_sum3A_52 = vector.multi_reduction <add>, %mul3A_50, %reduce_sum3A_51 [1] : vector<1000x64xf32> to vector<1000xf32>
    %broadcast_in_dim3A_53 = vector.shape_cast %reduce_sum3A_52 : vector<1000xf32> to vector<1000x1xf32>
    %div3A_54 = arith.constant 6.400000e+01 : f32
    %div3A_55 = vector.broadcast %div3A_54 : f32 to vector<1000x1xf32>
    %div3A_56 = arith.divf %broadcast_in_dim3A_53, %div3A_55 : vector<1000x1xf32>
    %sub3A_57 = vector.broadcast %div3A_46 : vector<1000x1xf32> to vector<1000x64xf32>
    %sub3A_58 = arith.subf %mul3A_36, %sub3A_57 : vector<1000x64xf32>
    %add3A_59 = arith.constant 9.99999974E-6 : f32
    %add3A_60 = vector.broadcast %add3A_59 : f32 to vector<1000x1xf32>
    %add3A_61 = arith.addf %div3A_56, %add3A_60 : vector<1000x1xf32>
    %rsqrt3A = math.rsqrt %add3A_61 : vector<1000x1xf32>
    %mul3A_62 = vector.broadcast %rsqrt3A : vector<1000x1xf32> to vector<1000x64xf32>
    %mul3A_63 = arith.mulf %sub3A_58, %mul3A_62 : vector<1000x64xf32>
    %mul3A_64 = vector.broadcast %get3A_39 : vector<1x64xf32> to vector<1000x64xf32>
    %mul3A_65 = arith.mulf %mul3A_63, %mul3A_64 : vector<1000x64xf32>
    %add3A_66 = vector.broadcast %get3A_42 : vector<1x64xf32> to vector<1000x64xf32>
    %add3A_67 = arith.addf %mul3A_65, %add3A_66 : vector<1000x64xf32>
    %get3A_68 = arith.constant 0 : index
    %get3A_69 = arith.constant 0 : index
    %get3A_70 = vector.load %arg10[%get3A_68, %get3A_69] : memref<16x64xf32, #tpu.memory_space<vmem>>, vector<16x64xf32>
    %dot_general3A_71 = arith.constant dense<0.000000e+00> : vector<1000x16xf32>
    %dot_general3A_72 = tpu.matmul %add3A_67, %get3A_70, %dot_general3A_71 {dimension_numbers = #tpu.dot_dimension_numbers<[1], [1], [0], [0], [0, 0, 1, 0], [], []>, transpose_lhs_hint = false} : vector<1000x64xf32>, vector<16x64xf32>, vector<1000x16xf32> -> vector<1000x16xf32>
    %get3A_73 = arith.constant 0 : index
    %get3A_74 = arith.constant 0 : index
    %get3A_75 = vector.load %arg11[%get3A_73, %get3A_74] : memref<1x16xf32, #tpu.memory_space<vmem>>, vector<1x16xf32>
    %add3A_76 = vector.broadcast %get3A_75 : vector<1x16xf32> to vector<1000x16xf32>
    %add3A_77 = arith.addf %dot_general3A_72, %add3A_76 : vector<1000x16xf32>
    %swap3A = arith.constant 0 : index
    %swap3A_78 = arith.constant 0 : index
    %swap3A_79 = vector.load %arg12[%swap3A, %swap3A_78] : memref<1000x16xf32, #tpu.memory_space<vmem>>, vector<1000x16xf32>
    tpu.vector_store %arg12[%swap3A, %swap3A_78], %add3A_77 {strides = array<i32>} : memref<1000x16xf32, #tpu.memory_space<vmem>>, vector<1000x16xf32>,
    return
  }
  func.func @transform_0(%arg0: i32) -> (i32, i32) {
    %c0_i32 = arith.constant 0 : i32
    %c0_i32_0 = arith.constant 0 : i32
    return %arg0, %c0_i32 : i32, i32
  }
  func.func @transform_1(%arg0: i32) -> (i32, i32) {
    %c0_i32 = arith.constant 0 : i32
    %c0_i32_0 = arith.constant 0 : i32
    return %arg0, %c0_i32 : i32, i32
  }
  func.func @transform_2(%arg0: i32) -> (i32, i32) {
    %c0_i32 = arith.constant 0 : i32
    %c0_i32_0 = arith.constant 0 : i32
    return %arg0, %c0_i32 : i32, i32
  }
  func.func @transform_3(%arg0: i32) -> (i32, i32) {
    %c0_i32 = arith.constant 0 : i32
    %c0_i32_0 = arith.constant 0 : i32
    return %arg0, %c0_i32 : i32, i32
  }
  func.func @transform_4(%arg0: i32) -> (i32, i32) {
    %c0_i32 = arith.constant 0 : i32
    %c0_i32_0 = arith.constant 0 : i32
    return %arg0, %c0_i32 : i32, i32
  }
  func.func @transform_5(%arg0: i32) -> (i32, i32) {
    %c0_i32 = arith.constant 0 : i32
    %c0_i32_0 = arith.constant 0 : i32
    %c0_i32_1 = arith.constant 0 : i32
    return %c0_i32, %c0_i32_0 : i32, i32
  }
  func.func @transform_6(%arg0: i32) -> (i32, i32) {
    %c0_i32 = arith.constant 0 : i32
    %c0_i32_0 = arith.constant 0 : i32
    %c0_i32_1 = arith.constant 0 : i32
    return %c0_i32, %c0_i32_0 : i32, i32
  }
  func.func @transform_7(%arg0: i32) -> (i32, i32) {
    %c0_i32 = arith.constant 0 : i32
    %c0_i32_0 = arith.constant 0 : i32
    %c0_i32_1 = arith.constant 0 : i32
    return %c0_i32, %c0_i32_0 : i32, i32
  }
  func.func @transform_8(%arg0: i32) -> (i32, i32) {
    %c0_i32 = arith.constant 0 : i32
    %c0_i32_0 = arith.constant 0 : i32
    %c0_i32_1 = arith.constant 0 : i32
    return %c0_i32, %c0_i32_0 : i32, i32
  }
  func.func @transform_9(%arg0: i32) -> (i32, i32) {
    %c0_i32 = arith.constant 0 : i32
    %c0_i32_0 = arith.constant 0 : i32
    %c0_i32_1 = arith.constant 0 : i32
    return %c0_i32, %c0_i32_0 : i32, i32
  }
  func.func @transform_10(%arg0: i32) -> (i32, i32) {
    %c0_i32 = arith.constant 0 : i32
    %c0_i32_0 = arith.constant 0 : i32
    %c0_i32_1 = arith.constant 0 : i32
    return %c0_i32, %c0_i32_0 : i32, i32
  }
  func.func @transform_11(%arg0: i32) -> (i32, i32) {
    %c0_i32 = arith.constant 0 : i32
    %c0_i32_0 = arith.constant 0 : i32
    return %arg0, %c0_i32 : i32, i32
  }
}

</mosaic_0001>

<sc_bundles>
// kernel: kernel.12.cloned.1.call-start
scs
__scs_entry_jumppad:
0x0: {  	(pc) =	sbr.rel $0x88, $3  }
0x1: {  	(tag) =	ssettag $0x0;
	lr =	simm.s32 $0x1  }
0x2: {  	[smem:$0x3F8E] =	sst lr;
	_ =	strace $0xD0000000  }
0x3: {  	_ = 	snop  }
0x4: {  	_ = 	snop  }
0x5: {  	_ = 	snop  }
0x6: {  	_ = 	snop  }
0x7: {  	_ = 	snop  }
__scs_overlays_trampoline_lowered:
0x8: {  	[smem:$0x3F9D] =	sst s0  }
0x9: {  	[smem:$0x3F9E] =	sst s1  }
0xa: {  	[smem:$0x3F9F] =	sst s2  }
0xb: {  	[smem:$0x3FA0] =	sst s3  }
0xc: {  	[smem:$0x3FA1] =	sst s4  }
0xd: {  	[smem:$0x3FA2] =	sst s5  }
0xe: {  	[smem:$0x3FA3] =	sst s6  }
0xf: {  	[smem:$0x3FA4] =	sst s7  }
0x10: {  	[smem:$0x3FA5] =	sst s8  }
0x11: {  	[smem:$0x3FA6] =	sst s9;
	s0 =	simm.s32 @!p0 $0x0  }
0x12: {  	s1 =	sld [smem:$0x3F8C];
	s0 =	simm.s32 @p0 $0x1  }
0x13: {  	[smem:$0x3FA7] =	sst s0;
	s0 =	simm.s32 @!p1 $0x0  }
0x14: {  	s2 =	sld [smem:$0x3F8B];
	s0 =	simm.s32 @p1 $0x1  }
0x15: {  	[smem:$0x3FA8] =	sst s0;
	s0 =	simm.s32 @!p2 $0x0  }
0x16: {  	s3 =	sld [smem:$0x3FDB];
	s0 =	simm.s32 @p2 $0x1  }
0x17: {  	s4 =	simm.s32 $0x1BF5;
	[smem:$0x3FAA] =	sst s0  }
0x18: {  	s0 =	sld [smem:$0x3F8D];
	_ =	swait.ge [sflag:s4], $0x0  }
0x19: {  	s7 =	sld [smem:$0x3F8E]  }
0x1a: {  	s8 =	sadd.s32 $0xFFFFE003, lr  }
0x1b: {  	s9 =	sadd.s32 $0xFFFFFEF7, lr;
	s5 =	simm.s32 $0xFFFFFFFF;
	p2 =	slt.u32 s8, $0xFFFFF086  }
0x1c: {  	p1 =	slt.u32 s9, $0xF7A;
	s5 =	simm.s32 @!p2 $0x0  }
0x1d: {  	s5 =	simm.s32 @p1 $0x1;
	p0 =	seq.s32 s7, s2  }
0x1e: {  	s7 =	smul.u32 @!p0 $0xF7A, s2;
	p2 =	seq.s32 @!p0 s5, $0x0  }
0x1f: {  	s9 =	smul.u32 $0xF7A, s1;
	s8 =	simm.s32 @!p0 $0x1BF5;
	p2 =	por !p2, p0  }
0x20: {  	[sflag:s8] =	ssyncset.s32 @!p0 $0xFFFFF086;
	s6 =	sadd.s32 @!p0 s3, s7;
	s7 =	simm.s32 @!p0 $0x108  }
0x21: {  	s3 =	sadd.s32 s3, s9;
	s6 =	sadd.s32 @!p0 $0x88, s6;
	s7 =	simm.s32 @p2 $0x1082  }
0x22: {  	[simem:s7], [sflag:s8] =	dma.local @!p0 [hbm:s6], $0xF7A  }
0x23: {  	s9 =	sor.u32 $0xD0000000, s2;
	s6 =	simm.s32 $0x108;
	_ =	swait.ge @!p0 [sflag:s8], $0x0  }
0x24: {  	s3 =	sadd.s32 $0x88, s3;
	s6 =	simm.s32 @!p1 $0x1082;
	[sflag:s4] =	ssyncset.s32 $0xFFFFF086  }
0x25: {  	[simem:s6], [sflag:s4] =	dma.local [hbm:s3], $0xF7A  }
0x26: {  	[smem:$0x3F8E] =	sst s1;
	(tag) =	ssettag s2;
	_ =	strace s9  }
0x27: {  	s1 =	sld [smem:$0x3F9E]  }
0x28: {  	s2 =	sld [smem:$0x3F9F]  }
0x29: {  	s4 =	sld [smem:$0x3FA1]  }
0x2a: {  	p0 =	seq.s32 s5, $0x0;
	s5 =	sld [smem:$0x3FA2]  }
0x2b: {  	s6 =	sld [smem:$0x3FA3]  }
0x2c: {  	s7 =	sld [smem:$0x3FA4]  }
0x2d: {  	s3 =	simm.s32 $0x108;
	s8 =	sld [smem:$0x3FA5]  }
0x2e: {  	s3 =	simm.s32 @!p0 $0x1082;
	s9 =	sld [smem:$0x3FA6]  }
0x2f: {  	lr =	sadd.s32 s0, s3;
	s0 =	sld [smem:$0x3F9D]  }
0x30: {  	s3 =	sld [smem:$0x3FA0]  }
0x31: {  	[smem:$0x3FA9] =	sst s10  }
0x32: {  	s10 =	sld [smem:$0x3FA7];
	_ =	sdelay $0x3  }
0x33: {  	p0 =	seq.s32 s10, $0x1;
	s10 =	sld [smem:$0x3FA9];
	_ =	sdelay $0x3  }
0x34: {  	[smem:$0x3FA9] =	sst s10  }
0x35: {  	s10 =	sld [smem:$0x3FA8];
	_ =	sdelay $0x3  }
0x36: {  	p1 =	seq.s32 s10, $0x1;
	s10 =	sld [smem:$0x3FA9];
	_ =	sdelay $0x3  }
0x37: {  	[smem:$0x3FA9] =	sst s10  }
0x38: {  	s10 =	sld [smem:$0x3FAA]  }
0x39: {  	_ = 	snop;
	(pc) =	sbr.ind lr, $3  }
0x3a: {  	_ = 	snop  }
0x3b: {  	_ = 	snop  }
0x3c: {  	p2 =	seq.s32 s10, $0x1;
	s10 =	sld [smem:$0x3FA9]  }
0x3d: {  	_ =	shalt  }
0x3e: {  	_ =	shalt  }
0x3f: {  	_ =	shalt  }
0x40: {  	_ =	shalt  }
0x41: {  	_ =	shalt  }
0x42: {  	_ =	shalt  }
0x43: {  	_ =	shalt  }
0x44: {  	_ =	shalt  }
0x45: {  	_ =	shalt  }
0x46: {  	_ =	shalt  }
0x47: {  	_ =	shalt  }
0x48: {  	_ =	shalt  }
0x49: {  	_ =	shalt  }
0x4a: {  	_ =	shalt  }
0x4b: {  	_ =	shalt  }
0x4c: {  	_ =	shalt  }
0x4d: {  	_ =	shalt  }
0x4e: {  	_ =	shalt  }
0x4f: {  	_ =	shalt  }
0x50: {  	_ =	shalt  }
0x51: {  	_ =	shalt  }
0x52: {  	_ =	shalt  }
0x53: {  	_ =	shalt  }
0x54: {  	_ =	shalt  }
0x55: {  	_ =	shalt  }
0x56: {  	_ =	shalt  }
0x57: {  	_ =	shalt  }
0x58: {  	_ =	shalt  }
0x59: {  	_ =	shalt  }
0x5a: {  	_ =	shalt  }
0x5b: {  	_ =	shalt  }
0x5c: {  	_ =	shalt  }
0x5d: {  	_ =	shalt  }
0x5e: {  	_ =	shalt  }
0x5f: {  	_ =	shalt  }
0x60: {  	_ =	shalt  }
0x61: {  	_ =	shalt  }
0x62: {  	_ =	shalt  }
0x63: {  	_ =	shalt  }
0x64: {  	_ =	shalt  }
0x65: {  	_ =	shalt  }
0x66: {  	_ =	shalt  }
0x67: {  	_ =	shalt  }
0x68: {  	_ =	shalt  }
0x69: {  	_ =	shalt  }
0x6a: {  	_ =	shalt  }
0x6b: {  	_ =	shalt  }
0x6c: {  	_ =	shalt  }
0x6d: {  	_ =	shalt  }
0x6e: {  	_ =	shalt  }
0x6f: {  	_ =	shalt  }
0x70: {  	_ =	shalt  }
0x71: {  	_ =	shalt  }
0x72: {  	_ =	shalt  }
0x73: {  	_ =	shalt  }
0x74: {  	_ =	shalt  }
0x75: {  	_ =	shalt  }
0x76: {  	_ =	shalt  }
0x77: {  	_ =	shalt  }
0x78: {  	_ =	shalt  }
0x79: {  	_ =	shalt  }
0x7a: {  	_ =	shalt  }
0x7b: {  	_ =	shalt  }
0x7c: {  	_ =	shalt  }
0x7d: {  	_ =	shalt  }
0x7e: {  	_ =	shalt  }
0x7f: {  	_ =	shalt  }
0x80: {  	_ =	shalt  }
0x81: {  	_ =	shalt  }
0x82: {  	_ =	shalt  }
0x83: {  	_ =	shalt  }
0x84: {  	_ =	shalt  }
0x85: {  	_ =	shalt  }
0x86: {  	_ =	shalt  }
0x87: {  	_ =	shalt  }
.Lfunc_end0:
.L_simem_size_0:
called_computation.1_lowered:
.L_overlay_start_0:
0x88: {  	s2 =	sld [smem:$0x3FD9]  }
0x89: {  	s3 =	sld [smem:$0x3FFE];
	_ =	sdelay $0x1  }
0x8a: {  	s1 =	srdreg.scid  }
0x8b: {  	s0 =	sand.u32 $0x1, s1  }
0x8c: {  	s17 =	sshll.u32 s0, $0xA;
	s2 =	sadd.s32 s3, s2  }
0x8d: {  	s2 =	sadd.s32 s2, s17  }
0x8e: {  	[smem:$0x3FB5] =	sst s2  }
0x8f: {  	_ = 	snop  }
0x90: {  	s4 =	sld [smem:$0x3FC9]  }
0x91: {  	s18 =	sld [smem:$0x3FD0];
	(tm) =	ssettm $0x1  }
0x92: {  	s19 =	sld [smem:$0x3FFB];
	_ =	sdelay $0x3  }
0x93: {  	_ =	strace s19  }
0x94: {  	s2 =	sld [smem:$0x3FFC];
	_ =	sdelay $0x3  }
0x95: {  	_ =	strace s2  }
0x96: {  	s2 =	sld [smem:$0x3FFD];
	_ =	sdelay $0x3  }
0x97: {  	_ =	strace s2  }
0x98: {  	_ =	strace $0x8FFFFFFF  }
0x99: {  	s20 =	sld [smem:$0x3FDB];
	_ =	sdelay $0x1  }
0x9a: {  	s5 =	simm.s32 $_scs_section_size  }
0x9b: {  	s6 =	simm.s32 $_size__tile_overlayer_lowered;
	s7 =	simm.s32 $_tile_overlayer_lowered  }
0x9c: {  	s8 =	simm.s32 $0x1BFF;
	s21 =	sshll.u32 s7, $0x1;
	s5 =	sadd.s32 s5, s20  }
0x9d: {  	s22 =	simm.s32 $0x0;
	s6 =	sshll.u32 s6, $0x1;
	s7 =	sadd.s32 s21, s5  }
0x9e: {  	[timem:s22], [sflag:s8] =	dma.local [hbm:s7], s6  }
0x9f: {  	_ =	swait.ge [sflag:s8], s6  }
0xa0: {  	s6 =	ssub.s32 $0x0, s6;
	[sflag:s8] =	ssyncset.done $0x0  }
0xa1: {  	[sflag:s8] =	ssyncadd.s32 s6;
	_ =	sdelay $0x1  }
0xa2: {  	s23 =	simm.s32 $0x1B8B  }
0xa3: {  	_ =	swait.ge [sflag:s23], $0x1  }
0xa4: {  	[sflag:s23] =	ssyncset.done $0x0  }
0xa5: {  	[sflag:s23] =	ssyncadd.s32 $0xFFFFFFFF  }
0xa6: {  	s6 =	sld [smem:$0x0]  }
0xa7: {  	s7 =	sand.u32 $0xFFFFFFFE, s1  }
0xa8: {  	p0 =	sne.s32 s1, s7  }
0xa9: {  	s7 =	sshll.u32 @p0 s7, $0xE  }
0xaa: {  	s7 =	sadd.s32 @p0 $0x11B8D, s7;
	s8 =	sshll.u32 @p0 s6, $0x11  }
0xab: {  	s7 =	sor.u32 @p0 s8, s7  }
0xac: {  	[sflag:s7] =	ssyncadd.remote.s32 @p0 $0x1;
	_ =	sdelay $0x1  }
0xad: {  	s7 =	simm.s32 @p0 $0x1B8D  }
0xae: {  	_ =	swait.eq @p0 [sflag:s7], $0x1  }
0xaf: {  	[sflag:s7] =	ssyncadd.s32 @p0 $0xFFFFFFFF  }
0xb0: {  	s8 =	sshll.u32 @!p0 s1, $0xE  }
0xb1: {  	s8 =	sor.u32 @!p0 $0x4000, s8;
	s7 =	simm.s32 @!p0 $0x1B8D  }
0xb2: {  	s6 =	sshll.u32 @!p0 s6, $0x11;
	s8 =	sadd.s32 @!p0 $0x11B8D, s8;
	_ =	swait.eq @!p0 [sflag:s7], $0x1  }
0xb3: {  	s6 =	sor.u32 @!p0 s6, s8;
	[sflag:s7] =	ssyncadd.s32 @!p0 $0xFFFFFFFF  }
0xb4: {  	s25 =	simm.s32 $0x1B8E;
	s24 =	sld [smem:$0x3FFE];
	[sflag:s6] =	ssyncadd.remote.s32 @!p0 $0x1  }
0xb5: {  	s26 =	simm.s32 $execute0_lowered;
	[smem:$0x3FD2] =	sst s25  }
0xb6: {  	s7 =	sshll.u32 s26, $0x1;
	_ =	strace $0x80000049;
	[dreg:$0x1] =	wrdreg $0xFFFFFFFF  }
0xb7: {  	s28 =	simm.s32 $_size_execute0_lowered;
	s5 =	sadd.s32 s5, s7;
	[dreg:$0x0] =	wrdreg $0x0  }
0xb8: {  	s7 =	sshll.u32 s28, $0x1;
	[dreg:$0x2] =	wrdreg s5  }
0xb9: {  	[dreg:$0x3] =	wrdreg s7  }
0xba: {  	[dreg:$0x4] =	wrdreg $0xC0  }
0xbb: {  	_ =	task [dreg:s22], $0x5FFFF  }
0xbc: {  	[dreg:$0x1] =	wrdreg $0xFFFFFFFF  }
0xbd: {  	[dreg:$0x0] =	wrdreg $0x60  }
0xbe: {  	[dreg:$0x2] =	wrdreg s4  }
0xbf: {  	[dreg:$0x3] =	wrdreg s24  }
0xc0: {  	[dreg:$0x4] =	wrdreg s18  }
0xc1: {  	[dreg:$0x5] =	wrdreg $0x0  }
0xc2: {  	[dreg:$0x6] =	wrdreg $0xA  }
0xc3: {  	_ =	task.clear_ibuf [dreg:s22], $0x7FFFF;
	_ =	strace $0x90000049  }
0xc4: {  	s29 =	simm.s32 $0xA;
	_ =	strace $0x8000004B  }
0xc5: {  	_ =	swait.ge [sflag:s29], $0x1  }
0xc6: {  	[sflag:s29] =	ssyncadd.s32 $0xFFFFFFFF  }
0xc7: {  	_ =	strace $0x9000004B  }
0xc8: {  	_ =	sfence  }
0xc9: {  	s30 =	sld [smem:$0x0];
	_ =	sdelay $0x2  }
0xca: {  	s31 =	sshll.u32 s1, $0xD;
	s1 =	sshrl.u32 s1, $0x2  }
0xcb: {  	s4 =	sand.u32 $0x4000, s31;
	s1 =	sadd.s32 s1, s30  }
0xcc: {  	s0 =	sor.u32 s4, s0;
	s1 =	sshll.u32 s1, $0x11  }
0xcd: {  	s0 =	sor.u32 s1, s0  }
0xce: {  	s0 =	sadd.s32 $0x8F2B, s0  }
0xcf: {  	[sflag:s0] =	ssyncadd.remote.s32 $0x1  }
0xd0: {  	_ =	sfence.sel $0xFFFF  }
0xd1: {  	[dreg:$0x0] =	wrdreg $0xFFFFFFFF;
	(pc) =	sbr.abs _section_cstart, $3  }
0xd2: {  	[dreg:$0x1] =	wrdreg $0xFFFFFFFF  }
0xd3: {  	_ =	task.clear_ibuf [dreg:s22], $0x2FFFF;
	_ =	strace $0x9FFFFFFF  }
0xd4: {  	(tm) =	ssettm $0x7FFFFFFF  }
0xd5: {  	_ =	shalt  }
tec
execute0_lowered:
.L_overlay_start_1:
0x0: {  	(tag) =	ssettag $0x1  }
0x1: {  	s1 =	rddreg [dreg:$0x0]  }
0x2: {  	s6 =	rddreg [dreg:$0x1]  }
0x3: {  	s2 =	rddreg [dreg:$0x2]  }
0x4: {  	s4 =	rddreg [dreg:$0x3];
	s5 =	simm.s32 $0x0;
	s3 =	stileid.u32  }
0x5: {  	s8 =	srdreg.scid;
	s22 =	simm.s32 $0x13C00;
	s7 =	smul.u32 $0x9E0, s3  }
0x6: {  	s23 =	simm.s32 $0x13C80;
	[smem:$0x7FF] =	sst s5;
	s24 =	smul.u32 $0x4F000, s3  }
0x7: {  	s13 =	sand.u32 $0x1, s8;
	s10 =	smul.u32 $0x13C00, s3;
	s16 =	sadd.s32 $0x22400, s6  }
0x8: {  	_ =	strace $0x8000004A;
	s25 =	ssub.s32 $0x2, s13;
	s19 =	smul.u32 $0x13C000, s13  }
0x9: {  	s28 =	smul.u32 $0x4F0, s13;
	s15 =	sadd.s32 s7, s6;
	s26 =	sshrl.u32 s25, $0x1  }
0xa: {  	s8 =	sshrl.u32 s24, $0x2;
	s11 =	sadd.s32 $0x4000, s10;
	s14 =	sadd.s32 $0x8000, s10  }
0xb: {  	s18 =	sadd.s32 $0xC000, s10;
	s20 =	sadd.s32 $0x10000, s10;
	s24 =	simm.s32 $0x80  }
0xc: {  	s17 =	ssub.s32 s25, s26;
	s6 =	sadd.s32 s8, s4;
	s7 =	sadd.s32 s11, s4  }
0xd: {  	s8 =	sadd.s32 s14, s4;
	s9 =	sadd.s32 s18, s4;
	s12 =	sadd.s32 s10, s19  }
0xe: {  	s11 =	sadd.s32 s19, s11;
	s10 =	sadd.s32 s20, s4;
	s14 =	sadd.s32 s19, s14  }
0xf: {  	s18 =	sadd.s32 s19, s18;
	s30 =	sadd.s32 s19, s20;
	s31 =	sadd.s32 s28, s15  }
0x10: {  	s19 =	simm.s32 $0x13D00;
	s20 =	simm.s32 $0x3;
	s25 =	simm.s32 $0x2  }
0x11: {  	s26 =	simm.s32 $0x0;
	s12 =	sshrl.u32 s12, $0x3;
	s21 =	sshrl.u32 s11, $0x3  }
0x12: {  	s14 =	sshrl.u32 s14, $0x3;
	s29 =	sshrl.u32 s18, $0x3;
	s18 =	sshrl.u32 s30, $0x3  }
0x13: {  	s11 =	sadd.s32 s16, s12;
	s12 =	sadd.s32 s16, s21;
	s13 =	sadd.s32 s16, s14  }
0x14: {  	s14 =	sadd.s32 s16, s29;
	s15 =	sadd.s32 s16, s18;
	s16 =	smax.u32 s17, $0x1  }
0x15: {  	s17 =	sadd.s32 $0x4600, s31;
	s18 =	sadd.s32 $0x18600, s31;
	s21 =	simm.s32 $0x1  }
.LBB2_1:
0x16: {  	[tilespmem:s19], [sflag:$0x3] =	stream.linear.gather [hbm4b:s2+s5], $0x4000, $0x38;
	[tilespmem:$0x17D00] =	vst v63  }
0x17: {  	_ =	swait.ge [sflag:s20], $0x4000  }
0x18: {  	[sflag:s20] =	ssyncset.done $0x0  }
0x19: {  	[sflag:s20] =	ssyncadd.s32 $0xFFFFC000  }
0x1a: {  	[spmem:s6] =	stream.linear.scatter [tilespmem:s19], [sflag:$0x1], $0x4000, $0x38;
	[tilespmem:$0x17D00] =	vst v63  }
0x1b: {  	_ = 	snop  }
0x1c: {  	[spmem:s7] =	stream.linear.scatter [tilespmem:s19], [sflag:$0x1], $0x4000, $0x38;
	[tilespmem:$0x17D00] =	vst v63  }
0x1d: {  	_ = 	snop  }
0x1e: {  	[spmem:s8] =	stream.linear.scatter [tilespmem:s19], [sflag:$0x1], $0x4000, $0x38;
	[tilespmem:$0x17D00] =	vst v63  }
0x1f: {  	_ = 	snop  }
0x20: {  	[spmem:s9] =	stream.linear.scatter [tilespmem:s19], [sflag:$0x1], $0x4000, $0x38;
	[tilespmem:$0x17D00] =	vst v63  }
0x21: {  	_ = 	snop  }
0x22: {  	[spmem:s10] =	stream.linear.scatter [tilespmem:s19], [sflag:$0x1], $0x3C00, $0x38;
	[tilespmem:$0x17D00] =	vst v63  }
0x23: {  	_ =	swait.ge [sflag:s21], $0x4000  }
0x24: {  	[sflag:s21] =	ssyncset.done $0x0  }
0x25: {  	[sflag:s21] =	ssyncadd.s32 $0xFFFFC000  }
0x26: {  	_ =	swait.ge [sflag:s21], $0x4000  }
0x27: {  	[sflag:s21] =	ssyncset.done $0x0  }
0x28: {  	[sflag:s21] =	ssyncadd.s32 $0xFFFFC000  }
0x29: {  	_ =	swait.ge [sflag:s21], $0x4000  }
0x2a: {  	[sflag:s21] =	ssyncset.done $0x0  }
0x2b: {  	[sflag:s21] =	ssyncadd.s32 $0xFFFFC000  }
0x2c: {  	_ =	swait.ge [sflag:s21], $0x4000  }
0x2d: {  	[sflag:s21] =	ssyncset.done $0x0  }
0x2e: {  	[sflag:s21] =	ssyncadd.s32 $0xFFFFC000  }
0x2f: {  	_ =	swait.ge [sflag:s21], $0x3C00  }
0x30: {  	[sflag:s21] =	ssyncset.done $0x0  }
0x31: {  	[sflag:s21] =	ssyncadd.s32 $0xFFFFC400  }
0x32: {  	s28 =	sadd.s32 $0x0, s18;
	[bflag:$0x0] =	sbarrier.arrive $0xFFFF  }
0x33: {  	[tilespmem:s22], [sflag:$0x3] =	stream.linear.gather [hbm4b:s28+s5], $0x80, $0x38;
	[tilespmem:$0x17D00] =	vst v63  }
0x34: {  	_ =	swait.ge [sflag:s20], $0x80  }
0x35: {  	[sflag:s20] =	ssyncset.done $0x0  }
0x36: {  	s28 =	sadd.s32 $0x0, s17;
	[sflag:s20] =	ssyncadd.s32 $0xFFFFFF80  }
0x37: {  	[tilespmem:s23], [sflag:$0x3] =	stream.linear.gather [hbm4b:s28+s5], $0x80, $0x38;
	[tilespmem:$0x17D00] =	vst v63  }
0x38: {  	_ =	swait.ge [sflag:s20], $0x80  }
0x39: {  	[sflag:s20] =	ssyncset.done $0x0  }
0x3a: {  	[sflag:s20] =	ssyncadd.s32 $0xFFFFFF80  }
0x3b: {  	[tilespmem:s19], [sflag:$0x1] =	stream.indirect.gather [hbm4b:s1+s24], $0x80, s22, s24, $0xb8;
	[tilespmem:$0x17D00] =	vst v63  }
0x3c: {  	_ =	swait.ge [sflag:s21], $0x4000  }
0x3d: {  	[sflag:s21] =	ssyncset.done $0x0  }
0x3e: {  	[sflag:s21] =	ssyncadd.s32 $0xFFFFC000  }
0x3f: {  	[spmem:s4] =	stream.indirect.scatter.add.f32 [tilespmem:s19], [sflag:$0x3], $0x80, s23, s24, $0xb8;
	[tilespmem:$0x17D00] =	vst v63  }
0x40: {  	_ =	swait.ge [sflag:s20], $0x4000  }
0x41: {  	s29 =	simm.s32 $0x20;
	s28 =	simm.s32 $0x10;
	[sflag:s20] =	ssyncset.done $0x0  }
.LBB2_2:
0x42: {  	s30 =	sadd.s32 s28, s18  }
0x43: {  	[sflag:s20] =	ssyncadd.s32 $0xFFFFC000;
	s31 =	smov.u32 s29;
	s0 =	sadd.s32 $0x10, s29  }
0x44: {  	[tilespmem:s22], [sflag:$0x3] =	stream.linear.gather [hbm4b:s30+s5], $0x80, $0x38;
	[tilespmem:$0x17D00] =	vst v63  }
0x45: {  	p0 =	sne.s32 s29, $0x4E0;
	_ =	swait.ge [sflag:s20], $0x80  }
0x46: {  	[sflag:s20] =	ssyncset.done $0x0  }
0x47: {  	s29 =	sadd.s32 s28, s17;
	s28 =	smov.u32 s31;
	[sflag:s20] =	ssyncadd.s32 $0xFFFFFF80  }
0x48: {  	[tilespmem:s23], [sflag:$0x3] =	stream.linear.gather [hbm4b:s29+s5], $0x80, $0x38;
	[tilespmem:$0x17D00] =	vst v63  }
0x49: {  	_ =	swait.ge [sflag:s20], $0x80  }
0x4a: {  	[sflag:s20] =	ssyncset.done $0x0  }
0x4b: {  	[sflag:s20] =	ssyncadd.s32 $0xFFFFFF80  }
0x4c: {  	[tilespmem:s19], [sflag:$0x1] =	stream.indirect.gather [hbm4b:s1+s24], $0x80, s22, s24, $0xb8;
	[tilespmem:$0x17D00] =	vst v63  }
0x4d: {  	_ =	swait.ge [sflag:s21], $0x4000  }
.Ltmp0:
0x4e: {  	[sflag:s21] =	ssyncset.done $0x0;
	(pc) =	sbr.rel @p0 .LBB2_2-.Ltmp0, $4  }
0x4f: {  	[sflag:s21] =	ssyncadd.s32 $0xFFFFC000  }
0x50: {  	[spmem:s4] =	stream.indirect.scatter.add.f32 [tilespmem:s19], [sflag:$0x3], $0x80, s23, s24, $0xb8;
	[tilespmem:$0x17D00] =	vst v63  }
0x51: {  	_ =	swait.ge [sflag:s20], $0x4000  }
0x52: {  	s29 =	smov.u32 s0;
	[sflag:s20] =	ssyncset.done $0x0  }
0x53: {  	s0 =	sadd.s32 s28, s18;
	[sflag:s20] =	ssyncadd.s32 $0xFFFFC000  }
0x54: {  	[tilespmem:s22], [sflag:$0x3] =	stream.linear.gather [hbm4b:s0+s5], $0x80, $0x38;
	[tilespmem:$0x17D00] =	vst v63  }
0x55: {  	_ =	swait.ge [sflag:s20], $0x80  }
0x56: {  	[sflag:s20] =	ssyncset.done $0x0  }
0x57: {  	s31 =	sadd.s32 s28, s17;
	[sflag:s20] =	ssyncadd.s32 $0xFFFFFF80  }
0x58: {  	[tilespmem:s23], [sflag:$0x3] =	stream.linear.gather [hbm4b:s31+s5], $0x80, $0x38;
	[tilespmem:$0x17D00] =	vst v63  }
0x59: {  	_ =	swait.ge [sflag:s20], $0x80  }
0x5a: {  	[sflag:s20] =	ssyncset.done $0x0  }
0x5b: {  	[sflag:s20] =	ssyncadd.s32 $0xFFFFFF80  }
0x5c: {  	[tilespmem:s19], [sflag:$0x1] =	stream.indirect.gather [hbm4b:s1+s24], $0x80, s22, s24, $0xb8;
	[tilespmem:$0x17D00] =	vst v63  }
0x5d: {  	_ =	swait.ge [sflag:s21], $0x4000  }
0x5e: {  	[sflag:s21] =	ssyncset.done $0x0  }
0x5f: {  	[sflag:s21] =	ssyncadd.s32 $0xFFFFC000  }
0x60: {  	[spmem:s4] =	stream.indirect.scatter.add.f32 [tilespmem:s19], [sflag:$0x3], $0x80, s23, s24, $0xb8;
	[tilespmem:$0x17D00] =	vst v63  }
0x61: {  	_ =	swait.ge [sflag:s20], $0x4000  }
0x62: {  	[sflag:s20] =	ssyncset.done $0x0  }
0x63: {  	[sflag:s20] =	ssyncadd.s32 $0xFFFFC000  }
0x64: {  	[bflag:$0x0] =	sbarrier.arrive $0xFFFF  }
0x65: {  	[tilespmem:s19], [sflag:$0x1] =	stream.linear.gather [spmem:s6], $0x4000, $0x38;
	[tilespmem:$0x17D00] =	vst v63  }
0x66: {  	_ =	swait.ge [sflag:s21], $0x4000  }
0x67: {  	[sflag:s21] =	ssyncset.done $0x0  }
0x68: {  	[sflag:s21] =	ssyncadd.s32 $0xFFFFC000  }
0x69: {  	[hbm4b:s11+s5] =	stream.linear.scatter [tilespmem:s19], [sflag:$0x2], $0x4000, $0x38;
	[tilespmem:$0x17D00] =	vst v63  }
0x6a: {  	_ =	swait.ge [sflag:s25], $0x4000  }
0x6b: {  	[sflag:s25] =	ssyncset.done $0x0  }
0x6c: {  	[sflag:s25] =	ssyncadd.s32 $0xFFFFC000  }
0x6d: {  	[tilespmem:s19], [sflag:$0x1] =	stream.linear.gather [spmem:s7], $0x4000, $0x38;
	[tilespmem:$0x17D00] =	vst v63  }
0x6e: {  	_ =	swait.ge [sflag:s21], $0x4000  }
0x6f: {  	[sflag:s21] =	ssyncset.done $0x0  }
0x70: {  	[sflag:s21] =	ssyncadd.s32 $0xFFFFC000  }
0x71: {  	[hbm4b:s12+s5] =	stream.linear.scatter [tilespmem:s19], [sflag:$0x2], $0x4000, $0x38;
	[tilespmem:$0x17D00] =	vst v63  }
0x72: {  	_ =	swait.ge [sflag:s25], $0x4000  }
0x73: {  	[sflag:s25] =	ssyncset.done $0x0  }
0x74: {  	[sflag:s25] =	ssyncadd.s32 $0xFFFFC000  }
0x75: {  	[tilespmem:s19], [sflag:$0x1] =	stream.linear.gather [spmem:s8], $0x4000, $0x38;
	[tilespmem:$0x17D00] =	vst v63  }
0x76: {  	_ =	swait.ge [sflag:s21], $0x4000  }
0x77: {  	[sflag:s21] =	ssyncset.done $0x0  }
0x78: {  	[sflag:s21] =	ssyncadd.s32 $0xFFFFC000  }
0x79: {  	[hbm4b:s13+s5] =	stream.linear.scatter [tilespmem:s19], [sflag:$0x2], $0x4000, $0x38;
	[tilespmem:$0x17D00] =	vst v63  }
0x7a: {  	_ =	swait.ge [sflag:s25], $0x4000  }
0x7b: {  	[sflag:s25] =	ssyncset.done $0x0  }
0x7c: {  	[sflag:s25] =	ssyncadd.s32 $0xFFFFC000  }
0x7d: {  	[tilespmem:s19], [sflag:$0x1] =	stream.linear.gather [spmem:s9], $0x4000, $0x38;
	[tilespmem:$0x17D00] =	vst v63  }
0x7e: {  	_ =	swait.ge [sflag:s21], $0x4000  }
0x7f: {  	[sflag:s21] =	ssyncset.done $0x0  }
0x80: {  	[sflag:s21] =	ssyncadd.s32 $0xFFFFC000  }
0x81: {  	[hbm4b:s14+s5] =	stream.linear.scatter [tilespmem:s19], [sflag:$0x2], $0x4000, $0x38;
	[tilespmem:$0x17D00] =	vst v63  }
0x82: {  	_ =	swait.ge [sflag:s25], $0x4000  }
0x83: {  	[sflag:s25] =	ssyncset.done $0x0  }
0x84: {  	[sflag:s25] =	ssyncadd.s32 $0xFFFFC000  }
0x85: {  	[tilespmem:s19], [sflag:$0x1] =	stream.linear.gather [spmem:s10], $0x3C00, $0x38;
	[tilespmem:$0x17D00] =	vst v63  }
0x86: {  	s26 =	sadd.s32 $0x1, s26;
	_ =	swait.ge [sflag:s21], $0x3C00  }
0x87: {  	p0 =	sne.s32 s26, s16;
	[sflag:s21] =	ssyncset.done $0x0  }
.Ltmp1:
0x88: {  	[sflag:s21] =	ssyncadd.s32 $0xFFFFC400;
	(pc) =	sbr.rel @p0 .LBB2_1-.Ltmp1, $4  }
0x89: {  	[hbm4b:s15+s5] =	stream.linear.scatter [tilespmem:s19], [sflag:$0x2], $0x3C00, $0x38;
	[tilespmem:$0x17D00] =	vst v63  }
0x8a: {  	_ =	swait.ge [sflag:s25], $0x3C00  }
0x8b: {  	[sflag:s25] =	ssyncset.done $0x0  }
0x8c: {  	[sflag:s25] =	ssyncadd.s32 $0xFFFFC400  }
0x8d: {  	_ =	sfence.sel $0x180000  }
0x8e: {  	[bflag:$0x0] =	sbarrier.arrive $0xFFFF  }
0x8f: {  	_ =	strace $0x9000004A  }
0x90: {  	[bflag:$0x2] =	sbarrier.arrive $0xFFFF  }
0x91: {  	p0 =	sne.s32 s3, $0x0;
	s0 =	rddreg [dreg:$0x4]  }
0x92: {  	s0 =	sadd.s32 @!p0 $0x100000, s0  }
0x93: {  	[sflag:s0] =	ssyncadd.tile.s32 @!p0 $0x1;
	_ =	shalt  }
.Lfunc_end2:
_tile_overlayer_lowered:
.L_overlay_start_2:
0x94: {  	(tag) =	ssettag $0x2  }
0x95: {  	s0 =	rddreg [dreg:$0x0];
	s2 =	stileid.u32  }
0x96: {  	s1 =	rddreg [dreg:$0x1];
	p0 =	sne.s32 s2, $0x0  }
0x97: {  	s3 =	rddreg [dreg:$0x2];
	[bflag:$0x3] =	sbarrier.arrive $0xFFFF;
	s2 =	simm.s32 @!p0 $0x1C03  }
0x98: {  	[timem:s3], [sflag:s2] =	dma.local @!p0 [hbm:s0], s1  }
0x99: {  	s0 =	simm.s32 @!p0 $0x3  }
0x9a: {  	_ =	swait.ge @!p0 [sflag:s0], s1  }
0x9b: {  	s1 =	ssub.s32 @!p0 $0x0, s1;
	[sflag:s0] =	ssyncset.done @!p0 $0x0  }
0x9c: {  	[sflag:s0] =	ssyncadd.s32 @!p0 s1  }
0x9d: {  	[bflag:$0x3] =	sbarrier.arrive $0xFFFF  }
0x9e: {  	_ =	shalt  }

// kernel: kernel.15.cloned.1.call-start
scs
__scs_entry_jumppad:
0x0: {  	(pc) =	sbr.rel $0x88, $3  }
0x1: {  	(tag) =	ssettag $0x0;
	lr =	simm.s32 $0x1  }
0x2: {  	[smem:$0x3F8E] =	sst lr;
	_ =	strace $0xD0000000  }
0x3: {  	_ = 	snop  }
0x4: {  	_ = 	snop  }
0x5: {  	_ = 	snop  }
0x6: {  	_ = 	snop  }
0x7: {  	_ = 	snop  }
__scs_overlays_trampoline_lowered:
0x8: {  	[smem:$0x3F9D] =	sst s0  }
0x9: {  	[smem:$0x3F9E] =	sst s1  }
0xa: {  	[smem:$0x3F9F] =	sst s2  }
0xb: {  	[smem:$0x3FA0] =	sst s3  }
0xc: {  	[smem:$0x3FA1] =	sst s4  }
0xd: {  	[smem:$0x3FA2] =	sst s5  }
0xe: {  	[smem:$0x3FA3] =	sst s6  }
0xf: {  	[smem:$0x3FA4] =	sst s7  }
0x10: {  	[smem:$0x3FA5] =	sst s8  }
0x11: {  	[smem:$0x3FA6] =	sst s9;
	s0 =	simm.s32 @!p0 $0x0  }
0x12: {  	s1 =	sld [smem:$0x3F8C];
	s0 =	simm.s32 @p0 $0x1  }
0x13: {  	[smem:$0x3FA7] =	sst s0;
	s0 =	simm.s32 @!p1 $0x0  }
0x14: {  	s2 =	sld [smem:$0x3F8B];
	s0 =	simm.s32 @p1 $0x1  }
0x15: {  	[smem:$0x3FA8] =	sst s0;
	s0 =	simm.s32 @!p2 $0x0  }
0x16: {  	s3 =	sld [smem:$0x3FDB];
	s0 =	simm.s32 @p2 $0x1  }
0x17: {  	s4 =	simm.s32 $0x1BF5;
	[smem:$0x3FAA] =	sst s0  }
0x18: {  	s0 =	sld [smem:$0x3F8D];
	_ =	swait.ge [sflag:s4], $0x0  }
0x19: {  	s7 =	sld [smem:$0x3F8E]  }
0x1a: {  	s8 =	sadd.s32 $0xFFFFE003, lr  }
0x1b: {  	s9 =	sadd.s32 $0xFFFFFEF7, lr;
	s5 =	simm.s32 $0xFFFFFFFF;
	p2 =	slt.u32 s8, $0xFFFFF086  }
0x1c: {  	p1 =	slt.u32 s9, $0xF7A;
	s5 =	simm.s32 @!p2 $0x0  }
0x1d: {  	s5 =	simm.s32 @p1 $0x1;
	p0 =	seq.s32 s7, s2  }
0x1e: {  	s7 =	smul.u32 @!p0 $0xF7A, s2;
	p2 =	seq.s32 @!p0 s5, $0x0  }
0x1f: {  	s9 =	smul.u32 $0xF7A, s1;
	s8 =	simm.s32 @!p0 $0x1BF5;
	p2 =	por !p2, p0  }
0x20: {  	[sflag:s8] =	ssyncset.s32 @!p0 $0xFFFFF086;
	s6 =	sadd.s32 @!p0 s3, s7;
	s7 =	simm.s32 @!p0 $0x108  }
0x21: {  	s3 =	sadd.s32 s3, s9;
	s6 =	sadd.s32 @!p0 $0x88, s6;
	s7 =	simm.s32 @p2 $0x1082  }
0x22: {  	[simem:s7], [sflag:s8] =	dma.local @!p0 [hbm:s6], $0xF7A  }
0x23: {  	s9 =	sor.u32 $0xD0000000, s2;
	s6 =	simm.s32 $0x108;
	_ =	swait.ge @!p0 [sflag:s8], $0x0  }
0x24: {  	s3 =	sadd.s32 $0x88, s3;
	s6 =	simm.s32 @!p1 $0x1082;
	[sflag:s4] =	ssyncset.s32 $0xFFFFF086  }
0x25: {  	[simem:s6], [sflag:s4] =	dma.local [hbm:s3], $0xF7A  }
0x26: {  	[smem:$0x3F8E] =	sst s1;
	(tag) =	ssettag s2;
	_ =	strace s9  }
0x27: {  	s1 =	sld [smem:$0x3F9E]  }
0x28: {  	s2 =	sld [smem:$0x3F9F]  }
0x29: {  	s4 =	sld [smem:$0x3FA1]  }
0x2a: {  	p0 =	seq.s32 s5, $0x0;
	s5 =	sld [smem:$0x3FA2]  }
0x2b: {  	s6 =	sld [smem:$0x3FA3]  }
0x2c: {  	s7 =	sld [smem:$0x3FA4]  }
0x2d: {  	s3 =	simm.s32 $0x108;
	s8 =	sld [smem:$0x3FA5]  }
0x2e: {  	s3 =	simm.s32 @!p0 $0x1082;
	s9 =	sld [smem:$0x3FA6]  }
0x2f: {  	lr =	sadd.s32 s0, s3;
	s0 =	sld [smem:$0x3F9D]  }
0x30: {  	s3 =	sld [smem:$0x3FA0]  }
0x31: {  	[smem:$0x3FA9] =	sst s10  }
0x32: {  	s10 =	sld [smem:$0x3FA7];
	_ =	sdelay $0x3  }
0x33: {  	p0 =	seq.s32 s10, $0x1;
	s10 =	sld [smem:$0x3FA9];
	_ =	sdelay $0x3  }
0x34: {  	[smem:$0x3FA9] =	sst s10  }
0x35: {  	s10 =	sld [smem:$0x3FA8];
	_ =	sdelay $0x3  }
0x36: {  	p1 =	seq.s32 s10, $0x1;
	s10 =	sld [smem:$0x3FA9];
	_ =	sdelay $0x3  }
0x37: {  	[smem:$0x3FA9] =	sst s10  }
0x38: {  	s10 =	sld [smem:$0x3FAA]  }
0x39: {  	_ = 	snop;
	(pc) =	sbr.ind lr, $3  }
0x3a: {  	_ = 	snop  }
0x3b: {  	_ = 	snop  }
0x3c: {  	p2 =	seq.s32 s10, $0x1;
	s10 =	sld [smem:$0x3FA9]  }
0x3d: {  	_ =	shalt  }
0x3e: {  	_ =	shalt  }
0x3f: {  	_ =	shalt  }
0x40: {  	_ =	shalt  }
0x41: {  	_ =	shalt  }
0x42: {  	_ =	shalt  }
0x43: {  	_ =	shalt  }
0x44: {  	_ =	shalt  }
0x45: {  	_ =	shalt  }
0x46: {  	_ =	shalt  }
0x47: {  	_ =	shalt  }
0x48: {  	_ =	shalt  }
0x49: {  	_ =	shalt  }
0x4a: {  	_ =	shalt  }
0x4b: {  	_ =	shalt  }
0x4c: {  	_ =	shalt  }
0x4d: {  	_ =	shalt  }
0x4e: {  	_ =	shalt  }
0x4f: {  	_ =	shalt  }
0x50: {  	_ =	shalt  }
0x51: {  	_ =	shalt  }
0x52: {  	_ =	shalt  }
0x53: {  	_ =	shalt  }
0x54: {  	_ =	shalt  }
0x55: {  	_ =	shalt  }
0x56: {  	_ =	shalt  }
0x57: {  	_ =	shalt  }
0x58: {  	_ =	shalt  }
0x59: {  	_ =	shalt  }
0x5a: {  	_ =	shalt  }
0x5b: {  	_ =	shalt  }
0x5c: {  	_ =	shalt  }
0x5d: {  	_ =	shalt  }
0x5e: {  	_ =	shalt  }
0x5f: {  	_ =	shalt  }
0x60: {  	_ =	shalt  }
0x61: {  	_ =	shalt  }
0x62: {  	_ =	shalt  }
0x63: {  	_ =	shalt  }
0x64: {  	_ =	shalt  }
0x65: {  	_ =	shalt  }
0x66: {  	_ =	shalt  }
0x67: {  	_ =	shalt  }
0x68: {  	_ =	shalt  }
0x69: {  	_ =	shalt  }
0x6a: {  	_ =	shalt  }
0x6b: {  	_ =	shalt  }
0x6c: {  	_ =	shalt  }
0x6d: {  	_ =	shalt  }
0x6e: {  	_ =	shalt  }
0x6f: {  	_ =	shalt  }
0x70: {  	_ =	shalt  }
0x71: {  	_ =	shalt  }
0x72: {  	_ =	shalt  }
0x73: {  	_ =	shalt  }
0x74: {  	_ =	shalt  }
0x75: {  	_ =	shalt  }
0x76: {  	_ =	shalt  }
0x77: {  	_ =	shalt  }
0x78: {  	_ =	shalt  }
0x79: {  	_ =	shalt  }
0x7a: {  	_ =	shalt  }
0x7b: {  	_ =	shalt  }
0x7c: {  	_ =	shalt  }
0x7d: {  	_ =	shalt  }
0x7e: {  	_ =	shalt  }
0x7f: {  	_ =	shalt  }
0x80: {  	_ =	shalt  }
0x81: {  	_ =	shalt  }
0x82: {  	_ =	shalt  }
0x83: {  	_ =	shalt  }
0x84: {  	_ =	shalt  }
0x85: {  	_ =	shalt  }
0x86: {  	_ =	shalt  }
0x87: {  	_ =	shalt  }
.Lfunc_end0:
.L_simem_size_0:
called_computation.2_lowered:
.L_overlay_start_0:
0x88: {  	s2 =	sld [smem:$0x3FD9]  }
0x89: {  	s3 =	sld [smem:$0x3FFE];
	_ =	sdelay $0x1  }
0x8a: {  	s1 =	srdreg.scid  }
0x8b: {  	s0 =	sand.u32 $0x1, s1  }
0x8c: {  	s17 =	sshll.u32 s0, $0xA;
	s2 =	sadd.s32 s3, s2  }
0x8d: {  	s2 =	sadd.s32 s2, s17  }
0x8e: {  	[smem:$0x3FB5] =	sst s2  }
0x8f: {  	_ = 	snop  }
0x90: {  	s2 =	sld [smem:$0x3FD0];
	(tm) =	ssettm $0x1  }
0x91: {  	s18 =	sld [smem:$0x3FFB];
	_ =	sdelay $0x3  }
0x92: {  	_ =	strace s18  }
0x93: {  	s3 =	sld [smem:$0x3FFC];
	_ =	sdelay $0x3  }
0x94: {  	_ =	strace s3  }
0x95: {  	s3 =	sld [smem:$0x3FFD];
	_ =	sdelay $0x3  }
0x96: {  	_ =	strace s3  }
0x97: {  	_ =	strace $0x8FFFFFFF  }
0x98: {  	s19 =	sld [smem:$0x3FDB];
	_ =	sdelay $0x1  }
0x99: {  	s4 =	simm.s32 $_scs_section_size  }
0x9a: {  	s5 =	simm.s32 $_size__tile_overlayer_lowered;
	s6 =	simm.s32 $_tile_overlayer_lowered  }
0x9b: {  	s22 =	simm.s32 $0x1BFF;
	s21 =	sshll.u32 s6, $0x1;
	s3 =	sadd.s32 s4, s19  }
0x9c: {  	s7 =	simm.s32 $0x0;
	s20 =	sshll.u32 s5, $0x1;
	s5 =	sadd.s32 s21, s3  }
0x9d: {  	[timem:s7], [sflag:s22] =	dma.local [hbm:s5], s20  }
0x9e: {  	_ =	swait.ge [sflag:s22], s20  }
0x9f: {  	s4 =	ssub.s32 $0x0, s20;
	[sflag:s22] =	ssyncset.done $0x0  }
0xa0: {  	[sflag:s22] =	ssyncadd.s32 s4;
	_ =	sdelay $0x1  }
0xa1: {  	s23 =	simm.s32 $0x1B8B  }
0xa2: {  	_ =	swait.ge [sflag:s23], $0x1  }
0xa3: {  	[sflag:s23] =	ssyncset.done $0x0  }
0xa4: {  	s25 =	simm.s32 $0x1B8E;
	s24 =	sld [smem:$0x3FFE];
	[sflag:s23] =	ssyncadd.s32 $0xFFFFFFFF  }
0xa5: {  	s26 =	simm.s32 $execute0_lowered;
	[smem:$0x3FD2] =	sst s25  }
0xa6: {  	s5 =	sshll.u32 s26, $0x1;
	_ =	strace $0x8000004C;
	[dreg:$0x1] =	wrdreg $0xFFFFFFFF  }
0xa7: {  	s28 =	simm.s32 $_size_execute0_lowered;
	s3 =	sadd.s32 s3, s5;
	[dreg:$0x0] =	wrdreg $0x0  }
0xa8: {  	s5 =	sshll.u32 s28, $0x1;
	[dreg:$0x2] =	wrdreg s3  }
0xa9: {  	[dreg:$0x3] =	wrdreg s5  }
0xaa: {  	[dreg:$0x4] =	wrdreg $0xC0  }
0xab: {  	_ =	task [dreg:s7], $0x5FFFF  }
0xac: {  	[dreg:$0x1] =	wrdreg $0xFFFFFFFF  }
0xad: {  	[dreg:$0x0] =	wrdreg $0x60  }
0xae: {  	[dreg:$0x2] =	wrdreg s24  }
0xaf: {  	[dreg:$0x3] =	wrdreg s2  }
0xb0: {  	[dreg:$0x4] =	wrdreg $0x0  }
0xb1: {  	[dreg:$0x5] =	wrdreg $0x9  }
0xb2: {  	_ =	task.clear_ibuf [dreg:s7], $0x6FFFF;
	_ =	strace $0x9000004C  }
0xb3: {  	s29 =	simm.s32 $0x9;
	_ =	strace $0x8000004E  }
0xb4: {  	_ =	swait.ge [sflag:s29], $0x1  }
0xb5: {  	[sflag:s29] =	ssyncadd.s32 $0xFFFFFFFF  }
0xb6: {  	_ =	strace $0x9000004E  }
0xb7: {  	_ =	sfence  }
0xb8: {  	s30 =	sld [smem:$0x0];
	_ =	sdelay $0x2  }
0xb9: {  	s31 =	sshll.u32 s1, $0xD;
	s1 =	sshrl.u32 s1, $0x2  }
0xba: {  	s3 =	sand.u32 $0x4000, s31;
	s1 =	sadd.s32 s1, s30  }
0xbb: {  	s0 =	sor.u32 s3, s0;
	s1 =	sshll.u32 s1, $0x11  }
0xbc: {  	s0 =	sor.u32 s1, s0  }
0xbd: {  	s0 =	sadd.s32 $0x8F2B, s0  }
0xbe: {  	[sflag:s0] =	ssyncadd.remote.s32 $0x1  }
0xbf: {  	_ =	sfence.sel $0xFFFF  }
0xc0: {  	[dreg:$0x0] =	wrdreg $0xFFFFFFFF;
	(pc) =	sbr.abs _section_cstart, $3  }
0xc1: {  	[dreg:$0x1] =	wrdreg $0xFFFFFFFF  }
0xc2: {  	_ =	task.clear_ibuf [dreg:s7], $0x2FFFF;
	_ =	strace $0x9FFFFFFF  }
0xc3: {  	(tm) =	ssettm $0x7FFFFFFF  }
tec
execute0_lowered:
.L_overlay_start_1:
0x0: {  	(tag) =	ssettag $0x1  }
0x1: {  	s6 =	rddreg [dreg:$0x0]  }
0x2: {  	s1 =	rddreg [dreg:$0x1]  }
0x3: {  	s3 =	rddreg [dreg:$0x2]  }
0x4: {  	s4 =	simm.s32 $0x0;
	s2 =	stileid.u32;
	s8 =	srdreg.scid  }
0x5: {  	s22 =	simm.s32 $0x13C00;
	s23 =	simm.s32 $0x13C80;
	s7 =	smul.u32 $0x9E0, s2  }
0x6: {  	[smem:$0x7FF] =	sst s4;
	s5 =	sadd.s32 $0x22400, s6;
	s24 =	smul.u32 $0x4F000, s2  }
0x7: {  	s13 =	sand.u32 $0x1, s8;
	s10 =	smul.u32 $0x13C00, s2;
	s16 =	sadd.s32 $0xC0400, s6  }
0x8: {  	_ =	strace $0x8000004D;
	s25 =	ssub.s32 $0x2, s13;
	s19 =	smul.u32 $0x13C000, s13  }
0x9: {  	s28 =	smul.u32 $0x4F0, s13;
	s15 =	sadd.s32 s7, s6;
	s26 =	sshrl.u32 s25, $0x1  }
0xa: {  	s8 =	sshrl.u32 s24, $0x2;
	s11 =	sadd.s32 $0x4000, s10;
	s14 =	sadd.s32 $0x8000, s10  }
0xb: {  	s18 =	sadd.s32 $0xC000, s10;
	s20 =	sadd.s32 $0x10000, s10;
	s24 =	simm.s32 $0x80  }
0xc: {  	s17 =	ssub.s32 s25, s26;
	s6 =	sadd.s32 s8, s3;
	s7 =	sadd.s32 s11, s3  }
0xd: {  	s8 =	sadd.s32 s14, s3;
	s9 =	sadd.s32 s18, s3;
	s12 =	sadd.s32 s10, s19  }
0xe: {  	s11 =	sadd.s32 s19, s11;
	s10 =	sadd.s32 s20, s3;
	s14 =	sadd.s32 s19, s14  }
0xf: {  	s18 =	sadd.s32 s19, s18;
	s30 =	sadd.s32 s19, s20;
	s31 =	sadd.s32 s28, s15  }
0x10: {  	s19 =	simm.s32 $0x13D00;
	s20 =	simm.s32 $0x3;
	s25 =	simm.s32 $0x2  }
0x11: {  	s26 =	simm.s32 $0x0;
	s12 =	sshrl.u32 s12, $0x3;
	s21 =	sshrl.u32 s11, $0x3  }
0x12: {  	s14 =	sshrl.u32 s14, $0x3;
	s29 =	sshrl.u32 s18, $0x3;
	s18 =	sshrl.u32 s30, $0x3  }
0x13: {  	s11 =	sadd.s32 s16, s12;
	s12 =	sadd.s32 s16, s21;
	s13 =	sadd.s32 s16, s14  }
0x14: {  	s14 =	sadd.s32 s16, s29;
	s15 =	sadd.s32 s16, s18;
	s16 =	smax.u32 s17, $0x1  }
0x15: {  	s17 =	sadd.s32 $0x4600, s31;
	s18 =	sadd.s32 $0x18600, s31;
	s21 =	simm.s32 $0x1  }
.LBB2_1:
0x16: {  	[tilespmem:s19], [sflag:$0x3] =	stream.linear.gather [hbm4b:s1+s4], $0x4000, $0x38;
	[tilespmem:$0x17D00] =	vst v63  }
0x17: {  	_ =	swait.ge [sflag:s20], $0x4000  }
0x18: {  	[sflag:s20] =	ssyncset.done $0x0  }
0x19: {  	[sflag:s20] =	ssyncadd.s32 $0xFFFFC000  }
0x1a: {  	[spmem:s6] =	stream.linear.scatter [tilespmem:s19], [sflag:$0x1], $0x4000, $0x38;
	[tilespmem:$0x17D00] =	vst v63  }
0x1b: {  	_ = 	snop  }
0x1c: {  	[spmem:s7] =	stream.linear.scatter [tilespmem:s19], [sflag:$0x1], $0x4000, $0x38;
	[tilespmem:$0x17D00] =	vst v63  }
0x1d: {  	_ = 	snop  }
0x1e: {  	[spmem:s8] =	stream.linear.scatter [tilespmem:s19], [sflag:$0x1], $0x4000, $0x38;
	[tilespmem:$0x17D00] =	vst v63  }
0x1f: {  	_ = 	snop  }
0x20: {  	[spmem:s9] =	stream.linear.scatter [tilespmem:s19], [sflag:$0x1], $0x4000, $0x38;
	[tilespmem:$0x17D00] =	vst v63  }
0x21: {  	_ = 	snop  }
0x22: {  	[spmem:s10] =	stream.linear.scatter [tilespmem:s19], [sflag:$0x1], $0x3C00, $0x38;
	[tilespmem:$0x17D00] =	vst v63  }
0x23: {  	_ =	swait.ge [sflag:s21], $0x4000  }
0x24: {  	[sflag:s21] =	ssyncset.done $0x0  }
0x25: {  	[sflag:s21] =	ssyncadd.s32 $0xFFFFC000  }
0x26: {  	_ =	swait.ge [sflag:s21], $0x4000  }
0x27: {  	[sflag:s21] =	ssyncset.done $0x0  }
0x28: {  	[sflag:s21] =	ssyncadd.s32 $0xFFFFC000  }
0x29: {  	_ =	swait.ge [sflag:s21], $0x4000  }
0x2a: {  	[sflag:s21] =	ssyncset.done $0x0  }
0x2b: {  	[sflag:s21] =	ssyncadd.s32 $0xFFFFC000  }
0x2c: {  	_ =	swait.ge [sflag:s21], $0x4000  }
0x2d: {  	[sflag:s21] =	ssyncset.done $0x0  }
0x2e: {  	[sflag:s21] =	ssyncadd.s32 $0xFFFFC000  }
0x2f: {  	_ =	swait.ge [sflag:s21], $0x3C00  }
0x30: {  	[sflag:s21] =	ssyncset.done $0x0  }
0x31: {  	[sflag:s21] =	ssyncadd.s32 $0xFFFFC400  }
0x32: {  	s28 =	sadd.s32 $0x0, s18;
	[bflag:$0x0] =	sbarrier.arrive $0xFFFF  }
0x33: {  	[tilespmem:s22], [sflag:$0x3] =	stream.linear.gather [hbm4b:s28+s4], $0x80, $0x38;
	[tilespmem:$0x17D00] =	vst v63  }
0x34: {  	_ =	swait.ge [sflag:s20], $0x80  }
0x35: {  	[sflag:s20] =	ssyncset.done $0x0  }
0x36: {  	s28 =	sadd.s32 $0x0, s17;
	[sflag:s20] =	ssyncadd.s32 $0xFFFFFF80  }
0x37: {  	[tilespmem:s23], [sflag:$0x3] =	stream.linear.gather [hbm4b:s28+s4], $0x80, $0x38;
	[tilespmem:$0x17D00] =	vst v63  }
0x38: {  	_ =	swait.ge [sflag:s20], $0x80  }
0x39: {  	[sflag:s20] =	ssyncset.done $0x0  }
0x3a: {  	[sflag:s20] =	ssyncadd.s32 $0xFFFFFF80  }
0x3b: {  	[tilespmem:s19], [sflag:$0x1] =	stream.indirect.gather [hbm4b:s5+s24], $0x80, s22, s24, $0xb8;
	[tilespmem:$0x17D00] =	vst v63  }
0x3c: {  	_ =	swait.ge [sflag:s21], $0x4000  }
0x3d: {  	[sflag:s21] =	ssyncset.done $0x0  }
0x3e: {  	[sflag:s21] =	ssyncadd.s32 $0xFFFFC000  }
0x3f: {  	[spmem:s3] =	stream.indirect.scatter.add.f32 [tilespmem:s19], [sflag:$0x3], $0x80, s23, s24, $0xb8;
	[tilespmem:$0x17D00] =	vst v63  }
0x40: {  	_ =	swait.ge [sflag:s20], $0x4000  }
0x41: {  	s29 =	simm.s32 $0x20;
	s28 =	simm.s32 $0x10;
	[sflag:s20] =	ssyncset.done $0x0  }
.LBB2_2:
0x42: {  	s30 =	sadd.s32 s28, s18  }
0x43: {  	[sflag:s20] =	ssyncadd.s32 $0xFFFFC000;
	s31 =	smov.u32 s29;
	s0 =	sadd.s32 $0x10, s29  }
0x44: {  	[tilespmem:s22], [sflag:$0x3] =	stream.linear.gather [hbm4b:s30+s4], $0x80, $0x38;
	[tilespmem:$0x17D00] =	vst v63  }
0x45: {  	p0 =	sne.s32 s29, $0x4E0;
	_ =	swait.ge [sflag:s20], $0x80  }
0x46: {  	[sflag:s20] =	ssyncset.done $0x0  }
0x47: {  	s29 =	sadd.s32 s28, s17;
	s28 =	smov.u32 s31;
	[sflag:s20] =	ssyncadd.s32 $0xFFFFFF80  }
0x48: {  	[tilespmem:s23], [sflag:$0x3] =	stream.linear.gather [hbm4b:s29+s4], $0x80, $0x38;
	[tilespmem:$0x17D00] =	vst v63  }
0x49: {  	_ =	swait.ge [sflag:s20], $0x80  }
0x4a: {  	[sflag:s20] =	ssyncset.done $0x0  }
0x4b: {  	[sflag:s20] =	ssyncadd.s32 $0xFFFFFF80  }
0x4c: {  	[tilespmem:s19], [sflag:$0x1] =	stream.indirect.gather [hbm4b:s5+s24], $0x80, s22, s24, $0xb8;
	[tilespmem:$0x17D00] =	vst v63  }
0x4d: {  	_ =	swait.ge [sflag:s21], $0x4000  }
.Ltmp0:
0x4e: {  	[sflag:s21] =	ssyncset.done $0x0;
	(pc) =	sbr.rel @p0 .LBB2_2-.Ltmp0, $4  }
0x4f: {  	[sflag:s21] =	ssyncadd.s32 $0xFFFFC000  }
0x50: {  	[spmem:s3] =	stream.indirect.scatter.add.f32 [tilespmem:s19], [sflag:$0x3], $0x80, s23, s24, $0xb8;
	[tilespmem:$0x17D00] =	vst v63  }
0x51: {  	_ =	swait.ge [sflag:s20], $0x4000  }
0x52: {  	s29 =	smov.u32 s0;
	[sflag:s20] =	ssyncset.done $0x0  }
0x53: {  	s0 =	sadd.s32 s28, s18;
	[sflag:s20] =	ssyncadd.s32 $0xFFFFC000  }
0x54: {  	[tilespmem:s22], [sflag:$0x3] =	stream.linear.gather [hbm4b:s0+s4], $0x80, $0x38;
	[tilespmem:$0x17D00] =	vst v63  }
0x55: {  	_ =	swait.ge [sflag:s20], $0x80  }
0x56: {  	[sflag:s20] =	ssyncset.done $0x0  }
0x57: {  	s31 =	sadd.s32 s28, s17;
	[sflag:s20] =	ssyncadd.s32 $0xFFFFFF80  }
0x58: {  	[tilespmem:s23], [sflag:$0x3] =	stream.linear.gather [hbm4b:s31+s4], $0x80, $0x38;
	[tilespmem:$0x17D00] =	vst v63  }
0x59: {  	_ =	swait.ge [sflag:s20], $0x80  }
0x5a: {  	[sflag:s20] =	ssyncset.done $0x0  }
0x5b: {  	[sflag:s20] =	ssyncadd.s32 $0xFFFFFF80  }
0x5c: {  	[tilespmem:s19], [sflag:$0x1] =	stream.indirect.gather [hbm4b:s5+s24], $0x80, s22, s24, $0xb8;
	[tilespmem:$0x17D00] =	vst v63  }
0x5d: {  	_ =	swait.ge [sflag:s21], $0x4000  }
0x5e: {  	[sflag:s21] =	ssyncset.done $0x0  }
0x5f: {  	[sflag:s21] =	ssyncadd.s32 $0xFFFFC000  }
0x60: {  	[spmem:s3] =	stream.indirect.scatter.add.f32 [tilespmem:s19], [sflag:$0x3], $0x80, s23, s24, $0xb8;
	[tilespmem:$0x17D00] =	vst v63  }
0x61: {  	_ =	swait.ge [sflag:s20], $0x4000  }
0x62: {  	[sflag:s20] =	ssyncset.done $0x0  }
0x63: {  	[sflag:s20] =	ssyncadd.s32 $0xFFFFC000  }
0x64: {  	[bflag:$0x0] =	sbarrier.arrive $0xFFFF  }
0x65: {  	[tilespmem:s19], [sflag:$0x1] =	stream.linear.gather [spmem:s6], $0x4000, $0x38;
	[tilespmem:$0x17D00] =	vst v63  }
0x66: {  	_ =	swait.ge [sflag:s21], $0x4000  }
0x67: {  	[sflag:s21] =	ssyncset.done $0x0  }
0x68: {  	[sflag:s21] =	ssyncadd.s32 $0xFFFFC000  }
0x69: {  	[hbm4b:s11+s4] =	stream.linear.scatter [tilespmem:s19], [sflag:$0x2], $0x4000, $0x38;
	[tilespmem:$0x17D00] =	vst v63  }
0x6a: {  	_ =	swait.ge [sflag:s25], $0x4000  }
0x6b: {  	[sflag:s25] =	ssyncset.done $0x0  }
0x6c: {  	[sflag:s25] =	ssyncadd.s32 $0xFFFFC000  }
0x6d: {  	[tilespmem:s19], [sflag:$0x1] =	stream.linear.gather [spmem:s7], $0x4000, $0x38;
	[tilespmem:$0x17D00] =	vst v63  }
0x6e: {  	_ =	swait.ge [sflag:s21], $0x4000  }
0x6f: {  	[sflag:s21] =	ssyncset.done $0x0  }
0x70: {  	[sflag:s21] =	ssyncadd.s32 $0xFFFFC000  }
0x71: {  	[hbm4b:s12+s4] =	stream.linear.scatter [tilespmem:s19], [sflag:$0x2], $0x4000, $0x38;
	[tilespmem:$0x17D00] =	vst v63  }
0x72: {  	_ =	swait.ge [sflag:s25], $0x4000  }
0x73: {  	[sflag:s25] =	ssyncset.done $0x0  }
0x74: {  	[sflag:s25] =	ssyncadd.s32 $0xFFFFC000  }
0x75: {  	[tilespmem:s19], [sflag:$0x1] =	stream.linear.gather [spmem:s8], $0x4000, $0x38;
	[tilespmem:$0x17D00] =	vst v63  }
0x76: {  	_ =	swait.ge [sflag:s21], $0x4000  }
0x77: {  	[sflag:s21] =	ssyncset.done $0x0  }
0x78: {  	[sflag:s21] =	ssyncadd.s32 $0xFFFFC000  }
0x79: {  	[hbm4b:s13+s4] =	stream.linear.scatter [tilespmem:s19], [sflag:$0x2], $0x4000, $0x38;
	[tilespmem:$0x17D00] =	vst v63  }
0x7a: {  	_ =	swait.ge [sflag:s25], $0x4000  }
0x7b: {  	[sflag:s25] =	ssyncset.done $0x0  }
0x7c: {  	[sflag:s25] =	ssyncadd.s32 $0xFFFFC000  }
0x7d: {  	[tilespmem:s19], [sflag:$0x1] =	stream.linear.gather [spmem:s9], $0x4000, $0x38;
	[tilespmem:$0x17D00] =	vst v63  }
0x7e: {  	_ =	swait.ge [sflag:s21], $0x4000  }
0x7f: {  	[sflag:s21] =	ssyncset.done $0x0  }
0x80: {  	[sflag:s21] =	ssyncadd.s32 $0xFFFFC000  }
0x81: {  	[hbm4b:s14+s4] =	stream.linear.scatter [tilespmem:s19], [sflag:$0x2], $0x4000, $0x38;
	[tilespmem:$0x17D00] =	vst v63  }
0x82: {  	_ =	swait.ge [sflag:s25], $0x4000  }
0x83: {  	[sflag:s25] =	ssyncset.done $0x0  }
0x84: {  	[sflag:s25] =	ssyncadd.s32 $0xFFFFC000  }
0x85: {  	[tilespmem:s19], [sflag:$0x1] =	stream.linear.gather [spmem:s10], $0x3C00, $0x38;
	[tilespmem:$0x17D00] =	vst v63  }
0x86: {  	s26 =	sadd.s32 $0x1, s26;
	_ =	swait.ge [sflag:s21], $0x3C00  }
0x87: {  	p0 =	sne.s32 s26, s16;
	[sflag:s21] =	ssyncset.done $0x0  }
.Ltmp1:
0x88: {  	[sflag:s21] =	ssyncadd.s32 $0xFFFFC400;
	(pc) =	sbr.rel @p0 .LBB2_1-.Ltmp1, $4  }
0x89: {  	[hbm4b:s15+s4] =	stream.linear.scatter [tilespmem:s19], [sflag:$0x2], $0x3C00, $0x38;
	[tilespmem:$0x17D00] =	vst v63  }
0x8a: {  	_ =	swait.ge [sflag:s25], $0x3C00  }
0x8b: {  	[sflag:s25] =	ssyncset.done $0x0  }
0x8c: {  	[sflag:s25] =	ssyncadd.s32 $0xFFFFC400  }
0x8d: {  	_ =	sfence.sel $0x180000  }
0x8e: {  	[bflag:$0x0] =	sbarrier.arrive $0xFFFF  }
0x8f: {  	_ =	strace $0x9000004D  }
0x90: {  	[bflag:$0x2] =	sbarrier.arrive $0xFFFF  }
0x91: {  	p0 =	sne.s32 s2, $0x0;
	s0 =	rddreg [dreg:$0x3]  }
0x92: {  	s0 =	sadd.s32 @!p0 $0x100000, s0  }
0x93: {  	[sflag:s0] =	ssyncadd.tile.s32 @!p0 $0x1;
	_ =	shalt  }
.Lfunc_end2:
_tile_overlayer_lowered:
.L_overlay_start_2:
0x94: {  	(tag) =	ssettag $0x2  }
0x95: {  	s0 =	rddreg [dreg:$0x0];
	s2 =	stileid.u32  }
0x96: {  	s1 =	rddreg [dreg:$0x1];
	p0 =	sne.s32 s2, $0x0  }
0x97: {  	s3 =	rddreg [dreg:$0x2];
	[bflag:$0x3] =	sbarrier.arrive $0xFFFF;
	s2 =	simm.s32 @!p0 $0x1C03  }
0x98: {  	[timem:s3], [sflag:s2] =	dma.local @!p0 [hbm:s0], s1  }
0x99: {  	s0 =	simm.s32 @!p0 $0x3  }
0x9a: {  	_ =	swait.ge @!p0 [sflag:s0], s1  }
0x9b: {  	s1 =	ssub.s32 @!p0 $0x0, s1;
	[sflag:s0] =	ssyncset.done @!p0 $0x0  }
0x9c: {  	[sflag:s0] =	ssyncadd.s32 @!p0 s1  }
0x9d: {  	[bflag:$0x3] =	sbarrier.arrive $0xFFFF  }
0x9e: {  	_ =	shalt  }

// kernel: kernel.18.cloned.1.call-start
scs
__scs_entry_jumppad:
0x0: {  	(pc) =	sbr.rel $0x88, $3  }
0x1: {  	(tag) =	ssettag $0x0;
	lr =	simm.s32 $0x1  }
0x2: {  	[smem:$0x3F8E] =	sst lr;
	_ =	strace $0xD0000000  }
0x3: {  	_ = 	snop  }
0x4: {  	_ = 	snop  }
0x5: {  	_ = 	snop  }
0x6: {  	_ = 	snop  }
0x7: {  	_ = 	snop  }
__scs_overlays_trampoline_lowered:
0x8: {  	[smem:$0x3F9D] =	sst s0  }
0x9: {  	[smem:$0x3F9E] =	sst s1  }
0xa: {  	[smem:$0x3F9F] =	sst s2  }
0xb: {  	[smem:$0x3FA0] =	sst s3  }
0xc: {  	[smem:$0x3FA1] =	sst s4  }
0xd: {  	[smem:$0x3FA2] =	sst s5  }
0xe: {  	[smem:$0x3FA3] =	sst s6  }
0xf: {  	[smem:$0x3FA4] =	sst s7  }
0x10: {  	[smem:$0x3FA5] =	sst s8  }
0x11: {  	[smem:$0x3FA6] =	sst s9;
	s0 =	simm.s32 @!p0 $0x0  }
0x12: {  	s1 =	sld [smem:$0x3F8C];
	s0 =	simm.s32 @p0 $0x1  }
0x13: {  	[smem:$0x3FA7] =	sst s0;
	s0 =	simm.s32 @!p1 $0x0  }
0x14: {  	s2 =	sld [smem:$0x3F8B];
	s0 =	simm.s32 @p1 $0x1  }
0x15: {  	[smem:$0x3FA8] =	sst s0;
	s0 =	simm.s32 @!p2 $0x0  }
0x16: {  	s3 =	sld [smem:$0x3FDB];
	s0 =	simm.s32 @p2 $0x1  }
0x17: {  	s4 =	simm.s32 $0x1BF5;
	[smem:$0x3FAA] =	sst s0  }
0x18: {  	s0 =	sld [smem:$0x3F8D];
	_ =	swait.ge [sflag:s4], $0x0  }
0x19: {  	s7 =	sld [smem:$0x3F8E]  }
0x1a: {  	s8 =	sadd.s32 $0xFFFFE003, lr  }
0x1b: {  	s9 =	sadd.s32 $0xFFFFFEF7, lr;
	s5 =	simm.s32 $0xFFFFFFFF;
	p2 =	slt.u32 s8, $0xFFFFF086  }
0x1c: {  	p1 =	slt.u32 s9, $0xF7A;
	s5 =	simm.s32 @!p2 $0x0  }
0x1d: {  	s5 =	simm.s32 @p1 $0x1;
	p0 =	seq.s32 s7, s2  }
0x1e: {  	s7 =	smul.u32 @!p0 $0xF7A, s2;
	p2 =	seq.s32 @!p0 s5, $0x0  }
0x1f: {  	s9 =	smul.u32 $0xF7A, s1;
	s8 =	simm.s32 @!p0 $0x1BF5;
	p2 =	por !p2, p0  }
0x20: {  	[sflag:s8] =	ssyncset.s32 @!p0 $0xFFFFF086;
	s6 =	sadd.s32 @!p0 s3, s7;
	s7 =	simm.s32 @!p0 $0x108  }
0x21: {  	s3 =	sadd.s32 s3, s9;
	s6 =	sadd.s32 @!p0 $0x88, s6;
	s7 =	simm.s32 @p2 $0x1082  }
0x22: {  	[simem:s7], [sflag:s8] =	dma.local @!p0 [hbm:s6], $0xF7A  }
0x23: {  	s9 =	sor.u32 $0xD0000000, s2;
	s6 =	simm.s32 $0x108;
	_ =	swait.ge @!p0 [sflag:s8], $0x0  }
0x24: {  	s3 =	sadd.s32 $0x88, s3;
	s6 =	simm.s32 @!p1 $0x1082;
	[sflag:s4] =	ssyncset.s32 $0xFFFFF086  }
0x25: {  	[simem:s6], [sflag:s4] =	dma.local [hbm:s3], $0xF7A  }
0x26: {  	[smem:$0x3F8E] =	sst s1;
	(tag) =	ssettag s2;
	_ =	strace s9  }
0x27: {  	s1 =	sld [smem:$0x3F9E]  }
0x28: {  	s2 =	sld [smem:$0x3F9F]  }
0x29: {  	s4 =	sld [smem:$0x3FA1]  }
0x2a: {  	p0 =	seq.s32 s5, $0x0;
	s5 =	sld [smem:$0x3FA2]  }
0x2b: {  	s6 =	sld [smem:$0x3FA3]  }
0x2c: {  	s7 =	sld [smem:$0x3FA4]  }
0x2d: {  	s3 =	simm.s32 $0x108;
	s8 =	sld [smem:$0x3FA5]  }
0x2e: {  	s3 =	simm.s32 @!p0 $0x1082;
	s9 =	sld [smem:$0x3FA6]  }
0x2f: {  	lr =	sadd.s32 s0, s3;
	s0 =	sld [smem:$0x3F9D]  }
0x30: {  	s3 =	sld [smem:$0x3FA0]  }
0x31: {  	[smem:$0x3FA9] =	sst s10  }
0x32: {  	s10 =	sld [smem:$0x3FA7];
	_ =	sdelay $0x3  }
0x33: {  	p0 =	seq.s32 s10, $0x1;
	s10 =	sld [smem:$0x3FA9];
	_ =	sdelay $0x3  }
0x34: {  	[smem:$0x3FA9] =	sst s10  }
0x35: {  	s10 =	sld [smem:$0x3FA8];
	_ =	sdelay $0x3  }
0x36: {  	p1 =	seq.s32 s10, $0x1;
	s10 =	sld [smem:$0x3FA9];
	_ =	sdelay $0x3  }
0x37: {  	[smem:$0x3FA9] =	sst s10  }
0x38: {  	s10 =	sld [smem:$0x3FAA]  }
0x39: {  	_ = 	snop;
	(pc) =	sbr.ind lr, $3  }
0x3a: {  	_ = 	snop  }
0x3b: {  	_ = 	snop  }
0x3c: {  	p2 =	seq.s32 s10, $0x1;
	s10 =	sld [smem:$0x3FA9]  }
0x3d: {  	_ =	shalt  }
0x3e: {  	_ =	shalt  }
0x3f: {  	_ =	shalt  }
0x40: {  	_ =	shalt  }
0x41: {  	_ =	shalt  }
0x42: {  	_ =	shalt  }
0x43: {  	_ =	shalt  }
0x44: {  	_ =	shalt  }
0x45: {  	_ =	shalt  }
0x46: {  	_ =	shalt  }
0x47: {  	_ =	shalt  }
0x48: {  	_ =	shalt  }
0x49: {  	_ =	shalt  }
0x4a: {  	_ =	shalt  }
0x4b: {  	_ =	shalt  }
0x4c: {  	_ =	shalt  }
0x4d: {  	_ =	shalt  }
0x4e: {  	_ =	shalt  }
0x4f: {  	_ =	shalt  }
0x50: {  	_ =	shalt  }
0x51: {  	_ =	shalt  }
0x52: {  	_ =	shalt  }
0x53: {  	_ =	shalt  }
0x54: {  	_ =	shalt  }
0x55: {  	_ =	shalt  }
0x56: {  	_ =	shalt  }
0x57: {  	_ =	shalt  }
0x58: {  	_ =	shalt  }
0x59: {  	_ =	shalt  }
0x5a: {  	_ =	shalt  }
0x5b: {  	_ =	shalt  }
0x5c: {  	_ =	shalt  }
0x5d: {  	_ =	shalt  }
0x5e: {  	_ =	shalt  }
0x5f: {  	_ =	shalt  }
0x60: {  	_ =	shalt  }
0x61: {  	_ =	shalt  }
0x62: {  	_ =	shalt  }
0x63: {  	_ =	shalt  }
0x64: {  	_ =	shalt  }
0x65: {  	_ =	shalt  }
0x66: {  	_ =	shalt  }
0x67: {  	_ =	shalt  }
0x68: {  	_ =	shalt  }
0x69: {  	_ =	shalt  }
0x6a: {  	_ =	shalt  }
0x6b: {  	_ =	shalt  }
0x6c: {  	_ =	shalt  }
0x6d: {  	_ =	shalt  }
0x6e: {  	_ =	shalt  }
0x6f: {  	_ =	shalt  }
0x70: {  	_ =	shalt  }
0x71: {  	_ =	shalt  }
0x72: {  	_ =	shalt  }
0x73: {  	_ =	shalt  }
0x74: {  	_ =	shalt  }
0x75: {  	_ =	shalt  }
0x76: {  	_ =	shalt  }
0x77: {  	_ =	shalt  }
0x78: {  	_ =	shalt  }
0x79: {  	_ =	shalt  }
0x7a: {  	_ =	shalt  }
0x7b: {  	_ =	shalt  }
0x7c: {  	_ =	shalt  }
0x7d: {  	_ =	shalt  }
0x7e: {  	_ =	shalt  }
0x7f: {  	_ =	shalt  }
0x80: {  	_ =	shalt  }
0x81: {  	_ =	shalt  }
0x82: {  	_ =	shalt  }
0x83: {  	_ =	shalt  }
0x84: {  	_ =	shalt  }
0x85: {  	_ =	shalt  }
0x86: {  	_ =	shalt  }
0x87: {  	_ =	shalt  }
.Lfunc_end0:
.L_simem_size_0:
called_computation.3_lowered:
.L_overlay_start_0:
0x88: {  	s2 =	sld [smem:$0x3FD9]  }
0x89: {  	s3 =	sld [smem:$0x3FFE];
	_ =	sdelay $0x1  }
0x8a: {  	s1 =	srdreg.scid  }
0x8b: {  	s0 =	sand.u32 $0x1, s1  }
0x8c: {  	s17 =	sshll.u32 s0, $0xA;
	s2 =	sadd.s32 s3, s2  }
0x8d: {  	s2 =	sadd.s32 s2, s17  }
0x8e: {  	[smem:$0x3FB5] =	sst s2  }
0x8f: {  	_ = 	snop  }
0x90: {  	s2 =	sld [smem:$0x3FD0];
	(tm) =	ssettm $0x1  }
0x91: {  	s18 =	sld [smem:$0x3FFB];
	_ =	sdelay $0x3  }
0x92: {  	_ =	strace s18  }
0x93: {  	s3 =	sld [smem:$0x3FFC];
	_ =	sdelay $0x3  }
0x94: {  	_ =	strace s3  }
0x95: {  	s3 =	sld [smem:$0x3FFD];
	_ =	sdelay $0x3  }
0x96: {  	_ =	strace s3  }
0x97: {  	_ =	strace $0x8FFFFFFF  }
0x98: {  	s19 =	sld [smem:$0x3FDB];
	_ =	sdelay $0x1  }
0x99: {  	s4 =	simm.s32 $_scs_section_size  }
0x9a: {  	s5 =	simm.s32 $_size__tile_overlayer_lowered;
	s6 =	simm.s32 $_tile_overlayer_lowered  }
0x9b: {  	s22 =	simm.s32 $0x1BFF;
	s21 =	sshll.u32 s6, $0x1;
	s3 =	sadd.s32 s4, s19  }
0x9c: {  	s7 =	simm.s32 $0x0;
	s20 =	sshll.u32 s5, $0x1;
	s5 =	sadd.s32 s21, s3  }
0x9d: {  	[timem:s7], [sflag:s22] =	dma.local [hbm:s5], s20  }
0x9e: {  	_ =	swait.ge [sflag:s22], s20  }
0x9f: {  	s4 =	ssub.s32 $0x0, s20;
	[sflag:s22] =	ssyncset.done $0x0  }
0xa0: {  	[sflag:s22] =	ssyncadd.s32 s4;
	_ =	sdelay $0x1  }
0xa1: {  	s23 =	simm.s32 $0x1B8B  }
0xa2: {  	_ =	swait.ge [sflag:s23], $0x1  }
0xa3: {  	[sflag:s23] =	ssyncset.done $0x0  }
0xa4: {  	s25 =	simm.s32 $0x1B8E;
	s24 =	sld [smem:$0x3FFE];
	[sflag:s23] =	ssyncadd.s32 $0xFFFFFFFF  }
0xa5: {  	s26 =	simm.s32 $execute0_lowered;
	[smem:$0x3FD2] =	sst s25  }
0xa6: {  	s5 =	sshll.u32 s26, $0x1;
	_ =	strace $0x8000004F;
	[dreg:$0x1] =	wrdreg $0xFFFFFFFF  }
0xa7: {  	s28 =	simm.s32 $_size_execute0_lowered;
	s3 =	sadd.s32 s3, s5;
	[dreg:$0x0] =	wrdreg $0x0  }
0xa8: {  	s5 =	sshll.u32 s28, $0x1;
	[dreg:$0x2] =	wrdreg s3  }
0xa9: {  	[dreg:$0x3] =	wrdreg s5  }
0xaa: {  	[dreg:$0x4] =	wrdreg $0xC0  }
0xab: {  	_ =	task [dreg:s7], $0x5FFFF  }
0xac: {  	[dreg:$0x1] =	wrdreg $0xFFFFFFFF  }
0xad: {  	[dreg:$0x0] =	wrdreg $0x60  }
0xae: {  	[dreg:$0x2] =	wrdreg s24  }
0xaf: {  	[dreg:$0x3] =	wrdreg s2  }
0xb0: {  	[dreg:$0x4] =	wrdreg $0x0  }
0xb1: {  	[dreg:$0x5] =	wrdreg $0x9  }
0xb2: {  	_ =	task.clear_ibuf [dreg:s7], $0x6FFFF;
	_ =	strace $0x9000004F  }
0xb3: {  	s29 =	simm.s32 $0x9;
	_ =	strace $0x80000051  }
0xb4: {  	_ =	swait.ge [sflag:s29], $0x1  }
0xb5: {  	[sflag:s29] =	ssyncadd.s32 $0xFFFFFFFF  }
0xb6: {  	_ =	strace $0x90000051  }
0xb7: {  	_ =	sfence  }
0xb8: {  	s30 =	sld [smem:$0x0];
	_ =	sdelay $0x2  }
0xb9: {  	s31 =	sshll.u32 s1, $0xD;
	s1 =	sshrl.u32 s1, $0x2  }
0xba: {  	s3 =	sand.u32 $0x4000, s31;
	s1 =	sadd.s32 s1, s30  }
0xbb: {  	s0 =	sor.u32 s3, s0;
	s1 =	sshll.u32 s1, $0x11  }
0xbc: {  	s0 =	sor.u32 s1, s0  }
0xbd: {  	s0 =	sadd.s32 $0x8F2B, s0  }
0xbe: {  	[sflag:s0] =	ssyncadd.remote.s32 $0x1  }
0xbf: {  	_ =	sfence.sel $0xFFFF  }
0xc0: {  	[dreg:$0x0] =	wrdreg $0xFFFFFFFF;
	(pc) =	sbr.abs _section_cstart, $3  }
0xc1: {  	[dreg:$0x1] =	wrdreg $0xFFFFFFFF  }
0xc2: {  	_ =	task.clear_ibuf [dreg:s7], $0x2FFFF;
	_ =	strace $0x9FFFFFFF  }
0xc3: {  	(tm) =	ssettm $0x7FFFFFFF  }
tec
execute0_lowered:
.L_overlay_start_1:
0x0: {  	(tag) =	ssettag $0x1  }
0x1: {  	s6 =	rddreg [dreg:$0x0]  }
0x2: {  	s2 =	rddreg [dreg:$0x1]  }
0x3: {  	s3 =	rddreg [dreg:$0x2]  }
0x4: {  	s5 =	srdreg.scid;
	s1 =	stileid.u32  }
0x5: {  	s4 =	simm.s32 $0x0;
	s20 =	simm.s32 $0x3;
	s21 =	simm.s32 $0x1  }
0x6: {  	s22 =	simm.s32 $0x9E00;
	s23 =	simm.s32 $0x9E80;
	s24 =	simm.s32 $0x80  }
0x7: {  	s25 =	simm.s32 $0x2;
	s7 =	sand.u32 $0x1, s5;
	s8 =	smul.u32 $0x4F00, s1  }
0x8: {  	[smem:$0x7FF] =	sst s4;
	s5 =	sadd.s32 $0x22400, s6;
	s11 =	smul.u32 $0x9E00, s1  }
0x9: {  	s15 =	sadd.s32 $0x35E00, s6;
	s9 =	smul.u32 $0x2780, s7;
	s26 =	ssub.s32 $0x2, s7  }
0xa: {  	_ =	strace $0x80000050;
	s13 =	smul.u32 $0x9E000, s7;
	s10 =	sshrl.u32 s26, $0x1  }
0xb: {  	s28 =	sadd.s32 $0x2000, s11;
	s14 =	sadd.s32 $0x4000, s11;
	s17 =	sadd.s32 $0x6000, s11  }
0xc: {  	s19 =	sadd.s32 $0x8000, s11;
	s8 =	sadd.s32 s9, s8;
	s16 =	ssub.s32 s26, s10  }
0xd: {  	s7 =	sadd.s32 s28, s3;
	s9 =	sadd.s32 s17, s3;
	s12 =	sadd.s32 s11, s13  }
0xe: {  	s30 =	sadd.s32 s13, s28;
	s10 =	sadd.s32 s19, s3;
	s17 =	sadd.s32 s13, s17  }
0xf: {  	s19 =	sadd.s32 s13, s19;
	s26 =	simm.s32 $0x0;
	s8 =	sshrl.u32 s8, $0x3  }
0x10: {  	s29 =	sshrl.u32 s12, $0x3;
	s12 =	sshrl.u32 s30, $0x3;
	s17 =	sshrl.u32 s17, $0x3  }
0x11: {  	s31 =	sshrl.u32 s19, $0x3;
	s16 =	smax.u32 s16, $0x1;
	s19 =	simm.s32 $0x9F00  }
0x12: {  	s18 =	sadd.s32 s8, s6;
	s8 =	sadd.s32 s14, s3;
	s14 =	sadd.s32 s13, s14  }
0x13: {  	s6 =	sadd.s32 s11, s3;
	s11 =	sadd.s32 s15, s29;
	s14 =	sshrl.u32 s14, $0x3  }
0x14: {  	s12 =	sadd.s32 s15, s12;
	s13 =	sadd.s32 s15, s14;
	s14 =	sadd.s32 s15, s17  }
0x15: {  	s15 =	sadd.s32 s15, s31;
	s17 =	sadd.s32 $0x4600, s18;
	s18 =	sadd.s32 $0x18600, s18  }
.LBB2_1:
0x16: {  	[tilespmem:s19], [sflag:$0x3] =	stream.linear.gather [hbm4b:s2+s4], $0x2000, $0x38;
	[tilespmem:$0xBF00] =	vst v63  }
0x17: {  	_ =	swait.ge [sflag:s20], $0x2000  }
0x18: {  	[sflag:s20] =	ssyncset.done $0x0  }
0x19: {  	[sflag:s20] =	ssyncadd.s32 $0xFFFFE000  }
0x1a: {  	[spmem:s6] =	stream.linear.scatter [tilespmem:s19], [sflag:$0x1], $0x2000, $0x38;
	[tilespmem:$0xBF00] =	vst v63  }
0x1b: {  	_ = 	snop  }
0x1c: {  	[spmem:s7] =	stream.linear.scatter [tilespmem:s19], [sflag:$0x1], $0x2000, $0x38;
	[tilespmem:$0xBF00] =	vst v63  }
0x1d: {  	_ = 	snop  }
0x1e: {  	[spmem:s8] =	stream.linear.scatter [tilespmem:s19], [sflag:$0x1], $0x2000, $0x38;
	[tilespmem:$0xBF00] =	vst v63  }
0x1f: {  	_ = 	snop  }
0x20: {  	[spmem:s9] =	stream.linear.scatter [tilespmem:s19], [sflag:$0x1], $0x2000, $0x38;
	[tilespmem:$0xBF00] =	vst v63  }
0x21: {  	_ = 	snop  }
0x22: {  	[spmem:s10] =	stream.linear.scatter [tilespmem:s19], [sflag:$0x1], $0x1E00, $0x38;
	[tilespmem:$0xBF00] =	vst v63  }
0x23: {  	_ =	swait.ge [sflag:s21], $0x2000  }
0x24: {  	[sflag:s21] =	ssyncset.done $0x0  }
0x25: {  	[sflag:s21] =	ssyncadd.s32 $0xFFFFE000  }
0x26: {  	_ =	swait.ge [sflag:s21], $0x2000  }
0x27: {  	[sflag:s21] =	ssyncset.done $0x0  }
0x28: {  	[sflag:s21] =	ssyncadd.s32 $0xFFFFE000  }
0x29: {  	_ =	swait.ge [sflag:s21], $0x2000  }
0x2a: {  	[sflag:s21] =	ssyncset.done $0x0  }
0x2b: {  	[sflag:s21] =	ssyncadd.s32 $0xFFFFE000  }
0x2c: {  	_ =	swait.ge [sflag:s21], $0x2000  }
0x2d: {  	[sflag:s21] =	ssyncset.done $0x0  }
0x2e: {  	[sflag:s21] =	ssyncadd.s32 $0xFFFFE000  }
0x2f: {  	_ =	swait.ge [sflag:s21], $0x1E00  }
0x30: {  	[sflag:s21] =	ssyncset.done $0x0  }
0x31: {  	[sflag:s21] =	ssyncadd.s32 $0xFFFFE200  }
0x32: {  	s28 =	sadd.s32 $0x0, s18;
	[bflag:$0x0] =	sbarrier.arrive $0xFFFF  }
0x33: {  	[tilespmem:s22], [sflag:$0x3] =	stream.linear.gather [hbm4b:s28+s4], $0x80, $0x38;
	[tilespmem:$0xBF00] =	vst v63  }
0x34: {  	_ =	swait.ge [sflag:s20], $0x80  }
0x35: {  	[sflag:s20] =	ssyncset.done $0x0  }
0x36: {  	s28 =	sadd.s32 $0x0, s17;
	[sflag:s20] =	ssyncadd.s32 $0xFFFFFF80  }
0x37: {  	[tilespmem:s23], [sflag:$0x3] =	stream.linear.gather [hbm4b:s28+s4], $0x80, $0x38;
	[tilespmem:$0xBF00] =	vst v63  }
0x38: {  	_ =	swait.ge [sflag:s20], $0x80  }
0x39: {  	[sflag:s20] =	ssyncset.done $0x0  }
0x3a: {  	[sflag:s20] =	ssyncadd.s32 $0xFFFFFF80  }
0x3b: {  	[tilespmem:s19], [sflag:$0x1] =	stream.indirect.gather [hbm4b:s5+s24], $0x40, s22, s24, $0xb8;
	[tilespmem:$0xBF00] =	vst v63  }
0x3c: {  	_ =	swait.ge [sflag:s21], $0x2000  }
0x3d: {  	[sflag:s21] =	ssyncset.done $0x0  }
0x3e: {  	[sflag:s21] =	ssyncadd.s32 $0xFFFFE000  }
0x3f: {  	[spmem:s3] =	stream.indirect.scatter.add.f32 [tilespmem:s19], [sflag:$0x3], $0x40, s23, s24, $0xb8;
	[tilespmem:$0xBF00] =	vst v63  }
0x40: {  	_ =	swait.ge [sflag:s20], $0x2000  }
0x41: {  	s29 =	simm.s32 $0x20;
	s28 =	simm.s32 $0x10;
	[sflag:s20] =	ssyncset.done $0x0  }
.LBB2_2:
0x42: {  	s30 =	sadd.s32 s28, s18  }
0x43: {  	[sflag:s20] =	ssyncadd.s32 $0xFFFFE000;
	s31 =	smov.u32 s29;
	s0 =	sadd.s32 $0x10, s29  }
0x44: {  	[tilespmem:s22], [sflag:$0x3] =	stream.linear.gather [hbm4b:s30+s4], $0x80, $0x38;
	[tilespmem:$0xBF00] =	vst v63  }
0x45: {  	p0 =	sne.s32 s29, $0x4E0;
	_ =	swait.ge [sflag:s20], $0x80  }
0x46: {  	[sflag:s20] =	ssyncset.done $0x0  }
0x47: {  	s29 =	sadd.s32 s28, s17;
	s28 =	smov.u32 s31;
	[sflag:s20] =	ssyncadd.s32 $0xFFFFFF80  }
0x48: {  	[tilespmem:s23], [sflag:$0x3] =	stream.linear.gather [hbm4b:s29+s4], $0x80, $0x38;
	[tilespmem:$0xBF00] =	vst v63  }
0x49: {  	_ =	swait.ge [sflag:s20], $0x80  }
0x4a: {  	[sflag:s20] =	ssyncset.done $0x0  }
0x4b: {  	[sflag:s20] =	ssyncadd.s32 $0xFFFFFF80  }
0x4c: {  	[tilespmem:s19], [sflag:$0x1] =	stream.indirect.gather [hbm4b:s5+s24], $0x40, s22, s24, $0xb8;
	[tilespmem:$0xBF00] =	vst v63  }
0x4d: {  	_ =	swait.ge [sflag:s21], $0x2000  }
.Ltmp0:
0x4e: {  	[sflag:s21] =	ssyncset.done $0x0;
	(pc) =	sbr.rel @p0 .LBB2_2-.Ltmp0, $4  }
0x4f: {  	[sflag:s21] =	ssyncadd.s32 $0xFFFFE000  }
0x50: {  	[spmem:s3] =	stream.indirect.scatter.add.f32 [tilespmem:s19], [sflag:$0x3], $0x40, s23, s24, $0xb8;
	[tilespmem:$0xBF00] =	vst v63  }
0x51: {  	_ =	swait.ge [sflag:s20], $0x2000  }
0x52: {  	s29 =	smov.u32 s0;
	[sflag:s20] =	ssyncset.done $0x0  }
0x53: {  	s0 =	sadd.s32 s28, s18;
	[sflag:s20] =	ssyncadd.s32 $0xFFFFE000  }
0x54: {  	[tilespmem:s22], [sflag:$0x3] =	stream.linear.gather [hbm4b:s0+s4], $0x80, $0x38;
	[tilespmem:$0xBF00] =	vst v63  }
0x55: {  	_ =	swait.ge [sflag:s20], $0x80  }
0x56: {  	[sflag:s20] =	ssyncset.done $0x0  }
0x57: {  	s31 =	sadd.s32 s28, s17;
	[sflag:s20] =	ssyncadd.s32 $0xFFFFFF80  }
0x58: {  	[tilespmem:s23], [sflag:$0x3] =	stream.linear.gather [hbm4b:s31+s4], $0x80, $0x38;
	[tilespmem:$0xBF00] =	vst v63  }
0x59: {  	_ =	swait.ge [sflag:s20], $0x80  }
0x5a: {  	[sflag:s20] =	ssyncset.done $0x0  }
0x5b: {  	[sflag:s20] =	ssyncadd.s32 $0xFFFFFF80  }
0x5c: {  	[tilespmem:s19], [sflag:$0x1] =	stream.indirect.gather [hbm4b:s5+s24], $0x40, s22, s24, $0xb8;
	[tilespmem:$0xBF00] =	vst v63  }
0x5d: {  	_ =	swait.ge [sflag:s21], $0x2000  }
0x5e: {  	[sflag:s21] =	ssyncset.done $0x0  }
0x5f: {  	[sflag:s21] =	ssyncadd.s32 $0xFFFFE000  }
0x60: {  	[spmem:s3] =	stream.indirect.scatter.add.f32 [tilespmem:s19], [sflag:$0x3], $0x40, s23, s24, $0xb8;
	[tilespmem:$0xBF00] =	vst v63  }
0x61: {  	_ =	swait.ge [sflag:s20], $0x2000  }
0x62: {  	[sflag:s20] =	ssyncset.done $0x0  }
0x63: {  	[sflag:s20] =	ssyncadd.s32 $0xFFFFE000  }
0x64: {  	[bflag:$0x0] =	sbarrier.arrive $0xFFFF  }
0x65: {  	[tilespmem:s19], [sflag:$0x1] =	stream.linear.gather [spmem:s6], $0x2000, $0x38;
	[tilespmem:$0xBF00] =	vst v63  }
0x66: {  	_ =	swait.ge [sflag:s21], $0x2000  }
0x67: {  	[sflag:s21] =	ssyncset.done $0x0  }
0x68: {  	[sflag:s21] =	ssyncadd.s32 $0xFFFFE000  }
0x69: {  	[hbm4b:s11+s4] =	stream.linear.scatter [tilespmem:s19], [sflag:$0x2], $0x2000, $0x38;
	[tilespmem:$0xBF00] =	vst v63  }
0x6a: {  	_ =	swait.ge [sflag:s25], $0x2000  }
0x6b: {  	[sflag:s25] =	ssyncset.done $0x0  }
0x6c: {  	[sflag:s25] =	ssyncadd.s32 $0xFFFFE000  }
0x6d: {  	[tilespmem:s19], [sflag:$0x1] =	stream.linear.gather [spmem:s7], $0x2000, $0x38;
	[tilespmem:$0xBF00] =	vst v63  }
0x6e: {  	_ =	swait.ge [sflag:s21], $0x2000  }
0x6f: {  	[sflag:s21] =	ssyncset.done $0x0  }
0x70: {  	[sflag:s21] =	ssyncadd.s32 $0xFFFFE000  }
0x71: {  	[hbm4b:s12+s4] =	stream.linear.scatter [tilespmem:s19], [sflag:$0x2], $0x2000, $0x38;
	[tilespmem:$0xBF00] =	vst v63  }
0x72: {  	_ =	swait.ge [sflag:s25], $0x2000  }
0x73: {  	[sflag:s25] =	ssyncset.done $0x0  }
0x74: {  	[sflag:s25] =	ssyncadd.s32 $0xFFFFE000  }
0x75: {  	[tilespmem:s19], [sflag:$0x1] =	stream.linear.gather [spmem:s8], $0x2000, $0x38;
	[tilespmem:$0xBF00] =	vst v63  }
0x76: {  	_ =	swait.ge [sflag:s21], $0x2000  }
0x77: {  	[sflag:s21] =	ssyncset.done $0x0  }
0x78: {  	[sflag:s21] =	ssyncadd.s32 $0xFFFFE000  }
0x79: {  	[hbm4b:s13+s4] =	stream.linear.scatter [tilespmem:s19], [sflag:$0x2], $0x2000, $0x38;
	[tilespmem:$0xBF00] =	vst v63  }
0x7a: {  	_ =	swait.ge [sflag:s25], $0x2000  }
0x7b: {  	[sflag:s25] =	ssyncset.done $0x0  }
0x7c: {  	[sflag:s25] =	ssyncadd.s32 $0xFFFFE000  }
0x7d: {  	[tilespmem:s19], [sflag:$0x1] =	stream.linear.gather [spmem:s9], $0x2000, $0x38;
	[tilespmem:$0xBF00] =	vst v63  }
0x7e: {  	_ =	swait.ge [sflag:s21], $0x2000  }
0x7f: {  	[sflag:s21] =	ssyncset.done $0x0  }
0x80: {  	[sflag:s21] =	ssyncadd.s32 $0xFFFFE000  }
0x81: {  	[hbm4b:s14+s4] =	stream.linear.scatter [tilespmem:s19], [sflag:$0x2], $0x2000, $0x38;
	[tilespmem:$0xBF00] =	vst v63  }
0x82: {  	_ =	swait.ge [sflag:s25], $0x2000  }
0x83: {  	[sflag:s25] =	ssyncset.done $0x0  }
0x84: {  	[sflag:s25] =	ssyncadd.s32 $0xFFFFE000  }
0x85: {  	[tilespmem:s19], [sflag:$0x1] =	stream.linear.gather [spmem:s10], $0x1E00, $0x38;
	[tilespmem:$0xBF00] =	vst v63  }
0x86: {  	s26 =	sadd.s32 $0x1, s26;
	_ =	swait.ge [sflag:s21], $0x1E00  }
0x87: {  	p0 =	sne.s32 s26, s16;
	[sflag:s21] =	ssyncset.done $0x0  }
.Ltmp1:
0x88: {  	[sflag:s21] =	ssyncadd.s32 $0xFFFFE200;
	(pc) =	sbr.rel @p0 .LBB2_1-.Ltmp1, $4  }
0x89: {  	[hbm4b:s15+s4] =	stream.linear.scatter [tilespmem:s19], [sflag:$0x2], $0x1E00, $0x38;
	[tilespmem:$0xBF00] =	vst v63  }
0x8a: {  	_ =	swait.ge [sflag:s25], $0x1E00  }
0x8b: {  	[sflag:s25] =	ssyncset.done $0x0  }
0x8c: {  	[sflag:s25] =	ssyncadd.s32 $0xFFFFE200  }
0x8d: {  	_ =	sfence.sel $0x180000  }
0x8e: {  	[bflag:$0x0] =	sbarrier.arrive $0xFFFF  }
0x8f: {  	_ =	strace $0x90000050  }
0x90: {  	[bflag:$0x2] =	sbarrier.arrive $0xFFFF  }
0x91: {  	p0 =	sne.s32 s1, $0x0;
	s0 =	rddreg [dreg:$0x3]  }
0x92: {  	s0 =	sadd.s32 @!p0 $0x100000, s0  }
0x93: {  	[sflag:s0] =	ssyncadd.tile.s32 @!p0 $0x1;
	_ =	shalt  }
.Lfunc_end2:
_tile_overlayer_lowered:
.L_overlay_start_2:
0x94: {  	(tag) =	ssettag $0x2  }
0x95: {  	s0 =	rddreg [dreg:$0x0];
	s2 =	stileid.u32  }
0x96: {  	s1 =	rddreg [dreg:$0x1];
	p0 =	sne.s32 s2, $0x0  }
0x97: {  	s3 =	rddreg [dreg:$0x2];
	[bflag:$0x3] =	sbarrier.arrive $0xFFFF;
	s2 =	simm.s32 @!p0 $0x1C03  }
0x98: {  	[timem:s3], [sflag:s2] =	dma.local @!p0 [hbm:s0], s1  }
0x99: {  	s0 =	simm.s32 @!p0 $0x3  }
0x9a: {  	_ =	swait.ge @!p0 [sflag:s0], s1  }
0x9b: {  	s1 =	ssub.s32 @!p0 $0x0, s1;
	[sflag:s0] =	ssyncset.done @!p0 $0x0  }
0x9c: {  	[sflag:s0] =	ssyncadd.s32 @!p0 s1  }
0x9d: {  	[bflag:$0x3] =	sbarrier.arrive $0xFFFF  }
0x9e: {  	_ =	shalt  }

// kernel: kernel.9.cloned.1.call-start
scs
__scs_entry_jumppad:
0x0: {  	(pc) =	sbr.rel $0x88, $3  }
0x1: {  	(tag) =	ssettag $0x0;
	lr =	simm.s32 $0x1  }
0x2: {  	[smem:$0x3F8E] =	sst lr;
	_ =	strace $0xD0000000  }
0x3: {  	_ = 	snop  }
0x4: {  	_ = 	snop  }
0x5: {  	_ = 	snop  }
0x6: {  	_ = 	snop  }
0x7: {  	_ = 	snop  }
__scs_overlays_trampoline_lowered:
0x8: {  	[smem:$0x3F9D] =	sst s0  }
0x9: {  	[smem:$0x3F9E] =	sst s1  }
0xa: {  	[smem:$0x3F9F] =	sst s2  }
0xb: {  	[smem:$0x3FA0] =	sst s3  }
0xc: {  	[smem:$0x3FA1] =	sst s4  }
0xd: {  	[smem:$0x3FA2] =	sst s5  }
0xe: {  	[smem:$0x3FA3] =	sst s6  }
0xf: {  	[smem:$0x3FA4] =	sst s7  }
0x10: {  	[smem:$0x3FA5] =	sst s8  }
0x11: {  	[smem:$0x3FA6] =	sst s9;
	s0 =	simm.s32 @!p0 $0x0  }
0x12: {  	s1 =	sld [smem:$0x3F8C];
	s0 =	simm.s32 @p0 $0x1  }
0x13: {  	[smem:$0x3FA7] =	sst s0;
	s0 =	simm.s32 @!p1 $0x0  }
0x14: {  	s2 =	sld [smem:$0x3F8B];
	s0 =	simm.s32 @p1 $0x1  }
0x15: {  	[smem:$0x3FA8] =	sst s0;
	s0 =	simm.s32 @!p2 $0x0  }
0x16: {  	s3 =	sld [smem:$0x3FDB];
	s0 =	simm.s32 @p2 $0x1  }
0x17: {  	s4 =	simm.s32 $0x1BF5;
	[smem:$0x3FAA] =	sst s0  }
0x18: {  	s0 =	sld [smem:$0x3F8D];
	_ =	swait.ge [sflag:s4], $0x0  }
0x19: {  	s7 =	sld [smem:$0x3F8E]  }
0x1a: {  	s8 =	sadd.s32 $0xFFFFE003, lr  }
0x1b: {  	s9 =	sadd.s32 $0xFFFFFEF7, lr;
	s5 =	simm.s32 $0xFFFFFFFF;
	p2 =	slt.u32 s8, $0xFFFFF086  }
0x1c: {  	p1 =	slt.u32 s9, $0xF7A;
	s5 =	simm.s32 @!p2 $0x0  }
0x1d: {  	s5 =	simm.s32 @p1 $0x1;
	p0 =	seq.s32 s7, s2  }
0x1e: {  	s7 =	smul.u32 @!p0 $0xF7A, s2;
	p2 =	seq.s32 @!p0 s5, $0x0  }
0x1f: {  	s9 =	smul.u32 $0xF7A, s1;
	s8 =	simm.s32 @!p0 $0x1BF5;
	p2 =	por !p2, p0  }
0x20: {  	[sflag:s8] =	ssyncset.s32 @!p0 $0xFFFFF086;
	s6 =	sadd.s32 @!p0 s3, s7;
	s7 =	simm.s32 @!p0 $0x108  }
0x21: {  	s3 =	sadd.s32 s3, s9;
	s6 =	sadd.s32 @!p0 $0x88, s6;
	s7 =	simm.s32 @p2 $0x1082  }
0x22: {  	[simem:s7], [sflag:s8] =	dma.local @!p0 [hbm:s6], $0xF7A  }
0x23: {  	s9 =	sor.u32 $0xD0000000, s2;
	s6 =	simm.s32 $0x108;
	_ =	swait.ge @!p0 [sflag:s8], $0x0  }
0x24: {  	s3 =	sadd.s32 $0x88, s3;
	s6 =	simm.s32 @!p1 $0x1082;
	[sflag:s4] =	ssyncset.s32 $0xFFFFF086  }
0x25: {  	[simem:s6], [sflag:s4] =	dma.local [hbm:s3], $0xF7A  }
0x26: {  	[smem:$0x3F8E] =	sst s1;
	(tag) =	ssettag s2;
	_ =	strace s9  }
0x27: {  	s1 =	sld [smem:$0x3F9E]  }
0x28: {  	s2 =	sld [smem:$0x3F9F]  }
0x29: {  	s4 =	sld [smem:$0x3FA1]  }
0x2a: {  	p0 =	seq.s32 s5, $0x0;
	s5 =	sld [smem:$0x3FA2]  }
0x2b: {  	s6 =	sld [smem:$0x3FA3]  }
0x2c: {  	s7 =	sld [smem:$0x3FA4]  }
0x2d: {  	s3 =	simm.s32 $0x108;
	s8 =	sld [smem:$0x3FA5]  }
0x2e: {  	s3 =	simm.s32 @!p0 $0x1082;
	s9 =	sld [smem:$0x3FA6]  }
0x2f: {  	lr =	sadd.s32 s0, s3;
	s0 =	sld [smem:$0x3F9D]  }
0x30: {  	s3 =	sld [smem:$0x3FA0]  }
0x31: {  	[smem:$0x3FA9] =	sst s10  }
0x32: {  	s10 =	sld [smem:$0x3FA7];
	_ =	sdelay $0x3  }
0x33: {  	p0 =	seq.s32 s10, $0x1;
	s10 =	sld [smem:$0x3FA9];
	_ =	sdelay $0x3  }
0x34: {  	[smem:$0x3FA9] =	sst s10  }
0x35: {  	s10 =	sld [smem:$0x3FA8];
	_ =	sdelay $0x3  }
0x36: {  	p1 =	seq.s32 s10, $0x1;
	s10 =	sld [smem:$0x3FA9];
	_ =	sdelay $0x3  }
0x37: {  	[smem:$0x3FA9] =	sst s10  }
0x38: {  	s10 =	sld [smem:$0x3FAA]  }
0x39: {  	_ = 	snop;
	(pc) =	sbr.ind lr, $3  }
0x3a: {  	_ = 	snop  }
0x3b: {  	_ = 	snop  }
0x3c: {  	p2 =	seq.s32 s10, $0x1;
	s10 =	sld [smem:$0x3FA9]  }
0x3d: {  	_ =	shalt  }
0x3e: {  	_ =	shalt  }
0x3f: {  	_ =	shalt  }
0x40: {  	_ =	shalt  }
0x41: {  	_ =	shalt  }
0x42: {  	_ =	shalt  }
0x43: {  	_ =	shalt  }
0x44: {  	_ =	shalt  }
0x45: {  	_ =	shalt  }
0x46: {  	_ =	shalt  }
0x47: {  	_ =	shalt  }
0x48: {  	_ =	shalt  }
0x49: {  	_ =	shalt  }
0x4a: {  	_ =	shalt  }
0x4b: {  	_ =	shalt  }
0x4c: {  	_ =	shalt  }
0x4d: {  	_ =	shalt  }
0x4e: {  	_ =	shalt  }
0x4f: {  	_ =	shalt  }
0x50: {  	_ =	shalt  }
0x51: {  	_ =	shalt  }
0x52: {  	_ =	shalt  }
0x53: {  	_ =	shalt  }
0x54: {  	_ =	shalt  }
0x55: {  	_ =	shalt  }
0x56: {  	_ =	shalt  }
0x57: {  	_ =	shalt  }
0x58: {  	_ =	shalt  }
0x59: {  	_ =	shalt  }
0x5a: {  	_ =	shalt  }
0x5b: {  	_ =	shalt  }
0x5c: {  	_ =	shalt  }
0x5d: {  	_ =	shalt  }
0x5e: {  	_ =	shalt  }
0x5f: {  	_ =	shalt  }
0x60: {  	_ =	shalt  }
0x61: {  	_ =	shalt  }
0x62: {  	_ =	shalt  }
0x63: {  	_ =	shalt  }
0x64: {  	_ =	shalt  }
0x65: {  	_ =	shalt  }
0x66: {  	_ =	shalt  }
0x67: {  	_ =	shalt  }
0x68: {  	_ =	shalt  }
0x69: {  	_ =	shalt  }
0x6a: {  	_ =	shalt  }
0x6b: {  	_ =	shalt  }
0x6c: {  	_ =	shalt  }
0x6d: {  	_ =	shalt  }
0x6e: {  	_ =	shalt  }
0x6f: {  	_ =	shalt  }
0x70: {  	_ =	shalt  }
0x71: {  	_ =	shalt  }
0x72: {  	_ =	shalt  }
0x73: {  	_ =	shalt  }
0x74: {  	_ =	shalt  }
0x75: {  	_ =	shalt  }
0x76: {  	_ =	shalt  }
0x77: {  	_ =	shalt  }
0x78: {  	_ =	shalt  }
0x79: {  	_ =	shalt  }
0x7a: {  	_ =	shalt  }
0x7b: {  	_ =	shalt  }
0x7c: {  	_ =	shalt  }
0x7d: {  	_ =	shalt  }
0x7e: {  	_ =	shalt  }
0x7f: {  	_ =	shalt  }
0x80: {  	_ =	shalt  }
0x81: {  	_ =	shalt  }
0x82: {  	_ =	shalt  }
0x83: {  	_ =	shalt  }
0x84: {  	_ =	shalt  }
0x85: {  	_ =	shalt  }
0x86: {  	_ =	shalt  }
0x87: {  	_ =	shalt  }
.Lfunc_end0:
.L_simem_size_0:
called_computation_lowered:
.L_overlay_start_0:
0x88: {  	s2 =	sld [smem:$0x3FD9]  }
0x89: {  	s3 =	sld [smem:$0x3FFE];
	_ =	sdelay $0x1  }
0x8a: {  	s1 =	srdreg.scid  }
0x8b: {  	s0 =	sand.u32 $0x1, s1  }
0x8c: {  	s16 =	sshll.u32 s0, $0xA;
	s2 =	sadd.s32 s3, s2  }
0x8d: {  	s2 =	sadd.s32 s2, s16  }
0x8e: {  	[smem:$0x3FB5] =	sst s2  }
0x8f: {  	_ = 	snop  }
0x90: {  	(tm) =	ssettm $0x1  }
0x91: {  	s17 =	sld [smem:$0x3FFB];
	_ =	sdelay $0x3  }
0x92: {  	_ =	strace s17  }
0x93: {  	s2 =	sld [smem:$0x3FFC];
	_ =	sdelay $0x3  }
0x94: {  	_ =	strace s2  }
0x95: {  	s2 =	sld [smem:$0x3FFD];
	_ =	sdelay $0x3  }
0x96: {  	_ =	strace s2  }
0x97: {  	_ =	strace $0x8FFFFFFF  }
0x98: {  	s18 =	sld [smem:$0x3FDB];
	_ =	sdelay $0x1  }
0x99: {  	s19 =	simm.s32 $_scs_section_size  }
0x9a: {  	s4 =	simm.s32 $_size__tile_overlayer_lowered;
	s5 =	simm.s32 $_tile_overlayer_lowered  }
0x9b: {  	s22 =	simm.s32 $0x1BFF;
	s21 =	sshll.u32 s5, $0x1;
	s2 =	sadd.s32 s19, s18  }
0x9c: {  	s6 =	simm.s32 $0x0;
	s20 =	sshll.u32 s4, $0x1;
	s4 =	sadd.s32 s21, s2  }
0x9d: {  	[timem:s6], [sflag:s22] =	dma.local [hbm:s4], s20  }
0x9e: {  	_ =	swait.ge [sflag:s22], s20  }
0x9f: {  	s3 =	ssub.s32 $0x0, s20;
	[sflag:s22] =	ssyncset.done $0x0  }
0xa0: {  	[sflag:s22] =	ssyncadd.s32 s3;
	_ =	sdelay $0x1  }
0xa1: {  	s23 =	simm.s32 $0x1B8B  }
0xa2: {  	_ =	swait.ge [sflag:s23], $0x1  }
0xa3: {  	[sflag:s23] =	ssyncset.done $0x0  }
0xa4: {  	s25 =	simm.s32 $0x1B8E;
	s24 =	sld [smem:$0x3FFE];
	[sflag:s23] =	ssyncadd.s32 $0xFFFFFFFF  }
0xa5: {  	s26 =	simm.s32 $execute0_lowered;
	[smem:$0x3FD2] =	sst s25  }
0xa6: {  	s4 =	sshll.u32 s26, $0x1;
	_ =	strace $0x80000046;
	[dreg:$0x1] =	wrdreg $0xFFFFFFFF  }
0xa7: {  	s28 =	simm.s32 $_size_execute0_lowered;
	s2 =	sadd.s32 s2, s4;
	[dreg:$0x0] =	wrdreg $0x0  }
0xa8: {  	s4 =	sshll.u32 s28, $0x1;
	[dreg:$0x2] =	wrdreg s2  }
0xa9: {  	[dreg:$0x3] =	wrdreg s4  }
0xaa: {  	[dreg:$0x4] =	wrdreg $0xC0  }
0xab: {  	_ =	task [dreg:s6], $0x5FFFF  }
0xac: {  	[dreg:$0x1] =	wrdreg $0xFFFFFFFF  }
0xad: {  	[dreg:$0x0] =	wrdreg $0x60  }
0xae: {  	[dreg:$0x2] =	wrdreg s24  }
0xaf: {  	[dreg:$0x3] =	wrdreg $0x0  }
0xb0: {  	[dreg:$0x4] =	wrdreg $0x9  }
0xb1: {  	_ =	task.clear_ibuf [dreg:s6], $0x5FFFF;
	_ =	strace $0x90000046  }
0xb2: {  	s29 =	simm.s32 $0x9;
	_ =	strace $0x80000048  }
0xb3: {  	_ =	swait.ge [sflag:s29], $0x1  }
0xb4: {  	[sflag:s29] =	ssyncadd.s32 $0xFFFFFFFF  }
0xb5: {  	_ =	strace $0x90000048  }
0xb6: {  	_ =	sfence  }
0xb7: {  	s30 =	sld [smem:$0x0];
	_ =	sdelay $0x2  }
0xb8: {  	s31 =	sshll.u32 s1, $0xD;
	s1 =	sshrl.u32 s1, $0x2  }
0xb9: {  	s3 =	sand.u32 $0x4000, s31;
	s1 =	sadd.s32 s1, s30  }
0xba: {  	s0 =	sor.u32 s3, s0;
	s1 =	sshll.u32 s1, $0x11  }
0xbb: {  	s0 =	sor.u32 s1, s0  }
0xbc: {  	s0 =	sadd.s32 $0x8F2B, s0  }
0xbd: {  	[sflag:s0] =	ssyncadd.remote.s32 $0x1  }
0xbe: {  	_ =	sfence.sel $0xFFFF  }
0xbf: {  	[dreg:$0x0] =	wrdreg $0xFFFFFFFF;
	(pc) =	sbr.abs _section_cstart, $3  }
0xc0: {  	[dreg:$0x1] =	wrdreg $0xFFFFFFFF  }
0xc1: {  	_ =	task.clear_ibuf [dreg:s6], $0x2FFFF;
	_ =	strace $0x9FFFFFFF  }
0xc2: {  	(tm) =	ssettm $0x7FFFFFFF  }
0xc3: {  	_ =	shalt  }
tec
execute0_lowered:
.L_overlay_start_1:
0x0: {  	(tag) =	ssettag $0x1  }
0x1: {  	s1 =	srdreg.scid  }
0x2: {  	s0 =	stileid.u32;
	s6 =	rddreg [dreg:$0x0]  }
0x3: {  	s2 =	rddreg [dreg:$0x1];
	s3 =	simm.s32 $0x0;
	s21 =	simm.s32 $0x2780  }
0x4: {  	s22 =	simm.s32 $0x80;
	s23 =	simm.s32 $0x0;
	s4 =	smul.u32 $0x4F00, s0  }
0x5: {  	s7 =	sand.u32 $0x1, s1;
	s1 =	rddreg [dreg:$0x2];
	s10 =	smul.u32 $0x2780, s0  }
0x6: {  	[smem:$0x7FF] =	sst s3;
	s15 =	sadd.s32 $0xE800, s6;
	s5 =	smul.u32 $0x2780, s7  }
0x7: {  	_ =	strace $0x80000047;
	s8 =	ssub.s32 $0x2, s7;
	s13 =	smul.u32 $0x27800, s7  }
0x8: {  	s9 =	sshrl.u32 s8, $0x1;
	s11 =	sadd.s32 $0x800, s10;
	s14 =	sadd.s32 $0x1000, s10  }
0x9: {  	s18 =	sadd.s32 $0x1800, s10;
	s19 =	sadd.s32 $0x2000, s10;
	s4 =	sadd.s32 s5, s4  }
0xa: {  	s5 =	sadd.s32 $0xE400, s6;
	s16 =	ssub.s32 s8, s9;
	s7 =	sadd.s32 s11, s2  }
0xb: {  	s8 =	sadd.s32 s14, s2;
	s9 =	sadd.s32 s18, s2;
	s12 =	sadd.s32 s10, s13  }
0xc: {  	s20 =	sadd.s32 s13, s11;
	s14 =	sadd.s32 s13, s14;
	s18 =	sadd.s32 s13, s18  }
0xd: {  	s4 =	sshrl.u32 s4, $0x3;
	s12 =	sshrl.u32 s12, $0x3;
	s30 =	sshrl.u32 s20, $0x3  }
0xe: {  	s14 =	sshrl.u32 s14, $0x3;
	s18 =	sshrl.u32 s18, $0x3;
	s16 =	smax.u32 s16, $0x1  }
0xf: {  	s20 =	simm.s32 $0x1;
	s17 =	sadd.s32 s4, s6;
	s4 =	sadd.s32 $0xE600, s6  }
0x10: {  	s6 =	sadd.s32 s10, s2;
	s10 =	sadd.s32 s19, s2;
	s11 =	sadd.s32 s15, s12  }
0x11: {  	s12 =	sadd.s32 s15, s30;
	s19 =	sadd.s32 s13, s19;
	s13 =	sadd.s32 s15, s14  }
0x12: {  	s14 =	sadd.s32 s15, s18;
	s18 =	simm.s32 $0x2800;
	s31 =	sshrl.u32 s19, $0x3  }
0x13: {  	s17 =	sadd.s32 $0x4600, s17;
	s19 =	simm.s32 $0x2;
	s15 =	sadd.s32 s15, s31  }
.LBB2_1:
0x14: {  	[tilespmem:s18], [sflag:$0x2] =	stream.linear.gather [hbm4b:s4+s3], $0x800, $0x38;
	[tilespmem:$0x3000] =	vst v63  }
0x15: {  	_ =	swait.ge [sflag:s19], $0x800  }
0x16: {  	[sflag:s19] =	ssyncset.done $0x0  }
0x17: {  	[sflag:s19] =	ssyncadd.s32 $0xFFFFF800  }
0x18: {  	[spmem:s6] =	stream.linear.scatter [tilespmem:s18], [sflag:$0x1], $0x800, $0x38;
	[tilespmem:$0x3000] =	vst v63  }
0x19: {  	_ = 	snop  }
0x1a: {  	[spmem:s7] =	stream.linear.scatter [tilespmem:s18], [sflag:$0x1], $0x800, $0x38;
	[tilespmem:$0x3000] =	vst v63  }
0x1b: {  	_ = 	snop  }
0x1c: {  	[spmem:s8] =	stream.linear.scatter [tilespmem:s18], [sflag:$0x1], $0x800, $0x38;
	[tilespmem:$0x3000] =	vst v63  }
0x1d: {  	_ = 	snop  }
0x1e: {  	[spmem:s9] =	stream.linear.scatter [tilespmem:s18], [sflag:$0x1], $0x800, $0x38;
	[tilespmem:$0x3000] =	vst v63  }
0x1f: {  	_ = 	snop  }
0x20: {  	[spmem:s10] =	stream.linear.scatter [tilespmem:s18], [sflag:$0x1], $0x780, $0x38;
	[tilespmem:$0x3000] =	vst v63  }
0x21: {  	_ =	swait.ge [sflag:s20], $0x800  }
0x22: {  	[sflag:s20] =	ssyncset.done $0x0  }
0x23: {  	[sflag:s20] =	ssyncadd.s32 $0xFFFFF800  }
0x24: {  	_ =	swait.ge [sflag:s20], $0x800  }
0x25: {  	[sflag:s20] =	ssyncset.done $0x0  }
0x26: {  	[sflag:s20] =	ssyncadd.s32 $0xFFFFF800  }
0x27: {  	_ =	swait.ge [sflag:s20], $0x800  }
0x28: {  	[sflag:s20] =	ssyncset.done $0x0  }
0x29: {  	[sflag:s20] =	ssyncadd.s32 $0xFFFFF800  }
0x2a: {  	_ =	swait.ge [sflag:s20], $0x800  }
0x2b: {  	[sflag:s20] =	ssyncset.done $0x0  }
0x2c: {  	[sflag:s20] =	ssyncadd.s32 $0xFFFFF800  }
0x2d: {  	_ =	swait.ge [sflag:s20], $0x780  }
0x2e: {  	[sflag:s20] =	ssyncset.done $0x0  }
0x2f: {  	[sflag:s20] =	ssyncadd.s32 $0xFFFFF880  }
0x30: {  	[tilespmem:s18], [sflag:$0x2] =	stream.linear.gather [hbm4b:s5+s3], $0x800, $0x38;
	[tilespmem:$0x3000] =	vst v63  }
0x31: {  	_ =	swait.ge [sflag:s19], $0x800  }
0x32: {  	[sflag:s19] =	ssyncset.done $0x0  }
0x33: {  	[sflag:s19] =	ssyncadd.s32 $0xFFFFF800  }
0x34: {  	s24 =	sadd.s32 $0x0, s17;
	[bflag:$0x0] =	sbarrier.arrive $0xFFFF  }
0x35: {  	[tilespmem:s21], [sflag:$0x2] =	stream.linear.gather [hbm4b:s24+s3], $0x80, $0x38;
	[tilespmem:$0x3000] =	vst v63  }
0x36: {  	_ =	swait.ge [sflag:s19], $0x80  }
0x37: {  	[sflag:s19] =	ssyncset.done $0x0  }
0x38: {  	[sflag:s19] =	ssyncadd.s32 $0xFFFFFF80  }
0x39: {  	[spmem:s2] =	stream.indirect.scatter.add.f32 [tilespmem:s18], [sflag:$0x2], $0x10, s21, s22, $0xb8;
	[tilespmem:$0x3000] =	vst v63  }
0x3a: {  	_ =	swait.ge [sflag:s19], $0x800  }
0x3b: {  	s25 =	simm.s32 $0x20;
	s24 =	simm.s32 $0x10;
	[sflag:s19] =	ssyncset.done $0x0  }
.LBB2_2:
0x3c: {  	s26 =	sadd.s32 s24, s17  }
0x3d: {  	[sflag:s19] =	ssyncadd.s32 $0xFFFFF800;
	s24 =	smov.u32 s25;
	s28 =	sadd.s32 $0x10, s25  }
0x3e: {  	[tilespmem:s21], [sflag:$0x2] =	stream.linear.gather [hbm4b:s26+s3], $0x80, $0x38;
	[tilespmem:$0x3000] =	vst v63  }
0x3f: {  	p0 =	sne.s32 s25, $0x4E0;
	_ =	swait.ge [sflag:s19], $0x80  }
.Ltmp0:
0x40: {  	[sflag:s19] =	ssyncset.done $0x0;
	(pc) =	sbr.rel @p0 .LBB2_2-.Ltmp0, $4  }
0x41: {  	[sflag:s19] =	ssyncadd.s32 $0xFFFFFF80  }
0x42: {  	[spmem:s2] =	stream.indirect.scatter.add.f32 [tilespmem:s18], [sflag:$0x2], $0x10, s21, s22, $0xb8;
	[tilespmem:$0x3000] =	vst v63  }
0x43: {  	_ =	swait.ge [sflag:s19], $0x800  }
0x44: {  	s25 =	smov.u32 s28;
	[sflag:s19] =	ssyncset.done $0x0  }
0x45: {  	s24 =	sadd.s32 s24, s17;
	[sflag:s19] =	ssyncadd.s32 $0xFFFFF800  }
0x46: {  	[tilespmem:s21], [sflag:$0x2] =	stream.linear.gather [hbm4b:s24+s3], $0x80, $0x38;
	[tilespmem:$0x3000] =	vst v63  }
0x47: {  	_ =	swait.ge [sflag:s19], $0x80  }
0x48: {  	[sflag:s19] =	ssyncset.done $0x0  }
0x49: {  	[sflag:s19] =	ssyncadd.s32 $0xFFFFFF80  }
0x4a: {  	[spmem:s2] =	stream.indirect.scatter.add.f32 [tilespmem:s18], [sflag:$0x2], $0x10, s21, s22, $0xb8;
	[tilespmem:$0x3000] =	vst v63  }
0x4b: {  	_ =	swait.ge [sflag:s19], $0x800  }
0x4c: {  	[sflag:s19] =	ssyncset.done $0x0  }
0x4d: {  	[sflag:s19] =	ssyncadd.s32 $0xFFFFF800  }
0x4e: {  	[bflag:$0x0] =	sbarrier.arrive $0xFFFF  }
0x4f: {  	[tilespmem:s18], [sflag:$0x2] =	stream.linear.gather [spmem:s6], $0x800, $0x38;
	[tilespmem:$0x3000] =	vst v63  }
0x50: {  	_ =	swait.ge [sflag:s19], $0x800  }
0x51: {  	[sflag:s19] =	ssyncset.done $0x0  }
0x52: {  	[sflag:s19] =	ssyncadd.s32 $0xFFFFF800  }
0x53: {  	[hbm4b:s11+s3] =	stream.linear.scatter [tilespmem:s18], [sflag:$0x2], $0x800, $0x38;
	[tilespmem:$0x3000] =	vst v63  }
0x54: {  	_ =	swait.ge [sflag:s19], $0x800  }
0x55: {  	[sflag:s19] =	ssyncset.done $0x0  }
0x56: {  	[sflag:s19] =	ssyncadd.s32 $0xFFFFF800  }
0x57: {  	[tilespmem:s18], [sflag:$0x2] =	stream.linear.gather [spmem:s7], $0x800, $0x38;
	[tilespmem:$0x3000] =	vst v63  }
0x58: {  	_ =	swait.ge [sflag:s19], $0x800  }
0x59: {  	[sflag:s19] =	ssyncset.done $0x0  }
0x5a: {  	[sflag:s19] =	ssyncadd.s32 $0xFFFFF800  }
0x5b: {  	[hbm4b:s12+s3] =	stream.linear.scatter [tilespmem:s18], [sflag:$0x2], $0x800, $0x38;
	[tilespmem:$0x3000] =	vst v63  }
0x5c: {  	_ =	swait.ge [sflag:s19], $0x800  }
0x5d: {  	[sflag:s19] =	ssyncset.done $0x0  }
0x5e: {  	[sflag:s19] =	ssyncadd.s32 $0xFFFFF800  }
0x5f: {  	[tilespmem:s18], [sflag:$0x2] =	stream.linear.gather [spmem:s8], $0x800, $0x38;
	[tilespmem:$0x3000] =	vst v63  }
0x60: {  	_ =	swait.ge [sflag:s19], $0x800  }
0x61: {  	[sflag:s19] =	ssyncset.done $0x0  }
0x62: {  	[sflag:s19] =	ssyncadd.s32 $0xFFFFF800  }
0x63: {  	[hbm4b:s13+s3] =	stream.linear.scatter [tilespmem:s18], [sflag:$0x2], $0x800, $0x38;
	[tilespmem:$0x3000] =	vst v63  }
0x64: {  	_ =	swait.ge [sflag:s19], $0x800  }
0x65: {  	[sflag:s19] =	ssyncset.done $0x0  }
0x66: {  	[sflag:s19] =	ssyncadd.s32 $0xFFFFF800  }
0x67: {  	[tilespmem:s18], [sflag:$0x2] =	stream.linear.gather [spmem:s9], $0x800, $0x38;
	[tilespmem:$0x3000] =	vst v63  }
0x68: {  	_ =	swait.ge [sflag:s19], $0x800  }
0x69: {  	[sflag:s19] =	ssyncset.done $0x0  }
0x6a: {  	[sflag:s19] =	ssyncadd.s32 $0xFFFFF800  }
0x6b: {  	[hbm4b:s14+s3] =	stream.linear.scatter [tilespmem:s18], [sflag:$0x2], $0x800, $0x38;
	[tilespmem:$0x3000] =	vst v63  }
0x6c: {  	_ =	swait.ge [sflag:s19], $0x800  }
0x6d: {  	[sflag:s19] =	ssyncset.done $0x0  }
0x6e: {  	[sflag:s19] =	ssyncadd.s32 $0xFFFFF800  }
0x6f: {  	[tilespmem:s18], [sflag:$0x2] =	stream.linear.gather [spmem:s10], $0x780, $0x38;
	[tilespmem:$0x3000] =	vst v63  }
0x70: {  	s23 =	sadd.s32 $0x1, s23;
	_ =	swait.ge [sflag:s19], $0x780  }
0x71: {  	p0 =	sne.s32 s23, s16;
	[sflag:s19] =	ssyncset.done $0x0  }
.Ltmp1:
0x72: {  	[sflag:s19] =	ssyncadd.s32 $0xFFFFF880;
	(pc) =	sbr.rel @p0 .LBB2_1-.Ltmp1, $4  }
0x73: {  	[hbm4b:s15+s3] =	stream.linear.scatter [tilespmem:s18], [sflag:$0x2], $0x780, $0x38;
	[tilespmem:$0x3000] =	vst v63  }
0x74: {  	_ =	swait.ge [sflag:s19], $0x780  }
0x75: {  	[sflag:s19] =	ssyncset.done $0x0  }
0x76: {  	[sflag:s19] =	ssyncadd.s32 $0xFFFFF880  }
0x77: {  	_ =	sfence.sel $0x180000  }
0x78: {  	[bflag:$0x0] =	sbarrier.arrive $0xFFFF  }
0x79: {  	p0 =	sne.s32 s0, $0x0;
	_ =	strace $0x90000047  }
0x7a: {  	s0 =	sadd.s32 @!p0 $0x100000, s1;
	[bflag:$0x2] =	sbarrier.arrive $0xFFFF  }
0x7b: {  	[sflag:s0] =	ssyncadd.tile.s32 @!p0 $0x1;
	_ =	shalt  }
.Lfunc_end2:
_tile_overlayer_lowered:
.L_overlay_start_2:
0x7c: {  	(tag) =	ssettag $0x2  }
0x7d: {  	s0 =	rddreg [dreg:$0x0];
	s2 =	stileid.u32  }
0x7e: {  	s1 =	rddreg [dreg:$0x1];
	p0 =	sne.s32 s2, $0x0  }
0x7f: {  	s3 =	rddreg [dreg:$0x2];
	[bflag:$0x3] =	sbarrier.arrive $0xFFFF;
	s2 =	simm.s32 @!p0 $0x1C02  }
0x80: {  	[timem:s3], [sflag:s2] =	dma.local @!p0 [hbm:s0], s1  }
0x81: {  	s0 =	simm.s32 @!p0 $0x2  }
0x82: {  	_ =	swait.ge @!p0 [sflag:s0], s1  }
0x83: {  	s1 =	ssub.s32 @!p0 $0x0, s1;
	[sflag:s0] =	ssyncset.done @!p0 $0x0  }
0x84: {  	[sflag:s0] =	ssyncadd.s32 @!p0 s1  }
0x85: {  	[bflag:$0x3] =	sbarrier.arrive $0xFFFF  }
0x86: {  	_ =	shalt  }

</sc_bundles>
